<compile_context>
chip_gen: v7x
topology: tpu7x:2x2x1
jax: 0.10.2.dev20260603
libtpu: 0.0.44.dev20260713+nightly
codegen_flags: <defaults>
</compile_context>

<pallas_src>
import functools

import jax
import jax.numpy as jnp
from jax import lax
from jax.experimental import pallas as pl
from jax.experimental.pallas import tpu as pltpu
from jax.experimental.pallas import tpu_sc as plsc

_NW = 32
_CH = 512
_SUB = 128
_N = 10000
_E = 160000
_EPAD = 163840
_B = 16
_K = 24
_BN = 1000
_NBLK = _N // _BN
_BM = 2048
_NR = 320
_NPAD = _NW * _NR


def _sc_mesh():
    return plsc.VectorSubcoreMesh(core_axis_name="c", subcore_axis_name="s")


def _wid():
    return lax.axis_index("s") * 2 + lax.axis_index("c")


def _gather_pairs(x, dst_g, src_g):
    n, din = x.shape
    per_w = _EPAD // _NW
    n_ch = per_w // _CH

    def body(x_hbm, dst_hbm, src_hbm, xi_hbm, xj_hbm, idx_v, rows_v, sem):
        base = _wid() * per_w

        def one(idx_hbm, out_hbm):
            @pl.loop(0, n_ch)
            def _chunk(i):
                e0 = base + i * _CH
                pltpu.sync_copy(idx_hbm.at[pl.ds(e0, _CH)], idx_v)
                descs = [
                    pltpu.async_copy(
                        x_hbm.at[idx_v.at[pl.ds(j * _SUB, _SUB)]],
                        rows_v.at[pl.ds(j * _SUB, _SUB)], sem)
                    for j in range(_CH // _SUB)
                ]
                for d in descs:
                    d.wait()
                pltpu.sync_copy(rows_v, out_hbm.at[pl.ds(e0, _CH)])

        one(dst_hbm, xi_hbm)
        one(src_hbm, xj_hbm)

    f = pl.kernel(
        body,
        out_type=[jax.ShapeDtypeStruct((_EPAD, din), jnp.float32),
                  jax.ShapeDtypeStruct((_EPAD, din), jnp.float32)],
        mesh=_sc_mesh(),
        scratch_types=[pltpu.VMEM((_CH,), jnp.int32),
                       pltpu.VMEM((_CH, din), jnp.float32),
                       pltpu.SemaphoreType.DMA],
    )
    return f(x, dst_g, src_g)


def _scatter_max(msg, dst_s, dred, ch):
    dacc = msg.shape[1]
    n_ch = _EPAD // ch
    nc16 = dred // 16

    def body(msg_hbm, dst_hbm, parts_hbm, dstv, cidx, cdst, rows2, acc, sem):
        w = _wid()
        n0 = w * _NR
        iota = lax.iota(jnp.int32, 16)

        @pl.loop(0, _NR * dacc // 16)
        def _init(i):
            acc[pl.ds(i * 16, 16)] = jnp.zeros((16,), jnp.float32)

        @pl.loop(0, (ch + 16) // 16)
        def _initc(i):
            cidx[pl.ds(i * 16, 16)] = jnp.zeros((16,), jnp.int32)
            cdst[pl.ds(i * 16, 16)] = jnp.full((16,), n0, jnp.int32)

        @pl.loop(0, n_ch)
        def _chunk(i):
            e0 = i * ch
            pltpu.sync_copy(dst_hbm.at[pl.ds(e0, ch)], dstv)

            @pl.loop(0, ch // 16, init_carry=jnp.int32(0))
            def _compact(t, off):
                d = dstv[pl.ds(t * 16, 16)]
                m = (d >= n0) & (d < n0 + _NR)
                mi = m.astype(jnp.int32)
                cs = plsc.cumsum(mi)
                pos = jnp.where(m, off + cs - mi, ch)
                eidx = iota + (e0 + t * 16)
                plsc.store_scatter(cidx, [pos], eidx)
                plsc.store_scatter(cdst, [pos], d)
                return off + jnp.max(cs)

            cnt = _compact

            @pl.loop(0, (cnt + _SUB - 1) // _SUB)
            def _sb(sb):
                pltpu.async_copy(
                    msg_hbm.at[cidx.at[pl.ds(sb * _SUB, _SUB)]], rows2,
                    sem).wait()

                @pl.loop(sb * _SUB, jnp.minimum(cnt, (sb + 1) * _SUB))
                def _edge(k):
                    kk = k - sb * _SUB
                    rvec = plsc.load_gather(
                        cdst, [jnp.full((16,), k, jnp.int32)])
                    base = (jnp.max(rvec) - n0) * dacc
                    for c in range(nc16):
                        a = acc[pl.ds(base + c * 16, 16)]
                        v = rows2[kk, pl.ds(c * 16, 16)]
                        acc[pl.ds(base + c * 16, 16)] = jnp.maximum(a, v)

        pltpu.sync_copy(acc, parts_hbm.at[w])

    f = pl.kernel(
        body,
        out_type=jax.ShapeDtypeStruct((_NW, _NR * dacc), jnp.float32),
        mesh=_sc_mesh(),
        scratch_types=[pltpu.VMEM((ch,), jnp.int32),
                       pltpu.VMEM((ch + 16,), jnp.int32),
                       pltpu.VMEM((ch + 16,), jnp.int32),
                       pltpu.VMEM((_SUB, dacc), jnp.float32),
                       pltpu.VMEM((_NR * dacc,), jnp.float32),
                       pltpu.SemaphoreType.DMA],
        compiler_params=pltpu.CompilerParams(needs_layout_passes=False),
    )
    return f(msg, dst_s).reshape(_NPAD, dacc)


def _edge_mm(xi, xj, w, b2, din):
    dstore = xi.shape[1]
    dout = w.shape[1]

    def body(xi_ref, xj_ref, w_ref, b_ref, o_ref):
        a = xi_ref[...][:, :din]
        c = xj_ref[...][:, :din]
        cat = jnp.concatenate([a, c - a], axis=1)
        o_ref[...] = jnp.maximum(jnp.dot(cat, w_ref[...]) + b_ref[...], 0.0)

    return pl.pallas_call(
        body,
        grid=(_EPAD // _BM,),
        in_specs=[pl.BlockSpec((_BM, dstore), lambda i: (i, 0)),
                  pl.BlockSpec((_BM, dstore), lambda i: (i, 0)),
                  pl.BlockSpec(w.shape, lambda i: (0, 0)),
                  pl.BlockSpec((1, dout), lambda i: (0, 0))],
        out_specs=pl.BlockSpec((_BM, dout), lambda i: (i, 0)),
        out_shape=jax.ShapeDtypeStruct((_EPAD, dout), jnp.float32),
    )(xi, xj, w, b2)


def _tail(x1, x2, x3, hm, batch3, wm1, bm1_2, wg, bg2, gg2, betag2,
          wl_t, wl_b, bl2, gm1_2, betam1_2):
    def body(x1_ref, x2_ref, x3_ref, hm_ref, b_ref, wm_ref, bm_ref,
             wg_ref, bg_ref, gg_ref, btg_ref, wlt_ref, wlb_ref, bl_ref,
             gm_ref, btm_ref, y_ref,
             s1a, s2a, xga, hmsa, ga):
        i = pl.program_id(0)
        x123 = jnp.concatenate([x1_ref[...][:, :64], x2_ref[...],
                                x3_ref[...]], axis=1)
        x4p = jnp.maximum(jnp.dot(x123, wm_ref[...]) + bm_ref[...], 0.0)

        b_col = b_ref[...]
        iota16 = lax.broadcasted_iota(jnp.int32, (_BN, _B), 1)
        mask_t = b_col == iota16
        maskf_t = mask_t.astype(jnp.float32)
        hmb = hm_ref[...]

        rows = [jnp.max(jnp.where(mask_t[:, bb:bb + 1], x123, 0.0), axis=0,
                        keepdims=True) for bb in range(_B)]
        xg_blk = jnp.concatenate(rows, axis=0)
        p_blk = jnp.concatenate(
            [hmb * maskf_t[:, bb:bb + 1] for bb in range(_B)],
            axis=1)
        hms_blk = lax.dot_general(p_blk, jnp.ones((_BN, 1), jnp.float32),
                                  (((0,), (0,)), ((), ())))
        g_blk = lax.dot_general(p_blk, x4p, (((0,), (0,)), ((), ())))
        s1_blk = jnp.sum(x4p, axis=0, keepdims=True)
        s2_blk = jnp.sum(x4p * x4p, axis=0, keepdims=True)

        @pl.when(i == 0)
        def _():
            s1a[...] = s1_blk
            s2a[...] = s2_blk
            xga[...] = xg_blk
            hmsa[...] = hms_blk
            ga[...] = g_blk

        @pl.when(i > 0)
        def _():
            s1a[...] += s1_blk
            s2a[...] += s2_blk
            xga[...] = jnp.maximum(xga[...], xg_blk)
            hmsa[...] += hms_blk
            ga[...] += g_blk

        @pl.when(i == _NBLK - 1)
        def _():
            n_f = jnp.float32(_N)
            m = s1a[...] / n_f
            msq = s2a[...] / n_f
            v = msq - m * m
            a = gm_ref[...] / jnp.sqrt(v + 1e-5)
            dd = btm_ref[...] - m * a

            xg2p = jnp.maximum(jnp.dot(xga[...], wg_ref[...])
                               + bg_ref[...], 0.0)
            mg = jnp.mean(xg2p, axis=0, keepdims=True)
            vg = jnp.mean((xg2p - mg) ** 2, axis=0, keepdims=True)
            xg2 = (xg2p - mg) / jnp.sqrt(vg + 1e-5) * gg_ref[...] + btg_ref[...]

            z = jnp.dot(xg2, wlb_ref[...])
            zrep = jnp.concatenate(
                [jnp.broadcast_to(z[bb:bb + 1], (_K, 256)) for bb in range(_B)],
                axis=0)

            hmsf = hmsa[...]
            left = a * ga[...] + dd * hmsf
            y_pre = jnp.maximum(jnp.dot(left, wlt_ref[...]) + hmsf * zrep
                                + bl_ref[...], 0.0)
            y_ref[...] = y_pre

    return pl.pallas_call(
        body,
        grid=(_NBLK,),
        in_specs=[pl.BlockSpec((_BN, 128), lambda i: (i, 0)),
                  pl.BlockSpec((_BN, 128), lambda i: (i, 0)),
                  pl.BlockSpec((_BN, 256), lambda i: (i, 0)),
                  pl.BlockSpec((_BN, _K), lambda i: (i, 0)),
                  pl.BlockSpec((_BN, 1), lambda i: (i, 0)),
                  pl.BlockSpec((448, 256), lambda i: (0, 0)),
                  pl.BlockSpec((1, 256), lambda i: (0, 0)),
                  pl.BlockSpec((448, 256), lambda i: (0, 0)),
                  pl.BlockSpec((1, 256), lambda i: (0, 0)),
                  pl.BlockSpec((1, 256), lambda i: (0, 0)),
                  pl.BlockSpec((1, 256), lambda i: (0, 0)),
                  pl.BlockSpec((256, 256), lambda i: (0, 0)),
                  pl.BlockSpec((256, 256), lambda i: (0, 0)),
                  pl.BlockSpec((1, 256), lambda i: (0, 0)),
                  pl.BlockSpec((1, 256), lambda i: (0, 0)),
                  pl.BlockSpec((1, 256), lambda i: (0, 0))],
        out_specs=pl.BlockSpec((_B * _K, 256), lambda i: (0, 0)),
        out_shape=jax.ShapeDtypeStruct((_B * _K, 256), jnp.float32),
        scratch_shapes=[pltpu.VMEM((1, 256), jnp.float32),
                        pltpu.VMEM((1, 256), jnp.float32),
                        pltpu.VMEM((_B, 448), jnp.float32),
                        pltpu.VMEM((_B * _K, 1), jnp.float32),
                        pltpu.VMEM((_B * _K, 256), jnp.float32)],
    )(x1, x2, x3, hm, batch3, wm1, bm1_2, wg, bg2, gg2, betag2,
      wl_t, wl_b, bl2, gm1_2, betam1_2)


def _finbn(y_pre, gn2, betan2):
    def body(y_ref, gn_ref, btn_ref, o_ref):
        yp = y_ref[...]
        m2 = jnp.mean(yp, axis=0, keepdims=True)
        v2 = jnp.mean((yp - m2) ** 2, axis=0, keepdims=True)
        o_ref[...] = ((yp - m2) / jnp.sqrt(v2 + 1e-5) * gn_ref[...]
                      + btn_ref[...])

    return pl.pallas_call(
        body,
        out_shape=jax.ShapeDtypeStruct((_B * _K, 256), jnp.float32),
    )(y_pre, gn2, betan2)


def kernel(pos, hm, tpl_edge_index, batch, W1, b1, W2, b2, W3, b3, Wm1, bm1,
           gm1, betam1, Wg, bg, gg, betag, Wl, bl, gn, betan):
    padn = _EPAD - _E
    src = tpl_edge_index[0]
    dst = tpl_edge_index[1]
    src_g = jnp.concatenate([src, jnp.zeros((padn,), jnp.int32)])
    dst_g = jnp.concatenate([dst, jnp.zeros((padn,), jnp.int32)])
    dst_s = jnp.concatenate([dst, jnp.full((padn,), _N, jnp.int32)])
    pos128 = jnp.pad(pos, ((0, 0), (0, 125)))
    batch2 = batch.reshape(_N, 1)

    w1p = jnp.pad(W1, ((0, 0), (0, 64)))
    b1p = jnp.pad(b1, (0, 64)).reshape(1, -1)
    xi1, xj1 = _gather_pairs(pos128, dst_g, src_g)
    msg1 = _edge_mm(xi1, xj1, w1p, b1p, 3)
    x1 = _scatter_max(msg1, dst_s, 64, 4096)
    xi2, xj2 = _gather_pairs(x1, dst_g, src_g)
    msg2 = _edge_mm(xi2, xj2, W2, b2.reshape(1, -1), 64)
    x2 = _scatter_max(msg2, dst_s, 128, 4096)
    xi3, xj3 = _gather_pairs(x2, dst_g, src_g)
    msg3 = _edge_mm(xi3, xj3, W3, b3.reshape(1, -1), 128)
    x3 = _scatter_max(msg3, dst_s, 256, 4096)

    y_pre = _tail(x1, x2, x3, hm, batch2, Wm1, bm1.reshape(1, -1), Wg,
                  bg.reshape(1, -1), gg.reshape(1, -1), betag.reshape(1, -1),
                  Wl[:256], Wl[256:], bl.reshape(1, -1), gm1.reshape(1, -1),
                  betam1.reshape(1, -1))
    y = _finbn(y_pre, gn.reshape(1, -1), betan.reshape(1, -1))
    return y.reshape(_B, _K, 256)

# --- scband reference (transcript-rebuilt; emitter-appended) ---
"""Pipeline reference for scband-per-part-encoder-tpl-85066122265630 (READ-ONLY COPY).

The authoritative reference and input builder live on the scoring server;
editing this copy changes nothing except your own understanding.
"""

import jax, jax.numpy as jnp
import numpy as np

N = 10000
E = 160000
B = 16
K = 24
OUT = 256

def _mkw(key, shape, fan_in):
    return (jax.random.normal(key, shape, dtype=jnp.float32) * np.sqrt(2.0 / fan_in)).astype(jnp.float32)

def setup_inputs(seed: int = 0):
    key = jax.random.key(seed)
    ks = jax.random.split(key, 24)
    inp = {}
    inp["pos"] = jax.random.normal(ks[0], (N, 3), dtype=jnp.float32)
    inp["hm"] = jax.random.uniform(ks[1], (N, K), dtype=jnp.float32)
    inp["tpl_edge_index"] = jax.random.randint(ks[2], (2, E), 0, N, dtype=jnp.int32)
    inp["batch"] = jnp.sort(jax.random.randint(ks[3], (N,), 0, B, dtype=jnp.int32))
    inp["W1"] = _mkw(ks[4], (6, 64), 6)
    inp["b1"] = jnp.zeros((64,), jnp.float32)
    inp["W2"] = _mkw(ks[5], (128, 128), 128)
    inp["b2"] = jnp.zeros((128,), jnp.float32)
    inp["W3"] = _mkw(ks[6], (256, 256), 256)
    inp["b3"] = jnp.zeros((256,), jnp.float32)
    inp["Wm1"] = _mkw(ks[7], (448, 256), 448)
    inp["bm1"] = jnp.zeros((256,), jnp.float32)
    inp["gm1"] = jnp.ones((256,), jnp.float32)
    inp["betam1"] = jnp.zeros((256,), jnp.float32)
    inp["Wg"] = _mkw(ks[8], (448, 256), 448)
    inp["bg"] = jnp.zeros((256,), jnp.float32)
    inp["gg"] = jnp.ones((256,), jnp.float32)
    inp["betag"] = jnp.zeros((256,), jnp.float32)
    inp["Wl"] = _mkw(ks[9], (512, OUT), 512)
    inp["bl"] = jnp.zeros((OUT,), jnp.float32)
    inp["gn"] = jnp.ones((OUT,), jnp.float32)
    inp["betan"] = jnp.zeros((OUT,), jnp.float32)
    return inp

def _bn(x, g, b, eps=1e-5):
    m = x.mean(axis=0)
    v = x.var(axis=0)
    return (x - m) / jnp.sqrt(v + eps) * g + b

def _gcu(x, ei, W, b):
    src = ei[0]
    dst = ei[1]
    xi = x[dst]
    xj = x[src]
    msg = jax.nn.relu(jnp.concatenate([xi, xj - xi], axis=1) @ W + b)
    out = jax.ops.segment_max(msg, dst, num_segments=x.shape[0])
    return jnp.where(jnp.isneginf(out), 0.0, out)

def reference(pos, hm, tpl_edge_index, batch, W1, b1, W2, b2, W3, b3, Wm1, bm1, gm1, betam1, Wg, bg, gg, betag, Wl, bl, gn, betan):
    x1 = _gcu(pos, tpl_edge_index, W1, b1)
    x2 = _gcu(x1, tpl_edge_index, W2, b2)
    x3 = _gcu(x2, tpl_edge_index, W3, b3)
    x123 = jnp.concatenate([x1, x2, x3], axis=1)
    x4 = _bn(jax.nn.relu(x123 @ Wm1 + bm1), gm1, betam1)
    xg = jax.ops.segment_max(x123, batch, num_segments=B)
    xg = jnp.where(jnp.isneginf(xg), 0.0, xg)
    xg = _bn(jax.nn.relu(xg @ Wg + bg), gg, betag)
    counts = jnp.bincount(batch, length=B)
    xg_rep = jnp.repeat(xg, counts, axis=0, total_repeat_length=pos.shape[0])
    x5 = jnp.concatenate([x4, xg_rep], axis=1)
    x6 = jax.ops.segment_sum(x5[:, None, :] * hm[:, :, None], batch, num_segments=B)
    x6 = jax.nn.relu(x6 @ Wl + bl)
    m = x6.mean(axis=(0, 1))
    v = x6.var(axis=(0, 1))
    y = (x6 - m) / jnp.sqrt(v + 1e-5) * gn + betan
    return y

if __name__ == "__main__":
    import jax
    _d = setup_inputs()
    print(jax.jit(kernel)(*tuple(_d.values())))

</pallas_src>

<mosaic_0001>
#map = affine_map<(d0, d1) -> (0, 0)>
#map1 = affine_map<(d0, d1) -> (0)>
module attributes {stable_mosaic.version = 14 : i64} {
  func.func @body(%arg0: i32, %arg1: i32, %arg2: memref<10000x128xf32, #tpu.memory_space<hbm>>, %arg3: memref<163840xi32, #tpu.memory_space<hbm>>, %arg4: memref<163840xi32, #tpu.memory_space<hbm>>, %arg5: memref<163840x128xf32, #tpu.memory_space<hbm>>, %arg6: memref<163840x128xf32, #tpu.memory_space<hbm>>, %arg7: memref<512xi32, #tpu.memory_space<vmem>>, %arg8: memref<512x128xf32, #tpu.memory_space<vmem>>, %arg9: memref<!tpu.dma_semaphore, #tpu.memory_space<semaphore_mem>>) attributes {dimension_semantics = [#tpu.dimension_semantics<core_parallel>, #tpu.dimension_semantics<subcore_parallel>], iteration_bounds = array<i64: 2, 16>, scalar_prefetch = 0 : i64, scratch_operands = 3 : i64, tpu.core_type = #tpu.core_type<sc_vector_subcore>, window_params = [{transform_indices = #map}, {transform_indices = #map1}, {transform_indices = #map1}, {transform_indices = #map}, {transform_indices = #map}]} {
    %mul3A = arith.constant 2 : i32
    %mul3A_0 = arith.muli %arg1, %mul3A : i32
    %add3A = arith.addi %mul3A_0, %arg0 : i32
    %mul3A_1 = arith.constant 5120 : i32
    %mul3A_2 = arith.muli %add3A, %mul3A_1 : i32
    %scan3A = arith.constant 0 : i32
    %scan3A_3 = arith.constant 10 : i32
    %scan3A_4 = arith.addi %scan3A, %scan3A_3 : i32
    %scan3A_5 = arith.constant 1 : i32
    scf.for %scan3A_12 = %scan3A to %scan3A_4 step %scan3A_5  : i32 {
      %mul3A_13 = arith.constant 1 : i32
      %mul3A_14 = arith.muli %scan3A_12, %mul3A_13 : i32
      %add3A_15 = arith.constant 0 : i32
      %add3A_16 = arith.addi %add3A_15, %mul3A_14 : i32
      %mul3A_17 = arith.constant 512 : i32
      %mul3A_18 = arith.muli %add3A_16, %mul3A_17 : i32
      %add3A_19 = arith.addi %mul3A_2, %mul3A_18 : i32
      "tpu.region"() ({
        %run_scoped3A = tpu.sem_alloc : memref<!tpu.dma_semaphore, #tpu.memory_space<semaphore_mem>>
        %dma_start3A_82 = tpu.memref_slice %arg3[%add3A_19] : memref<163840xi32, #tpu.memory_space<hbm>> -> memref<512xi32, #tpu.memory_space<hbm>>
        %dma_start3A_83 = tpu.memref_slice %arg3[%add3A_19] : memref<163840xi32, #tpu.memory_space<hbm>> -> memref<512xi32, #tpu.memory_space<hbm>>
        tpu.enqueue_dma source(%dma_start3A_83 : memref<512xi32, #tpu.memory_space<hbm>>) target(%arg7 : memref<512xi32, #tpu.memory_space<vmem>>) target_semaphore(%run_scoped3A : memref<!tpu.dma_semaphore, #tpu.memory_space<semaphore_mem>>)
        %dma_wait3A_84 = tpu.memref_slice %arg3[%add3A_19] : memref<163840xi32, #tpu.memory_space<hbm>> -> memref<512xi32, #tpu.memory_space<hbm>>
        %dma_wait3A_85 = tpu.memref_slice %arg3[%add3A_19] : memref<163840xi32, #tpu.memory_space<hbm>> -> memref<512xi32, #tpu.memory_space<hbm>>
        tpu.wait_dma2 semaphore(%run_scoped3A : memref<!tpu.dma_semaphore, #tpu.memory_space<semaphore_mem>>) src(%dma_wait3A_85 : memref<512xi32, #tpu.memory_space<hbm>>) dst(%arg7 : memref<512xi32, #tpu.memory_space<vmem>>)
        tpu.yield
      }) : () -> ()
      %dma_start3A = arith.constant 0 : i32
      %dma_start3A_20 = arith.constant 0 : i32
      %dma_start3A_21 = tpu.memref_slice %arg8[%dma_start3A, %dma_start3A_20] : memref<512x128xf32, #tpu.memory_space<vmem>> -> memref<128x128xf32, #tpu.memory_space<vmem>>
      %dma_start3A_22 = arith.constant 0 : i32
      %dma_start3A_23 = tpu.memref_slice %arg7[%dma_start3A_22] : memref<512xi32, #tpu.memory_space<vmem>> -> memref<128xi32, #tpu.memory_space<vmem>>
      %dma_start3A_24 = arith.constant 0 : i32
      %dma_start3A_25 = arith.constant 0 : i32
      %dma_start3A_26 = tpu.memref_slice %arg2[%dma_start3A_24, %dma_start3A_25] : memref<10000x128xf32, #tpu.memory_space<hbm>> -> memref<10000x128xf32, #tpu.memory_space<hbm>>
      tpu.enqueue_indirect_dma source(%dma_start3A_26 : memref<10000x128xf32, #tpu.memory_space<hbm>>) target(%dma_start3A_21 : memref<128x128xf32, #tpu.memory_space<vmem>>) offsets(%dma_start3A_23 : memref<128xi32, #tpu.memory_space<vmem>>) semaphore(%arg9 : memref<!tpu.dma_semaphore, #tpu.memory_space<semaphore_mem>>)
      %dma_start3A_27 = arith.constant 128 : i32
      %dma_start3A_28 = arith.constant 0 : i32
      %dma_start3A_29 = tpu.memref_slice %arg8[%dma_start3A_27, %dma_start3A_28] : memref<512x128xf32, #tpu.memory_space<vmem>> -> memref<128x128xf32, #tpu.memory_space<vmem>>
      %dma_start3A_30 = arith.constant 128 : i32
      %dma_start3A_31 = tpu.memref_slice %arg7[%dma_start3A_30] : memref<512xi32, #tpu.memory_space<vmem>> -> memref<128xi32, #tpu.memory_space<vmem>>
      %dma_start3A_32 = arith.constant 0 : i32
      %dma_start3A_33 = arith.constant 0 : i32
      %dma_start3A_34 = tpu.memref_slice %arg2[%dma_start3A_32, %dma_start3A_33] : memref<10000x128xf32, #tpu.memory_space<hbm>> -> memref<10000x128xf32, #tpu.memory_space<hbm>>
      tpu.enqueue_indirect_dma source(%dma_start3A_34 : memref<10000x128xf32, #tpu.memory_space<hbm>>) target(%dma_start3A_29 : memref<128x128xf32, #tpu.memory_space<vmem>>) offsets(%dma_start3A_31 : memref<128xi32, #tpu.memory_space<vmem>>) semaphore(%arg9 : memref<!tpu.dma_semaphore, #tpu.memory_space<semaphore_mem>>)
      %dma_start3A_35 = arith.constant 256 : i32
      %dma_start3A_36 = arith.constant 0 : i32
      %dma_start3A_37 = tpu.memref_slice %arg8[%dma_start3A_35, %dma_start3A_36] : memref<512x128xf32, #tpu.memory_space<vmem>> -> memref<128x128xf32, #tpu.memory_space<vmem>>
      %dma_start3A_38 = arith.constant 256 : i32
      %dma_start3A_39 = tpu.memref_slice %arg7[%dma_start3A_38] : memref<512xi32, #tpu.memory_space<vmem>> -> memref<128xi32, #tpu.memory_space<vmem>>
      %dma_start3A_40 = arith.constant 0 : i32
      %dma_start3A_41 = arith.constant 0 : i32
      %dma_start3A_42 = tpu.memref_slice %arg2[%dma_start3A_40, %dma_start3A_41] : memref<10000x128xf32, #tpu.memory_space<hbm>> -> memref<10000x128xf32, #tpu.memory_space<hbm>>
      tpu.enqueue_indirect_dma source(%dma_start3A_42 : memref<10000x128xf32, #tpu.memory_space<hbm>>) target(%dma_start3A_37 : memref<128x128xf32, #tpu.memory_space<vmem>>) offsets(%dma_start3A_39 : memref<128xi32, #tpu.memory_space<vmem>>) semaphore(%arg9 : memref<!tpu.dma_semaphore, #tpu.memory_space<semaphore_mem>>)
      %dma_start3A_43 = arith.constant 384 : i32
      %dma_start3A_44 = arith.constant 0 : i32
      %dma_start3A_45 = tpu.memref_slice %arg8[%dma_start3A_43, %dma_start3A_44] : memref<512x128xf32, #tpu.memory_space<vmem>> -> memref<128x128xf32, #tpu.memory_space<vmem>>
      %dma_start3A_46 = arith.constant 384 : i32
      %dma_start3A_47 = tpu.memref_slice %arg7[%dma_start3A_46] : memref<512xi32, #tpu.memory_space<vmem>> -> memref<128xi32, #tpu.memory_space<vmem>>
      %dma_start3A_48 = arith.constant 0 : i32
      %dma_start3A_49 = arith.constant 0 : i32
      %dma_start3A_50 = tpu.memref_slice %arg2[%dma_start3A_48, %dma_start3A_49] : memref<10000x128xf32, #tpu.memory_space<hbm>> -> memref<10000x128xf32, #tpu.memory_space<hbm>>
      tpu.enqueue_indirect_dma source(%dma_start3A_50 : memref<10000x128xf32, #tpu.memory_space<hbm>>) target(%dma_start3A_45 : memref<128x128xf32, #tpu.memory_space<vmem>>) offsets(%dma_start3A_47 : memref<128xi32, #tpu.memory_space<vmem>>) semaphore(%arg9 : memref<!tpu.dma_semaphore, #tpu.memory_space<semaphore_mem>>)
      %dma_wait3A = arith.constant 0 : i32
      %dma_wait3A_51 = arith.constant 0 : i32
      %dma_wait3A_52 = tpu.memref_slice %arg8[%dma_wait3A, %dma_wait3A_51] : memref<512x128xf32, #tpu.memory_space<vmem>> -> memref<128x128xf32, #tpu.memory_space<vmem>>
      %dma_wait3A_53 = arith.constant 0 : i32
      %dma_wait3A_54 = tpu.memref_slice %arg7[%dma_wait3A_53] : memref<512xi32, #tpu.memory_space<vmem>> -> memref<128xi32, #tpu.memory_space<vmem>>
      %dma_wait3A_55 = arith.constant 0 : i32
      %dma_wait3A_56 = arith.constant 0 : i32
      %dma_wait3A_57 = tpu.memref_slice %arg2[%dma_wait3A_55, %dma_wait3A_56] : memref<10000x128xf32, #tpu.memory_space<hbm>> -> memref<10000x128xf32, #tpu.memory_space<hbm>>
      tpu.wait_indirect_dma semaphore(%arg9 : memref<!tpu.dma_semaphore, #tpu.memory_space<semaphore_mem>>) src(%dma_wait3A_57 : memref<10000x128xf32, #tpu.memory_space<hbm>>) dst(%dma_wait3A_52 : memref<128x128xf32, #tpu.memory_space<vmem>>)
      %dma_wait3A_58 = arith.constant 128 : i32
      %dma_wait3A_59 = arith.constant 0 : i32
      %dma_wait3A_60 = tpu.memref_slice %arg8[%dma_wait3A_58, %dma_wait3A_59] : memref<512x128xf32, #tpu.memory_space<vmem>> -> memref<128x128xf32, #tpu.memory_space<vmem>>
      %dma_wait3A_61 = arith.constant 128 : i32
      %dma_wait3A_62 = tpu.memref_slice %arg7[%dma_wait3A_61] : memref<512xi32, #tpu.memory_space<vmem>> -> memref<128xi32, #tpu.memory_space<vmem>>
      %dma_wait3A_63 = arith.constant 0 : i32
      %dma_wait3A_64 = arith.constant 0 : i32
      %dma_wait3A_65 = tpu.memref_slice %arg2[%dma_wait3A_63, %dma_wait3A_64] : memref<10000x128xf32, #tpu.memory_space<hbm>> -> memref<10000x128xf32, #tpu.memory_space<hbm>>
      tpu.wait_indirect_dma semaphore(%arg9 : memref<!tpu.dma_semaphore, #tpu.memory_space<semaphore_mem>>) src(%dma_wait3A_65 : memref<10000x128xf32, #tpu.memory_space<hbm>>) dst(%dma_wait3A_60 : memref<128x128xf32, #tpu.memory_space<vmem>>)
      %dma_wait3A_66 = arith.constant 256 : i32
      %dma_wait3A_67 = arith.constant 0 : i32
      %dma_wait3A_68 = tpu.memref_slice %arg8[%dma_wait3A_66, %dma_wait3A_67] : memref<512x128xf32, #tpu.memory_space<vmem>> -> memref<128x128xf32, #tpu.memory_space<vmem>>
      %dma_wait3A_69 = arith.constant 256 : i32
      %dma_wait3A_70 = tpu.memref_slice %arg7[%dma_wait3A_69] : memref<512xi32, #tpu.memory_space<vmem>> -> memref<128xi32, #tpu.memory_space<vmem>>
      %dma_wait3A_71 = arith.constant 0 : i32
      %dma_wait3A_72 = arith.constant 0 : i32
      %dma_wait3A_73 = tpu.memref_slice %arg2[%dma_wait3A_71, %dma_wait3A_72] : memref<10000x128xf32, #tpu.memory_space<hbm>> -> memref<10000x128xf32, #tpu.memory_space<hbm>>
      tpu.wait_indirect_dma semaphore(%arg9 : memref<!tpu.dma_semaphore, #tpu.memory_space<semaphore_mem>>) src(%dma_wait3A_73 : memref<10000x128xf32, #tpu.memory_space<hbm>>) dst(%dma_wait3A_68 : memref<128x128xf32, #tpu.memory_space<vmem>>)
      %dma_wait3A_74 = arith.constant 384 : i32
      %dma_wait3A_75 = arith.constant 0 : i32
      %dma_wait3A_76 = tpu.memref_slice %arg8[%dma_wait3A_74, %dma_wait3A_75] : memref<512x128xf32, #tpu.memory_space<vmem>> -> memref<128x128xf32, #tpu.memory_space<vmem>>
      %dma_wait3A_77 = arith.constant 384 : i32
      %dma_wait3A_78 = tpu.memref_slice %arg7[%dma_wait3A_77] : memref<512xi32, #tpu.memory_space<vmem>> -> memref<128xi32, #tpu.memory_space<vmem>>
      %dma_wait3A_79 = arith.constant 0 : i32
      %dma_wait3A_80 = arith.constant 0 : i32
      %dma_wait3A_81 = tpu.memref_slice %arg2[%dma_wait3A_79, %dma_wait3A_80] : memref<10000x128xf32, #tpu.memory_space<hbm>> -> memref<10000x128xf32, #tpu.memory_space<hbm>>
      tpu.wait_indirect_dma semaphore(%arg9 : memref<!tpu.dma_semaphore, #tpu.memory_space<semaphore_mem>>) src(%dma_wait3A_81 : memref<10000x128xf32, #tpu.memory_space<hbm>>) dst(%dma_wait3A_76 : memref<128x128xf32, #tpu.memory_space<vmem>>)
      "tpu.region"() ({
        %run_scoped3A = tpu.sem_alloc : memref<!tpu.dma_semaphore, #tpu.memory_space<semaphore_mem>>
        %dma_start3A_82 = arith.constant 0 : i32
        %dma_start3A_83 = tpu.memref_slice %arg5[%add3A_19, %dma_start3A_82] : memref<163840x128xf32, #tpu.memory_space<hbm>> -> memref<512x128xf32, #tpu.memory_space<hbm>>
        %dma_start3A_84 = arith.constant 0 : i32
        %dma_start3A_85 = tpu.memref_slice %arg5[%add3A_19, %dma_start3A_84] : memref<163840x128xf32, #tpu.memory_space<hbm>> -> memref<512x128xf32, #tpu.memory_space<hbm>>
        tpu.enqueue_dma source(%arg8 : memref<512x128xf32, #tpu.memory_space<vmem>>) target(%dma_start3A_85 : memref<512x128xf32, #tpu.memory_space<hbm>>) target_semaphore(%run_scoped3A : memref<!tpu.dma_semaphore, #tpu.memory_space<semaphore_mem>>)
        %dma_wait3A_86 = arith.constant 0 : i32
        %dma_wait3A_87 = tpu.memref_slice %arg5[%add3A_19, %dma_wait3A_86] : memref<163840x128xf32, #tpu.memory_space<hbm>> -> memref<512x128xf32, #tpu.memory_space<hbm>>
        %dma_wait3A_88 = arith.constant 0 : i32
        %dma_wait3A_89 = tpu.memref_slice %arg5[%add3A_19, %dma_wait3A_88] : memref<163840x128xf32, #tpu.memory_space<hbm>> -> memref<512x128xf32, #tpu.memory_space<hbm>>
        tpu.wait_dma2 semaphore(%run_scoped3A : memref<!tpu.dma_semaphore, #tpu.memory_space<semaphore_mem>>) src(%arg8 : memref<512x128xf32, #tpu.memory_space<vmem>>) dst(%dma_wait3A_89 : memref<512x128xf32, #tpu.memory_space<hbm>>)
        tpu.yield
      }) : () -> ()
    }
    %scan3A_6 = arith.constant 10 : i32
    %scan3A_7 = arith.constant 0 : i32
    %scan3A_8 = arith.constant 10 : i32
    %scan3A_9 = arith.addi %scan3A_7, %scan3A_8 : i32
    %scan3A_10 = arith.constant 1 : i32
    scf.for %scan3A_12 = %scan3A_7 to %scan3A_9 step %scan3A_10  : i32 {
      %mul3A_13 = arith.constant 1 : i32
      %mul3A_14 = arith.muli %scan3A_12, %mul3A_13 : i32
      %add3A_15 = arith.constant 0 : i32
      %add3A_16 = arith.addi %add3A_15, %mul3A_14 : i32
      %mul3A_17 = arith.constant 512 : i32
      %mul3A_18 = arith.muli %add3A_16, %mul3A_17 : i32
      %add3A_19 = arith.addi %mul3A_2, %mul3A_18 : i32
      "tpu.region"() ({
        %run_scoped3A = tpu.sem_alloc : memref<!tpu.dma_semaphore, #tpu.memory_space<semaphore_mem>>
        %dma_start3A_82 = tpu.memref_slice %arg4[%add3A_19] : memref<163840xi32, #tpu.memory_space<hbm>> -> memref<512xi32, #tpu.memory_space<hbm>>
        %dma_start3A_83 = tpu.memref_slice %arg4[%add3A_19] : memref<163840xi32, #tpu.memory_space<hbm>> -> memref<512xi32, #tpu.memory_space<hbm>>
        tpu.enqueue_dma source(%dma_start3A_83 : memref<512xi32, #tpu.memory_space<hbm>>) target(%arg7 : memref<512xi32, #tpu.memory_space<vmem>>) target_semaphore(%run_scoped3A : memref<!tpu.dma_semaphore, #tpu.memory_space<semaphore_mem>>)
        %dma_wait3A_84 = tpu.memref_slice %arg4[%add3A_19] : memref<163840xi32, #tpu.memory_space<hbm>> -> memref<512xi32, #tpu.memory_space<hbm>>
        %dma_wait3A_85 = tpu.memref_slice %arg4[%add3A_19] : memref<163840xi32, #tpu.memory_space<hbm>> -> memref<512xi32, #tpu.memory_space<hbm>>
        tpu.wait_dma2 semaphore(%run_scoped3A : memref<!tpu.dma_semaphore, #tpu.memory_space<semaphore_mem>>) src(%dma_wait3A_85 : memref<512xi32, #tpu.memory_space<hbm>>) dst(%arg7 : memref<512xi32, #tpu.memory_space<vmem>>)
        tpu.yield
      }) : () -> ()
      %dma_start3A = arith.constant 0 : i32
      %dma_start3A_20 = arith.constant 0 : i32
      %dma_start3A_21 = tpu.memref_slice %arg8[%dma_start3A, %dma_start3A_20] : memref<512x128xf32, #tpu.memory_space<vmem>> -> memref<128x128xf32, #tpu.memory_space<vmem>>
      %dma_start3A_22 = arith.constant 0 : i32
      %dma_start3A_23 = tpu.memref_slice %arg7[%dma_start3A_22] : memref<512xi32, #tpu.memory_space<vmem>> -> memref<128xi32, #tpu.memory_space<vmem>>
      %dma_start3A_24 = arith.constant 0 : i32
      %dma_start3A_25 = arith.constant 0 : i32
      %dma_start3A_26 = tpu.memref_slice %arg2[%dma_start3A_24, %dma_start3A_25] : memref<10000x128xf32, #tpu.memory_space<hbm>> -> memref<10000x128xf32, #tpu.memory_space<hbm>>
      tpu.enqueue_indirect_dma source(%dma_start3A_26 : memref<10000x128xf32, #tpu.memory_space<hbm>>) target(%dma_start3A_21 : memref<128x128xf32, #tpu.memory_space<vmem>>) offsets(%dma_start3A_23 : memref<128xi32, #tpu.memory_space<vmem>>) semaphore(%arg9 : memref<!tpu.dma_semaphore, #tpu.memory_space<semaphore_mem>>)
      %dma_start3A_27 = arith.constant 128 : i32
      %dma_start3A_28 = arith.constant 0 : i32
      %dma_start3A_29 = tpu.memref_slice %arg8[%dma_start3A_27, %dma_start3A_28] : memref<512x128xf32, #tpu.memory_space<vmem>> -> memref<128x128xf32, #tpu.memory_space<vmem>>
      %dma_start3A_30 = arith.constant 128 : i32
      %dma_start3A_31 = tpu.memref_slice %arg7[%dma_start3A_30] : memref<512xi32, #tpu.memory_space<vmem>> -> memref<128xi32, #tpu.memory_space<vmem>>
      %dma_start3A_32 = arith.constant 0 : i32
      %dma_start3A_33 = arith.constant 0 : i32
      %dma_start3A_34 = tpu.memref_slice %arg2[%dma_start3A_32, %dma_start3A_33] : memref<10000x128xf32, #tpu.memory_space<hbm>> -> memref<10000x128xf32, #tpu.memory_space<hbm>>
      tpu.enqueue_indirect_dma source(%dma_start3A_34 : memref<10000x128xf32, #tpu.memory_space<hbm>>) target(%dma_start3A_29 : memref<128x128xf32, #tpu.memory_space<vmem>>) offsets(%dma_start3A_31 : memref<128xi32, #tpu.memory_space<vmem>>) semaphore(%arg9 : memref<!tpu.dma_semaphore, #tpu.memory_space<semaphore_mem>>)
      %dma_start3A_35 = arith.constant 256 : i32
      %dma_start3A_36 = arith.constant 0 : i32
      %dma_start3A_37 = tpu.memref_slice %arg8[%dma_start3A_35, %dma_start3A_36] : memref<512x128xf32, #tpu.memory_space<vmem>> -> memref<128x128xf32, #tpu.memory_space<vmem>>
      %dma_start3A_38 = arith.constant 256 : i32
      %dma_start3A_39 = tpu.memref_slice %arg7[%dma_start3A_38] : memref<512xi32, #tpu.memory_space<vmem>> -> memref<128xi32, #tpu.memory_space<vmem>>
      %dma_start3A_40 = arith.constant 0 : i32
      %dma_start3A_41 = arith.constant 0 : i32
      %dma_start3A_42 = tpu.memref_slice %arg2[%dma_start3A_40, %dma_start3A_41] : memref<10000x128xf32, #tpu.memory_space<hbm>> -> memref<10000x128xf32, #tpu.memory_space<hbm>>
      tpu.enqueue_indirect_dma source(%dma_start3A_42 : memref<10000x128xf32, #tpu.memory_space<hbm>>) target(%dma_start3A_37 : memref<128x128xf32, #tpu.memory_space<vmem>>) offsets(%dma_start3A_39 : memref<128xi32, #tpu.memory_space<vmem>>) semaphore(%arg9 : memref<!tpu.dma_semaphore, #tpu.memory_space<semaphore_mem>>)
      %dma_start3A_43 = arith.constant 384 : i32
      %dma_start3A_44 = arith.constant 0 : i32
      %dma_start3A_45 = tpu.memref_slice %arg8[%dma_start3A_43, %dma_start3A_44] : memref<512x128xf32, #tpu.memory_space<vmem>> -> memref<128x128xf32, #tpu.memory_space<vmem>>
      %dma_start3A_46 = arith.constant 384 : i32
      %dma_start3A_47 = tpu.memref_slice %arg7[%dma_start3A_46] : memref<512xi32, #tpu.memory_space<vmem>> -> memref<128xi32, #tpu.memory_space<vmem>>
      %dma_start3A_48 = arith.constant 0 : i32
      %dma_start3A_49 = arith.constant 0 : i32
      %dma_start3A_50 = tpu.memref_slice %arg2[%dma_start3A_48, %dma_start3A_49] : memref<10000x128xf32, #tpu.memory_space<hbm>> -> memref<10000x128xf32, #tpu.memory_space<hbm>>
      tpu.enqueue_indirect_dma source(%dma_start3A_50 : memref<10000x128xf32, #tpu.memory_space<hbm>>) target(%dma_start3A_45 : memref<128x128xf32, #tpu.memory_space<vmem>>) offsets(%dma_start3A_47 : memref<128xi32, #tpu.memory_space<vmem>>) semaphore(%arg9 : memref<!tpu.dma_semaphore, #tpu.memory_space<semaphore_mem>>)
      %dma_wait3A = arith.constant 0 : i32
      %dma_wait3A_51 = arith.constant 0 : i32
      %dma_wait3A_52 = tpu.memref_slice %arg8[%dma_wait3A, %dma_wait3A_51] : memref<512x128xf32, #tpu.memory_space<vmem>> -> memref<128x128xf32, #tpu.memory_space<vmem>>
      %dma_wait3A_53 = arith.constant 0 : i32
      %dma_wait3A_54 = tpu.memref_slice %arg7[%dma_wait3A_53] : memref<512xi32, #tpu.memory_space<vmem>> -> memref<128xi32, #tpu.memory_space<vmem>>
      %dma_wait3A_55 = arith.constant 0 : i32
      %dma_wait3A_56 = arith.constant 0 : i32
      %dma_wait3A_57 = tpu.memref_slice %arg2[%dma_wait3A_55, %dma_wait3A_56] : memref<10000x128xf32, #tpu.memory_space<hbm>> -> memref<10000x128xf32, #tpu.memory_space<hbm>>
      tpu.wait_indirect_dma semaphore(%arg9 : memref<!tpu.dma_semaphore, #tpu.memory_space<semaphore_mem>>) src(%dma_wait3A_57 : memref<10000x128xf32, #tpu.memory_space<hbm>>) dst(%dma_wait3A_52 : memref<128x128xf32, #tpu.memory_space<vmem>>)
      %dma_wait3A_58 = arith.constant 128 : i32
      %dma_wait3A_59 = arith.constant 0 : i32
      %dma_wait3A_60 = tpu.memref_slice %arg8[%dma_wait3A_58, %dma_wait3A_59] : memref<512x128xf32, #tpu.memory_space<vmem>> -> memref<128x128xf32, #tpu.memory_space<vmem>>
      %dma_wait3A_61 = arith.constant 128 : i32
      %dma_wait3A_62 = tpu.memref_slice %arg7[%dma_wait3A_61] : memref<512xi32, #tpu.memory_space<vmem>> -> memref<128xi32, #tpu.memory_space<vmem>>
      %dma_wait3A_63 = arith.constant 0 : i32
      %dma_wait3A_64 = arith.constant 0 : i32
      %dma_wait3A_65 = tpu.memref_slice %arg2[%dma_wait3A_63, %dma_wait3A_64] : memref<10000x128xf32, #tpu.memory_space<hbm>> -> memref<10000x128xf32, #tpu.memory_space<hbm>>
      tpu.wait_indirect_dma semaphore(%arg9 : memref<!tpu.dma_semaphore, #tpu.memory_space<semaphore_mem>>) src(%dma_wait3A_65 : memref<10000x128xf32, #tpu.memory_space<hbm>>) dst(%dma_wait3A_60 : memref<128x128xf32, #tpu.memory_space<vmem>>)
      %dma_wait3A_66 = arith.constant 256 : i32
      %dma_wait3A_67 = arith.constant 0 : i32
      %dma_wait3A_68 = tpu.memref_slice %arg8[%dma_wait3A_66, %dma_wait3A_67] : memref<512x128xf32, #tpu.memory_space<vmem>> -> memref<128x128xf32, #tpu.memory_space<vmem>>
      %dma_wait3A_69 = arith.constant 256 : i32
      %dma_wait3A_70 = tpu.memref_slice %arg7[%dma_wait3A_69] : memref<512xi32, #tpu.memory_space<vmem>> -> memref<128xi32, #tpu.memory_space<vmem>>
      %dma_wait3A_71 = arith.constant 0 : i32
      %dma_wait3A_72 = arith.constant 0 : i32
      %dma_wait3A_73 = tpu.memref_slice %arg2[%dma_wait3A_71, %dma_wait3A_72] : memref<10000x128xf32, #tpu.memory_space<hbm>> -> memref<10000x128xf32, #tpu.memory_space<hbm>>
      tpu.wait_indirect_dma semaphore(%arg9 : memref<!tpu.dma_semaphore, #tpu.memory_space<semaphore_mem>>) src(%dma_wait3A_73 : memref<10000x128xf32, #tpu.memory_space<hbm>>) dst(%dma_wait3A_68 : memref<128x128xf32, #tpu.memory_space<vmem>>)
      %dma_wait3A_74 = arith.constant 384 : i32
      %dma_wait3A_75 = arith.constant 0 : i32
      %dma_wait3A_76 = tpu.memref_slice %arg8[%dma_wait3A_74, %dma_wait3A_75] : memref<512x128xf32, #tpu.memory_space<vmem>> -> memref<128x128xf32, #tpu.memory_space<vmem>>
      %dma_wait3A_77 = arith.constant 384 : i32
      %dma_wait3A_78 = tpu.memref_slice %arg7[%dma_wait3A_77] : memref<512xi32, #tpu.memory_space<vmem>> -> memref<128xi32, #tpu.memory_space<vmem>>
      %dma_wait3A_79 = arith.constant 0 : i32
      %dma_wait3A_80 = arith.constant 0 : i32
      %dma_wait3A_81 = tpu.memref_slice %arg2[%dma_wait3A_79, %dma_wait3A_80] : memref<10000x128xf32, #tpu.memory_space<hbm>> -> memref<10000x128xf32, #tpu.memory_space<hbm>>
      tpu.wait_indirect_dma semaphore(%arg9 : memref<!tpu.dma_semaphore, #tpu.memory_space<semaphore_mem>>) src(%dma_wait3A_81 : memref<10000x128xf32, #tpu.memory_space<hbm>>) dst(%dma_wait3A_76 : memref<128x128xf32, #tpu.memory_space<vmem>>)
      "tpu.region"() ({
        %run_scoped3A = tpu.sem_alloc : memref<!tpu.dma_semaphore, #tpu.memory_space<semaphore_mem>>
        %dma_start3A_82 = arith.constant 0 : i32
        %dma_start3A_83 = tpu.memref_slice %arg6[%add3A_19, %dma_start3A_82] : memref<163840x128xf32, #tpu.memory_space<hbm>> -> memref<512x128xf32, #tpu.memory_space<hbm>>
        %dma_start3A_84 = arith.constant 0 : i32
        %dma_start3A_85 = tpu.memref_slice %arg6[%add3A_19, %dma_start3A_84] : memref<163840x128xf32, #tpu.memory_space<hbm>> -> memref<512x128xf32, #tpu.memory_space<hbm>>
        tpu.enqueue_dma source(%arg8 : memref<512x128xf32, #tpu.memory_space<vmem>>) target(%dma_start3A_85 : memref<512x128xf32, #tpu.memory_space<hbm>>) target_semaphore(%run_scoped3A : memref<!tpu.dma_semaphore, #tpu.memory_space<semaphore_mem>>)
        %dma_wait3A_86 = arith.constant 0 : i32
        %dma_wait3A_87 = tpu.memref_slice %arg6[%add3A_19, %dma_wait3A_86] : memref<163840x128xf32, #tpu.memory_space<hbm>> -> memref<512x128xf32, #tpu.memory_space<hbm>>
        %dma_wait3A_88 = arith.constant 0 : i32
        %dma_wait3A_89 = tpu.memref_slice %arg6[%add3A_19, %dma_wait3A_88] : memref<163840x128xf32, #tpu.memory_space<hbm>> -> memref<512x128xf32, #tpu.memory_space<hbm>>
        tpu.wait_dma2 semaphore(%run_scoped3A : memref<!tpu.dma_semaphore, #tpu.memory_space<semaphore_mem>>) src(%arg8 : memref<512x128xf32, #tpu.memory_space<vmem>>) dst(%dma_wait3A_89 : memref<512x128xf32, #tpu.memory_space<hbm>>)
        tpu.yield
      }) : () -> ()
    }
    %scan3A_11 = arith.constant 10 : i32
    return
  }
}

#map = affine_map<(d0, d1) -> (0, 0)>
#map1 = affine_map<(d0, d1) -> (0)>
module attributes {stable_mosaic.version = 14 : i64} {
  func.func @body(%arg0: i32, %arg1: i32, %arg2: memref<163840x128xf32, #tpu.memory_space<hbm>>, %arg3: memref<163840xi32, #tpu.memory_space<hbm>>, %arg4: memref<32x40960xf32, #tpu.memory_space<hbm>>, %arg5: memref<4096xi32, #tpu.memory_space<vmem>>, %arg6: memref<4112xi32, #tpu.memory_space<vmem>>, %arg7: memref<4112xi32, #tpu.memory_space<vmem>>, %arg8: memref<128x128xf32, #tpu.memory_space<vmem>>, %arg9: memref<40960xf32, #tpu.memory_space<vmem>>, %arg10: memref<!tpu.dma_semaphore, #tpu.memory_space<semaphore_mem>>) attributes {dimension_semantics = [#tpu.dimension_semantics<core_parallel>, #tpu.dimension_semantics<subcore_parallel>], iteration_bounds = array<i64: 2, 16>, scalar_prefetch = 0 : i64, scratch_operands = 6 : i64, tpu.core_type = #tpu.core_type<sc_vector_subcore>, window_params = [{transform_indices = #map}, {transform_indices = #map1}, {transform_indices = #map}]} {
    %mul3A = arith.constant 2 : i32
    %mul3A_0 = arith.muli %arg1, %mul3A : i32
    %add3A = arith.addi %mul3A_0, %arg0 : i32
    %mul3A_1 = arith.constant 320 : i32
    %mul3A_2 = arith.muli %add3A, %mul3A_1 : i32
    %iota3A = tpu.iota {dimensions = array<i32: 0>} : vector<16xi32>
    %scan3A = arith.constant 0 : i32
    %scan3A_3 = arith.constant 2560 : i32
    %scan3A_4 = arith.addi %scan3A, %scan3A_3 : i32
    %scan3A_5 = arith.constant 1 : i32
    scf.for %scan3A_17 = %scan3A to %scan3A_4 step %scan3A_5  : i32 {
      %mul3A_18 = arith.constant 1 : i32
      %mul3A_19 = arith.muli %scan3A_17, %mul3A_18 : i32
      %add3A_20 = arith.constant 0 : i32
      %add3A_21 = arith.addi %add3A_20, %mul3A_19 : i32
      %broadcast_in_dim3A = arith.constant 0.000000e+00 : f32
      %broadcast_in_dim3A_22 = vector.broadcast %broadcast_in_dim3A : f32 to vector<16xf32>
      %mul3A_23 = arith.constant 16 : i32
      %mul3A_24 = arith.muli %add3A_21, %mul3A_23 : i32
      %swap3A = arith.index_cast %mul3A_24 : i32 to index
      %swap3A_25 = tpu.vector_load %arg9[%swap3A] {strides = array<i32>} : memref<40960xf32, #tpu.memory_space<vmem>>, vector<16xf32>,
      tpu.vector_store %arg9[%swap3A], %broadcast_in_dim3A_22 {strides = array<i32>} : memref<40960xf32, #tpu.memory_space<vmem>>, vector<16xf32>,
    }
    %scan3A_6 = arith.constant 2560 : i32
    %scan3A_7 = arith.constant 0 : i32
    %scan3A_8 = arith.constant 257 : i32
    %scan3A_9 = arith.addi %scan3A_7, %scan3A_8 : i32
    %scan3A_10 = arith.constant 1 : i32
    scf.for %scan3A_17 = %scan3A_7 to %scan3A_9 step %scan3A_10  : i32 {
      %mul3A_18 = arith.constant 1 : i32
      %mul3A_19 = arith.muli %scan3A_17, %mul3A_18 : i32
      %add3A_20 = arith.constant 0 : i32
      %add3A_21 = arith.addi %add3A_20, %mul3A_19 : i32
      %broadcast_in_dim3A = arith.constant 0 : i32
      %broadcast_in_dim3A_22 = vector.broadcast %broadcast_in_dim3A : i32 to vector<16xi32>
      %mul3A_23 = arith.constant 16 : i32
      %mul3A_24 = arith.muli %add3A_21, %mul3A_23 : i32
      %swap3A = arith.index_cast %mul3A_24 : i32 to index
      %swap3A_25 = tpu.vector_load %arg6[%swap3A] {strides = array<i32>} : memref<4112xi32, #tpu.memory_space<vmem>>, vector<16xi32>,
      tpu.vector_store %arg6[%swap3A], %broadcast_in_dim3A_22 {strides = array<i32>} : memref<4112xi32, #tpu.memory_space<vmem>>, vector<16xi32>,
      %broadcast_in_dim3A_26 = vector.broadcast %mul3A_2 : i32 to vector<16xi32>
      %mul3A_27 = arith.constant 16 : i32
      %mul3A_28 = arith.muli %add3A_21, %mul3A_27 : i32
      %swap3A_29 = arith.index_cast %mul3A_28 : i32 to index
      %swap3A_30 = tpu.vector_load %arg7[%swap3A_29] {strides = array<i32>} : memref<4112xi32, #tpu.memory_space<vmem>>, vector<16xi32>,
      tpu.vector_store %arg7[%swap3A_29], %broadcast_in_dim3A_26 {strides = array<i32>} : memref<4112xi32, #tpu.memory_space<vmem>>, vector<16xi32>,
    }
    %scan3A_11 = arith.constant 257 : i32
    %scan3A_12 = arith.constant 0 : i32
    %scan3A_13 = arith.constant 40 : i32
    %scan3A_14 = arith.addi %scan3A_12, %scan3A_13 : i32
    %scan3A_15 = arith.constant 1 : i32
    scf.for %scan3A_17 = %scan3A_12 to %scan3A_14 step %scan3A_15  : i32 {
      %mul3A_18 = arith.constant 1 : i32
      %mul3A_19 = arith.muli %scan3A_17, %mul3A_18 : i32
      %add3A_20 = arith.constant 0 : i32
      %add3A_21 = arith.addi %add3A_20, %mul3A_19 : i32
      %mul3A_22 = arith.constant 4096 : i32
      %mul3A_23 = arith.muli %add3A_21, %mul3A_22 : i32
      "tpu.region"() ({
        %run_scoped3A = tpu.sem_alloc : memref<!tpu.dma_semaphore, #tpu.memory_space<semaphore_mem>>
        %dma_start3A = tpu.memref_slice %arg3[%mul3A_23] : memref<163840xi32, #tpu.memory_space<hbm>> -> memref<4096xi32, #tpu.memory_space<hbm>>
        %dma_start3A_69 = tpu.memref_slice %arg3[%mul3A_23] : memref<163840xi32, #tpu.memory_space<hbm>> -> memref<4096xi32, #tpu.memory_space<hbm>>
        tpu.enqueue_dma source(%dma_start3A_69 : memref<4096xi32, #tpu.memory_space<hbm>>) target(%arg5 : memref<4096xi32, #tpu.memory_space<vmem>>) target_semaphore(%run_scoped3A : memref<!tpu.dma_semaphore, #tpu.memory_space<semaphore_mem>>)
        %dma_wait3A = tpu.memref_slice %arg3[%mul3A_23] : memref<163840xi32, #tpu.memory_space<hbm>> -> memref<4096xi32, #tpu.memory_space<hbm>>
        %dma_wait3A_70 = tpu.memref_slice %arg3[%mul3A_23] : memref<163840xi32, #tpu.memory_space<hbm>> -> memref<4096xi32, #tpu.memory_space<hbm>>
        tpu.wait_dma2 semaphore(%run_scoped3A : memref<!tpu.dma_semaphore, #tpu.memory_space<semaphore_mem>>) src(%dma_wait3A_70 : memref<4096xi32, #tpu.memory_space<hbm>>) dst(%arg5 : memref<4096xi32, #tpu.memory_space<vmem>>)
        tpu.yield
      }) : () -> ()
      %scan3A_24 = arith.constant 0 : i32
      %scan3A_25 = arith.constant 0 : i32
      %scan3A_26 = arith.constant 256 : i32
      %scan3A_27 = arith.addi %scan3A_25, %scan3A_26 : i32
      %scan3A_28 = arith.constant 1 : i32
      %scan3A_29 = scf.for %scan3A_69 = %scan3A_25 to %scan3A_27 step %scan3A_28 iter_args(%scan3A_70 = %scan3A_24) -> (i32)  : i32 {
        %mul3A_71 = arith.constant 1 : i32
        %mul3A_72 = arith.muli %scan3A_69, %mul3A_71 : i32
        %add3A_73 = arith.constant 0 : i32
        %add3A_74 = arith.addi %add3A_73, %mul3A_72 : i32
        %mul3A_75 = arith.constant 16 : i32
        %mul3A_76 = arith.muli %add3A_74, %mul3A_75 : i32
        %get3A = arith.index_cast %mul3A_76 : i32 to index
        %get3A_77 = tpu.vector_load %arg5[%get3A] {strides = array<i32>} : memref<4096xi32, #tpu.memory_space<vmem>>, vector<16xi32>,
        %ge3A = vector.broadcast %mul3A_2 : i32 to vector<16xi32>
        %ge3A_78 = arith.cmpi sge, %get3A_77, %ge3A : vector<16xi32>
        %add3A_79 = arith.constant 320 : i32
        %add3A_80 = arith.addi %mul3A_2, %add3A_79 : i32
        %lt3A = vector.broadcast %add3A_80 : i32 to vector<16xi32>
        %lt3A_81 = arith.cmpi slt, %get3A_77, %lt3A : vector<16xi32>
        %and3A_82 = arith.andi %ge3A_78, %lt3A_81 : vector<16xi1>
        %convert_element_type3A = arith.extui %and3A_82 : vector<16xi1> to vector<16xi32>
        %broadcast_in_dim3A = arith.constant true
        %broadcast_in_dim3A_83 = vector.broadcast %broadcast_in_dim3A : i1 to vector<16xi1>
        %masked_cumsum3A = tpu.scan <sum>, %convert_element_type3A masked %broadcast_in_dim3A_83 : vector<16xi32>, vector<16xi1> -> vector<16xi32>
        %add3A_84 = vector.broadcast %scan3A_70 : i32 to vector<16xi32>
        %add3A_85 = arith.addi %add3A_84, %masked_cumsum3A : vector<16xi32>
        %sub3A_86 = arith.subi %add3A_85, %convert_element_type3A : vector<16xi32>
        %jit3A_87 = arith.constant 4096 : i32
        %broadcast_in_dim3A_88 = vector.broadcast %jit3A_87 : i32 to vector<16xi32>
        %select_n3A_89 = arith.select %and3A_82, %sub3A_86, %broadcast_in_dim3A_88 : vector<16xi1>, vector<16xi32>
        %mul3A_90 = arith.constant 16 : i32
        %mul3A_91 = arith.muli %add3A_74, %mul3A_90 : i32
        %add3A_92 = arith.addi %mul3A_23, %mul3A_91 : i32
        %add3A_93 = vector.broadcast %add3A_92 : i32 to vector<16xi32>
        %add3A_94 = arith.addi %iota3A, %add3A_93 : vector<16xi32>
        tpu.vector_store_idx %arg6[%select_n3A_89], %add3A_94 : memref<4112xi32, #tpu.memory_space<vmem>>[vector<16xi32>], vector<16xi32>,
        tpu.vector_store_idx %arg7[%select_n3A_89], %get3A_77 : memref<4112xi32, #tpu.memory_space<vmem>>[vector<16xi32>], vector<16xi32>,
        %reduce_max3A = arith.constant true
        %reduce_max3A_95 = vector.broadcast %reduce_max3A : i1 to vector<16xi1>
        %reduce_max3A_96 = arith.constant -2147483648 : i32
        %reduce_max3A_97 = vector.broadcast %reduce_max3A_96 : i32 to vector<16xi32>
        %reduce_max3A_98 = arith.xori %masked_cumsum3A, %reduce_max3A_97 : vector<16xi32>
        %reduce_max3A_99 = tpu.scan <max>, %reduce_max3A_98 masked %reduce_max3A_95 : vector<16xi32>, vector<16xi1> -> vector<16xi32>
        %reduce_max3A_100 = arith.xori %reduce_max3A_99, %reduce_max3A_97 : vector<16xi32>
        %reduce_max3A_101 = vector.extract %reduce_max3A_100[15] : i32 from vector<16xi32>
        %add3A_102 = arith.addi %scan3A_70, %reduce_max3A_101 : i32
        scf.yield %add3A_102 : i32
      }
      %scan3A_30 = arith.constant 256 : i32
      %add3A_31 = arith.constant 128 : i32
      %add3A_32 = arith.addi %scan3A_29, %add3A_31 : i32
      %sub3A = arith.constant 1 : i32
      %sub3A_33 = arith.subi %add3A_32, %sub3A : i32
      %jit3A = arith.constant 128 : i32
      %div3A = arith.divsi %sub3A_33, %jit3A : i32
      %sign3A = arith.constant 0 : i32
      %sign3A_34 = arith.cmpi sgt, %sub3A_33, %sign3A : i32
      %sign3A_35 = arith.extui %sign3A_34 : i1 to i32
      %sign3A_36 = arith.constant 0 : i32
      %sign3A_37 = arith.cmpi slt, %sub3A_33, %sign3A_36 : i32
      %sign3A_38 = arith.extui %sign3A_37 : i1 to i32
      %sign3A_39 = arith.subi %sign3A_35, %sign3A_38 : i32
      %sign3A_40 = arith.constant 0 : i32
      %sign3A_41 = arith.cmpi sgt, %jit3A, %sign3A_40 : i32
      %sign3A_42 = arith.extui %sign3A_41 : i1 to i32
      %sign3A_43 = arith.constant 0 : i32
      %sign3A_44 = arith.cmpi slt, %jit3A, %sign3A_43 : i32
      %sign3A_45 = arith.extui %sign3A_44 : i1 to i32
      %sign3A_46 = arith.subi %sign3A_42, %sign3A_45 : i32
      %ne3A = arith.cmpi ne, %sign3A_39, %sign3A_46 : i32
      %rem3A = arith.remsi %sub3A_33, %jit3A : i32
      %ne3A_47 = arith.constant 0 : i32
      %ne3A_48 = arith.cmpi ne, %rem3A, %ne3A_47 : i32
      %and3A = arith.andi %ne3A, %ne3A_48 : i1
      %sub3A_49 = arith.constant 1 : i32
      %sub3A_50 = arith.subi %div3A, %sub3A_49 : i32
      %select_n3A = arith.select %and3A, %sub3A_50, %div3A : i32
      %sub3A_51 = arith.constant 0 : i32
      %sub3A_52 = arith.subi %select_n3A, %sub3A_51 : i32
      %sub3A_53 = arith.constant 1 : i32
      %sub3A_54 = arith.constant 1 : i32
      %sub3A_55 = arith.subi %sub3A_53, %sub3A_54 : i32
      %add3A_56 = arith.addi %sub3A_52, %sub3A_55 : i32
      %div3A_57 = arith.constant 1 : i32
      %div3A_58 = arith.divsi %add3A_56, %div3A_57 : i32
      %while3A = arith.constant 1 : i32
      %while3A_59 = arith.constant 0 : i32
      %while3A_60 = arith.constant 0 : i32
      %while3A_61 = arith.subi %div3A_58, %while3A_60 : i32
      %while3A_62 = arith.addi %while3A_60, %while3A_61 : i32
      %while3A_63 = arith.constant 1 : i32
      %while3A_64 = arith.divsi %while3A_61, %while3A_63 : i32
      %while3A_65 = arith.muli %while3A_64, %while3A_63 : i32
      %while3A_66 = arith.addi %while3A_60, %while3A_65 : i32
      %while3A_67 = arith.constant 1 : i32
      scf.for %while3A_69 = %while3A_60 to %while3A_66 step %while3A_67  : i32 {
        %mul3A_70 = arith.muli %while3A_69, %while3A : i32
        %add3A_71 = arith.addi %while3A_59, %mul3A_70 : i32
        %mul3A_72 = arith.constant 128 : i32
        %mul3A_73 = arith.muli %add3A_71, %mul3A_72 : i32
        %dma_start3A = tpu.memref_slice %arg6[%mul3A_73] : memref<4112xi32, #tpu.memory_space<vmem>> -> memref<128xi32, #tpu.memory_space<vmem>>
        %dma_start3A_74 = arith.constant 0 : i32
        %dma_start3A_75 = arith.constant 0 : i32
        %dma_start3A_76 = tpu.memref_slice %arg2[%dma_start3A_74, %dma_start3A_75] : memref<163840x128xf32, #tpu.memory_space<hbm>> -> memref<163840x128xf32, #tpu.memory_space<hbm>>
        tpu.enqueue_indirect_dma source(%dma_start3A_76 : memref<163840x128xf32, #tpu.memory_space<hbm>>) target(%arg8 : memref<128x128xf32, #tpu.memory_space<vmem>>) offsets(%dma_start3A : memref<128xi32, #tpu.memory_space<vmem>>) semaphore(%arg10 : memref<!tpu.dma_semaphore, #tpu.memory_space<semaphore_mem>>)
        %dma_wait3A = tpu.memref_slice %arg6[%mul3A_73] : memref<4112xi32, #tpu.memory_space<vmem>> -> memref<128xi32, #tpu.memory_space<vmem>>
        %dma_wait3A_77 = arith.constant 0 : i32
        %dma_wait3A_78 = arith.constant 0 : i32
        %dma_wait3A_79 = tpu.memref_slice %arg2[%dma_wait3A_77, %dma_wait3A_78] : memref<163840x128xf32, #tpu.memory_space<hbm>> -> memref<163840x128xf32, #tpu.memory_space<hbm>>
        tpu.wait_indirect_dma semaphore(%arg10 : memref<!tpu.dma_semaphore, #tpu.memory_space<semaphore_mem>>) src(%dma_wait3A_79 : memref<163840x128xf32, #tpu.memory_space<hbm>>) dst(%arg8 : memref<128x128xf32, #tpu.memory_space<vmem>>)
        %mul3A_80 = arith.constant 128 : i32
        %mul3A_81 = arith.muli %add3A_71, %mul3A_80 : i32
        %add3A_82 = arith.constant 1 : i32
        %add3A_83 = arith.addi %add3A_71, %add3A_82 : i32
        %mul3A_84 = arith.constant 128 : i32
        %mul3A_85 = arith.muli %add3A_83, %mul3A_84 : i32
        %min3A = arith.minsi %scan3A_29, %mul3A_85 : i32
        %sub3A_86 = arith.subi %min3A, %mul3A_81 : i32
        %sub3A_87 = arith.constant 1 : i32
        %sub3A_88 = arith.constant 1 : i32
        %sub3A_89 = arith.subi %sub3A_87, %sub3A_88 : i32
        %add3A_90 = arith.addi %sub3A_86, %sub3A_89 : i32
        %div3A_91 = arith.constant 1 : i32
        %div3A_92 = arith.divsi %add3A_90, %div3A_91 : i32
        %while3A_93 = arith.constant 1 : i32
        %while3A_94 = arith.constant 0 : i32
        %while3A_95 = arith.subi %div3A_92, %while3A_94 : i32
        %while3A_96 = arith.addi %while3A_94, %while3A_95 : i32
        %while3A_97 = arith.constant 1 : i32
        %while3A_98 = arith.divsi %while3A_95, %while3A_97 : i32
        %while3A_99 = arith.muli %while3A_98, %while3A_97 : i32
        %while3A_100 = arith.addi %while3A_94, %while3A_99 : i32
        %while3A_101 = arith.constant 1 : i32
        scf.for %while3A_103 = %while3A_94 to %while3A_100 step %while3A_101  : i32 {
          %mul3A_104 = arith.muli %while3A_103, %while3A_93 : i32
          %add3A_105 = arith.addi %mul3A_81, %mul3A_104 : i32
          %mul3A_106 = arith.constant 128 : i32
          %mul3A_107 = arith.muli %add3A_71, %mul3A_106 : i32
          %sub3A_108 = arith.subi %add3A_105, %mul3A_107 : i32
          %broadcast_in_dim3A = vector.broadcast %add3A_105 : i32 to vector<16xi32>
          %gather3A = tpu.vector_load_idx %arg7[%broadcast_in_dim3A] : memref<4112xi32, #tpu.memory_space<vmem>>[vector<16xi32>], vector<16xi32>,
          %reduce_max3A = arith.constant true
          %reduce_max3A_109 = vector.broadcast %reduce_max3A : i1 to vector<16xi1>
          %reduce_max3A_110 = arith.constant -2147483648 : i32
          %reduce_max3A_111 = vector.broadcast %reduce_max3A_110 : i32 to vector<16xi32>
          %reduce_max3A_112 = arith.xori %gather3A, %reduce_max3A_111 : vector<16xi32>
          %reduce_max3A_113 = tpu.scan <max>, %reduce_max3A_112 masked %reduce_max3A_109 : vector<16xi32>, vector<16xi1> -> vector<16xi32>
          %reduce_max3A_114 = arith.xori %reduce_max3A_113, %reduce_max3A_111 : vector<16xi32>
          %reduce_max3A_115 = vector.extract %reduce_max3A_114[15] : i32 from vector<16xi32>
          %sub3A_116 = arith.subi %reduce_max3A_115, %mul3A_2 : i32
          %mul3A_117 = arith.constant 128 : i32
          %mul3A_118 = arith.muli %sub3A_116, %mul3A_117 : i32
          %add3A_119 = arith.constant 0 : i32
          %add3A_120 = arith.addi %mul3A_118, %add3A_119 : i32
          %get3A = arith.index_cast %add3A_120 : i32 to index
          %get3A_121 = tpu.vector_load %arg9[%get3A] {strides = array<i32>} : memref<40960xf32, #tpu.memory_space<vmem>>, vector<16xf32>,
          %get3A_122 = arith.index_cast %sub3A_108 : i32 to index
          %get3A_123 = arith.constant 0 : index
          %get3A_124 = tpu.vector_load %arg8[%get3A_122, %get3A_123] {strides = array<i32>} : memref<128x128xf32, #tpu.memory_space<vmem>>, vector<16xf32>,
          %max3A = arith.maximumf %get3A_121, %get3A_124 : vector<16xf32>
          %add3A_125 = arith.constant 0 : i32
          %add3A_126 = arith.addi %mul3A_118, %add3A_125 : i32
          %swap3A = arith.index_cast %add3A_126 : i32 to index
          %swap3A_127 = tpu.vector_load %arg9[%swap3A] {strides = array<i32>} : memref<40960xf32, #tpu.memory_space<vmem>>, vector<16xf32>,
          tpu.vector_store %arg9[%swap3A], %max3A {strides = array<i32>} : memref<40960xf32, #tpu.memory_space<vmem>>, vector<16xf32>,
          %add3A_128 = arith.constant 16 : i32
          %add3A_129 = arith.addi %mul3A_118, %add3A_128 : i32
          %get3A_130 = arith.index_cast %add3A_129 : i32 to index
          %get3A_131 = tpu.vector_load %arg9[%get3A_130] {strides = array<i32>} : memref<40960xf32, #tpu.memory_space<vmem>>, vector<16xf32>,
          %get3A_132 = arith.index_cast %sub3A_108 : i32 to index
          %get3A_133 = arith.constant 16 : index
          %get3A_134 = tpu.vector_load %arg8[%get3A_132, %get3A_133] {strides = array<i32>} : memref<128x128xf32, #tpu.memory_space<vmem>>, vector<16xf32>,
          %max3A_135 = arith.maximumf %get3A_131, %get3A_134 : vector<16xf32>
          %add3A_136 = arith.constant 16 : i32
          %add3A_137 = arith.addi %mul3A_118, %add3A_136 : i32
          %swap3A_138 = arith.index_cast %add3A_137 : i32 to index
          %swap3A_139 = tpu.vector_load %arg9[%swap3A_138] {strides = array<i32>} : memref<40960xf32, #tpu.memory_space<vmem>>, vector<16xf32>,
          tpu.vector_store %arg9[%swap3A_138], %max3A_135 {strides = array<i32>} : memref<40960xf32, #tpu.memory_space<vmem>>, vector<16xf32>,
          %add3A_140 = arith.constant 32 : i32
          %add3A_141 = arith.addi %mul3A_118, %add3A_140 : i32
          %get3A_142 = arith.index_cast %add3A_141 : i32 to index
          %get3A_143 = tpu.vector_load %arg9[%get3A_142] {strides = array<i32>} : memref<40960xf32, #tpu.memory_space<vmem>>, vector<16xf32>,
          %get3A_144 = arith.index_cast %sub3A_108 : i32 to index
          %get3A_145 = arith.constant 32 : index
          %get3A_146 = tpu.vector_load %arg8[%get3A_144, %get3A_145] {strides = array<i32>} : memref<128x128xf32, #tpu.memory_space<vmem>>, vector<16xf32>,
          %max3A_147 = arith.maximumf %get3A_143, %get3A_146 : vector<16xf32>
          %add3A_148 = arith.constant 32 : i32
          %add3A_149 = arith.addi %mul3A_118, %add3A_148 : i32
          %swap3A_150 = arith.index_cast %add3A_149 : i32 to index
          %swap3A_151 = tpu.vector_load %arg9[%swap3A_150] {strides = array<i32>} : memref<40960xf32, #tpu.memory_space<vmem>>, vector<16xf32>,
          tpu.vector_store %arg9[%swap3A_150], %max3A_147 {strides = array<i32>} : memref<40960xf32, #tpu.memory_space<vmem>>, vector<16xf32>,
          %add3A_152 = arith.constant 48 : i32
          %add3A_153 = arith.addi %mul3A_118, %add3A_152 : i32
          %get3A_154 = arith.index_cast %add3A_153 : i32 to index
          %get3A_155 = tpu.vector_load %arg9[%get3A_154] {strides = array<i32>} : memref<40960xf32, #tpu.memory_space<vmem>>, vector<16xf32>,
          %get3A_156 = arith.index_cast %sub3A_108 : i32 to index
          %get3A_157 = arith.constant 48 : index
          %get3A_158 = tpu.vector_load %arg8[%get3A_156, %get3A_157] {strides = array<i32>} : memref<128x128xf32, #tpu.memory_space<vmem>>, vector<16xf32>,
          %max3A_159 = arith.maximumf %get3A_155, %get3A_158 : vector<16xf32>
          %add3A_160 = arith.constant 48 : i32
          %add3A_161 = arith.addi %mul3A_118, %add3A_160 : i32
          %swap3A_162 = arith.index_cast %add3A_161 : i32 to index
          %swap3A_163 = tpu.vector_load %arg9[%swap3A_162] {strides = array<i32>} : memref<40960xf32, #tpu.memory_space<vmem>>, vector<16xf32>,
          tpu.vector_store %arg9[%swap3A_162], %max3A_159 {strides = array<i32>} : memref<40960xf32, #tpu.memory_space<vmem>>, vector<16xf32>,
          %add3A_164 = arith.constant 64 : i32
          %add3A_165 = arith.addi %mul3A_118, %add3A_164 : i32
          %get3A_166 = arith.index_cast %add3A_165 : i32 to index
          %get3A_167 = tpu.vector_load %arg9[%get3A_166] {strides = array<i32>} : memref<40960xf32, #tpu.memory_space<vmem>>, vector<16xf32>,
          %get3A_168 = arith.index_cast %sub3A_108 : i32 to index
          %get3A_169 = arith.constant 64 : index
          %get3A_170 = tpu.vector_load %arg8[%get3A_168, %get3A_169] {strides = array<i32>} : memref<128x128xf32, #tpu.memory_space<vmem>>, vector<16xf32>,
          %max3A_171 = arith.maximumf %get3A_167, %get3A_170 : vector<16xf32>
          %add3A_172 = arith.constant 64 : i32
          %add3A_173 = arith.addi %mul3A_118, %add3A_172 : i32
          %swap3A_174 = arith.index_cast %add3A_173 : i32 to index
          %swap3A_175 = tpu.vector_load %arg9[%swap3A_174] {strides = array<i32>} : memref<40960xf32, #tpu.memory_space<vmem>>, vector<16xf32>,
          tpu.vector_store %arg9[%swap3A_174], %max3A_171 {strides = array<i32>} : memref<40960xf32, #tpu.memory_space<vmem>>, vector<16xf32>,
          %add3A_176 = arith.constant 80 : i32
          %add3A_177 = arith.addi %mul3A_118, %add3A_176 : i32
          %get3A_178 = arith.index_cast %add3A_177 : i32 to index
          %get3A_179 = tpu.vector_load %arg9[%get3A_178] {strides = array<i32>} : memref<40960xf32, #tpu.memory_space<vmem>>, vector<16xf32>,
          %get3A_180 = arith.index_cast %sub3A_108 : i32 to index
          %get3A_181 = arith.constant 80 : index
          %get3A_182 = tpu.vector_load %arg8[%get3A_180, %get3A_181] {strides = array<i32>} : memref<128x128xf32, #tpu.memory_space<vmem>>, vector<16xf32>,
          %max3A_183 = arith.maximumf %get3A_179, %get3A_182 : vector<16xf32>
          %add3A_184 = arith.constant 80 : i32
          %add3A_185 = arith.addi %mul3A_118, %add3A_184 : i32
          %swap3A_186 = arith.index_cast %add3A_185 : i32 to index
          %swap3A_187 = tpu.vector_load %arg9[%swap3A_186] {strides = array<i32>} : memref<40960xf32, #tpu.memory_space<vmem>>, vector<16xf32>,
          tpu.vector_store %arg9[%swap3A_186], %max3A_183 {strides = array<i32>} : memref<40960xf32, #tpu.memory_space<vmem>>, vector<16xf32>,
          %add3A_188 = arith.constant 96 : i32
          %add3A_189 = arith.addi %mul3A_118, %add3A_188 : i32
          %get3A_190 = arith.index_cast %add3A_189 : i32 to index
          %get3A_191 = tpu.vector_load %arg9[%get3A_190] {strides = array<i32>} : memref<40960xf32, #tpu.memory_space<vmem>>, vector<16xf32>,
          %get3A_192 = arith.index_cast %sub3A_108 : i32 to index
          %get3A_193 = arith.constant 96 : index
          %get3A_194 = tpu.vector_load %arg8[%get3A_192, %get3A_193] {strides = array<i32>} : memref<128x128xf32, #tpu.memory_space<vmem>>, vector<16xf32>,
          %max3A_195 = arith.maximumf %get3A_191, %get3A_194 : vector<16xf32>
          %add3A_196 = arith.constant 96 : i32
          %add3A_197 = arith.addi %mul3A_118, %add3A_196 : i32
          %swap3A_198 = arith.index_cast %add3A_197 : i32 to index
          %swap3A_199 = tpu.vector_load %arg9[%swap3A_198] {strides = array<i32>} : memref<40960xf32, #tpu.memory_space<vmem>>, vector<16xf32>,
          tpu.vector_store %arg9[%swap3A_198], %max3A_195 {strides = array<i32>} : memref<40960xf32, #tpu.memory_space<vmem>>, vector<16xf32>,
          %add3A_200 = arith.constant 112 : i32
          %add3A_201 = arith.addi %mul3A_118, %add3A_200 : i32
          %get3A_202 = arith.index_cast %add3A_201 : i32 to index
          %get3A_203 = tpu.vector_load %arg9[%get3A_202] {strides = array<i32>} : memref<40960xf32, #tpu.memory_space<vmem>>, vector<16xf32>,
          %get3A_204 = arith.index_cast %sub3A_108 : i32 to index
          %get3A_205 = arith.constant 112 : index
          %get3A_206 = tpu.vector_load %arg8[%get3A_204, %get3A_205] {strides = array<i32>} : memref<128x128xf32, #tpu.memory_space<vmem>>, vector<16xf32>,
          %max3A_207 = arith.maximumf %get3A_203, %get3A_206 : vector<16xf32>
          %add3A_208 = arith.constant 112 : i32
          %add3A_209 = arith.addi %mul3A_118, %add3A_208 : i32
          %swap3A_210 = arith.index_cast %add3A_209 : i32 to index
          %swap3A_211 = tpu.vector_load %arg9[%swap3A_210] {strides = array<i32>} : memref<40960xf32, #tpu.memory_space<vmem>>, vector<16xf32>,
          tpu.vector_store %arg9[%swap3A_210], %max3A_207 {strides = array<i32>} : memref<40960xf32, #tpu.memory_space<vmem>>, vector<16xf32>,
        }
        %while3A_102 = arith.constant 1 : i32
        scf.for %while3A_103 = %while3A_100 to %while3A_96 step %while3A_102  : i32 {
          %mul3A_104 = arith.muli %while3A_103, %while3A_93 : i32
          %add3A_105 = arith.addi %mul3A_81, %mul3A_104 : i32
          %mul3A_106 = arith.constant 128 : i32
          %mul3A_107 = arith.muli %add3A_71, %mul3A_106 : i32
          %sub3A_108 = arith.subi %add3A_105, %mul3A_107 : i32
          %broadcast_in_dim3A = vector.broadcast %add3A_105 : i32 to vector<16xi32>
          %gather3A = tpu.vector_load_idx %arg7[%broadcast_in_dim3A] : memref<4112xi32, #tpu.memory_space<vmem>>[vector<16xi32>], vector<16xi32>,
          %reduce_max3A = arith.constant true
          %reduce_max3A_109 = vector.broadcast %reduce_max3A : i1 to vector<16xi1>
          %reduce_max3A_110 = arith.constant -2147483648 : i32
          %reduce_max3A_111 = vector.broadcast %reduce_max3A_110 : i32 to vector<16xi32>
          %reduce_max3A_112 = arith.xori %gather3A, %reduce_max3A_111 : vector<16xi32>
          %reduce_max3A_113 = tpu.scan <max>, %reduce_max3A_112 masked %reduce_max3A_109 : vector<16xi32>, vector<16xi1> -> vector<16xi32>
          %reduce_max3A_114 = arith.xori %reduce_max3A_113, %reduce_max3A_111 : vector<16xi32>
          %reduce_max3A_115 = vector.extract %reduce_max3A_114[15] : i32 from vector<16xi32>
          %sub3A_116 = arith.subi %reduce_max3A_115, %mul3A_2 : i32
          %mul3A_117 = arith.constant 128 : i32
          %mul3A_118 = arith.muli %sub3A_116, %mul3A_117 : i32
          %add3A_119 = arith.constant 0 : i32
          %add3A_120 = arith.addi %mul3A_118, %add3A_119 : i32
          %get3A = arith.index_cast %add3A_120 : i32 to index
          %get3A_121 = tpu.vector_load %arg9[%get3A] {strides = array<i32>} : memref<40960xf32, #tpu.memory_space<vmem>>, vector<16xf32>,
          %get3A_122 = arith.index_cast %sub3A_108 : i32 to index
          %get3A_123 = arith.constant 0 : index
          %get3A_124 = tpu.vector_load %arg8[%get3A_122, %get3A_123] {strides = array<i32>} : memref<128x128xf32, #tpu.memory_space<vmem>>, vector<16xf32>,
          %max3A = arith.maximumf %get3A_121, %get3A_124 : vector<16xf32>
          %add3A_125 = arith.constant 0 : i32
          %add3A_126 = arith.addi %mul3A_118, %add3A_125 : i32
          %swap3A = arith.index_cast %add3A_126 : i32 to index
          %swap3A_127 = tpu.vector_load %arg9[%swap3A] {strides = array<i32>} : memref<40960xf32, #tpu.memory_space<vmem>>, vector<16xf32>,
          tpu.vector_store %arg9[%swap3A], %max3A {strides = array<i32>} : memref<40960xf32, #tpu.memory_space<vmem>>, vector<16xf32>,
          %add3A_128 = arith.constant 16 : i32
          %add3A_129 = arith.addi %mul3A_118, %add3A_128 : i32
          %get3A_130 = arith.index_cast %add3A_129 : i32 to index
          %get3A_131 = tpu.vector_load %arg9[%get3A_130] {strides = array<i32>} : memref<40960xf32, #tpu.memory_space<vmem>>, vector<16xf32>,
          %get3A_132 = arith.index_cast %sub3A_108 : i32 to index
          %get3A_133 = arith.constant 16 : index
          %get3A_134 = tpu.vector_load %arg8[%get3A_132, %get3A_133] {strides = array<i32>} : memref<128x128xf32, #tpu.memory_space<vmem>>, vector<16xf32>,
          %max3A_135 = arith.maximumf %get3A_131, %get3A_134 : vector<16xf32>
          %add3A_136 = arith.constant 16 : i32
          %add3A_137 = arith.addi %mul3A_118, %add3A_136 : i32
          %swap3A_138 = arith.index_cast %add3A_137 : i32 to index
          %swap3A_139 = tpu.vector_load %arg9[%swap3A_138] {strides = array<i32>} : memref<40960xf32, #tpu.memory_space<vmem>>, vector<16xf32>,
          tpu.vector_store %arg9[%swap3A_138], %max3A_135 {strides = array<i32>} : memref<40960xf32, #tpu.memory_space<vmem>>, vector<16xf32>,
          %add3A_140 = arith.constant 32 : i32
          %add3A_141 = arith.addi %mul3A_118, %add3A_140 : i32
          %get3A_142 = arith.index_cast %add3A_141 : i32 to index
          %get3A_143 = tpu.vector_load %arg9[%get3A_142] {strides = array<i32>} : memref<40960xf32, #tpu.memory_space<vmem>>, vector<16xf32>,
          %get3A_144 = arith.index_cast %sub3A_108 : i32 to index
          %get3A_145 = arith.constant 32 : index
          %get3A_146 = tpu.vector_load %arg8[%get3A_144, %get3A_145] {strides = array<i32>} : memref<128x128xf32, #tpu.memory_space<vmem>>, vector<16xf32>,
          %max3A_147 = arith.maximumf %get3A_143, %get3A_146 : vector<16xf32>
          %add3A_148 = arith.constant 32 : i32
          %add3A_149 = arith.addi %mul3A_118, %add3A_148 : i32
          %swap3A_150 = arith.index_cast %add3A_149 : i32 to index
          %swap3A_151 = tpu.vector_load %arg9[%swap3A_150] {strides = array<i32>} : memref<40960xf32, #tpu.memory_space<vmem>>, vector<16xf32>,
          tpu.vector_store %arg9[%swap3A_150], %max3A_147 {strides = array<i32>} : memref<40960xf32, #tpu.memory_space<vmem>>, vector<16xf32>,
          %add3A_152 = arith.constant 48 : i32
          %add3A_153 = arith.addi %mul3A_118, %add3A_152 : i32
          %get3A_154 = arith.index_cast %add3A_153 : i32 to index
          %get3A_155 = tpu.vector_load %arg9[%get3A_154] {strides = array<i32>} : memref<40960xf32, #tpu.memory_space<vmem>>, vector<16xf32>,
          %get3A_156 = arith.index_cast %sub3A_108 : i32 to index
          %get3A_157 = arith.constant 48 : index
          %get3A_158 = tpu.vector_load %arg8[%get3A_156, %get3A_157] {strides = array<i32>} : memref<128x128xf32, #tpu.memory_space<vmem>>, vector<16xf32>,
          %max3A_159 = arith.maximumf %get3A_155, %get3A_158 : vector<16xf32>
          %add3A_160 = arith.constant 48 : i32
          %add3A_161 = arith.addi %mul3A_118, %add3A_160 : i32
          %swap3A_162 = arith.index_cast %add3A_161 : i32 to index
          %swap3A_163 = tpu.vector_load %arg9[%swap3A_162] {strides = array<i32>} : memref<40960xf32, #tpu.memory_space<vmem>>, vector<16xf32>,
          tpu.vector_store %arg9[%swap3A_162], %max3A_159 {strides = array<i32>} : memref<40960xf32, #tpu.memory_space<vmem>>, vector<16xf32>,
          %add3A_164 = arith.constant 64 : i32
          %add3A_165 = arith.addi %mul3A_118, %add3A_164 : i32
          %get3A_166 = arith.index_cast %add3A_165 : i32 to index
          %get3A_167 = tpu.vector_load %arg9[%get3A_166] {strides = array<i32>} : memref<40960xf32, #tpu.memory_space<vmem>>, vector<16xf32>,
          %get3A_168 = arith.index_cast %sub3A_108 : i32 to index
          %get3A_169 = arith.constant 64 : index
          %get3A_170 = tpu.vector_load %arg8[%get3A_168, %get3A_169] {strides = array<i32>} : memref<128x128xf32, #tpu.memory_space<vmem>>, vector<16xf32>,
          %max3A_171 = arith.maximumf %get3A_167, %get3A_170 : vector<16xf32>
          %add3A_172 = arith.constant 64 : i32
          %add3A_173 = arith.addi %mul3A_118, %add3A_172 : i32
          %swap3A_174 = arith.index_cast %add3A_173 : i32 to index
          %swap3A_175 = tpu.vector_load %arg9[%swap3A_174] {strides = array<i32>} : memref<40960xf32, #tpu.memory_space<vmem>>, vector<16xf32>,
          tpu.vector_store %arg9[%swap3A_174], %max3A_171 {strides = array<i32>} : memref<40960xf32, #tpu.memory_space<vmem>>, vector<16xf32>,
          %add3A_176 = arith.constant 80 : i32
          %add3A_177 = arith.addi %mul3A_118, %add3A_176 : i32
          %get3A_178 = arith.index_cast %add3A_177 : i32 to index
          %get3A_179 = tpu.vector_load %arg9[%get3A_178] {strides = array<i32>} : memref<40960xf32, #tpu.memory_space<vmem>>, vector<16xf32>,
          %get3A_180 = arith.index_cast %sub3A_108 : i32 to index
          %get3A_181 = arith.constant 80 : index
          %get3A_182 = tpu.vector_load %arg8[%get3A_180, %get3A_181] {strides = array<i32>} : memref<128x128xf32, #tpu.memory_space<vmem>>, vector<16xf32>,
          %max3A_183 = arith.maximumf %get3A_179, %get3A_182 : vector<16xf32>
          %add3A_184 = arith.constant 80 : i32
          %add3A_185 = arith.addi %mul3A_118, %add3A_184 : i32
          %swap3A_186 = arith.index_cast %add3A_185 : i32 to index
          %swap3A_187 = tpu.vector_load %arg9[%swap3A_186] {strides = array<i32>} : memref<40960xf32, #tpu.memory_space<vmem>>, vector<16xf32>,
          tpu.vector_store %arg9[%swap3A_186], %max3A_183 {strides = array<i32>} : memref<40960xf32, #tpu.memory_space<vmem>>, vector<16xf32>,
          %add3A_188 = arith.constant 96 : i32
          %add3A_189 = arith.addi %mul3A_118, %add3A_188 : i32
          %get3A_190 = arith.index_cast %add3A_189 : i32 to index
          %get3A_191 = tpu.vector_load %arg9[%get3A_190] {strides = array<i32>} : memref<40960xf32, #tpu.memory_space<vmem>>, vector<16xf32>,
          %get3A_192 = arith.index_cast %sub3A_108 : i32 to index
          %get3A_193 = arith.constant 96 : index
          %get3A_194 = tpu.vector_load %arg8[%get3A_192, %get3A_193] {strides = array<i32>} : memref<128x128xf32, #tpu.memory_space<vmem>>, vector<16xf32>,
          %max3A_195 = arith.maximumf %get3A_191, %get3A_194 : vector<16xf32>
          %add3A_196 = arith.constant 96 : i32
          %add3A_197 = arith.addi %mul3A_118, %add3A_196 : i32
          %swap3A_198 = arith.index_cast %add3A_197 : i32 to index
          %swap3A_199 = tpu.vector_load %arg9[%swap3A_198] {strides = array<i32>} : memref<40960xf32, #tpu.memory_space<vmem>>, vector<16xf32>,
          tpu.vector_store %arg9[%swap3A_198], %max3A_195 {strides = array<i32>} : memref<40960xf32, #tpu.memory_space<vmem>>, vector<16xf32>,
          %add3A_200 = arith.constant 112 : i32
          %add3A_201 = arith.addi %mul3A_118, %add3A_200 : i32
          %get3A_202 = arith.index_cast %add3A_201 : i32 to index
          %get3A_203 = tpu.vector_load %arg9[%get3A_202] {strides = array<i32>} : memref<40960xf32, #tpu.memory_space<vmem>>, vector<16xf32>,
          %get3A_204 = arith.index_cast %sub3A_108 : i32 to index
          %get3A_205 = arith.constant 112 : index
          %get3A_206 = tpu.vector_load %arg8[%get3A_204, %get3A_205] {strides = array<i32>} : memref<128x128xf32, #tpu.memory_space<vmem>>, vector<16xf32>,
          %max3A_207 = arith.maximumf %get3A_203, %get3A_206 : vector<16xf32>
          %add3A_208 = arith.constant 112 : i32
          %add3A_209 = arith.addi %mul3A_118, %add3A_208 : i32
          %swap3A_210 = arith.index_cast %add3A_209 : i32 to index
          %swap3A_211 = tpu.vector_load %arg9[%swap3A_210] {strides = array<i32>} : memref<40960xf32, #tpu.memory_space<vmem>>, vector<16xf32>,
          tpu.vector_store %arg9[%swap3A_210], %max3A_207 {strides = array<i32>} : memref<40960xf32, #tpu.memory_space<vmem>>, vector<16xf32>,
        }
      }
      %while3A_68 = arith.constant 1 : i32
      scf.for %while3A_69 = %while3A_66 to %while3A_62 step %while3A_68  : i32 {
        %mul3A_70 = arith.muli %while3A_69, %while3A : i32
        %add3A_71 = arith.addi %while3A_59, %mul3A_70 : i32
        %mul3A_72 = arith.constant 128 : i32
        %mul3A_73 = arith.muli %add3A_71, %mul3A_72 : i32
        %dma_start3A = tpu.memref_slice %arg6[%mul3A_73] : memref<4112xi32, #tpu.memory_space<vmem>> -> memref<128xi32, #tpu.memory_space<vmem>>
        %dma_start3A_74 = arith.constant 0 : i32
        %dma_start3A_75 = arith.constant 0 : i32
        %dma_start3A_76 = tpu.memref_slice %arg2[%dma_start3A_74, %dma_start3A_75] : memref<163840x128xf32, #tpu.memory_space<hbm>> -> memref<163840x128xf32, #tpu.memory_space<hbm>>
        tpu.enqueue_indirect_dma source(%dma_start3A_76 : memref<163840x128xf32, #tpu.memory_space<hbm>>) target(%arg8 : memref<128x128xf32, #tpu.memory_space<vmem>>) offsets(%dma_start3A : memref<128xi32, #tpu.memory_space<vmem>>) semaphore(%arg10 : memref<!tpu.dma_semaphore, #tpu.memory_space<semaphore_mem>>)
        %dma_wait3A = tpu.memref_slice %arg6[%mul3A_73] : memref<4112xi32, #tpu.memory_space<vmem>> -> memref<128xi32, #tpu.memory_space<vmem>>
        %dma_wait3A_77 = arith.constant 0 : i32
        %dma_wait3A_78 = arith.constant 0 : i32
        %dma_wait3A_79 = tpu.memref_slice %arg2[%dma_wait3A_77, %dma_wait3A_78] : memref<163840x128xf32, #tpu.memory_space<hbm>> -> memref<163840x128xf32, #tpu.memory_space<hbm>>
        tpu.wait_indirect_dma semaphore(%arg10 : memref<!tpu.dma_semaphore, #tpu.memory_space<semaphore_mem>>) src(%dma_wait3A_79 : memref<163840x128xf32, #tpu.memory_space<hbm>>) dst(%arg8 : memref<128x128xf32, #tpu.memory_space<vmem>>)
        %mul3A_80 = arith.constant 128 : i32
        %mul3A_81 = arith.muli %add3A_71, %mul3A_80 : i32
        %add3A_82 = arith.constant 1 : i32
        %add3A_83 = arith.addi %add3A_71, %add3A_82 : i32
        %mul3A_84 = arith.constant 128 : i32
        %mul3A_85 = arith.muli %add3A_83, %mul3A_84 : i32
        %min3A = arith.minsi %scan3A_29, %mul3A_85 : i32
        %sub3A_86 = arith.subi %min3A, %mul3A_81 : i32
        %sub3A_87 = arith.constant 1 : i32
        %sub3A_88 = arith.constant 1 : i32
        %sub3A_89 = arith.subi %sub3A_87, %sub3A_88 : i32
        %add3A_90 = arith.addi %sub3A_86, %sub3A_89 : i32
        %div3A_91 = arith.constant 1 : i32
        %div3A_92 = arith.divsi %add3A_90, %div3A_91 : i32
        %while3A_93 = arith.constant 1 : i32
        %while3A_94 = arith.constant 0 : i32
        %while3A_95 = arith.subi %div3A_92, %while3A_94 : i32
        %while3A_96 = arith.addi %while3A_94, %while3A_95 : i32
        %while3A_97 = arith.constant 1 : i32
        %while3A_98 = arith.divsi %while3A_95, %while3A_97 : i32
        %while3A_99 = arith.muli %while3A_98, %while3A_97 : i32
        %while3A_100 = arith.addi %while3A_94, %while3A_99 : i32
        %while3A_101 = arith.constant 1 : i32
        scf.for %while3A_103 = %while3A_94 to %while3A_100 step %while3A_101  : i32 {
          %mul3A_104 = arith.muli %while3A_103, %while3A_93 : i32
          %add3A_105 = arith.addi %mul3A_81, %mul3A_104 : i32
          %mul3A_106 = arith.constant 128 : i32
          %mul3A_107 = arith.muli %add3A_71, %mul3A_106 : i32
          %sub3A_108 = arith.subi %add3A_105, %mul3A_107 : i32
          %broadcast_in_dim3A = vector.broadcast %add3A_105 : i32 to vector<16xi32>
          %gather3A = tpu.vector_load_idx %arg7[%broadcast_in_dim3A] : memref<4112xi32, #tpu.memory_space<vmem>>[vector<16xi32>], vector<16xi32>,
          %reduce_max3A = arith.constant true
          %reduce_max3A_109 = vector.broadcast %reduce_max3A : i1 to vector<16xi1>
          %reduce_max3A_110 = arith.constant -2147483648 : i32
          %reduce_max3A_111 = vector.broadcast %reduce_max3A_110 : i32 to vector<16xi32>
          %reduce_max3A_112 = arith.xori %gather3A, %reduce_max3A_111 : vector<16xi32>
          %reduce_max3A_113 = tpu.scan <max>, %reduce_max3A_112 masked %reduce_max3A_109 : vector<16xi32>, vector<16xi1> -> vector<16xi32>
          %reduce_max3A_114 = arith.xori %reduce_max3A_113, %reduce_max3A_111 : vector<16xi32>
          %reduce_max3A_115 = vector.extract %reduce_max3A_114[15] : i32 from vector<16xi32>
          %sub3A_116 = arith.subi %reduce_max3A_115, %mul3A_2 : i32
          %mul3A_117 = arith.constant 128 : i32
          %mul3A_118 = arith.muli %sub3A_116, %mul3A_117 : i32
          %add3A_119 = arith.constant 0 : i32
          %add3A_120 = arith.addi %mul3A_118, %add3A_119 : i32
          %get3A = arith.index_cast %add3A_120 : i32 to index
          %get3A_121 = tpu.vector_load %arg9[%get3A] {strides = array<i32>} : memref<40960xf32, #tpu.memory_space<vmem>>, vector<16xf32>,
          %get3A_122 = arith.index_cast %sub3A_108 : i32 to index
          %get3A_123 = arith.constant 0 : index
          %get3A_124 = tpu.vector_load %arg8[%get3A_122, %get3A_123] {strides = array<i32>} : memref<128x128xf32, #tpu.memory_space<vmem>>, vector<16xf32>,
          %max3A = arith.maximumf %get3A_121, %get3A_124 : vector<16xf32>
          %add3A_125 = arith.constant 0 : i32
          %add3A_126 = arith.addi %mul3A_118, %add3A_125 : i32
          %swap3A = arith.index_cast %add3A_126 : i32 to index
          %swap3A_127 = tpu.vector_load %arg9[%swap3A] {strides = array<i32>} : memref<40960xf32, #tpu.memory_space<vmem>>, vector<16xf32>,
          tpu.vector_store %arg9[%swap3A], %max3A {strides = array<i32>} : memref<40960xf32, #tpu.memory_space<vmem>>, vector<16xf32>,
          %add3A_128 = arith.constant 16 : i32
          %add3A_129 = arith.addi %mul3A_118, %add3A_128 : i32
          %get3A_130 = arith.index_cast %add3A_129 : i32 to index
          %get3A_131 = tpu.vector_load %arg9[%get3A_130] {strides = array<i32>} : memref<40960xf32, #tpu.memory_space<vmem>>, vector<16xf32>,
          %get3A_132 = arith.index_cast %sub3A_108 : i32 to index
          %get3A_133 = arith.constant 16 : index
          %get3A_134 = tpu.vector_load %arg8[%get3A_132, %get3A_133] {strides = array<i32>} : memref<128x128xf32, #tpu.memory_space<vmem>>, vector<16xf32>,
          %max3A_135 = arith.maximumf %get3A_131, %get3A_134 : vector<16xf32>
          %add3A_136 = arith.constant 16 : i32
          %add3A_137 = arith.addi %mul3A_118, %add3A_136 : i32
          %swap3A_138 = arith.index_cast %add3A_137 : i32 to index
          %swap3A_139 = tpu.vector_load %arg9[%swap3A_138] {strides = array<i32>} : memref<40960xf32, #tpu.memory_space<vmem>>, vector<16xf32>,
          tpu.vector_store %arg9[%swap3A_138], %max3A_135 {strides = array<i32>} : memref<40960xf32, #tpu.memory_space<vmem>>, vector<16xf32>,
          %add3A_140 = arith.constant 32 : i32
          %add3A_141 = arith.addi %mul3A_118, %add3A_140 : i32
          %get3A_142 = arith.index_cast %add3A_141 : i32 to index
          %get3A_143 = tpu.vector_load %arg9[%get3A_142] {strides = array<i32>} : memref<40960xf32, #tpu.memory_space<vmem>>, vector<16xf32>,
          %get3A_144 = arith.index_cast %sub3A_108 : i32 to index
          %get3A_145 = arith.constant 32 : index
          %get3A_146 = tpu.vector_load %arg8[%get3A_144, %get3A_145] {strides = array<i32>} : memref<128x128xf32, #tpu.memory_space<vmem>>, vector<16xf32>,
          %max3A_147 = arith.maximumf %get3A_143, %get3A_146 : vector<16xf32>
          %add3A_148 = arith.constant 32 : i32
          %add3A_149 = arith.addi %mul3A_118, %add3A_148 : i32
          %swap3A_150 = arith.index_cast %add3A_149 : i32 to index
          %swap3A_151 = tpu.vector_load %arg9[%swap3A_150] {strides = array<i32>} : memref<40960xf32, #tpu.memory_space<vmem>>, vector<16xf32>,
          tpu.vector_store %arg9[%swap3A_150], %max3A_147 {strides = array<i32>} : memref<40960xf32, #tpu.memory_space<vmem>>, vector<16xf32>,
          %add3A_152 = arith.constant 48 : i32
          %add3A_153 = arith.addi %mul3A_118, %add3A_152 : i32
          %get3A_154 = arith.index_cast %add3A_153 : i32 to index
          %get3A_155 = tpu.vector_load %arg9[%get3A_154] {strides = array<i32>} : memref<40960xf32, #tpu.memory_space<vmem>>, vector<16xf32>,
          %get3A_156 = arith.index_cast %sub3A_108 : i32 to index
          %get3A_157 = arith.constant 48 : index
          %get3A_158 = tpu.vector_load %arg8[%get3A_156, %get3A_157] {strides = array<i32>} : memref<128x128xf32, #tpu.memory_space<vmem>>, vector<16xf32>,
          %max3A_159 = arith.maximumf %get3A_155, %get3A_158 : vector<16xf32>
          %add3A_160 = arith.constant 48 : i32
          %add3A_161 = arith.addi %mul3A_118, %add3A_160 : i32
          %swap3A_162 = arith.index_cast %add3A_161 : i32 to index
          %swap3A_163 = tpu.vector_load %arg9[%swap3A_162] {strides = array<i32>} : memref<40960xf32, #tpu.memory_space<vmem>>, vector<16xf32>,
          tpu.vector_store %arg9[%swap3A_162], %max3A_159 {strides = array<i32>} : memref<40960xf32, #tpu.memory_space<vmem>>, vector<16xf32>,
          %add3A_164 = arith.constant 64 : i32
          %add3A_165 = arith.addi %mul3A_118, %add3A_164 : i32
          %get3A_166 = arith.index_cast %add3A_165 : i32 to index
          %get3A_167 = tpu.vector_load %arg9[%get3A_166] {strides = array<i32>} : memref<40960xf32, #tpu.memory_space<vmem>>, vector<16xf32>,
          %get3A_168 = arith.index_cast %sub3A_108 : i32 to index
          %get3A_169 = arith.constant 64 : index
          %get3A_170 = tpu.vector_load %arg8[%get3A_168, %get3A_169] {strides = array<i32>} : memref<128x128xf32, #tpu.memory_space<vmem>>, vector<16xf32>,
          %max3A_171 = arith.maximumf %get3A_167, %get3A_170 : vector<16xf32>
          %add3A_172 = arith.constant 64 : i32
          %add3A_173 = arith.addi %mul3A_118, %add3A_172 : i32
          %swap3A_174 = arith.index_cast %add3A_173 : i32 to index
          %swap3A_175 = tpu.vector_load %arg9[%swap3A_174] {strides = array<i32>} : memref<40960xf32, #tpu.memory_space<vmem>>, vector<16xf32>,
          tpu.vector_store %arg9[%swap3A_174], %max3A_171 {strides = array<i32>} : memref<40960xf32, #tpu.memory_space<vmem>>, vector<16xf32>,
          %add3A_176 = arith.constant 80 : i32
          %add3A_177 = arith.addi %mul3A_118, %add3A_176 : i32
          %get3A_178 = arith.index_cast %add3A_177 : i32 to index
          %get3A_179 = tpu.vector_load %arg9[%get3A_178] {strides = array<i32>} : memref<40960xf32, #tpu.memory_space<vmem>>, vector<16xf32>,
          %get3A_180 = arith.index_cast %sub3A_108 : i32 to index
          %get3A_181 = arith.constant 80 : index
          %get3A_182 = tpu.vector_load %arg8[%get3A_180, %get3A_181] {strides = array<i32>} : memref<128x128xf32, #tpu.memory_space<vmem>>, vector<16xf32>,
          %max3A_183 = arith.maximumf %get3A_179, %get3A_182 : vector<16xf32>
          %add3A_184 = arith.constant 80 : i32
          %add3A_185 = arith.addi %mul3A_118, %add3A_184 : i32
          %swap3A_186 = arith.index_cast %add3A_185 : i32 to index
          %swap3A_187 = tpu.vector_load %arg9[%swap3A_186] {strides = array<i32>} : memref<40960xf32, #tpu.memory_space<vmem>>, vector<16xf32>,
          tpu.vector_store %arg9[%swap3A_186], %max3A_183 {strides = array<i32>} : memref<40960xf32, #tpu.memory_space<vmem>>, vector<16xf32>,
          %add3A_188 = arith.constant 96 : i32
          %add3A_189 = arith.addi %mul3A_118, %add3A_188 : i32
          %get3A_190 = arith.index_cast %add3A_189 : i32 to index
          %get3A_191 = tpu.vector_load %arg9[%get3A_190] {strides = array<i32>} : memref<40960xf32, #tpu.memory_space<vmem>>, vector<16xf32>,
          %get3A_192 = arith.index_cast %sub3A_108 : i32 to index
          %get3A_193 = arith.constant 96 : index
          %get3A_194 = tpu.vector_load %arg8[%get3A_192, %get3A_193] {strides = array<i32>} : memref<128x128xf32, #tpu.memory_space<vmem>>, vector<16xf32>,
          %max3A_195 = arith.maximumf %get3A_191, %get3A_194 : vector<16xf32>
          %add3A_196 = arith.constant 96 : i32
          %add3A_197 = arith.addi %mul3A_118, %add3A_196 : i32
          %swap3A_198 = arith.index_cast %add3A_197 : i32 to index
          %swap3A_199 = tpu.vector_load %arg9[%swap3A_198] {strides = array<i32>} : memref<40960xf32, #tpu.memory_space<vmem>>, vector<16xf32>,
          tpu.vector_store %arg9[%swap3A_198], %max3A_195 {strides = array<i32>} : memref<40960xf32, #tpu.memory_space<vmem>>, vector<16xf32>,
          %add3A_200 = arith.constant 112 : i32
          %add3A_201 = arith.addi %mul3A_118, %add3A_200 : i32
          %get3A_202 = arith.index_cast %add3A_201 : i32 to index
          %get3A_203 = tpu.vector_load %arg9[%get3A_202] {strides = array<i32>} : memref<40960xf32, #tpu.memory_space<vmem>>, vector<16xf32>,
          %get3A_204 = arith.index_cast %sub3A_108 : i32 to index
          %get3A_205 = arith.constant 112 : index
          %get3A_206 = tpu.vector_load %arg8[%get3A_204, %get3A_205] {strides = array<i32>} : memref<128x128xf32, #tpu.memory_space<vmem>>, vector<16xf32>,
          %max3A_207 = arith.maximumf %get3A_203, %get3A_206 : vector<16xf32>
          %add3A_208 = arith.constant 112 : i32
          %add3A_209 = arith.addi %mul3A_118, %add3A_208 : i32
          %swap3A_210 = arith.index_cast %add3A_209 : i32 to index
          %swap3A_211 = tpu.vector_load %arg9[%swap3A_210] {strides = array<i32>} : memref<40960xf32, #tpu.memory_space<vmem>>, vector<16xf32>,
          tpu.vector_store %arg9[%swap3A_210], %max3A_207 {strides = array<i32>} : memref<40960xf32, #tpu.memory_space<vmem>>, vector<16xf32>,
        }
        %while3A_102 = arith.constant 1 : i32
        scf.for %while3A_103 = %while3A_100 to %while3A_96 step %while3A_102  : i32 {
          %mul3A_104 = arith.muli %while3A_103, %while3A_93 : i32
          %add3A_105 = arith.addi %mul3A_81, %mul3A_104 : i32
          %mul3A_106 = arith.constant 128 : i32
          %mul3A_107 = arith.muli %add3A_71, %mul3A_106 : i32
          %sub3A_108 = arith.subi %add3A_105, %mul3A_107 : i32
          %broadcast_in_dim3A = vector.broadcast %add3A_105 : i32 to vector<16xi32>
          %gather3A = tpu.vector_load_idx %arg7[%broadcast_in_dim3A] : memref<4112xi32, #tpu.memory_space<vmem>>[vector<16xi32>], vector<16xi32>,
          %reduce_max3A = arith.constant true
          %reduce_max3A_109 = vector.broadcast %reduce_max3A : i1 to vector<16xi1>
          %reduce_max3A_110 = arith.constant -2147483648 : i32
          %reduce_max3A_111 = vector.broadcast %reduce_max3A_110 : i32 to vector<16xi32>
          %reduce_max3A_112 = arith.xori %gather3A, %reduce_max3A_111 : vector<16xi32>
          %reduce_max3A_113 = tpu.scan <max>, %reduce_max3A_112 masked %reduce_max3A_109 : vector<16xi32>, vector<16xi1> -> vector<16xi32>
          %reduce_max3A_114 = arith.xori %reduce_max3A_113, %reduce_max3A_111 : vector<16xi32>
          %reduce_max3A_115 = vector.extract %reduce_max3A_114[15] : i32 from vector<16xi32>
          %sub3A_116 = arith.subi %reduce_max3A_115, %mul3A_2 : i32
          %mul3A_117 = arith.constant 128 : i32
          %mul3A_118 = arith.muli %sub3A_116, %mul3A_117 : i32
          %add3A_119 = arith.constant 0 : i32
          %add3A_120 = arith.addi %mul3A_118, %add3A_119 : i32
          %get3A = arith.index_cast %add3A_120 : i32 to index
          %get3A_121 = tpu.vector_load %arg9[%get3A] {strides = array<i32>} : memref<40960xf32, #tpu.memory_space<vmem>>, vector<16xf32>,
          %get3A_122 = arith.index_cast %sub3A_108 : i32 to index
          %get3A_123 = arith.constant 0 : index
          %get3A_124 = tpu.vector_load %arg8[%get3A_122, %get3A_123] {strides = array<i32>} : memref<128x128xf32, #tpu.memory_space<vmem>>, vector<16xf32>,
          %max3A = arith.maximumf %get3A_121, %get3A_124 : vector<16xf32>
          %add3A_125 = arith.constant 0 : i32
          %add3A_126 = arith.addi %mul3A_118, %add3A_125 : i32
          %swap3A = arith.index_cast %add3A_126 : i32 to index
          %swap3A_127 = tpu.vector_load %arg9[%swap3A] {strides = array<i32>} : memref<40960xf32, #tpu.memory_space<vmem>>, vector<16xf32>,
          tpu.vector_store %arg9[%swap3A], %max3A {strides = array<i32>} : memref<40960xf32, #tpu.memory_space<vmem>>, vector<16xf32>,
          %add3A_128 = arith.constant 16 : i32
          %add3A_129 = arith.addi %mul3A_118, %add3A_128 : i32
          %get3A_130 = arith.index_cast %add3A_129 : i32 to index
          %get3A_131 = tpu.vector_load %arg9[%get3A_130] {strides = array<i32>} : memref<40960xf32, #tpu.memory_space<vmem>>, vector<16xf32>,
          %get3A_132 = arith.index_cast %sub3A_108 : i32 to index
          %get3A_133 = arith.constant 16 : index
          %get3A_134 = tpu.vector_load %arg8[%get3A_132, %get3A_133] {strides = array<i32>} : memref<128x128xf32, #tpu.memory_space<vmem>>, vector<16xf32>,
          %max3A_135 = arith.maximumf %get3A_131, %get3A_134 : vector<16xf32>
          %add3A_136 = arith.constant 16 : i32
          %add3A_137 = arith.addi %mul3A_118, %add3A_136 : i32
          %swap3A_138 = arith.index_cast %add3A_137 : i32 to index
          %swap3A_139 = tpu.vector_load %arg9[%swap3A_138] {strides = array<i32>} : memref<40960xf32, #tpu.memory_space<vmem>>, vector<16xf32>,
          tpu.vector_store %arg9[%swap3A_138], %max3A_135 {strides = array<i32>} : memref<40960xf32, #tpu.memory_space<vmem>>, vector<16xf32>,
          %add3A_140 = arith.constant 32 : i32
          %add3A_141 = arith.addi %mul3A_118, %add3A_140 : i32
          %get3A_142 = arith.index_cast %add3A_141 : i32 to index
          %get3A_143 = tpu.vector_load %arg9[%get3A_142] {strides = array<i32>} : memref<40960xf32, #tpu.memory_space<vmem>>, vector<16xf32>,
          %get3A_144 = arith.index_cast %sub3A_108 : i32 to index
          %get3A_145 = arith.constant 32 : index
          %get3A_146 = tpu.vector_load %arg8[%get3A_144, %get3A_145] {strides = array<i32>} : memref<128x128xf32, #tpu.memory_space<vmem>>, vector<16xf32>,
          %max3A_147 = arith.maximumf %get3A_143, %get3A_146 : vector<16xf32>
          %add3A_148 = arith.constant 32 : i32
          %add3A_149 = arith.addi %mul3A_118, %add3A_148 : i32
          %swap3A_150 = arith.index_cast %add3A_149 : i32 to index
          %swap3A_151 = tpu.vector_load %arg9[%swap3A_150] {strides = array<i32>} : memref<40960xf32, #tpu.memory_space<vmem>>, vector<16xf32>,
          tpu.vector_store %arg9[%swap3A_150], %max3A_147 {strides = array<i32>} : memref<40960xf32, #tpu.memory_space<vmem>>, vector<16xf32>,
          %add3A_152 = arith.constant 48 : i32
          %add3A_153 = arith.addi %mul3A_118, %add3A_152 : i32
          %get3A_154 = arith.index_cast %add3A_153 : i32 to index
          %get3A_155 = tpu.vector_load %arg9[%get3A_154] {strides = array<i32>} : memref<40960xf32, #tpu.memory_space<vmem>>, vector<16xf32>,
          %get3A_156 = arith.index_cast %sub3A_108 : i32 to index
          %get3A_157 = arith.constant 48 : index
          %get3A_158 = tpu.vector_load %arg8[%get3A_156, %get3A_157] {strides = array<i32>} : memref<128x128xf32, #tpu.memory_space<vmem>>, vector<16xf32>,
          %max3A_159 = arith.maximumf %get3A_155, %get3A_158 : vector<16xf32>
          %add3A_160 = arith.constant 48 : i32
          %add3A_161 = arith.addi %mul3A_118, %add3A_160 : i32
          %swap3A_162 = arith.index_cast %add3A_161 : i32 to index
          %swap3A_163 = tpu.vector_load %arg9[%swap3A_162] {strides = array<i32>} : memref<40960xf32, #tpu.memory_space<vmem>>, vector<16xf32>,
          tpu.vector_store %arg9[%swap3A_162], %max3A_159 {strides = array<i32>} : memref<40960xf32, #tpu.memory_space<vmem>>, vector<16xf32>,
          %add3A_164 = arith.constant 64 : i32
          %add3A_165 = arith.addi %mul3A_118, %add3A_164 : i32
          %get3A_166 = arith.index_cast %add3A_165 : i32 to index
          %get3A_167 = tpu.vector_load %arg9[%get3A_166] {strides = array<i32>} : memref<40960xf32, #tpu.memory_space<vmem>>, vector<16xf32>,
          %get3A_168 = arith.index_cast %sub3A_108 : i32 to index
          %get3A_169 = arith.constant 64 : index
          %get3A_170 = tpu.vector_load %arg8[%get3A_168, %get3A_169] {strides = array<i32>} : memref<128x128xf32, #tpu.memory_space<vmem>>, vector<16xf32>,
          %max3A_171 = arith.maximumf %get3A_167, %get3A_170 : vector<16xf32>
          %add3A_172 = arith.constant 64 : i32
          %add3A_173 = arith.addi %mul3A_118, %add3A_172 : i32
          %swap3A_174 = arith.index_cast %add3A_173 : i32 to index
          %swap3A_175 = tpu.vector_load %arg9[%swap3A_174] {strides = array<i32>} : memref<40960xf32, #tpu.memory_space<vmem>>, vector<16xf32>,
          tpu.vector_store %arg9[%swap3A_174], %max3A_171 {strides = array<i32>} : memref<40960xf32, #tpu.memory_space<vmem>>, vector<16xf32>,
          %add3A_176 = arith.constant 80 : i32
          %add3A_177 = arith.addi %mul3A_118, %add3A_176 : i32
          %get3A_178 = arith.index_cast %add3A_177 : i32 to index
          %get3A_179 = tpu.vector_load %arg9[%get3A_178] {strides = array<i32>} : memref<40960xf32, #tpu.memory_space<vmem>>, vector<16xf32>,
          %get3A_180 = arith.index_cast %sub3A_108 : i32 to index
          %get3A_181 = arith.constant 80 : index
          %get3A_182 = tpu.vector_load %arg8[%get3A_180, %get3A_181] {strides = array<i32>} : memref<128x128xf32, #tpu.memory_space<vmem>>, vector<16xf32>,
          %max3A_183 = arith.maximumf %get3A_179, %get3A_182 : vector<16xf32>
          %add3A_184 = arith.constant 80 : i32
          %add3A_185 = arith.addi %mul3A_118, %add3A_184 : i32
          %swap3A_186 = arith.index_cast %add3A_185 : i32 to index
          %swap3A_187 = tpu.vector_load %arg9[%swap3A_186] {strides = array<i32>} : memref<40960xf32, #tpu.memory_space<vmem>>, vector<16xf32>,
          tpu.vector_store %arg9[%swap3A_186], %max3A_183 {strides = array<i32>} : memref<40960xf32, #tpu.memory_space<vmem>>, vector<16xf32>,
          %add3A_188 = arith.constant 96 : i32
          %add3A_189 = arith.addi %mul3A_118, %add3A_188 : i32
          %get3A_190 = arith.index_cast %add3A_189 : i32 to index
          %get3A_191 = tpu.vector_load %arg9[%get3A_190] {strides = array<i32>} : memref<40960xf32, #tpu.memory_space<vmem>>, vector<16xf32>,
          %get3A_192 = arith.index_cast %sub3A_108 : i32 to index
          %get3A_193 = arith.constant 96 : index
          %get3A_194 = tpu.vector_load %arg8[%get3A_192, %get3A_193] {strides = array<i32>} : memref<128x128xf32, #tpu.memory_space<vmem>>, vector<16xf32>,
          %max3A_195 = arith.maximumf %get3A_191, %get3A_194 : vector<16xf32>
          %add3A_196 = arith.constant 96 : i32
          %add3A_197 = arith.addi %mul3A_118, %add3A_196 : i32
          %swap3A_198 = arith.index_cast %add3A_197 : i32 to index
          %swap3A_199 = tpu.vector_load %arg9[%swap3A_198] {strides = array<i32>} : memref<40960xf32, #tpu.memory_space<vmem>>, vector<16xf32>,
          tpu.vector_store %arg9[%swap3A_198], %max3A_195 {strides = array<i32>} : memref<40960xf32, #tpu.memory_space<vmem>>, vector<16xf32>,
          %add3A_200 = arith.constant 112 : i32
          %add3A_201 = arith.addi %mul3A_118, %add3A_200 : i32
          %get3A_202 = arith.index_cast %add3A_201 : i32 to index
          %get3A_203 = tpu.vector_load %arg9[%get3A_202] {strides = array<i32>} : memref<40960xf32, #tpu.memory_space<vmem>>, vector<16xf32>,
          %get3A_204 = arith.index_cast %sub3A_108 : i32 to index
          %get3A_205 = arith.constant 112 : index
          %get3A_206 = tpu.vector_load %arg8[%get3A_204, %get3A_205] {strides = array<i32>} : memref<128x128xf32, #tpu.memory_space<vmem>>, vector<16xf32>,
          %max3A_207 = arith.maximumf %get3A_203, %get3A_206 : vector<16xf32>
          %add3A_208 = arith.constant 112 : i32
          %add3A_209 = arith.addi %mul3A_118, %add3A_208 : i32
          %swap3A_210 = arith.index_cast %add3A_209 : i32 to index
          %swap3A_211 = tpu.vector_load %arg9[%swap3A_210] {strides = array<i32>} : memref<40960xf32, #tpu.memory_space<vmem>>, vector<16xf32>,
          tpu.vector_store %arg9[%swap3A_210], %max3A_207 {strides = array<i32>} : memref<40960xf32, #tpu.memory_space<vmem>>, vector<16xf32>,
        }
      }
    }
    %scan3A_16 = arith.constant 40 : i32
    "tpu.region"() ({
      %run_scoped3A = tpu.sem_alloc : memref<!tpu.dma_semaphore, #tpu.memory_space<semaphore_mem>>
      %dma_start3A = arith.constant 0 : i32
      %dma_start3A_17 = tpu.memref_slice %arg4[%add3A, %dma_start3A] : memref<32x40960xf32, #tpu.memory_space<hbm>> -> memref<1x40960xf32, #tpu.memory_space<hbm>>
      %dma_start3A_18 = tpu.memref_squeeze %dma_start3A_17 : memref<1x40960xf32, #tpu.memory_space<hbm>> -> memref<40960xf32, #tpu.memory_space<hbm>>
      %dma_start3A_19 = arith.constant 0 : i32
      %dma_start3A_20 = tpu.memref_slice %arg4[%add3A, %dma_start3A_19] : memref<32x40960xf32, #tpu.memory_space<hbm>> -> memref<1x40960xf32, #tpu.memory_space<hbm>>
      %dma_start3A_21 = tpu.memref_squeeze %dma_start3A_20 : memref<1x40960xf32, #tpu.memory_space<hbm>> -> memref<40960xf32, #tpu.memory_space<hbm>>
      tpu.enqueue_dma source(%arg9 : memref<40960xf32, #tpu.memory_space<vmem>>) target(%dma_start3A_21 : memref<40960xf32, #tpu.memory_space<hbm>>) target_semaphore(%run_scoped3A : memref<!tpu.dma_semaphore, #tpu.memory_space<semaphore_mem>>)
      %dma_wait3A = arith.constant 0 : i32
      %dma_wait3A_22 = tpu.memref_slice %arg4[%add3A, %dma_wait3A] : memref<32x40960xf32, #tpu.memory_space<hbm>> -> memref<1x40960xf32, #tpu.memory_space<hbm>>
      %dma_wait3A_23 = tpu.memref_squeeze %dma_wait3A_22 : memref<1x40960xf32, #tpu.memory_space<hbm>> -> memref<40960xf32, #tpu.memory_space<hbm>>
      %dma_wait3A_24 = arith.constant 0 : i32
      %dma_wait3A_25 = tpu.memref_slice %arg4[%add3A, %dma_wait3A_24] : memref<32x40960xf32, #tpu.memory_space<hbm>> -> memref<1x40960xf32, #tpu.memory_space<hbm>>
      %dma_wait3A_26 = tpu.memref_squeeze %dma_wait3A_25 : memref<1x40960xf32, #tpu.memory_space<hbm>> -> memref<40960xf32, #tpu.memory_space<hbm>>
      tpu.wait_dma2 semaphore(%run_scoped3A : memref<!tpu.dma_semaphore, #tpu.memory_space<semaphore_mem>>) src(%arg9 : memref<40960xf32, #tpu.memory_space<vmem>>) dst(%dma_wait3A_26 : memref<40960xf32, #tpu.memory_space<hbm>>)
      tpu.yield
    }) : () -> ()
    return
  }
}

#map = affine_map<(d0, d1) -> (0, 0)>
#map1 = affine_map<(d0, d1) -> (0)>
module attributes {stable_mosaic.version = 14 : i64} {
  func.func @body(%arg0: i32, %arg1: i32, %arg2: memref<10240x128xf32, #tpu.memory_space<hbm>>, %arg3: memref<163840xi32, #tpu.memory_space<hbm>>, %arg4: memref<163840xi32, #tpu.memory_space<hbm>>, %arg5: memref<163840x128xf32, #tpu.memory_space<hbm>>, %arg6: memref<163840x128xf32, #tpu.memory_space<hbm>>, %arg7: memref<512xi32, #tpu.memory_space<vmem>>, %arg8: memref<512x128xf32, #tpu.memory_space<vmem>>, %arg9: memref<!tpu.dma_semaphore, #tpu.memory_space<semaphore_mem>>) attributes {dimension_semantics = [#tpu.dimension_semantics<core_parallel>, #tpu.dimension_semantics<subcore_parallel>], iteration_bounds = array<i64: 2, 16>, scalar_prefetch = 0 : i64, scratch_operands = 3 : i64, tpu.core_type = #tpu.core_type<sc_vector_subcore>, window_params = [{transform_indices = #map}, {transform_indices = #map1}, {transform_indices = #map1}, {transform_indices = #map}, {transform_indices = #map}]} {
    %mul3A = arith.constant 2 : i32
    %mul3A_0 = arith.muli %arg1, %mul3A : i32
    %add3A = arith.addi %mul3A_0, %arg0 : i32
    %mul3A_1 = arith.constant 5120 : i32
    %mul3A_2 = arith.muli %add3A, %mul3A_1 : i32
    %scan3A = arith.constant 0 : i32
    %scan3A_3 = arith.constant 10 : i32
    %scan3A_4 = arith.addi %scan3A, %scan3A_3 : i32
    %scan3A_5 = arith.constant 1 : i32
    scf.for %scan3A_12 = %scan3A to %scan3A_4 step %scan3A_5  : i32 {
      %mul3A_13 = arith.constant 1 : i32
      %mul3A_14 = arith.muli %scan3A_12, %mul3A_13 : i32
      %add3A_15 = arith.constant 0 : i32
      %add3A_16 = arith.addi %add3A_15, %mul3A_14 : i32
      %mul3A_17 = arith.constant 512 : i32
      %mul3A_18 = arith.muli %add3A_16, %mul3A_17 : i32
      %add3A_19 = arith.addi %mul3A_2, %mul3A_18 : i32
      "tpu.region"() ({
        %run_scoped3A = tpu.sem_alloc : memref<!tpu.dma_semaphore, #tpu.memory_space<semaphore_mem>>
        %dma_start3A_82 = tpu.memref_slice %arg3[%add3A_19] : memref<163840xi32, #tpu.memory_space<hbm>> -> memref<512xi32, #tpu.memory_space<hbm>>
        %dma_start3A_83 = tpu.memref_slice %arg3[%add3A_19] : memref<163840xi32, #tpu.memory_space<hbm>> -> memref<512xi32, #tpu.memory_space<hbm>>
        tpu.enqueue_dma source(%dma_start3A_83 : memref<512xi32, #tpu.memory_space<hbm>>) target(%arg7 : memref<512xi32, #tpu.memory_space<vmem>>) target_semaphore(%run_scoped3A : memref<!tpu.dma_semaphore, #tpu.memory_space<semaphore_mem>>)
        %dma_wait3A_84 = tpu.memref_slice %arg3[%add3A_19] : memref<163840xi32, #tpu.memory_space<hbm>> -> memref<512xi32, #tpu.memory_space<hbm>>
        %dma_wait3A_85 = tpu.memref_slice %arg3[%add3A_19] : memref<163840xi32, #tpu.memory_space<hbm>> -> memref<512xi32, #tpu.memory_space<hbm>>
        tpu.wait_dma2 semaphore(%run_scoped3A : memref<!tpu.dma_semaphore, #tpu.memory_space<semaphore_mem>>) src(%dma_wait3A_85 : memref<512xi32, #tpu.memory_space<hbm>>) dst(%arg7 : memref<512xi32, #tpu.memory_space<vmem>>)
        tpu.yield
      }) : () -> ()
      %dma_start3A = arith.constant 0 : i32
      %dma_start3A_20 = arith.constant 0 : i32
      %dma_start3A_21 = tpu.memref_slice %arg8[%dma_start3A, %dma_start3A_20] : memref<512x128xf32, #tpu.memory_space<vmem>> -> memref<128x128xf32, #tpu.memory_space<vmem>>
      %dma_start3A_22 = arith.constant 0 : i32
      %dma_start3A_23 = tpu.memref_slice %arg7[%dma_start3A_22] : memref<512xi32, #tpu.memory_space<vmem>> -> memref<128xi32, #tpu.memory_space<vmem>>
      %dma_start3A_24 = arith.constant 0 : i32
      %dma_start3A_25 = arith.constant 0 : i32
      %dma_start3A_26 = tpu.memref_slice %arg2[%dma_start3A_24, %dma_start3A_25] : memref<10240x128xf32, #tpu.memory_space<hbm>> -> memref<10240x128xf32, #tpu.memory_space<hbm>>
      tpu.enqueue_indirect_dma source(%dma_start3A_26 : memref<10240x128xf32, #tpu.memory_space<hbm>>) target(%dma_start3A_21 : memref<128x128xf32, #tpu.memory_space<vmem>>) offsets(%dma_start3A_23 : memref<128xi32, #tpu.memory_space<vmem>>) semaphore(%arg9 : memref<!tpu.dma_semaphore, #tpu.memory_space<semaphore_mem>>)
      %dma_start3A_27 = arith.constant 128 : i32
      %dma_start3A_28 = arith.constant 0 : i32
      %dma_start3A_29 = tpu.memref_slice %arg8[%dma_start3A_27, %dma_start3A_28] : memref<512x128xf32, #tpu.memory_space<vmem>> -> memref<128x128xf32, #tpu.memory_space<vmem>>
      %dma_start3A_30 = arith.constant 128 : i32
      %dma_start3A_31 = tpu.memref_slice %arg7[%dma_start3A_30] : memref<512xi32, #tpu.memory_space<vmem>> -> memref<128xi32, #tpu.memory_space<vmem>>
      %dma_start3A_32 = arith.constant 0 : i32
      %dma_start3A_33 = arith.constant 0 : i32
      %dma_start3A_34 = tpu.memref_slice %arg2[%dma_start3A_32, %dma_start3A_33] : memref<10240x128xf32, #tpu.memory_space<hbm>> -> memref<10240x128xf32, #tpu.memory_space<hbm>>
      tpu.enqueue_indirect_dma source(%dma_start3A_34 : memref<10240x128xf32, #tpu.memory_space<hbm>>) target(%dma_start3A_29 : memref<128x128xf32, #tpu.memory_space<vmem>>) offsets(%dma_start3A_31 : memref<128xi32, #tpu.memory_space<vmem>>) semaphore(%arg9 : memref<!tpu.dma_semaphore, #tpu.memory_space<semaphore_mem>>)
      %dma_start3A_35 = arith.constant 256 : i32
      %dma_start3A_36 = arith.constant 0 : i32
      %dma_start3A_37 = tpu.memref_slice %arg8[%dma_start3A_35, %dma_start3A_36] : memref<512x128xf32, #tpu.memory_space<vmem>> -> memref<128x128xf32, #tpu.memory_space<vmem>>
      %dma_start3A_38 = arith.constant 256 : i32
      %dma_start3A_39 = tpu.memref_slice %arg7[%dma_start3A_38] : memref<512xi32, #tpu.memory_space<vmem>> -> memref<128xi32, #tpu.memory_space<vmem>>
      %dma_start3A_40 = arith.constant 0 : i32
      %dma_start3A_41 = arith.constant 0 : i32
      %dma_start3A_42 = tpu.memref_slice %arg2[%dma_start3A_40, %dma_start3A_41] : memref<10240x128xf32, #tpu.memory_space<hbm>> -> memref<10240x128xf32, #tpu.memory_space<hbm>>
      tpu.enqueue_indirect_dma source(%dma_start3A_42 : memref<10240x128xf32, #tpu.memory_space<hbm>>) target(%dma_start3A_37 : memref<128x128xf32, #tpu.memory_space<vmem>>) offsets(%dma_start3A_39 : memref<128xi32, #tpu.memory_space<vmem>>) semaphore(%arg9 : memref<!tpu.dma_semaphore, #tpu.memory_space<semaphore_mem>>)
      %dma_start3A_43 = arith.constant 384 : i32
      %dma_start3A_44 = arith.constant 0 : i32
      %dma_start3A_45 = tpu.memref_slice %arg8[%dma_start3A_43, %dma_start3A_44] : memref<512x128xf32, #tpu.memory_space<vmem>> -> memref<128x128xf32, #tpu.memory_space<vmem>>
      %dma_start3A_46 = arith.constant 384 : i32
      %dma_start3A_47 = tpu.memref_slice %arg7[%dma_start3A_46] : memref<512xi32, #tpu.memory_space<vmem>> -> memref<128xi32, #tpu.memory_space<vmem>>
      %dma_start3A_48 = arith.constant 0 : i32
      %dma_start3A_49 = arith.constant 0 : i32
      %dma_start3A_50 = tpu.memref_slice %arg2[%dma_start3A_48, %dma_start3A_49] : memref<10240x128xf32, #tpu.memory_space<hbm>> -> memref<10240x128xf32, #tpu.memory_space<hbm>>
      tpu.enqueue_indirect_dma source(%dma_start3A_50 : memref<10240x128xf32, #tpu.memory_space<hbm>>) target(%dma_start3A_45 : memref<128x128xf32, #tpu.memory_space<vmem>>) offsets(%dma_start3A_47 : memref<128xi32, #tpu.memory_space<vmem>>) semaphore(%arg9 : memref<!tpu.dma_semaphore, #tpu.memory_space<semaphore_mem>>)
      %dma_wait3A = arith.constant 0 : i32
      %dma_wait3A_51 = arith.constant 0 : i32
      %dma_wait3A_52 = tpu.memref_slice %arg8[%dma_wait3A, %dma_wait3A_51] : memref<512x128xf32, #tpu.memory_space<vmem>> -> memref<128x128xf32, #tpu.memory_space<vmem>>
      %dma_wait3A_53 = arith.constant 0 : i32
      %dma_wait3A_54 = tpu.memref_slice %arg7[%dma_wait3A_53] : memref<512xi32, #tpu.memory_space<vmem>> -> memref<128xi32, #tpu.memory_space<vmem>>
      %dma_wait3A_55 = arith.constant 0 : i32
      %dma_wait3A_56 = arith.constant 0 : i32
      %dma_wait3A_57 = tpu.memref_slice %arg2[%dma_wait3A_55, %dma_wait3A_56] : memref<10240x128xf32, #tpu.memory_space<hbm>> -> memref<10240x128xf32, #tpu.memory_space<hbm>>
      tpu.wait_indirect_dma semaphore(%arg9 : memref<!tpu.dma_semaphore, #tpu.memory_space<semaphore_mem>>) src(%dma_wait3A_57 : memref<10240x128xf32, #tpu.memory_space<hbm>>) dst(%dma_wait3A_52 : memref<128x128xf32, #tpu.memory_space<vmem>>)
      %dma_wait3A_58 = arith.constant 128 : i32
      %dma_wait3A_59 = arith.constant 0 : i32
      %dma_wait3A_60 = tpu.memref_slice %arg8[%dma_wait3A_58, %dma_wait3A_59] : memref<512x128xf32, #tpu.memory_space<vmem>> -> memref<128x128xf32, #tpu.memory_space<vmem>>
      %dma_wait3A_61 = arith.constant 128 : i32
      %dma_wait3A_62 = tpu.memref_slice %arg7[%dma_wait3A_61] : memref<512xi32, #tpu.memory_space<vmem>> -> memref<128xi32, #tpu.memory_space<vmem>>
      %dma_wait3A_63 = arith.constant 0 : i32
      %dma_wait3A_64 = arith.constant 0 : i32
      %dma_wait3A_65 = tpu.memref_slice %arg2[%dma_wait3A_63, %dma_wait3A_64] : memref<10240x128xf32, #tpu.memory_space<hbm>> -> memref<10240x128xf32, #tpu.memory_space<hbm>>
      tpu.wait_indirect_dma semaphore(%arg9 : memref<!tpu.dma_semaphore, #tpu.memory_space<semaphore_mem>>) src(%dma_wait3A_65 : memref<10240x128xf32, #tpu.memory_space<hbm>>) dst(%dma_wait3A_60 : memref<128x128xf32, #tpu.memory_space<vmem>>)
      %dma_wait3A_66 = arith.constant 256 : i32
      %dma_wait3A_67 = arith.constant 0 : i32
      %dma_wait3A_68 = tpu.memref_slice %arg8[%dma_wait3A_66, %dma_wait3A_67] : memref<512x128xf32, #tpu.memory_space<vmem>> -> memref<128x128xf32, #tpu.memory_space<vmem>>
      %dma_wait3A_69 = arith.constant 256 : i32
      %dma_wait3A_70 = tpu.memref_slice %arg7[%dma_wait3A_69] : memref<512xi32, #tpu.memory_space<vmem>> -> memref<128xi32, #tpu.memory_space<vmem>>
      %dma_wait3A_71 = arith.constant 0 : i32
      %dma_wait3A_72 = arith.constant 0 : i32
      %dma_wait3A_73 = tpu.memref_slice %arg2[%dma_wait3A_71, %dma_wait3A_72] : memref<10240x128xf32, #tpu.memory_space<hbm>> -> memref<10240x128xf32, #tpu.memory_space<hbm>>
      tpu.wait_indirect_dma semaphore(%arg9 : memref<!tpu.dma_semaphore, #tpu.memory_space<semaphore_mem>>) src(%dma_wait3A_73 : memref<10240x128xf32, #tpu.memory_space<hbm>>) dst(%dma_wait3A_68 : memref<128x128xf32, #tpu.memory_space<vmem>>)
      %dma_wait3A_74 = arith.constant 384 : i32
      %dma_wait3A_75 = arith.constant 0 : i32
      %dma_wait3A_76 = tpu.memref_slice %arg8[%dma_wait3A_74, %dma_wait3A_75] : memref<512x128xf32, #tpu.memory_space<vmem>> -> memref<128x128xf32, #tpu.memory_space<vmem>>
      %dma_wait3A_77 = arith.constant 384 : i32
      %dma_wait3A_78 = tpu.memref_slice %arg7[%dma_wait3A_77] : memref<512xi32, #tpu.memory_space<vmem>> -> memref<128xi32, #tpu.memory_space<vmem>>
      %dma_wait3A_79 = arith.constant 0 : i32
      %dma_wait3A_80 = arith.constant 0 : i32
      %dma_wait3A_81 = tpu.memref_slice %arg2[%dma_wait3A_79, %dma_wait3A_80] : memref<10240x128xf32, #tpu.memory_space<hbm>> -> memref<10240x128xf32, #tpu.memory_space<hbm>>
      tpu.wait_indirect_dma semaphore(%arg9 : memref<!tpu.dma_semaphore, #tpu.memory_space<semaphore_mem>>) src(%dma_wait3A_81 : memref<10240x128xf32, #tpu.memory_space<hbm>>) dst(%dma_wait3A_76 : memref<128x128xf32, #tpu.memory_space<vmem>>)
      "tpu.region"() ({
        %run_scoped3A = tpu.sem_alloc : memref<!tpu.dma_semaphore, #tpu.memory_space<semaphore_mem>>
        %dma_start3A_82 = arith.constant 0 : i32
        %dma_start3A_83 = tpu.memref_slice %arg5[%add3A_19, %dma_start3A_82] : memref<163840x128xf32, #tpu.memory_space<hbm>> -> memref<512x128xf32, #tpu.memory_space<hbm>>
        %dma_start3A_84 = arith.constant 0 : i32
        %dma_start3A_85 = tpu.memref_slice %arg5[%add3A_19, %dma_start3A_84] : memref<163840x128xf32, #tpu.memory_space<hbm>> -> memref<512x128xf32, #tpu.memory_space<hbm>>
        tpu.enqueue_dma source(%arg8 : memref<512x128xf32, #tpu.memory_space<vmem>>) target(%dma_start3A_85 : memref<512x128xf32, #tpu.memory_space<hbm>>) target_semaphore(%run_scoped3A : memref<!tpu.dma_semaphore, #tpu.memory_space<semaphore_mem>>)
        %dma_wait3A_86 = arith.constant 0 : i32
        %dma_wait3A_87 = tpu.memref_slice %arg5[%add3A_19, %dma_wait3A_86] : memref<163840x128xf32, #tpu.memory_space<hbm>> -> memref<512x128xf32, #tpu.memory_space<hbm>>
        %dma_wait3A_88 = arith.constant 0 : i32
        %dma_wait3A_89 = tpu.memref_slice %arg5[%add3A_19, %dma_wait3A_88] : memref<163840x128xf32, #tpu.memory_space<hbm>> -> memref<512x128xf32, #tpu.memory_space<hbm>>
        tpu.wait_dma2 semaphore(%run_scoped3A : memref<!tpu.dma_semaphore, #tpu.memory_space<semaphore_mem>>) src(%arg8 : memref<512x128xf32, #tpu.memory_space<vmem>>) dst(%dma_wait3A_89 : memref<512x128xf32, #tpu.memory_space<hbm>>)
        tpu.yield
      }) : () -> ()
    }
    %scan3A_6 = arith.constant 10 : i32
    %scan3A_7 = arith.constant 0 : i32
    %scan3A_8 = arith.constant 10 : i32
    %scan3A_9 = arith.addi %scan3A_7, %scan3A_8 : i32
    %scan3A_10 = arith.constant 1 : i32
    scf.for %scan3A_12 = %scan3A_7 to %scan3A_9 step %scan3A_10  : i32 {
      %mul3A_13 = arith.constant 1 : i32
      %mul3A_14 = arith.muli %scan3A_12, %mul3A_13 : i32
      %add3A_15 = arith.constant 0 : i32
      %add3A_16 = arith.addi %add3A_15, %mul3A_14 : i32
      %mul3A_17 = arith.constant 512 : i32
      %mul3A_18 = arith.muli %add3A_16, %mul3A_17 : i32
      %add3A_19 = arith.addi %mul3A_2, %mul3A_18 : i32
      "tpu.region"() ({
        %run_scoped3A = tpu.sem_alloc : memref<!tpu.dma_semaphore, #tpu.memory_space<semaphore_mem>>
        %dma_start3A_82 = tpu.memref_slice %arg4[%add3A_19] : memref<163840xi32, #tpu.memory_space<hbm>> -> memref<512xi32, #tpu.memory_space<hbm>>
        %dma_start3A_83 = tpu.memref_slice %arg4[%add3A_19] : memref<163840xi32, #tpu.memory_space<hbm>> -> memref<512xi32, #tpu.memory_space<hbm>>
        tpu.enqueue_dma source(%dma_start3A_83 : memref<512xi32, #tpu.memory_space<hbm>>) target(%arg7 : memref<512xi32, #tpu.memory_space<vmem>>) target_semaphore(%run_scoped3A : memref<!tpu.dma_semaphore, #tpu.memory_space<semaphore_mem>>)
        %dma_wait3A_84 = tpu.memref_slice %arg4[%add3A_19] : memref<163840xi32, #tpu.memory_space<hbm>> -> memref<512xi32, #tpu.memory_space<hbm>>
        %dma_wait3A_85 = tpu.memref_slice %arg4[%add3A_19] : memref<163840xi32, #tpu.memory_space<hbm>> -> memref<512xi32, #tpu.memory_space<hbm>>
        tpu.wait_dma2 semaphore(%run_scoped3A : memref<!tpu.dma_semaphore, #tpu.memory_space<semaphore_mem>>) src(%dma_wait3A_85 : memref<512xi32, #tpu.memory_space<hbm>>) dst(%arg7 : memref<512xi32, #tpu.memory_space<vmem>>)
        tpu.yield
      }) : () -> ()
      %dma_start3A = arith.constant 0 : i32
      %dma_start3A_20 = arith.constant 0 : i32
      %dma_start3A_21 = tpu.memref_slice %arg8[%dma_start3A, %dma_start3A_20] : memref<512x128xf32, #tpu.memory_space<vmem>> -> memref<128x128xf32, #tpu.memory_space<vmem>>
      %dma_start3A_22 = arith.constant 0 : i32
      %dma_start3A_23 = tpu.memref_slice %arg7[%dma_start3A_22] : memref<512xi32, #tpu.memory_space<vmem>> -> memref<128xi32, #tpu.memory_space<vmem>>
      %dma_start3A_24 = arith.constant 0 : i32
      %dma_start3A_25 = arith.constant 0 : i32
      %dma_start3A_26 = tpu.memref_slice %arg2[%dma_start3A_24, %dma_start3A_25] : memref<10240x128xf32, #tpu.memory_space<hbm>> -> memref<10240x128xf32, #tpu.memory_space<hbm>>
      tpu.enqueue_indirect_dma source(%dma_start3A_26 : memref<10240x128xf32, #tpu.memory_space<hbm>>) target(%dma_start3A_21 : memref<128x128xf32, #tpu.memory_space<vmem>>) offsets(%dma_start3A_23 : memref<128xi32, #tpu.memory_space<vmem>>) semaphore(%arg9 : memref<!tpu.dma_semaphore, #tpu.memory_space<semaphore_mem>>)
      %dma_start3A_27 = arith.constant 128 : i32
      %dma_start3A_28 = arith.constant 0 : i32
      %dma_start3A_29 = tpu.memref_slice %arg8[%dma_start3A_27, %dma_start3A_28] : memref<512x128xf32, #tpu.memory_space<vmem>> -> memref<128x128xf32, #tpu.memory_space<vmem>>
      %dma_start3A_30 = arith.constant 128 : i32
      %dma_start3A_31 = tpu.memref_slice %arg7[%dma_start3A_30] : memref<512xi32, #tpu.memory_space<vmem>> -> memref<128xi32, #tpu.memory_space<vmem>>
      %dma_start3A_32 = arith.constant 0 : i32
      %dma_start3A_33 = arith.constant 0 : i32
      %dma_start3A_34 = tpu.memref_slice %arg2[%dma_start3A_32, %dma_start3A_33] : memref<10240x128xf32, #tpu.memory_space<hbm>> -> memref<10240x128xf32, #tpu.memory_space<hbm>>
      tpu.enqueue_indirect_dma source(%dma_start3A_34 : memref<10240x128xf32, #tpu.memory_space<hbm>>) target(%dma_start3A_29 : memref<128x128xf32, #tpu.memory_space<vmem>>) offsets(%dma_start3A_31 : memref<128xi32, #tpu.memory_space<vmem>>) semaphore(%arg9 : memref<!tpu.dma_semaphore, #tpu.memory_space<semaphore_mem>>)
      %dma_start3A_35 = arith.constant 256 : i32
      %dma_start3A_36 = arith.constant 0 : i32
      %dma_start3A_37 = tpu.memref_slice %arg8[%dma_start3A_35, %dma_start3A_36] : memref<512x128xf32, #tpu.memory_space<vmem>> -> memref<128x128xf32, #tpu.memory_space<vmem>>
      %dma_start3A_38 = arith.constant 256 : i32
      %dma_start3A_39 = tpu.memref_slice %arg7[%dma_start3A_38] : memref<512xi32, #tpu.memory_space<vmem>> -> memref<128xi32, #tpu.memory_space<vmem>>
      %dma_start3A_40 = arith.constant 0 : i32
      %dma_start3A_41 = arith.constant 0 : i32
      %dma_start3A_42 = tpu.memref_slice %arg2[%dma_start3A_40, %dma_start3A_41] : memref<10240x128xf32, #tpu.memory_space<hbm>> -> memref<10240x128xf32, #tpu.memory_space<hbm>>
      tpu.enqueue_indirect_dma source(%dma_start3A_42 : memref<10240x128xf32, #tpu.memory_space<hbm>>) target(%dma_start3A_37 : memref<128x128xf32, #tpu.memory_space<vmem>>) offsets(%dma_start3A_39 : memref<128xi32, #tpu.memory_space<vmem>>) semaphore(%arg9 : memref<!tpu.dma_semaphore, #tpu.memory_space<semaphore_mem>>)
      %dma_start3A_43 = arith.constant 384 : i32
      %dma_start3A_44 = arith.constant 0 : i32
      %dma_start3A_45 = tpu.memref_slice %arg8[%dma_start3A_43, %dma_start3A_44] : memref<512x128xf32, #tpu.memory_space<vmem>> -> memref<128x128xf32, #tpu.memory_space<vmem>>
      %dma_start3A_46 = arith.constant 384 : i32
      %dma_start3A_47 = tpu.memref_slice %arg7[%dma_start3A_46] : memref<512xi32, #tpu.memory_space<vmem>> -> memref<128xi32, #tpu.memory_space<vmem>>
      %dma_start3A_48 = arith.constant 0 : i32
      %dma_start3A_49 = arith.constant 0 : i32
      %dma_start3A_50 = tpu.memref_slice %arg2[%dma_start3A_48, %dma_start3A_49] : memref<10240x128xf32, #tpu.memory_space<hbm>> -> memref<10240x128xf32, #tpu.memory_space<hbm>>
      tpu.enqueue_indirect_dma source(%dma_start3A_50 : memref<10240x128xf32, #tpu.memory_space<hbm>>) target(%dma_start3A_45 : memref<128x128xf32, #tpu.memory_space<vmem>>) offsets(%dma_start3A_47 : memref<128xi32, #tpu.memory_space<vmem>>) semaphore(%arg9 : memref<!tpu.dma_semaphore, #tpu.memory_space<semaphore_mem>>)
      %dma_wait3A = arith.constant 0 : i32
      %dma_wait3A_51 = arith.constant 0 : i32
      %dma_wait3A_52 = tpu.memref_slice %arg8[%dma_wait3A, %dma_wait3A_51] : memref<512x128xf32, #tpu.memory_space<vmem>> -> memref<128x128xf32, #tpu.memory_space<vmem>>
      %dma_wait3A_53 = arith.constant 0 : i32
      %dma_wait3A_54 = tpu.memref_slice %arg7[%dma_wait3A_53] : memref<512xi32, #tpu.memory_space<vmem>> -> memref<128xi32, #tpu.memory_space<vmem>>
      %dma_wait3A_55 = arith.constant 0 : i32
      %dma_wait3A_56 = arith.constant 0 : i32
      %dma_wait3A_57 = tpu.memref_slice %arg2[%dma_wait3A_55, %dma_wait3A_56] : memref<10240x128xf32, #tpu.memory_space<hbm>> -> memref<10240x128xf32, #tpu.memory_space<hbm>>
      tpu.wait_indirect_dma semaphore(%arg9 : memref<!tpu.dma_semaphore, #tpu.memory_space<semaphore_mem>>) src(%dma_wait3A_57 : memref<10240x128xf32, #tpu.memory_space<hbm>>) dst(%dma_wait3A_52 : memref<128x128xf32, #tpu.memory_space<vmem>>)
      %dma_wait3A_58 = arith.constant 128 : i32
      %dma_wait3A_59 = arith.constant 0 : i32
      %dma_wait3A_60 = tpu.memref_slice %arg8[%dma_wait3A_58, %dma_wait3A_59] : memref<512x128xf32, #tpu.memory_space<vmem>> -> memref<128x128xf32, #tpu.memory_space<vmem>>
      %dma_wait3A_61 = arith.constant 128 : i32
      %dma_wait3A_62 = tpu.memref_slice %arg7[%dma_wait3A_61] : memref<512xi32, #tpu.memory_space<vmem>> -> memref<128xi32, #tpu.memory_space<vmem>>
      %dma_wait3A_63 = arith.constant 0 : i32
      %dma_wait3A_64 = arith.constant 0 : i32
      %dma_wait3A_65 = tpu.memref_slice %arg2[%dma_wait3A_63, %dma_wait3A_64] : memref<10240x128xf32, #tpu.memory_space<hbm>> -> memref<10240x128xf32, #tpu.memory_space<hbm>>
      tpu.wait_indirect_dma semaphore(%arg9 : memref<!tpu.dma_semaphore, #tpu.memory_space<semaphore_mem>>) src(%dma_wait3A_65 : memref<10240x128xf32, #tpu.memory_space<hbm>>) dst(%dma_wait3A_60 : memref<128x128xf32, #tpu.memory_space<vmem>>)
      %dma_wait3A_66 = arith.constant 256 : i32
      %dma_wait3A_67 = arith.constant 0 : i32
      %dma_wait3A_68 = tpu.memref_slice %arg8[%dma_wait3A_66, %dma_wait3A_67] : memref<512x128xf32, #tpu.memory_space<vmem>> -> memref<128x128xf32, #tpu.memory_space<vmem>>
      %dma_wait3A_69 = arith.constant 256 : i32
      %dma_wait3A_70 = tpu.memref_slice %arg7[%dma_wait3A_69] : memref<512xi32, #tpu.memory_space<vmem>> -> memref<128xi32, #tpu.memory_space<vmem>>
      %dma_wait3A_71 = arith.constant 0 : i32
      %dma_wait3A_72 = arith.constant 0 : i32
      %dma_wait3A_73 = tpu.memref_slice %arg2[%dma_wait3A_71, %dma_wait3A_72] : memref<10240x128xf32, #tpu.memory_space<hbm>> -> memref<10240x128xf32, #tpu.memory_space<hbm>>
      tpu.wait_indirect_dma semaphore(%arg9 : memref<!tpu.dma_semaphore, #tpu.memory_space<semaphore_mem>>) src(%dma_wait3A_73 : memref<10240x128xf32, #tpu.memory_space<hbm>>) dst(%dma_wait3A_68 : memref<128x128xf32, #tpu.memory_space<vmem>>)
      %dma_wait3A_74 = arith.constant 384 : i32
      %dma_wait3A_75 = arith.constant 0 : i32
      %dma_wait3A_76 = tpu.memref_slice %arg8[%dma_wait3A_74, %dma_wait3A_75] : memref<512x128xf32, #tpu.memory_space<vmem>> -> memref<128x128xf32, #tpu.memory_space<vmem>>
      %dma_wait3A_77 = arith.constant 384 : i32
      %dma_wait3A_78 = tpu.memref_slice %arg7[%dma_wait3A_77] : memref<512xi32, #tpu.memory_space<vmem>> -> memref<128xi32, #tpu.memory_space<vmem>>
      %dma_wait3A_79 = arith.constant 0 : i32
      %dma_wait3A_80 = arith.constant 0 : i32
      %dma_wait3A_81 = tpu.memref_slice %arg2[%dma_wait3A_79, %dma_wait3A_80] : memref<10240x128xf32, #tpu.memory_space<hbm>> -> memref<10240x128xf32, #tpu.memory_space<hbm>>
      tpu.wait_indirect_dma semaphore(%arg9 : memref<!tpu.dma_semaphore, #tpu.memory_space<semaphore_mem>>) src(%dma_wait3A_81 : memref<10240x128xf32, #tpu.memory_space<hbm>>) dst(%dma_wait3A_76 : memref<128x128xf32, #tpu.memory_space<vmem>>)
      "tpu.region"() ({
        %run_scoped3A = tpu.sem_alloc : memref<!tpu.dma_semaphore, #tpu.memory_space<semaphore_mem>>
        %dma_start3A_82 = arith.constant 0 : i32
        %dma_start3A_83 = tpu.memref_slice %arg6[%add3A_19, %dma_start3A_82] : memref<163840x128xf32, #tpu.memory_space<hbm>> -> memref<512x128xf32, #tpu.memory_space<hbm>>
        %dma_start3A_84 = arith.constant 0 : i32
        %dma_start3A_85 = tpu.memref_slice %arg6[%add3A_19, %dma_start3A_84] : memref<163840x128xf32, #tpu.memory_space<hbm>> -> memref<512x128xf32, #tpu.memory_space<hbm>>
        tpu.enqueue_dma source(%arg8 : memref<512x128xf32, #tpu.memory_space<vmem>>) target(%dma_start3A_85 : memref<512x128xf32, #tpu.memory_space<hbm>>) target_semaphore(%run_scoped3A : memref<!tpu.dma_semaphore, #tpu.memory_space<semaphore_mem>>)
        %dma_wait3A_86 = arith.constant 0 : i32
        %dma_wait3A_87 = tpu.memref_slice %arg6[%add3A_19, %dma_wait3A_86] : memref<163840x128xf32, #tpu.memory_space<hbm>> -> memref<512x128xf32, #tpu.memory_space<hbm>>
        %dma_wait3A_88 = arith.constant 0 : i32
        %dma_wait3A_89 = tpu.memref_slice %arg6[%add3A_19, %dma_wait3A_88] : memref<163840x128xf32, #tpu.memory_space<hbm>> -> memref<512x128xf32, #tpu.memory_space<hbm>>
        tpu.wait_dma2 semaphore(%run_scoped3A : memref<!tpu.dma_semaphore, #tpu.memory_space<semaphore_mem>>) src(%arg8 : memref<512x128xf32, #tpu.memory_space<vmem>>) dst(%dma_wait3A_89 : memref<512x128xf32, #tpu.memory_space<hbm>>)
        tpu.yield
      }) : () -> ()
    }
    %scan3A_11 = arith.constant 10 : i32
    return
  }
}

#map = affine_map<(d0, d1) -> (0, 0)>
#map1 = affine_map<(d0, d1) -> (0)>
module attributes {stable_mosaic.version = 14 : i64} {
  func.func @body(%arg0: i32, %arg1: i32, %arg2: memref<163840x128xf32, #tpu.memory_space<hbm>>, %arg3: memref<163840xi32, #tpu.memory_space<hbm>>, %arg4: memref<32x40960xf32, #tpu.memory_space<hbm>>, %arg5: memref<4096xi32, #tpu.memory_space<vmem>>, %arg6: memref<4112xi32, #tpu.memory_space<vmem>>, %arg7: memref<4112xi32, #tpu.memory_space<vmem>>, %arg8: memref<128x128xf32, #tpu.memory_space<vmem>>, %arg9: memref<40960xf32, #tpu.memory_space<vmem>>, %arg10: memref<!tpu.dma_semaphore, #tpu.memory_space<semaphore_mem>>) attributes {dimension_semantics = [#tpu.dimension_semantics<core_parallel>, #tpu.dimension_semantics<subcore_parallel>], iteration_bounds = array<i64: 2, 16>, scalar_prefetch = 0 : i64, scratch_operands = 6 : i64, tpu.core_type = #tpu.core_type<sc_vector_subcore>, window_params = [{transform_indices = #map}, {transform_indices = #map1}, {transform_indices = #map}]} {
    %mul3A = arith.constant 2 : i32
    %mul3A_0 = arith.muli %arg1, %mul3A : i32
    %add3A = arith.addi %mul3A_0, %arg0 : i32
    %mul3A_1 = arith.constant 320 : i32
    %mul3A_2 = arith.muli %add3A, %mul3A_1 : i32
    %iota3A = tpu.iota {dimensions = array<i32: 0>} : vector<16xi32>
    %scan3A = arith.constant 0 : i32
    %scan3A_3 = arith.constant 2560 : i32
    %scan3A_4 = arith.addi %scan3A, %scan3A_3 : i32
    %scan3A_5 = arith.constant 1 : i32
    scf.for %scan3A_17 = %scan3A to %scan3A_4 step %scan3A_5  : i32 {
      %mul3A_18 = arith.constant 1 : i32
      %mul3A_19 = arith.muli %scan3A_17, %mul3A_18 : i32
      %add3A_20 = arith.constant 0 : i32
      %add3A_21 = arith.addi %add3A_20, %mul3A_19 : i32
      %broadcast_in_dim3A = arith.constant 0.000000e+00 : f32
      %broadcast_in_dim3A_22 = vector.broadcast %broadcast_in_dim3A : f32 to vector<16xf32>
      %mul3A_23 = arith.constant 16 : i32
      %mul3A_24 = arith.muli %add3A_21, %mul3A_23 : i32
      %swap3A = arith.index_cast %mul3A_24 : i32 to index
      %swap3A_25 = tpu.vector_load %arg9[%swap3A] {strides = array<i32>} : memref<40960xf32, #tpu.memory_space<vmem>>, vector<16xf32>,
      tpu.vector_store %arg9[%swap3A], %broadcast_in_dim3A_22 {strides = array<i32>} : memref<40960xf32, #tpu.memory_space<vmem>>, vector<16xf32>,
    }
    %scan3A_6 = arith.constant 2560 : i32
    %scan3A_7 = arith.constant 0 : i32
    %scan3A_8 = arith.constant 257 : i32
    %scan3A_9 = arith.addi %scan3A_7, %scan3A_8 : i32
    %scan3A_10 = arith.constant 1 : i32
    scf.for %scan3A_17 = %scan3A_7 to %scan3A_9 step %scan3A_10  : i32 {
      %mul3A_18 = arith.constant 1 : i32
      %mul3A_19 = arith.muli %scan3A_17, %mul3A_18 : i32
      %add3A_20 = arith.constant 0 : i32
      %add3A_21 = arith.addi %add3A_20, %mul3A_19 : i32
      %broadcast_in_dim3A = arith.constant 0 : i32
      %broadcast_in_dim3A_22 = vector.broadcast %broadcast_in_dim3A : i32 to vector<16xi32>
      %mul3A_23 = arith.constant 16 : i32
      %mul3A_24 = arith.muli %add3A_21, %mul3A_23 : i32
      %swap3A = arith.index_cast %mul3A_24 : i32 to index
      %swap3A_25 = tpu.vector_load %arg6[%swap3A] {strides = array<i32>} : memref<4112xi32, #tpu.memory_space<vmem>>, vector<16xi32>,
      tpu.vector_store %arg6[%swap3A], %broadcast_in_dim3A_22 {strides = array<i32>} : memref<4112xi32, #tpu.memory_space<vmem>>, vector<16xi32>,
      %broadcast_in_dim3A_26 = vector.broadcast %mul3A_2 : i32 to vector<16xi32>
      %mul3A_27 = arith.constant 16 : i32
      %mul3A_28 = arith.muli %add3A_21, %mul3A_27 : i32
      %swap3A_29 = arith.index_cast %mul3A_28 : i32 to index
      %swap3A_30 = tpu.vector_load %arg7[%swap3A_29] {strides = array<i32>} : memref<4112xi32, #tpu.memory_space<vmem>>, vector<16xi32>,
      tpu.vector_store %arg7[%swap3A_29], %broadcast_in_dim3A_26 {strides = array<i32>} : memref<4112xi32, #tpu.memory_space<vmem>>, vector<16xi32>,
    }
    %scan3A_11 = arith.constant 257 : i32
    %scan3A_12 = arith.constant 0 : i32
    %scan3A_13 = arith.constant 40 : i32
    %scan3A_14 = arith.addi %scan3A_12, %scan3A_13 : i32
    %scan3A_15 = arith.constant 1 : i32
    scf.for %scan3A_17 = %scan3A_12 to %scan3A_14 step %scan3A_15  : i32 {
      %mul3A_18 = arith.constant 1 : i32
      %mul3A_19 = arith.muli %scan3A_17, %mul3A_18 : i32
      %add3A_20 = arith.constant 0 : i32
      %add3A_21 = arith.addi %add3A_20, %mul3A_19 : i32
      %mul3A_22 = arith.constant 4096 : i32
      %mul3A_23 = arith.muli %add3A_21, %mul3A_22 : i32
      "tpu.region"() ({
        %run_scoped3A = tpu.sem_alloc : memref<!tpu.dma_semaphore, #tpu.memory_space<semaphore_mem>>
        %dma_start3A = tpu.memref_slice %arg3[%mul3A_23] : memref<163840xi32, #tpu.memory_space<hbm>> -> memref<4096xi32, #tpu.memory_space<hbm>>
        %dma_start3A_69 = tpu.memref_slice %arg3[%mul3A_23] : memref<163840xi32, #tpu.memory_space<hbm>> -> memref<4096xi32, #tpu.memory_space<hbm>>
        tpu.enqueue_dma source(%dma_start3A_69 : memref<4096xi32, #tpu.memory_space<hbm>>) target(%arg5 : memref<4096xi32, #tpu.memory_space<vmem>>) target_semaphore(%run_scoped3A : memref<!tpu.dma_semaphore, #tpu.memory_space<semaphore_mem>>)
        %dma_wait3A = tpu.memref_slice %arg3[%mul3A_23] : memref<163840xi32, #tpu.memory_space<hbm>> -> memref<4096xi32, #tpu.memory_space<hbm>>
        %dma_wait3A_70 = tpu.memref_slice %arg3[%mul3A_23] : memref<163840xi32, #tpu.memory_space<hbm>> -> memref<4096xi32, #tpu.memory_space<hbm>>
        tpu.wait_dma2 semaphore(%run_scoped3A : memref<!tpu.dma_semaphore, #tpu.memory_space<semaphore_mem>>) src(%dma_wait3A_70 : memref<4096xi32, #tpu.memory_space<hbm>>) dst(%arg5 : memref<4096xi32, #tpu.memory_space<vmem>>)
        tpu.yield
      }) : () -> ()
      %scan3A_24 = arith.constant 0 : i32
      %scan3A_25 = arith.constant 0 : i32
      %scan3A_26 = arith.constant 256 : i32
      %scan3A_27 = arith.addi %scan3A_25, %scan3A_26 : i32
      %scan3A_28 = arith.constant 1 : i32
      %scan3A_29 = scf.for %scan3A_69 = %scan3A_25 to %scan3A_27 step %scan3A_28 iter_args(%scan3A_70 = %scan3A_24) -> (i32)  : i32 {
        %mul3A_71 = arith.constant 1 : i32
        %mul3A_72 = arith.muli %scan3A_69, %mul3A_71 : i32
        %add3A_73 = arith.constant 0 : i32
        %add3A_74 = arith.addi %add3A_73, %mul3A_72 : i32
        %mul3A_75 = arith.constant 16 : i32
        %mul3A_76 = arith.muli %add3A_74, %mul3A_75 : i32
        %get3A = arith.index_cast %mul3A_76 : i32 to index
        %get3A_77 = tpu.vector_load %arg5[%get3A] {strides = array<i32>} : memref<4096xi32, #tpu.memory_space<vmem>>, vector<16xi32>,
        %ge3A = vector.broadcast %mul3A_2 : i32 to vector<16xi32>
        %ge3A_78 = arith.cmpi sge, %get3A_77, %ge3A : vector<16xi32>
        %add3A_79 = arith.constant 320 : i32
        %add3A_80 = arith.addi %mul3A_2, %add3A_79 : i32
        %lt3A = vector.broadcast %add3A_80 : i32 to vector<16xi32>
        %lt3A_81 = arith.cmpi slt, %get3A_77, %lt3A : vector<16xi32>
        %and3A_82 = arith.andi %ge3A_78, %lt3A_81 : vector<16xi1>
        %convert_element_type3A = arith.extui %and3A_82 : vector<16xi1> to vector<16xi32>
        %broadcast_in_dim3A = arith.constant true
        %broadcast_in_dim3A_83 = vector.broadcast %broadcast_in_dim3A : i1 to vector<16xi1>
        %masked_cumsum3A = tpu.scan <sum>, %convert_element_type3A masked %broadcast_in_dim3A_83 : vector<16xi32>, vector<16xi1> -> vector<16xi32>
        %add3A_84 = vector.broadcast %scan3A_70 : i32 to vector<16xi32>
        %add3A_85 = arith.addi %add3A_84, %masked_cumsum3A : vector<16xi32>
        %sub3A_86 = arith.subi %add3A_85, %convert_element_type3A : vector<16xi32>
        %jit3A_87 = arith.constant 4096 : i32
        %broadcast_in_dim3A_88 = vector.broadcast %jit3A_87 : i32 to vector<16xi32>
        %select_n3A_89 = arith.select %and3A_82, %sub3A_86, %broadcast_in_dim3A_88 : vector<16xi1>, vector<16xi32>
        %mul3A_90 = arith.constant 16 : i32
        %mul3A_91 = arith.muli %add3A_74, %mul3A_90 : i32
        %add3A_92 = arith.addi %mul3A_23, %mul3A_91 : i32
        %add3A_93 = vector.broadcast %add3A_92 : i32 to vector<16xi32>
        %add3A_94 = arith.addi %iota3A, %add3A_93 : vector<16xi32>
        tpu.vector_store_idx %arg6[%select_n3A_89], %add3A_94 : memref<4112xi32, #tpu.memory_space<vmem>>[vector<16xi32>], vector<16xi32>,
        tpu.vector_store_idx %arg7[%select_n3A_89], %get3A_77 : memref<4112xi32, #tpu.memory_space<vmem>>[vector<16xi32>], vector<16xi32>,
        %reduce_max3A = arith.constant true
        %reduce_max3A_95 = vector.broadcast %reduce_max3A : i1 to vector<16xi1>
        %reduce_max3A_96 = arith.constant -2147483648 : i32
        %reduce_max3A_97 = vector.broadcast %reduce_max3A_96 : i32 to vector<16xi32>
        %reduce_max3A_98 = arith.xori %masked_cumsum3A, %reduce_max3A_97 : vector<16xi32>
        %reduce_max3A_99 = tpu.scan <max>, %reduce_max3A_98 masked %reduce_max3A_95 : vector<16xi32>, vector<16xi1> -> vector<16xi32>
        %reduce_max3A_100 = arith.xori %reduce_max3A_99, %reduce_max3A_97 : vector<16xi32>
        %reduce_max3A_101 = vector.extract %reduce_max3A_100[15] : i32 from vector<16xi32>
        %add3A_102 = arith.addi %scan3A_70, %reduce_max3A_101 : i32
        scf.yield %add3A_102 : i32
      }
      %scan3A_30 = arith.constant 256 : i32
      %add3A_31 = arith.constant 128 : i32
      %add3A_32 = arith.addi %scan3A_29, %add3A_31 : i32
      %sub3A = arith.constant 1 : i32
      %sub3A_33 = arith.subi %add3A_32, %sub3A : i32
      %jit3A = arith.constant 128 : i32
      %div3A = arith.divsi %sub3A_33, %jit3A : i32
      %sign3A = arith.constant 0 : i32
      %sign3A_34 = arith.cmpi sgt, %sub3A_33, %sign3A : i32
      %sign3A_35 = arith.extui %sign3A_34 : i1 to i32
      %sign3A_36 = arith.constant 0 : i32
      %sign3A_37 = arith.cmpi slt, %sub3A_33, %sign3A_36 : i32
      %sign3A_38 = arith.extui %sign3A_37 : i1 to i32
      %sign3A_39 = arith.subi %sign3A_35, %sign3A_38 : i32
      %sign3A_40 = arith.constant 0 : i32
      %sign3A_41 = arith.cmpi sgt, %jit3A, %sign3A_40 : i32
      %sign3A_42 = arith.extui %sign3A_41 : i1 to i32
      %sign3A_43 = arith.constant 0 : i32
      %sign3A_44 = arith.cmpi slt, %jit3A, %sign3A_43 : i32
      %sign3A_45 = arith.extui %sign3A_44 : i1 to i32
      %sign3A_46 = arith.subi %sign3A_42, %sign3A_45 : i32
      %ne3A = arith.cmpi ne, %sign3A_39, %sign3A_46 : i32
      %rem3A = arith.remsi %sub3A_33, %jit3A : i32
      %ne3A_47 = arith.constant 0 : i32
      %ne3A_48 = arith.cmpi ne, %rem3A, %ne3A_47 : i32
      %and3A = arith.andi %ne3A, %ne3A_48 : i1
      %sub3A_49 = arith.constant 1 : i32
      %sub3A_50 = arith.subi %div3A, %sub3A_49 : i32
      %select_n3A = arith.select %and3A, %sub3A_50, %div3A : i32
      %sub3A_51 = arith.constant 0 : i32
      %sub3A_52 = arith.subi %select_n3A, %sub3A_51 : i32
      %sub3A_53 = arith.constant 1 : i32
      %sub3A_54 = arith.constant 1 : i32
      %sub3A_55 = arith.subi %sub3A_53, %sub3A_54 : i32
      %add3A_56 = arith.addi %sub3A_52, %sub3A_55 : i32
      %div3A_57 = arith.constant 1 : i32
      %div3A_58 = arith.divsi %add3A_56, %div3A_57 : i32
      %while3A = arith.constant 1 : i32
      %while3A_59 = arith.constant 0 : i32
      %while3A_60 = arith.constant 0 : i32
      %while3A_61 = arith.subi %div3A_58, %while3A_60 : i32
      %while3A_62 = arith.addi %while3A_60, %while3A_61 : i32
      %while3A_63 = arith.constant 1 : i32
      %while3A_64 = arith.divsi %while3A_61, %while3A_63 : i32
      %while3A_65 = arith.muli %while3A_64, %while3A_63 : i32
      %while3A_66 = arith.addi %while3A_60, %while3A_65 : i32
      %while3A_67 = arith.constant 1 : i32
      scf.for %while3A_69 = %while3A_60 to %while3A_66 step %while3A_67  : i32 {
        %mul3A_70 = arith.muli %while3A_69, %while3A : i32
        %add3A_71 = arith.addi %while3A_59, %mul3A_70 : i32
        %mul3A_72 = arith.constant 128 : i32
        %mul3A_73 = arith.muli %add3A_71, %mul3A_72 : i32
        %dma_start3A = tpu.memref_slice %arg6[%mul3A_73] : memref<4112xi32, #tpu.memory_space<vmem>> -> memref<128xi32, #tpu.memory_space<vmem>>
        %dma_start3A_74 = arith.constant 0 : i32
        %dma_start3A_75 = arith.constant 0 : i32
        %dma_start3A_76 = tpu.memref_slice %arg2[%dma_start3A_74, %dma_start3A_75] : memref<163840x128xf32, #tpu.memory_space<hbm>> -> memref<163840x128xf32, #tpu.memory_space<hbm>>
        tpu.enqueue_indirect_dma source(%dma_start3A_76 : memref<163840x128xf32, #tpu.memory_space<hbm>>) target(%arg8 : memref<128x128xf32, #tpu.memory_space<vmem>>) offsets(%dma_start3A : memref<128xi32, #tpu.memory_space<vmem>>) semaphore(%arg10 : memref<!tpu.dma_semaphore, #tpu.memory_space<semaphore_mem>>)
        %dma_wait3A = tpu.memref_slice %arg6[%mul3A_73] : memref<4112xi32, #tpu.memory_space<vmem>> -> memref<128xi32, #tpu.memory_space<vmem>>
        %dma_wait3A_77 = arith.constant 0 : i32
        %dma_wait3A_78 = arith.constant 0 : i32
        %dma_wait3A_79 = tpu.memref_slice %arg2[%dma_wait3A_77, %dma_wait3A_78] : memref<163840x128xf32, #tpu.memory_space<hbm>> -> memref<163840x128xf32, #tpu.memory_space<hbm>>
        tpu.wait_indirect_dma semaphore(%arg10 : memref<!tpu.dma_semaphore, #tpu.memory_space<semaphore_mem>>) src(%dma_wait3A_79 : memref<163840x128xf32, #tpu.memory_space<hbm>>) dst(%arg8 : memref<128x128xf32, #tpu.memory_space<vmem>>)
        %mul3A_80 = arith.constant 128 : i32
        %mul3A_81 = arith.muli %add3A_71, %mul3A_80 : i32
        %add3A_82 = arith.constant 1 : i32
        %add3A_83 = arith.addi %add3A_71, %add3A_82 : i32
        %mul3A_84 = arith.constant 128 : i32
        %mul3A_85 = arith.muli %add3A_83, %mul3A_84 : i32
        %min3A = arith.minsi %scan3A_29, %mul3A_85 : i32
        %sub3A_86 = arith.subi %min3A, %mul3A_81 : i32
        %sub3A_87 = arith.constant 1 : i32
        %sub3A_88 = arith.constant 1 : i32
        %sub3A_89 = arith.subi %sub3A_87, %sub3A_88 : i32
        %add3A_90 = arith.addi %sub3A_86, %sub3A_89 : i32
        %div3A_91 = arith.constant 1 : i32
        %div3A_92 = arith.divsi %add3A_90, %div3A_91 : i32
        %while3A_93 = arith.constant 1 : i32
        %while3A_94 = arith.constant 0 : i32
        %while3A_95 = arith.subi %div3A_92, %while3A_94 : i32
        %while3A_96 = arith.addi %while3A_94, %while3A_95 : i32
        %while3A_97 = arith.constant 1 : i32
        %while3A_98 = arith.divsi %while3A_95, %while3A_97 : i32
        %while3A_99 = arith.muli %while3A_98, %while3A_97 : i32
        %while3A_100 = arith.addi %while3A_94, %while3A_99 : i32
        %while3A_101 = arith.constant 1 : i32
        scf.for %while3A_103 = %while3A_94 to %while3A_100 step %while3A_101  : i32 {
          %mul3A_104 = arith.muli %while3A_103, %while3A_93 : i32
          %add3A_105 = arith.addi %mul3A_81, %mul3A_104 : i32
          %mul3A_106 = arith.constant 128 : i32
          %mul3A_107 = arith.muli %add3A_71, %mul3A_106 : i32
          %sub3A_108 = arith.subi %add3A_105, %mul3A_107 : i32
          %broadcast_in_dim3A = vector.broadcast %add3A_105 : i32 to vector<16xi32>
          %gather3A = tpu.vector_load_idx %arg7[%broadcast_in_dim3A] : memref<4112xi32, #tpu.memory_space<vmem>>[vector<16xi32>], vector<16xi32>,
          %reduce_max3A = arith.constant true
          %reduce_max3A_109 = vector.broadcast %reduce_max3A : i1 to vector<16xi1>
          %reduce_max3A_110 = arith.constant -2147483648 : i32
          %reduce_max3A_111 = vector.broadcast %reduce_max3A_110 : i32 to vector<16xi32>
          %reduce_max3A_112 = arith.xori %gather3A, %reduce_max3A_111 : vector<16xi32>
          %reduce_max3A_113 = tpu.scan <max>, %reduce_max3A_112 masked %reduce_max3A_109 : vector<16xi32>, vector<16xi1> -> vector<16xi32>
          %reduce_max3A_114 = arith.xori %reduce_max3A_113, %reduce_max3A_111 : vector<16xi32>
          %reduce_max3A_115 = vector.extract %reduce_max3A_114[15] : i32 from vector<16xi32>
          %sub3A_116 = arith.subi %reduce_max3A_115, %mul3A_2 : i32
          %mul3A_117 = arith.constant 128 : i32
          %mul3A_118 = arith.muli %sub3A_116, %mul3A_117 : i32
          %add3A_119 = arith.constant 0 : i32
          %add3A_120 = arith.addi %mul3A_118, %add3A_119 : i32
          %get3A = arith.index_cast %add3A_120 : i32 to index
          %get3A_121 = tpu.vector_load %arg9[%get3A] {strides = array<i32>} : memref<40960xf32, #tpu.memory_space<vmem>>, vector<16xf32>,
          %get3A_122 = arith.index_cast %sub3A_108 : i32 to index
          %get3A_123 = arith.constant 0 : index
          %get3A_124 = tpu.vector_load %arg8[%get3A_122, %get3A_123] {strides = array<i32>} : memref<128x128xf32, #tpu.memory_space<vmem>>, vector<16xf32>,
          %max3A = arith.maximumf %get3A_121, %get3A_124 : vector<16xf32>
          %add3A_125 = arith.constant 0 : i32
          %add3A_126 = arith.addi %mul3A_118, %add3A_125 : i32
          %swap3A = arith.index_cast %add3A_126 : i32 to index
          %swap3A_127 = tpu.vector_load %arg9[%swap3A] {strides = array<i32>} : memref<40960xf32, #tpu.memory_space<vmem>>, vector<16xf32>,
          tpu.vector_store %arg9[%swap3A], %max3A {strides = array<i32>} : memref<40960xf32, #tpu.memory_space<vmem>>, vector<16xf32>,
          %add3A_128 = arith.constant 16 : i32
          %add3A_129 = arith.addi %mul3A_118, %add3A_128 : i32
          %get3A_130 = arith.index_cast %add3A_129 : i32 to index
          %get3A_131 = tpu.vector_load %arg9[%get3A_130] {strides = array<i32>} : memref<40960xf32, #tpu.memory_space<vmem>>, vector<16xf32>,
          %get3A_132 = arith.index_cast %sub3A_108 : i32 to index
          %get3A_133 = arith.constant 16 : index
          %get3A_134 = tpu.vector_load %arg8[%get3A_132, %get3A_133] {strides = array<i32>} : memref<128x128xf32, #tpu.memory_space<vmem>>, vector<16xf32>,
          %max3A_135 = arith.maximumf %get3A_131, %get3A_134 : vector<16xf32>
          %add3A_136 = arith.constant 16 : i32
          %add3A_137 = arith.addi %mul3A_118, %add3A_136 : i32
          %swap3A_138 = arith.index_cast %add3A_137 : i32 to index
          %swap3A_139 = tpu.vector_load %arg9[%swap3A_138] {strides = array<i32>} : memref<40960xf32, #tpu.memory_space<vmem>>, vector<16xf32>,
          tpu.vector_store %arg9[%swap3A_138], %max3A_135 {strides = array<i32>} : memref<40960xf32, #tpu.memory_space<vmem>>, vector<16xf32>,
          %add3A_140 = arith.constant 32 : i32
          %add3A_141 = arith.addi %mul3A_118, %add3A_140 : i32
          %get3A_142 = arith.index_cast %add3A_141 : i32 to index
          %get3A_143 = tpu.vector_load %arg9[%get3A_142] {strides = array<i32>} : memref<40960xf32, #tpu.memory_space<vmem>>, vector<16xf32>,
          %get3A_144 = arith.index_cast %sub3A_108 : i32 to index
          %get3A_145 = arith.constant 32 : index
          %get3A_146 = tpu.vector_load %arg8[%get3A_144, %get3A_145] {strides = array<i32>} : memref<128x128xf32, #tpu.memory_space<vmem>>, vector<16xf32>,
          %max3A_147 = arith.maximumf %get3A_143, %get3A_146 : vector<16xf32>
          %add3A_148 = arith.constant 32 : i32
          %add3A_149 = arith.addi %mul3A_118, %add3A_148 : i32
          %swap3A_150 = arith.index_cast %add3A_149 : i32 to index
          %swap3A_151 = tpu.vector_load %arg9[%swap3A_150] {strides = array<i32>} : memref<40960xf32, #tpu.memory_space<vmem>>, vector<16xf32>,
          tpu.vector_store %arg9[%swap3A_150], %max3A_147 {strides = array<i32>} : memref<40960xf32, #tpu.memory_space<vmem>>, vector<16xf32>,
          %add3A_152 = arith.constant 48 : i32
          %add3A_153 = arith.addi %mul3A_118, %add3A_152 : i32
          %get3A_154 = arith.index_cast %add3A_153 : i32 to index
          %get3A_155 = tpu.vector_load %arg9[%get3A_154] {strides = array<i32>} : memref<40960xf32, #tpu.memory_space<vmem>>, vector<16xf32>,
          %get3A_156 = arith.index_cast %sub3A_108 : i32 to index
          %get3A_157 = arith.constant 48 : index
          %get3A_158 = tpu.vector_load %arg8[%get3A_156, %get3A_157] {strides = array<i32>} : memref<128x128xf32, #tpu.memory_space<vmem>>, vector<16xf32>,
          %max3A_159 = arith.maximumf %get3A_155, %get3A_158 : vector<16xf32>
          %add3A_160 = arith.constant 48 : i32
          %add3A_161 = arith.addi %mul3A_118, %add3A_160 : i32
          %swap3A_162 = arith.index_cast %add3A_161 : i32 to index
          %swap3A_163 = tpu.vector_load %arg9[%swap3A_162] {strides = array<i32>} : memref<40960xf32, #tpu.memory_space<vmem>>, vector<16xf32>,
          tpu.vector_store %arg9[%swap3A_162], %max3A_159 {strides = array<i32>} : memref<40960xf32, #tpu.memory_space<vmem>>, vector<16xf32>,
        }
        %while3A_102 = arith.constant 1 : i32
        scf.for %while3A_103 = %while3A_100 to %while3A_96 step %while3A_102  : i32 {
          %mul3A_104 = arith.muli %while3A_103, %while3A_93 : i32
          %add3A_105 = arith.addi %mul3A_81, %mul3A_104 : i32
          %mul3A_106 = arith.constant 128 : i32
          %mul3A_107 = arith.muli %add3A_71, %mul3A_106 : i32
          %sub3A_108 = arith.subi %add3A_105, %mul3A_107 : i32
          %broadcast_in_dim3A = vector.broadcast %add3A_105 : i32 to vector<16xi32>
          %gather3A = tpu.vector_load_idx %arg7[%broadcast_in_dim3A] : memref<4112xi32, #tpu.memory_space<vmem>>[vector<16xi32>], vector<16xi32>,
          %reduce_max3A = arith.constant true
          %reduce_max3A_109 = vector.broadcast %reduce_max3A : i1 to vector<16xi1>
          %reduce_max3A_110 = arith.constant -2147483648 : i32
          %reduce_max3A_111 = vector.broadcast %reduce_max3A_110 : i32 to vector<16xi32>
          %reduce_max3A_112 = arith.xori %gather3A, %reduce_max3A_111 : vector<16xi32>
          %reduce_max3A_113 = tpu.scan <max>, %reduce_max3A_112 masked %reduce_max3A_109 : vector<16xi32>, vector<16xi1> -> vector<16xi32>
          %reduce_max3A_114 = arith.xori %reduce_max3A_113, %reduce_max3A_111 : vector<16xi32>
          %reduce_max3A_115 = vector.extract %reduce_max3A_114[15] : i32 from vector<16xi32>
          %sub3A_116 = arith.subi %reduce_max3A_115, %mul3A_2 : i32
          %mul3A_117 = arith.constant 128 : i32
          %mul3A_118 = arith.muli %sub3A_116, %mul3A_117 : i32
          %add3A_119 = arith.constant 0 : i32
          %add3A_120 = arith.addi %mul3A_118, %add3A_119 : i32
          %get3A = arith.index_cast %add3A_120 : i32 to index
          %get3A_121 = tpu.vector_load %arg9[%get3A] {strides = array<i32>} : memref<40960xf32, #tpu.memory_space<vmem>>, vector<16xf32>,
          %get3A_122 = arith.index_cast %sub3A_108 : i32 to index
          %get3A_123 = arith.constant 0 : index
          %get3A_124 = tpu.vector_load %arg8[%get3A_122, %get3A_123] {strides = array<i32>} : memref<128x128xf32, #tpu.memory_space<vmem>>, vector<16xf32>,
          %max3A = arith.maximumf %get3A_121, %get3A_124 : vector<16xf32>
          %add3A_125 = arith.constant 0 : i32
          %add3A_126 = arith.addi %mul3A_118, %add3A_125 : i32
          %swap3A = arith.index_cast %add3A_126 : i32 to index
          %swap3A_127 = tpu.vector_load %arg9[%swap3A] {strides = array<i32>} : memref<40960xf32, #tpu.memory_space<vmem>>, vector<16xf32>,
          tpu.vector_store %arg9[%swap3A], %max3A {strides = array<i32>} : memref<40960xf32, #tpu.memory_space<vmem>>, vector<16xf32>,
          %add3A_128 = arith.constant 16 : i32
          %add3A_129 = arith.addi %mul3A_118, %add3A_128 : i32
          %get3A_130 = arith.index_cast %add3A_129 : i32 to index
          %get3A_131 = tpu.vector_load %arg9[%get3A_130] {strides = array<i32>} : memref<40960xf32, #tpu.memory_space<vmem>>, vector<16xf32>,
          %get3A_132 = arith.index_cast %sub3A_108 : i32 to index
          %get3A_133 = arith.constant 16 : index
          %get3A_134 = tpu.vector_load %arg8[%get3A_132, %get3A_133] {strides = array<i32>} : memref<128x128xf32, #tpu.memory_space<vmem>>, vector<16xf32>,
          %max3A_135 = arith.maximumf %get3A_131, %get3A_134 : vector<16xf32>
          %add3A_136 = arith.constant 16 : i32
          %add3A_137 = arith.addi %mul3A_118, %add3A_136 : i32
          %swap3A_138 = arith.index_cast %add3A_137 : i32 to index
          %swap3A_139 = tpu.vector_load %arg9[%swap3A_138] {strides = array<i32>} : memref<40960xf32, #tpu.memory_space<vmem>>, vector<16xf32>,
          tpu.vector_store %arg9[%swap3A_138], %max3A_135 {strides = array<i32>} : memref<40960xf32, #tpu.memory_space<vmem>>, vector<16xf32>,
          %add3A_140 = arith.constant 32 : i32
          %add3A_141 = arith.addi %mul3A_118, %add3A_140 : i32
          %get3A_142 = arith.index_cast %add3A_141 : i32 to index
          %get3A_143 = tpu.vector_load %arg9[%get3A_142] {strides = array<i32>} : memref<40960xf32, #tpu.memory_space<vmem>>, vector<16xf32>,
          %get3A_144 = arith.index_cast %sub3A_108 : i32 to index
          %get3A_145 = arith.constant 32 : index
          %get3A_146 = tpu.vector_load %arg8[%get3A_144, %get3A_145] {strides = array<i32>} : memref<128x128xf32, #tpu.memory_space<vmem>>, vector<16xf32>,
          %max3A_147 = arith.maximumf %get3A_143, %get3A_146 : vector<16xf32>
          %add3A_148 = arith.constant 32 : i32
          %add3A_149 = arith.addi %mul3A_118, %add3A_148 : i32
          %swap3A_150 = arith.index_cast %add3A_149 : i32 to index
          %swap3A_151 = tpu.vector_load %arg9[%swap3A_150] {strides = array<i32>} : memref<40960xf32, #tpu.memory_space<vmem>>, vector<16xf32>,
          tpu.vector_store %arg9[%swap3A_150], %max3A_147 {strides = array<i32>} : memref<40960xf32, #tpu.memory_space<vmem>>, vector<16xf32>,
          %add3A_152 = arith.constant 48 : i32
          %add3A_153 = arith.addi %mul3A_118, %add3A_152 : i32
          %get3A_154 = arith.index_cast %add3A_153 : i32 to index
          %get3A_155 = tpu.vector_load %arg9[%get3A_154] {strides = array<i32>} : memref<40960xf32, #tpu.memory_space<vmem>>, vector<16xf32>,
          %get3A_156 = arith.index_cast %sub3A_108 : i32 to index
          %get3A_157 = arith.constant 48 : index
          %get3A_158 = tpu.vector_load %arg8[%get3A_156, %get3A_157] {strides = array<i32>} : memref<128x128xf32, #tpu.memory_space<vmem>>, vector<16xf32>,
          %max3A_159 = arith.maximumf %get3A_155, %get3A_158 : vector<16xf32>
          %add3A_160 = arith.constant 48 : i32
          %add3A_161 = arith.addi %mul3A_118, %add3A_160 : i32
          %swap3A_162 = arith.index_cast %add3A_161 : i32 to index
          %swap3A_163 = tpu.vector_load %arg9[%swap3A_162] {strides = array<i32>} : memref<40960xf32, #tpu.memory_space<vmem>>, vector<16xf32>,
          tpu.vector_store %arg9[%swap3A_162], %max3A_159 {strides = array<i32>} : memref<40960xf32, #tpu.memory_space<vmem>>, vector<16xf32>,
        }
      }
      %while3A_68 = arith.constant 1 : i32
      scf.for %while3A_69 = %while3A_66 to %while3A_62 step %while3A_68  : i32 {
        %mul3A_70 = arith.muli %while3A_69, %while3A : i32
        %add3A_71 = arith.addi %while3A_59, %mul3A_70 : i32
        %mul3A_72 = arith.constant 128 : i32
        %mul3A_73 = arith.muli %add3A_71, %mul3A_72 : i32
        %dma_start3A = tpu.memref_slice %arg6[%mul3A_73] : memref<4112xi32, #tpu.memory_space<vmem>> -> memref<128xi32, #tpu.memory_space<vmem>>
        %dma_start3A_74 = arith.constant 0 : i32
        %dma_start3A_75 = arith.constant 0 : i32
        %dma_start3A_76 = tpu.memref_slice %arg2[%dma_start3A_74, %dma_start3A_75] : memref<163840x128xf32, #tpu.memory_space<hbm>> -> memref<163840x128xf32, #tpu.memory_space<hbm>>
        tpu.enqueue_indirect_dma source(%dma_start3A_76 : memref<163840x128xf32, #tpu.memory_space<hbm>>) target(%arg8 : memref<128x128xf32, #tpu.memory_space<vmem>>) offsets(%dma_start3A : memref<128xi32, #tpu.memory_space<vmem>>) semaphore(%arg10 : memref<!tpu.dma_semaphore, #tpu.memory_space<semaphore_mem>>)
        %dma_wait3A = tpu.memref_slice %arg6[%mul3A_73] : memref<4112xi32, #tpu.memory_space<vmem>> -> memref<128xi32, #tpu.memory_space<vmem>>
        %dma_wait3A_77 = arith.constant 0 : i32
        %dma_wait3A_78 = arith.constant 0 : i32
        %dma_wait3A_79 = tpu.memref_slice %arg2[%dma_wait3A_77, %dma_wait3A_78] : memref<163840x128xf32, #tpu.memory_space<hbm>> -> memref<163840x128xf32, #tpu.memory_space<hbm>>
        tpu.wait_indirect_dma semaphore(%arg10 : memref<!tpu.dma_semaphore, #tpu.memory_space<semaphore_mem>>) src(%dma_wait3A_79 : memref<163840x128xf32, #tpu.memory_space<hbm>>) dst(%arg8 : memref<128x128xf32, #tpu.memory_space<vmem>>)
        %mul3A_80 = arith.constant 128 : i32
        %mul3A_81 = arith.muli %add3A_71, %mul3A_80 : i32
        %add3A_82 = arith.constant 1 : i32
        %add3A_83 = arith.addi %add3A_71, %add3A_82 : i32
        %mul3A_84 = arith.constant 128 : i32
        %mul3A_85 = arith.muli %add3A_83, %mul3A_84 : i32
        %min3A = arith.minsi %scan3A_29, %mul3A_85 : i32
        %sub3A_86 = arith.subi %min3A, %mul3A_81 : i32
        %sub3A_87 = arith.constant 1 : i32
        %sub3A_88 = arith.constant 1 : i32
        %sub3A_89 = arith.subi %sub3A_87, %sub3A_88 : i32
        %add3A_90 = arith.addi %sub3A_86, %sub3A_89 : i32
        %div3A_91 = arith.constant 1 : i32
        %div3A_92 = arith.divsi %add3A_90, %div3A_91 : i32
        %while3A_93 = arith.constant 1 : i32
        %while3A_94 = arith.constant 0 : i32
        %while3A_95 = arith.subi %div3A_92, %while3A_94 : i32
        %while3A_96 = arith.addi %while3A_94, %while3A_95 : i32
        %while3A_97 = arith.constant 1 : i32
        %while3A_98 = arith.divsi %while3A_95, %while3A_97 : i32
        %while3A_99 = arith.muli %while3A_98, %while3A_97 : i32
        %while3A_100 = arith.addi %while3A_94, %while3A_99 : i32
        %while3A_101 = arith.constant 1 : i32
        scf.for %while3A_103 = %while3A_94 to %while3A_100 step %while3A_101  : i32 {
          %mul3A_104 = arith.muli %while3A_103, %while3A_93 : i32
          %add3A_105 = arith.addi %mul3A_81, %mul3A_104 : i32
          %mul3A_106 = arith.constant 128 : i32
          %mul3A_107 = arith.muli %add3A_71, %mul3A_106 : i32
          %sub3A_108 = arith.subi %add3A_105, %mul3A_107 : i32
          %broadcast_in_dim3A = vector.broadcast %add3A_105 : i32 to vector<16xi32>
          %gather3A = tpu.vector_load_idx %arg7[%broadcast_in_dim3A] : memref<4112xi32, #tpu.memory_space<vmem>>[vector<16xi32>], vector<16xi32>,
          %reduce_max3A = arith.constant true
          %reduce_max3A_109 = vector.broadcast %reduce_max3A : i1 to vector<16xi1>
          %reduce_max3A_110 = arith.constant -2147483648 : i32
          %reduce_max3A_111 = vector.broadcast %reduce_max3A_110 : i32 to vector<16xi32>
          %reduce_max3A_112 = arith.xori %gather3A, %reduce_max3A_111 : vector<16xi32>
          %reduce_max3A_113 = tpu.scan <max>, %reduce_max3A_112 masked %reduce_max3A_109 : vector<16xi32>, vector<16xi1> -> vector<16xi32>
          %reduce_max3A_114 = arith.xori %reduce_max3A_113, %reduce_max3A_111 : vector<16xi32>
          %reduce_max3A_115 = vector.extract %reduce_max3A_114[15] : i32 from vector<16xi32>
          %sub3A_116 = arith.subi %reduce_max3A_115, %mul3A_2 : i32
          %mul3A_117 = arith.constant 128 : i32
          %mul3A_118 = arith.muli %sub3A_116, %mul3A_117 : i32
          %add3A_119 = arith.constant 0 : i32
          %add3A_120 = arith.addi %mul3A_118, %add3A_119 : i32
          %get3A = arith.index_cast %add3A_120 : i32 to index
          %get3A_121 = tpu.vector_load %arg9[%get3A] {strides = array<i32>} : memref<40960xf32, #tpu.memory_space<vmem>>, vector<16xf32>,
          %get3A_122 = arith.index_cast %sub3A_108 : i32 to index
          %get3A_123 = arith.constant 0 : index
          %get3A_124 = tpu.vector_load %arg8[%get3A_122, %get3A_123] {strides = array<i32>} : memref<128x128xf32, #tpu.memory_space<vmem>>, vector<16xf32>,
          %max3A = arith.maximumf %get3A_121, %get3A_124 : vector<16xf32>
          %add3A_125 = arith.constant 0 : i32
          %add3A_126 = arith.addi %mul3A_118, %add3A_125 : i32
          %swap3A = arith.index_cast %add3A_126 : i32 to index
          %swap3A_127 = tpu.vector_load %arg9[%swap3A] {strides = array<i32>} : memref<40960xf32, #tpu.memory_space<vmem>>, vector<16xf32>,
          tpu.vector_store %arg9[%swap3A], %max3A {strides = array<i32>} : memref<40960xf32, #tpu.memory_space<vmem>>, vector<16xf32>,
          %add3A_128 = arith.constant 16 : i32
          %add3A_129 = arith.addi %mul3A_118, %add3A_128 : i32
          %get3A_130 = arith.index_cast %add3A_129 : i32 to index
          %get3A_131 = tpu.vector_load %arg9[%get3A_130] {strides = array<i32>} : memref<40960xf32, #tpu.memory_space<vmem>>, vector<16xf32>,
          %get3A_132 = arith.index_cast %sub3A_108 : i32 to index
          %get3A_133 = arith.constant 16 : index
          %get3A_134 = tpu.vector_load %arg8[%get3A_132, %get3A_133] {strides = array<i32>} : memref<128x128xf32, #tpu.memory_space<vmem>>, vector<16xf32>,
          %max3A_135 = arith.maximumf %get3A_131, %get3A_134 : vector<16xf32>
          %add3A_136 = arith.constant 16 : i32
          %add3A_137 = arith.addi %mul3A_118, %add3A_136 : i32
          %swap3A_138 = arith.index_cast %add3A_137 : i32 to index
          %swap3A_139 = tpu.vector_load %arg9[%swap3A_138] {strides = array<i32>} : memref<40960xf32, #tpu.memory_space<vmem>>, vector<16xf32>,
          tpu.vector_store %arg9[%swap3A_138], %max3A_135 {strides = array<i32>} : memref<40960xf32, #tpu.memory_space<vmem>>, vector<16xf32>,
          %add3A_140 = arith.constant 32 : i32
          %add3A_141 = arith.addi %mul3A_118, %add3A_140 : i32
          %get3A_142 = arith.index_cast %add3A_141 : i32 to index
          %get3A_143 = tpu.vector_load %arg9[%get3A_142] {strides = array<i32>} : memref<40960xf32, #tpu.memory_space<vmem>>, vector<16xf32>,
          %get3A_144 = arith.index_cast %sub3A_108 : i32 to index
          %get3A_145 = arith.constant 32 : index
          %get3A_146 = tpu.vector_load %arg8[%get3A_144, %get3A_145] {strides = array<i32>} : memref<128x128xf32, #tpu.memory_space<vmem>>, vector<16xf32>,
          %max3A_147 = arith.maximumf %get3A_143, %get3A_146 : vector<16xf32>
          %add3A_148 = arith.constant 32 : i32
          %add3A_149 = arith.addi %mul3A_118, %add3A_148 : i32
          %swap3A_150 = arith.index_cast %add3A_149 : i32 to index
          %swap3A_151 = tpu.vector_load %arg9[%swap3A_150] {strides = array<i32>} : memref<40960xf32, #tpu.memory_space<vmem>>, vector<16xf32>,
          tpu.vector_store %arg9[%swap3A_150], %max3A_147 {strides = array<i32>} : memref<40960xf32, #tpu.memory_space<vmem>>, vector<16xf32>,
          %add3A_152 = arith.constant 48 : i32
          %add3A_153 = arith.addi %mul3A_118, %add3A_152 : i32
          %get3A_154 = arith.index_cast %add3A_153 : i32 to index
          %get3A_155 = tpu.vector_load %arg9[%get3A_154] {strides = array<i32>} : memref<40960xf32, #tpu.memory_space<vmem>>, vector<16xf32>,
          %get3A_156 = arith.index_cast %sub3A_108 : i32 to index
          %get3A_157 = arith.constant 48 : index
          %get3A_158 = tpu.vector_load %arg8[%get3A_156, %get3A_157] {strides = array<i32>} : memref<128x128xf32, #tpu.memory_space<vmem>>, vector<16xf32>,
          %max3A_159 = arith.maximumf %get3A_155, %get3A_158 : vector<16xf32>
          %add3A_160 = arith.constant 48 : i32
          %add3A_161 = arith.addi %mul3A_118, %add3A_160 : i32
          %swap3A_162 = arith.index_cast %add3A_161 : i32 to index
          %swap3A_163 = tpu.vector_load %arg9[%swap3A_162] {strides = array<i32>} : memref<40960xf32, #tpu.memory_space<vmem>>, vector<16xf32>,
          tpu.vector_store %arg9[%swap3A_162], %max3A_159 {strides = array<i32>} : memref<40960xf32, #tpu.memory_space<vmem>>, vector<16xf32>,
        }
        %while3A_102 = arith.constant 1 : i32
        scf.for %while3A_103 = %while3A_100 to %while3A_96 step %while3A_102  : i32 {
          %mul3A_104 = arith.muli %while3A_103, %while3A_93 : i32
          %add3A_105 = arith.addi %mul3A_81, %mul3A_104 : i32
          %mul3A_106 = arith.constant 128 : i32
          %mul3A_107 = arith.muli %add3A_71, %mul3A_106 : i32
          %sub3A_108 = arith.subi %add3A_105, %mul3A_107 : i32
          %broadcast_in_dim3A = vector.broadcast %add3A_105 : i32 to vector<16xi32>
          %gather3A = tpu.vector_load_idx %arg7[%broadcast_in_dim3A] : memref<4112xi32, #tpu.memory_space<vmem>>[vector<16xi32>], vector<16xi32>,
          %reduce_max3A = arith.constant true
          %reduce_max3A_109 = vector.broadcast %reduce_max3A : i1 to vector<16xi1>
          %reduce_max3A_110 = arith.constant -2147483648 : i32
          %reduce_max3A_111 = vector.broadcast %reduce_max3A_110 : i32 to vector<16xi32>
          %reduce_max3A_112 = arith.xori %gather3A, %reduce_max3A_111 : vector<16xi32>
          %reduce_max3A_113 = tpu.scan <max>, %reduce_max3A_112 masked %reduce_max3A_109 : vector<16xi32>, vector<16xi1> -> vector<16xi32>
          %reduce_max3A_114 = arith.xori %reduce_max3A_113, %reduce_max3A_111 : vector<16xi32>
          %reduce_max3A_115 = vector.extract %reduce_max3A_114[15] : i32 from vector<16xi32>
          %sub3A_116 = arith.subi %reduce_max3A_115, %mul3A_2 : i32
          %mul3A_117 = arith.constant 128 : i32
          %mul3A_118 = arith.muli %sub3A_116, %mul3A_117 : i32
          %add3A_119 = arith.constant 0 : i32
          %add3A_120 = arith.addi %mul3A_118, %add3A_119 : i32
          %get3A = arith.index_cast %add3A_120 : i32 to index
          %get3A_121 = tpu.vector_load %arg9[%get3A] {strides = array<i32>} : memref<40960xf32, #tpu.memory_space<vmem>>, vector<16xf32>,
          %get3A_122 = arith.index_cast %sub3A_108 : i32 to index
          %get3A_123 = arith.constant 0 : index
          %get3A_124 = tpu.vector_load %arg8[%get3A_122, %get3A_123] {strides = array<i32>} : memref<128x128xf32, #tpu.memory_space<vmem>>, vector<16xf32>,
          %max3A = arith.maximumf %get3A_121, %get3A_124 : vector<16xf32>
          %add3A_125 = arith.constant 0 : i32
          %add3A_126 = arith.addi %mul3A_118, %add3A_125 : i32
          %swap3A = arith.index_cast %add3A_126 : i32 to index
          %swap3A_127 = tpu.vector_load %arg9[%swap3A] {strides = array<i32>} : memref<40960xf32, #tpu.memory_space<vmem>>, vector<16xf32>,
          tpu.vector_store %arg9[%swap3A], %max3A {strides = array<i32>} : memref<40960xf32, #tpu.memory_space<vmem>>, vector<16xf32>,
          %add3A_128 = arith.constant 16 : i32
          %add3A_129 = arith.addi %mul3A_118, %add3A_128 : i32
          %get3A_130 = arith.index_cast %add3A_129 : i32 to index
          %get3A_131 = tpu.vector_load %arg9[%get3A_130] {strides = array<i32>} : memref<40960xf32, #tpu.memory_space<vmem>>, vector<16xf32>,
          %get3A_132 = arith.index_cast %sub3A_108 : i32 to index
          %get3A_133 = arith.constant 16 : index
          %get3A_134 = tpu.vector_load %arg8[%get3A_132, %get3A_133] {strides = array<i32>} : memref<128x128xf32, #tpu.memory_space<vmem>>, vector<16xf32>,
          %max3A_135 = arith.maximumf %get3A_131, %get3A_134 : vector<16xf32>
          %add3A_136 = arith.constant 16 : i32
          %add3A_137 = arith.addi %mul3A_118, %add3A_136 : i32
          %swap3A_138 = arith.index_cast %add3A_137 : i32 to index
          %swap3A_139 = tpu.vector_load %arg9[%swap3A_138] {strides = array<i32>} : memref<40960xf32, #tpu.memory_space<vmem>>, vector<16xf32>,
          tpu.vector_store %arg9[%swap3A_138], %max3A_135 {strides = array<i32>} : memref<40960xf32, #tpu.memory_space<vmem>>, vector<16xf32>,
          %add3A_140 = arith.constant 32 : i32
          %add3A_141 = arith.addi %mul3A_118, %add3A_140 : i32
          %get3A_142 = arith.index_cast %add3A_141 : i32 to index
          %get3A_143 = tpu.vector_load %arg9[%get3A_142] {strides = array<i32>} : memref<40960xf32, #tpu.memory_space<vmem>>, vector<16xf32>,
          %get3A_144 = arith.index_cast %sub3A_108 : i32 to index
          %get3A_145 = arith.constant 32 : index
          %get3A_146 = tpu.vector_load %arg8[%get3A_144, %get3A_145] {strides = array<i32>} : memref<128x128xf32, #tpu.memory_space<vmem>>, vector<16xf32>,
          %max3A_147 = arith.maximumf %get3A_143, %get3A_146 : vector<16xf32>
          %add3A_148 = arith.constant 32 : i32
          %add3A_149 = arith.addi %mul3A_118, %add3A_148 : i32
          %swap3A_150 = arith.index_cast %add3A_149 : i32 to index
          %swap3A_151 = tpu.vector_load %arg9[%swap3A_150] {strides = array<i32>} : memref<40960xf32, #tpu.memory_space<vmem>>, vector<16xf32>,
          tpu.vector_store %arg9[%swap3A_150], %max3A_147 {strides = array<i32>} : memref<40960xf32, #tpu.memory_space<vmem>>, vector<16xf32>,
          %add3A_152 = arith.constant 48 : i32
          %add3A_153 = arith.addi %mul3A_118, %add3A_152 : i32
          %get3A_154 = arith.index_cast %add3A_153 : i32 to index
          %get3A_155 = tpu.vector_load %arg9[%get3A_154] {strides = array<i32>} : memref<40960xf32, #tpu.memory_space<vmem>>, vector<16xf32>,
          %get3A_156 = arith.index_cast %sub3A_108 : i32 to index
          %get3A_157 = arith.constant 48 : index
          %get3A_158 = tpu.vector_load %arg8[%get3A_156, %get3A_157] {strides = array<i32>} : memref<128x128xf32, #tpu.memory_space<vmem>>, vector<16xf32>,
          %max3A_159 = arith.maximumf %get3A_155, %get3A_158 : vector<16xf32>
          %add3A_160 = arith.constant 48 : i32
          %add3A_161 = arith.addi %mul3A_118, %add3A_160 : i32
          %swap3A_162 = arith.index_cast %add3A_161 : i32 to index
          %swap3A_163 = tpu.vector_load %arg9[%swap3A_162] {strides = array<i32>} : memref<40960xf32, #tpu.memory_space<vmem>>, vector<16xf32>,
          tpu.vector_store %arg9[%swap3A_162], %max3A_159 {strides = array<i32>} : memref<40960xf32, #tpu.memory_space<vmem>>, vector<16xf32>,
        }
      }
    }
    %scan3A_16 = arith.constant 40 : i32
    "tpu.region"() ({
      %run_scoped3A = tpu.sem_alloc : memref<!tpu.dma_semaphore, #tpu.memory_space<semaphore_mem>>
      %dma_start3A = arith.constant 0 : i32
      %dma_start3A_17 = tpu.memref_slice %arg4[%add3A, %dma_start3A] : memref<32x40960xf32, #tpu.memory_space<hbm>> -> memref<1x40960xf32, #tpu.memory_space<hbm>>
      %dma_start3A_18 = tpu.memref_squeeze %dma_start3A_17 : memref<1x40960xf32, #tpu.memory_space<hbm>> -> memref<40960xf32, #tpu.memory_space<hbm>>
      %dma_start3A_19 = arith.constant 0 : i32
      %dma_start3A_20 = tpu.memref_slice %arg4[%add3A, %dma_start3A_19] : memref<32x40960xf32, #tpu.memory_space<hbm>> -> memref<1x40960xf32, #tpu.memory_space<hbm>>
      %dma_start3A_21 = tpu.memref_squeeze %dma_start3A_20 : memref<1x40960xf32, #tpu.memory_space<hbm>> -> memref<40960xf32, #tpu.memory_space<hbm>>
      tpu.enqueue_dma source(%arg9 : memref<40960xf32, #tpu.memory_space<vmem>>) target(%dma_start3A_21 : memref<40960xf32, #tpu.memory_space<hbm>>) target_semaphore(%run_scoped3A : memref<!tpu.dma_semaphore, #tpu.memory_space<semaphore_mem>>)
      %dma_wait3A = arith.constant 0 : i32
      %dma_wait3A_22 = tpu.memref_slice %arg4[%add3A, %dma_wait3A] : memref<32x40960xf32, #tpu.memory_space<hbm>> -> memref<1x40960xf32, #tpu.memory_space<hbm>>
      %dma_wait3A_23 = tpu.memref_squeeze %dma_wait3A_22 : memref<1x40960xf32, #tpu.memory_space<hbm>> -> memref<40960xf32, #tpu.memory_space<hbm>>
      %dma_wait3A_24 = arith.constant 0 : i32
      %dma_wait3A_25 = tpu.memref_slice %arg4[%add3A, %dma_wait3A_24] : memref<32x40960xf32, #tpu.memory_space<hbm>> -> memref<1x40960xf32, #tpu.memory_space<hbm>>
      %dma_wait3A_26 = tpu.memref_squeeze %dma_wait3A_25 : memref<1x40960xf32, #tpu.memory_space<hbm>> -> memref<40960xf32, #tpu.memory_space<hbm>>
      tpu.wait_dma2 semaphore(%run_scoped3A : memref<!tpu.dma_semaphore, #tpu.memory_space<semaphore_mem>>) src(%arg9 : memref<40960xf32, #tpu.memory_space<vmem>>) dst(%dma_wait3A_26 : memref<40960xf32, #tpu.memory_space<hbm>>)
      tpu.yield
    }) : () -> ()
    return
  }
}

#map = affine_map<(d0, d1) -> (0, 0)>
#map1 = affine_map<(d0, d1) -> (0)>
module attributes {stable_mosaic.version = 14 : i64} {
  func.func @body(%arg0: i32, %arg1: i32, %arg2: memref<10240x128xf32, #tpu.memory_space<hbm>>, %arg3: memref<163840xi32, #tpu.memory_space<hbm>>, %arg4: memref<163840xi32, #tpu.memory_space<hbm>>, %arg5: memref<163840x128xf32, #tpu.memory_space<hbm>>, %arg6: memref<163840x128xf32, #tpu.memory_space<hbm>>, %arg7: memref<512xi32, #tpu.memory_space<vmem>>, %arg8: memref<512x128xf32, #tpu.memory_space<vmem>>, %arg9: memref<!tpu.dma_semaphore, #tpu.memory_space<semaphore_mem>>) attributes {dimension_semantics = [#tpu.dimension_semantics<core_parallel>, #tpu.dimension_semantics<subcore_parallel>], iteration_bounds = array<i64: 2, 16>, scalar_prefetch = 0 : i64, scratch_operands = 3 : i64, tpu.core_type = #tpu.core_type<sc_vector_subcore>, window_params = [{transform_indices = #map}, {transform_indices = #map1}, {transform_indices = #map1}, {transform_indices = #map}, {transform_indices = #map}]} {
    %mul3A = arith.constant 2 : i32
    %mul3A_0 = arith.muli %arg1, %mul3A : i32
    %add3A = arith.addi %mul3A_0, %arg0 : i32
    %mul3A_1 = arith.constant 5120 : i32
    %mul3A_2 = arith.muli %add3A, %mul3A_1 : i32
    %scan3A = arith.constant 0 : i32
    %scan3A_3 = arith.constant 10 : i32
    %scan3A_4 = arith.addi %scan3A, %scan3A_3 : i32
    %scan3A_5 = arith.constant 1 : i32
    scf.for %scan3A_12 = %scan3A to %scan3A_4 step %scan3A_5  : i32 {
      %mul3A_13 = arith.constant 1 : i32
      %mul3A_14 = arith.muli %scan3A_12, %mul3A_13 : i32
      %add3A_15 = arith.constant 0 : i32
      %add3A_16 = arith.addi %add3A_15, %mul3A_14 : i32
      %mul3A_17 = arith.constant 512 : i32
      %mul3A_18 = arith.muli %add3A_16, %mul3A_17 : i32
      %add3A_19 = arith.addi %mul3A_2, %mul3A_18 : i32
      "tpu.region"() ({
        %run_scoped3A = tpu.sem_alloc : memref<!tpu.dma_semaphore, #tpu.memory_space<semaphore_mem>>
        %dma_start3A_82 = tpu.memref_slice %arg3[%add3A_19] : memref<163840xi32, #tpu.memory_space<hbm>> -> memref<512xi32, #tpu.memory_space<hbm>>
        %dma_start3A_83 = tpu.memref_slice %arg3[%add3A_19] : memref<163840xi32, #tpu.memory_space<hbm>> -> memref<512xi32, #tpu.memory_space<hbm>>
        tpu.enqueue_dma source(%dma_start3A_83 : memref<512xi32, #tpu.memory_space<hbm>>) target(%arg7 : memref<512xi32, #tpu.memory_space<vmem>>) target_semaphore(%run_scoped3A : memref<!tpu.dma_semaphore, #tpu.memory_space<semaphore_mem>>)
        %dma_wait3A_84 = tpu.memref_slice %arg3[%add3A_19] : memref<163840xi32, #tpu.memory_space<hbm>> -> memref<512xi32, #tpu.memory_space<hbm>>
        %dma_wait3A_85 = tpu.memref_slice %arg3[%add3A_19] : memref<163840xi32, #tpu.memory_space<hbm>> -> memref<512xi32, #tpu.memory_space<hbm>>
        tpu.wait_dma2 semaphore(%run_scoped3A : memref<!tpu.dma_semaphore, #tpu.memory_space<semaphore_mem>>) src(%dma_wait3A_85 : memref<512xi32, #tpu.memory_space<hbm>>) dst(%arg7 : memref<512xi32, #tpu.memory_space<vmem>>)
        tpu.yield
      }) : () -> ()
      %dma_start3A = arith.constant 0 : i32
      %dma_start3A_20 = arith.constant 0 : i32
      %dma_start3A_21 = tpu.memref_slice %arg8[%dma_start3A, %dma_start3A_20] : memref<512x128xf32, #tpu.memory_space<vmem>> -> memref<128x128xf32, #tpu.memory_space<vmem>>
      %dma_start3A_22 = arith.constant 0 : i32
      %dma_start3A_23 = tpu.memref_slice %arg7[%dma_start3A_22] : memref<512xi32, #tpu.memory_space<vmem>> -> memref<128xi32, #tpu.memory_space<vmem>>
      %dma_start3A_24 = arith.constant 0 : i32
      %dma_start3A_25 = arith.constant 0 : i32
      %dma_start3A_26 = tpu.memref_slice %arg2[%dma_start3A_24, %dma_start3A_25] : memref<10240x128xf32, #tpu.memory_space<hbm>> -> memref<10240x128xf32, #tpu.memory_space<hbm>>
      tpu.enqueue_indirect_dma source(%dma_start3A_26 : memref<10240x128xf32, #tpu.memory_space<hbm>>) target(%dma_start3A_21 : memref<128x128xf32, #tpu.memory_space<vmem>>) offsets(%dma_start3A_23 : memref<128xi32, #tpu.memory_space<vmem>>) semaphore(%arg9 : memref<!tpu.dma_semaphore, #tpu.memory_space<semaphore_mem>>)
      %dma_start3A_27 = arith.constant 128 : i32
      %dma_start3A_28 = arith.constant 0 : i32
      %dma_start3A_29 = tpu.memref_slice %arg8[%dma_start3A_27, %dma_start3A_28] : memref<512x128xf32, #tpu.memory_space<vmem>> -> memref<128x128xf32, #tpu.memory_space<vmem>>
      %dma_start3A_30 = arith.constant 128 : i32
      %dma_start3A_31 = tpu.memref_slice %arg7[%dma_start3A_30] : memref<512xi32, #tpu.memory_space<vmem>> -> memref<128xi32, #tpu.memory_space<vmem>>
      %dma_start3A_32 = arith.constant 0 : i32
      %dma_start3A_33 = arith.constant 0 : i32
      %dma_start3A_34 = tpu.memref_slice %arg2[%dma_start3A_32, %dma_start3A_33] : memref<10240x128xf32, #tpu.memory_space<hbm>> -> memref<10240x128xf32, #tpu.memory_space<hbm>>
      tpu.enqueue_indirect_dma source(%dma_start3A_34 : memref<10240x128xf32, #tpu.memory_space<hbm>>) target(%dma_start3A_29 : memref<128x128xf32, #tpu.memory_space<vmem>>) offsets(%dma_start3A_31 : memref<128xi32, #tpu.memory_space<vmem>>) semaphore(%arg9 : memref<!tpu.dma_semaphore, #tpu.memory_space<semaphore_mem>>)
      %dma_start3A_35 = arith.constant 256 : i32
      %dma_start3A_36 = arith.constant 0 : i32
      %dma_start3A_37 = tpu.memref_slice %arg8[%dma_start3A_35, %dma_start3A_36] : memref<512x128xf32, #tpu.memory_space<vmem>> -> memref<128x128xf32, #tpu.memory_space<vmem>>
      %dma_start3A_38 = arith.constant 256 : i32
      %dma_start3A_39 = tpu.memref_slice %arg7[%dma_start3A_38] : memref<512xi32, #tpu.memory_space<vmem>> -> memref<128xi32, #tpu.memory_space<vmem>>
      %dma_start3A_40 = arith.constant 0 : i32
      %dma_start3A_41 = arith.constant 0 : i32
      %dma_start3A_42 = tpu.memref_slice %arg2[%dma_start3A_40, %dma_start3A_41] : memref<10240x128xf32, #tpu.memory_space<hbm>> -> memref<10240x128xf32, #tpu.memory_space<hbm>>
      tpu.enqueue_indirect_dma source(%dma_start3A_42 : memref<10240x128xf32, #tpu.memory_space<hbm>>) target(%dma_start3A_37 : memref<128x128xf32, #tpu.memory_space<vmem>>) offsets(%dma_start3A_39 : memref<128xi32, #tpu.memory_space<vmem>>) semaphore(%arg9 : memref<!tpu.dma_semaphore, #tpu.memory_space<semaphore_mem>>)
      %dma_start3A_43 = arith.constant 384 : i32
      %dma_start3A_44 = arith.constant 0 : i32
      %dma_start3A_45 = tpu.memref_slice %arg8[%dma_start3A_43, %dma_start3A_44] : memref<512x128xf32, #tpu.memory_space<vmem>> -> memref<128x128xf32, #tpu.memory_space<vmem>>
      %dma_start3A_46 = arith.constant 384 : i32
      %dma_start3A_47 = tpu.memref_slice %arg7[%dma_start3A_46] : memref<512xi32, #tpu.memory_space<vmem>> -> memref<128xi32, #tpu.memory_space<vmem>>
      %dma_start3A_48 = arith.constant 0 : i32
      %dma_start3A_49 = arith.constant 0 : i32
      %dma_start3A_50 = tpu.memref_slice %arg2[%dma_start3A_48, %dma_start3A_49] : memref<10240x128xf32, #tpu.memory_space<hbm>> -> memref<10240x128xf32, #tpu.memory_space<hbm>>
      tpu.enqueue_indirect_dma source(%dma_start3A_50 : memref<10240x128xf32, #tpu.memory_space<hbm>>) target(%dma_start3A_45 : memref<128x128xf32, #tpu.memory_space<vmem>>) offsets(%dma_start3A_47 : memref<128xi32, #tpu.memory_space<vmem>>) semaphore(%arg9 : memref<!tpu.dma_semaphore, #tpu.memory_space<semaphore_mem>>)
      %dma_wait3A = arith.constant 0 : i32
      %dma_wait3A_51 = arith.constant 0 : i32
      %dma_wait3A_52 = tpu.memref_slice %arg8[%dma_wait3A, %dma_wait3A_51] : memref<512x128xf32, #tpu.memory_space<vmem>> -> memref<128x128xf32, #tpu.memory_space<vmem>>
      %dma_wait3A_53 = arith.constant 0 : i32
      %dma_wait3A_54 = tpu.memref_slice %arg7[%dma_wait3A_53] : memref<512xi32, #tpu.memory_space<vmem>> -> memref<128xi32, #tpu.memory_space<vmem>>
      %dma_wait3A_55 = arith.constant 0 : i32
      %dma_wait3A_56 = arith.constant 0 : i32
      %dma_wait3A_57 = tpu.memref_slice %arg2[%dma_wait3A_55, %dma_wait3A_56] : memref<10240x128xf32, #tpu.memory_space<hbm>> -> memref<10240x128xf32, #tpu.memory_space<hbm>>
      tpu.wait_indirect_dma semaphore(%arg9 : memref<!tpu.dma_semaphore, #tpu.memory_space<semaphore_mem>>) src(%dma_wait3A_57 : memref<10240x128xf32, #tpu.memory_space<hbm>>) dst(%dma_wait3A_52 : memref<128x128xf32, #tpu.memory_space<vmem>>)
      %dma_wait3A_58 = arith.constant 128 : i32
      %dma_wait3A_59 = arith.constant 0 : i32
      %dma_wait3A_60 = tpu.memref_slice %arg8[%dma_wait3A_58, %dma_wait3A_59] : memref<512x128xf32, #tpu.memory_space<vmem>> -> memref<128x128xf32, #tpu.memory_space<vmem>>
      %dma_wait3A_61 = arith.constant 128 : i32
      %dma_wait3A_62 = tpu.memref_slice %arg7[%dma_wait3A_61] : memref<512xi32, #tpu.memory_space<vmem>> -> memref<128xi32, #tpu.memory_space<vmem>>
      %dma_wait3A_63 = arith.constant 0 : i32
      %dma_wait3A_64 = arith.constant 0 : i32
      %dma_wait3A_65 = tpu.memref_slice %arg2[%dma_wait3A_63, %dma_wait3A_64] : memref<10240x128xf32, #tpu.memory_space<hbm>> -> memref<10240x128xf32, #tpu.memory_space<hbm>>
      tpu.wait_indirect_dma semaphore(%arg9 : memref<!tpu.dma_semaphore, #tpu.memory_space<semaphore_mem>>) src(%dma_wait3A_65 : memref<10240x128xf32, #tpu.memory_space<hbm>>) dst(%dma_wait3A_60 : memref<128x128xf32, #tpu.memory_space<vmem>>)
      %dma_wait3A_66 = arith.constant 256 : i32
      %dma_wait3A_67 = arith.constant 0 : i32
      %dma_wait3A_68 = tpu.memref_slice %arg8[%dma_wait3A_66, %dma_wait3A_67] : memref<512x128xf32, #tpu.memory_space<vmem>> -> memref<128x128xf32, #tpu.memory_space<vmem>>
      %dma_wait3A_69 = arith.constant 256 : i32
      %dma_wait3A_70 = tpu.memref_slice %arg7[%dma_wait3A_69] : memref<512xi32, #tpu.memory_space<vmem>> -> memref<128xi32, #tpu.memory_space<vmem>>
      %dma_wait3A_71 = arith.constant 0 : i32
      %dma_wait3A_72 = arith.constant 0 : i32
      %dma_wait3A_73 = tpu.memref_slice %arg2[%dma_wait3A_71, %dma_wait3A_72] : memref<10240x128xf32, #tpu.memory_space<hbm>> -> memref<10240x128xf32, #tpu.memory_space<hbm>>
      tpu.wait_indirect_dma semaphore(%arg9 : memref<!tpu.dma_semaphore, #tpu.memory_space<semaphore_mem>>) src(%dma_wait3A_73 : memref<10240x128xf32, #tpu.memory_space<hbm>>) dst(%dma_wait3A_68 : memref<128x128xf32, #tpu.memory_space<vmem>>)
      %dma_wait3A_74 = arith.constant 384 : i32
      %dma_wait3A_75 = arith.constant 0 : i32
      %dma_wait3A_76 = tpu.memref_slice %arg8[%dma_wait3A_74, %dma_wait3A_75] : memref<512x128xf32, #tpu.memory_space<vmem>> -> memref<128x128xf32, #tpu.memory_space<vmem>>
      %dma_wait3A_77 = arith.constant 384 : i32
      %dma_wait3A_78 = tpu.memref_slice %arg7[%dma_wait3A_77] : memref<512xi32, #tpu.memory_space<vmem>> -> memref<128xi32, #tpu.memory_space<vmem>>
      %dma_wait3A_79 = arith.constant 0 : i32
      %dma_wait3A_80 = arith.constant 0 : i32
      %dma_wait3A_81 = tpu.memref_slice %arg2[%dma_wait3A_79, %dma_wait3A_80] : memref<10240x128xf32, #tpu.memory_space<hbm>> -> memref<10240x128xf32, #tpu.memory_space<hbm>>
      tpu.wait_indirect_dma semaphore(%arg9 : memref<!tpu.dma_semaphore, #tpu.memory_space<semaphore_mem>>) src(%dma_wait3A_81 : memref<10240x128xf32, #tpu.memory_space<hbm>>) dst(%dma_wait3A_76 : memref<128x128xf32, #tpu.memory_space<vmem>>)
      "tpu.region"() ({
        %run_scoped3A = tpu.sem_alloc : memref<!tpu.dma_semaphore, #tpu.memory_space<semaphore_mem>>
        %dma_start3A_82 = arith.constant 0 : i32
        %dma_start3A_83 = tpu.memref_slice %arg5[%add3A_19, %dma_start3A_82] : memref<163840x128xf32, #tpu.memory_space<hbm>> -> memref<512x128xf32, #tpu.memory_space<hbm>>
        %dma_start3A_84 = arith.constant 0 : i32
        %dma_start3A_85 = tpu.memref_slice %arg5[%add3A_19, %dma_start3A_84] : memref<163840x128xf32, #tpu.memory_space<hbm>> -> memref<512x128xf32, #tpu.memory_space<hbm>>
        tpu.enqueue_dma source(%arg8 : memref<512x128xf32, #tpu.memory_space<vmem>>) target(%dma_start3A_85 : memref<512x128xf32, #tpu.memory_space<hbm>>) target_semaphore(%run_scoped3A : memref<!tpu.dma_semaphore, #tpu.memory_space<semaphore_mem>>)
        %dma_wait3A_86 = arith.constant 0 : i32
        %dma_wait3A_87 = tpu.memref_slice %arg5[%add3A_19, %dma_wait3A_86] : memref<163840x128xf32, #tpu.memory_space<hbm>> -> memref<512x128xf32, #tpu.memory_space<hbm>>
        %dma_wait3A_88 = arith.constant 0 : i32
        %dma_wait3A_89 = tpu.memref_slice %arg5[%add3A_19, %dma_wait3A_88] : memref<163840x128xf32, #tpu.memory_space<hbm>> -> memref<512x128xf32, #tpu.memory_space<hbm>>
        tpu.wait_dma2 semaphore(%run_scoped3A : memref<!tpu.dma_semaphore, #tpu.memory_space<semaphore_mem>>) src(%arg8 : memref<512x128xf32, #tpu.memory_space<vmem>>) dst(%dma_wait3A_89 : memref<512x128xf32, #tpu.memory_space<hbm>>)
        tpu.yield
      }) : () -> ()
    }
    %scan3A_6 = arith.constant 10 : i32
    %scan3A_7 = arith.constant 0 : i32
    %scan3A_8 = arith.constant 10 : i32
    %scan3A_9 = arith.addi %scan3A_7, %scan3A_8 : i32
    %scan3A_10 = arith.constant 1 : i32
    scf.for %scan3A_12 = %scan3A_7 to %scan3A_9 step %scan3A_10  : i32 {
      %mul3A_13 = arith.constant 1 : i32
      %mul3A_14 = arith.muli %scan3A_12, %mul3A_13 : i32
      %add3A_15 = arith.constant 0 : i32
      %add3A_16 = arith.addi %add3A_15, %mul3A_14 : i32
      %mul3A_17 = arith.constant 512 : i32
      %mul3A_18 = arith.muli %add3A_16, %mul3A_17 : i32
      %add3A_19 = arith.addi %mul3A_2, %mul3A_18 : i32
      "tpu.region"() ({
        %run_scoped3A = tpu.sem_alloc : memref<!tpu.dma_semaphore, #tpu.memory_space<semaphore_mem>>
        %dma_start3A_82 = tpu.memref_slice %arg4[%add3A_19] : memref<163840xi32, #tpu.memory_space<hbm>> -> memref<512xi32, #tpu.memory_space<hbm>>
        %dma_start3A_83 = tpu.memref_slice %arg4[%add3A_19] : memref<163840xi32, #tpu.memory_space<hbm>> -> memref<512xi32, #tpu.memory_space<hbm>>
        tpu.enqueue_dma source(%dma_start3A_83 : memref<512xi32, #tpu.memory_space<hbm>>) target(%arg7 : memref<512xi32, #tpu.memory_space<vmem>>) target_semaphore(%run_scoped3A : memref<!tpu.dma_semaphore, #tpu.memory_space<semaphore_mem>>)
        %dma_wait3A_84 = tpu.memref_slice %arg4[%add3A_19] : memref<163840xi32, #tpu.memory_space<hbm>> -> memref<512xi32, #tpu.memory_space<hbm>>
        %dma_wait3A_85 = tpu.memref_slice %arg4[%add3A_19] : memref<163840xi32, #tpu.memory_space<hbm>> -> memref<512xi32, #tpu.memory_space<hbm>>
        tpu.wait_dma2 semaphore(%run_scoped3A : memref<!tpu.dma_semaphore, #tpu.memory_space<semaphore_mem>>) src(%dma_wait3A_85 : memref<512xi32, #tpu.memory_space<hbm>>) dst(%arg7 : memref<512xi32, #tpu.memory_space<vmem>>)
        tpu.yield
      }) : () -> ()
      %dma_start3A = arith.constant 0 : i32
      %dma_start3A_20 = arith.constant 0 : i32
      %dma_start3A_21 = tpu.memref_slice %arg8[%dma_start3A, %dma_start3A_20] : memref<512x128xf32, #tpu.memory_space<vmem>> -> memref<128x128xf32, #tpu.memory_space<vmem>>
      %dma_start3A_22 = arith.constant 0 : i32
      %dma_start3A_23 = tpu.memref_slice %arg7[%dma_start3A_22] : memref<512xi32, #tpu.memory_space<vmem>> -> memref<128xi32, #tpu.memory_space<vmem>>
      %dma_start3A_24 = arith.constant 0 : i32
      %dma_start3A_25 = arith.constant 0 : i32
      %dma_start3A_26 = tpu.memref_slice %arg2[%dma_start3A_24, %dma_start3A_25] : memref<10240x128xf32, #tpu.memory_space<hbm>> -> memref<10240x128xf32, #tpu.memory_space<hbm>>
      tpu.enqueue_indirect_dma source(%dma_start3A_26 : memref<10240x128xf32, #tpu.memory_space<hbm>>) target(%dma_start3A_21 : memref<128x128xf32, #tpu.memory_space<vmem>>) offsets(%dma_start3A_23 : memref<128xi32, #tpu.memory_space<vmem>>) semaphore(%arg9 : memref<!tpu.dma_semaphore, #tpu.memory_space<semaphore_mem>>)
      %dma_start3A_27 = arith.constant 128 : i32
      %dma_start3A_28 = arith.constant 0 : i32
      %dma_start3A_29 = tpu.memref_slice %arg8[%dma_start3A_27, %dma_start3A_28] : memref<512x128xf32, #tpu.memory_space<vmem>> -> memref<128x128xf32, #tpu.memory_space<vmem>>
      %dma_start3A_30 = arith.constant 128 : i32
      %dma_start3A_31 = tpu.memref_slice %arg7[%dma_start3A_30] : memref<512xi32, #tpu.memory_space<vmem>> -> memref<128xi32, #tpu.memory_space<vmem>>
      %dma_start3A_32 = arith.constant 0 : i32
      %dma_start3A_33 = arith.constant 0 : i32
      %dma_start3A_34 = tpu.memref_slice %arg2[%dma_start3A_32, %dma_start3A_33] : memref<10240x128xf32, #tpu.memory_space<hbm>> -> memref<10240x128xf32, #tpu.memory_space<hbm>>
      tpu.enqueue_indirect_dma source(%dma_start3A_34 : memref<10240x128xf32, #tpu.memory_space<hbm>>) target(%dma_start3A_29 : memref<128x128xf32, #tpu.memory_space<vmem>>) offsets(%dma_start3A_31 : memref<128xi32, #tpu.memory_space<vmem>>) semaphore(%arg9 : memref<!tpu.dma_semaphore, #tpu.memory_space<semaphore_mem>>)
      %dma_start3A_35 = arith.constant 256 : i32
      %dma_start3A_36 = arith.constant 0 : i32
      %dma_start3A_37 = tpu.memref_slice %arg8[%dma_start3A_35, %dma_start3A_36] : memref<512x128xf32, #tpu.memory_space<vmem>> -> memref<128x128xf32, #tpu.memory_space<vmem>>
      %dma_start3A_38 = arith.constant 256 : i32
      %dma_start3A_39 = tpu.memref_slice %arg7[%dma_start3A_38] : memref<512xi32, #tpu.memory_space<vmem>> -> memref<128xi32, #tpu.memory_space<vmem>>
      %dma_start3A_40 = arith.constant 0 : i32
      %dma_start3A_41 = arith.constant 0 : i32
      %dma_start3A_42 = tpu.memref_slice %arg2[%dma_start3A_40, %dma_start3A_41] : memref<10240x128xf32, #tpu.memory_space<hbm>> -> memref<10240x128xf32, #tpu.memory_space<hbm>>
      tpu.enqueue_indirect_dma source(%dma_start3A_42 : memref<10240x128xf32, #tpu.memory_space<hbm>>) target(%dma_start3A_37 : memref<128x128xf32, #tpu.memory_space<vmem>>) offsets(%dma_start3A_39 : memref<128xi32, #tpu.memory_space<vmem>>) semaphore(%arg9 : memref<!tpu.dma_semaphore, #tpu.memory_space<semaphore_mem>>)
      %dma_start3A_43 = arith.constant 384 : i32
      %dma_start3A_44 = arith.constant 0 : i32
      %dma_start3A_45 = tpu.memref_slice %arg8[%dma_start3A_43, %dma_start3A_44] : memref<512x128xf32, #tpu.memory_space<vmem>> -> memref<128x128xf32, #tpu.memory_space<vmem>>
      %dma_start3A_46 = arith.constant 384 : i32
      %dma_start3A_47 = tpu.memref_slice %arg7[%dma_start3A_46] : memref<512xi32, #tpu.memory_space<vmem>> -> memref<128xi32, #tpu.memory_space<vmem>>
      %dma_start3A_48 = arith.constant 0 : i32
      %dma_start3A_49 = arith.constant 0 : i32
      %dma_start3A_50 = tpu.memref_slice %arg2[%dma_start3A_48, %dma_start3A_49] : memref<10240x128xf32, #tpu.memory_space<hbm>> -> memref<10240x128xf32, #tpu.memory_space<hbm>>
      tpu.enqueue_indirect_dma source(%dma_start3A_50 : memref<10240x128xf32, #tpu.memory_space<hbm>>) target(%dma_start3A_45 : memref<128x128xf32, #tpu.memory_space<vmem>>) offsets(%dma_start3A_47 : memref<128xi32, #tpu.memory_space<vmem>>) semaphore(%arg9 : memref<!tpu.dma_semaphore, #tpu.memory_space<semaphore_mem>>)
      %dma_wait3A = arith.constant 0 : i32
      %dma_wait3A_51 = arith.constant 0 : i32
      %dma_wait3A_52 = tpu.memref_slice %arg8[%dma_wait3A, %dma_wait3A_51] : memref<512x128xf32, #tpu.memory_space<vmem>> -> memref<128x128xf32, #tpu.memory_space<vmem>>
      %dma_wait3A_53 = arith.constant 0 : i32
      %dma_wait3A_54 = tpu.memref_slice %arg7[%dma_wait3A_53] : memref<512xi32, #tpu.memory_space<vmem>> -> memref<128xi32, #tpu.memory_space<vmem>>
      %dma_wait3A_55 = arith.constant 0 : i32
      %dma_wait3A_56 = arith.constant 0 : i32
      %dma_wait3A_57 = tpu.memref_slice %arg2[%dma_wait3A_55, %dma_wait3A_56] : memref<10240x128xf32, #tpu.memory_space<hbm>> -> memref<10240x128xf32, #tpu.memory_space<hbm>>
      tpu.wait_indirect_dma semaphore(%arg9 : memref<!tpu.dma_semaphore, #tpu.memory_space<semaphore_mem>>) src(%dma_wait3A_57 : memref<10240x128xf32, #tpu.memory_space<hbm>>) dst(%dma_wait3A_52 : memref<128x128xf32, #tpu.memory_space<vmem>>)
      %dma_wait3A_58 = arith.constant 128 : i32
      %dma_wait3A_59 = arith.constant 0 : i32
      %dma_wait3A_60 = tpu.memref_slice %arg8[%dma_wait3A_58, %dma_wait3A_59] : memref<512x128xf32, #tpu.memory_space<vmem>> -> memref<128x128xf32, #tpu.memory_space<vmem>>
      %dma_wait3A_61 = arith.constant 128 : i32
      %dma_wait3A_62 = tpu.memref_slice %arg7[%dma_wait3A_61] : memref<512xi32, #tpu.memory_space<vmem>> -> memref<128xi32, #tpu.memory_space<vmem>>
      %dma_wait3A_63 = arith.constant 0 : i32
      %dma_wait3A_64 = arith.constant 0 : i32
      %dma_wait3A_65 = tpu.memref_slice %arg2[%dma_wait3A_63, %dma_wait3A_64] : memref<10240x128xf32, #tpu.memory_space<hbm>> -> memref<10240x128xf32, #tpu.memory_space<hbm>>
      tpu.wait_indirect_dma semaphore(%arg9 : memref<!tpu.dma_semaphore, #tpu.memory_space<semaphore_mem>>) src(%dma_wait3A_65 : memref<10240x128xf32, #tpu.memory_space<hbm>>) dst(%dma_wait3A_60 : memref<128x128xf32, #tpu.memory_space<vmem>>)
      %dma_wait3A_66 = arith.constant 256 : i32
      %dma_wait3A_67 = arith.constant 0 : i32
      %dma_wait3A_68 = tpu.memref_slice %arg8[%dma_wait3A_66, %dma_wait3A_67] : memref<512x128xf32, #tpu.memory_space<vmem>> -> memref<128x128xf32, #tpu.memory_space<vmem>>
      %dma_wait3A_69 = arith.constant 256 : i32
      %dma_wait3A_70 = tpu.memref_slice %arg7[%dma_wait3A_69] : memref<512xi32, #tpu.memory_space<vmem>> -> memref<128xi32, #tpu.memory_space<vmem>>
      %dma_wait3A_71 = arith.constant 0 : i32
      %dma_wait3A_72 = arith.constant 0 : i32
      %dma_wait3A_73 = tpu.memref_slice %arg2[%dma_wait3A_71, %dma_wait3A_72] : memref<10240x128xf32, #tpu.memory_space<hbm>> -> memref<10240x128xf32, #tpu.memory_space<hbm>>
      tpu.wait_indirect_dma semaphore(%arg9 : memref<!tpu.dma_semaphore, #tpu.memory_space<semaphore_mem>>) src(%dma_wait3A_73 : memref<10240x128xf32, #tpu.memory_space<hbm>>) dst(%dma_wait3A_68 : memref<128x128xf32, #tpu.memory_space<vmem>>)
      %dma_wait3A_74 = arith.constant 384 : i32
      %dma_wait3A_75 = arith.constant 0 : i32
      %dma_wait3A_76 = tpu.memref_slice %arg8[%dma_wait3A_74, %dma_wait3A_75] : memref<512x128xf32, #tpu.memory_space<vmem>> -> memref<128x128xf32, #tpu.memory_space<vmem>>
      %dma_wait3A_77 = arith.constant 384 : i32
      %dma_wait3A_78 = tpu.memref_slice %arg7[%dma_wait3A_77] : memref<512xi32, #tpu.memory_space<vmem>> -> memref<128xi32, #tpu.memory_space<vmem>>
      %dma_wait3A_79 = arith.constant 0 : i32
      %dma_wait3A_80 = arith.constant 0 : i32
      %dma_wait3A_81 = tpu.memref_slice %arg2[%dma_wait3A_79, %dma_wait3A_80] : memref<10240x128xf32, #tpu.memory_space<hbm>> -> memref<10240x128xf32, #tpu.memory_space<hbm>>
      tpu.wait_indirect_dma semaphore(%arg9 : memref<!tpu.dma_semaphore, #tpu.memory_space<semaphore_mem>>) src(%dma_wait3A_81 : memref<10240x128xf32, #tpu.memory_space<hbm>>) dst(%dma_wait3A_76 : memref<128x128xf32, #tpu.memory_space<vmem>>)
      "tpu.region"() ({
        %run_scoped3A = tpu.sem_alloc : memref<!tpu.dma_semaphore, #tpu.memory_space<semaphore_mem>>
        %dma_start3A_82 = arith.constant 0 : i32
        %dma_start3A_83 = tpu.memref_slice %arg6[%add3A_19, %dma_start3A_82] : memref<163840x128xf32, #tpu.memory_space<hbm>> -> memref<512x128xf32, #tpu.memory_space<hbm>>
        %dma_start3A_84 = arith.constant 0 : i32
        %dma_start3A_85 = tpu.memref_slice %arg6[%add3A_19, %dma_start3A_84] : memref<163840x128xf32, #tpu.memory_space<hbm>> -> memref<512x128xf32, #tpu.memory_space<hbm>>
        tpu.enqueue_dma source(%arg8 : memref<512x128xf32, #tpu.memory_space<vmem>>) target(%dma_start3A_85 : memref<512x128xf32, #tpu.memory_space<hbm>>) target_semaphore(%run_scoped3A : memref<!tpu.dma_semaphore, #tpu.memory_space<semaphore_mem>>)
        %dma_wait3A_86 = arith.constant 0 : i32
        %dma_wait3A_87 = tpu.memref_slice %arg6[%add3A_19, %dma_wait3A_86] : memref<163840x128xf32, #tpu.memory_space<hbm>> -> memref<512x128xf32, #tpu.memory_space<hbm>>
        %dma_wait3A_88 = arith.constant 0 : i32
        %dma_wait3A_89 = tpu.memref_slice %arg6[%add3A_19, %dma_wait3A_88] : memref<163840x128xf32, #tpu.memory_space<hbm>> -> memref<512x128xf32, #tpu.memory_space<hbm>>
        tpu.wait_dma2 semaphore(%run_scoped3A : memref<!tpu.dma_semaphore, #tpu.memory_space<semaphore_mem>>) src(%arg8 : memref<512x128xf32, #tpu.memory_space<vmem>>) dst(%dma_wait3A_89 : memref<512x128xf32, #tpu.memory_space<hbm>>)
        tpu.yield
      }) : () -> ()
    }
    %scan3A_11 = arith.constant 10 : i32
    return
  }
}

#map = affine_map<(d0, d1) -> (0, 0)>
#map1 = affine_map<(d0, d1) -> (0)>
module attributes {stable_mosaic.version = 14 : i64} {
  func.func @body(%arg0: i32, %arg1: i32, %arg2: memref<163840x256xf32, #tpu.memory_space<hbm>>, %arg3: memref<163840xi32, #tpu.memory_space<hbm>>, %arg4: memref<32x81920xf32, #tpu.memory_space<hbm>>, %arg5: memref<4096xi32, #tpu.memory_space<vmem>>, %arg6: memref<4112xi32, #tpu.memory_space<vmem>>, %arg7: memref<4112xi32, #tpu.memory_space<vmem>>, %arg8: memref<128x256xf32, #tpu.memory_space<vmem>>, %arg9: memref<81920xf32, #tpu.memory_space<vmem>>, %arg10: memref<!tpu.dma_semaphore, #tpu.memory_space<semaphore_mem>>) attributes {dimension_semantics = [#tpu.dimension_semantics<core_parallel>, #tpu.dimension_semantics<subcore_parallel>], iteration_bounds = array<i64: 2, 16>, scalar_prefetch = 0 : i64, scratch_operands = 6 : i64, tpu.core_type = #tpu.core_type<sc_vector_subcore>, window_params = [{transform_indices = #map}, {transform_indices = #map1}, {transform_indices = #map}]} {
    %mul3A = arith.constant 2 : i32
    %mul3A_0 = arith.muli %arg1, %mul3A : i32
    %add3A = arith.addi %mul3A_0, %arg0 : i32
    %mul3A_1 = arith.constant 320 : i32
    %mul3A_2 = arith.muli %add3A, %mul3A_1 : i32
    %iota3A = tpu.iota {dimensions = array<i32: 0>} : vector<16xi32>
    %scan3A = arith.constant 0 : i32
    %scan3A_3 = arith.constant 5120 : i32
    %scan3A_4 = arith.addi %scan3A, %scan3A_3 : i32
    %scan3A_5 = arith.constant 1 : i32
    scf.for %scan3A_17 = %scan3A to %scan3A_4 step %scan3A_5  : i32 {
      %mul3A_18 = arith.constant 1 : i32
      %mul3A_19 = arith.muli %scan3A_17, %mul3A_18 : i32
      %add3A_20 = arith.constant 0 : i32
      %add3A_21 = arith.addi %add3A_20, %mul3A_19 : i32
      %broadcast_in_dim3A = arith.constant 0.000000e+00 : f32
      %broadcast_in_dim3A_22 = vector.broadcast %broadcast_in_dim3A : f32 to vector<16xf32>
      %mul3A_23 = arith.constant 16 : i32
      %mul3A_24 = arith.muli %add3A_21, %mul3A_23 : i32
      %swap3A = arith.index_cast %mul3A_24 : i32 to index
      %swap3A_25 = tpu.vector_load %arg9[%swap3A] {strides = array<i32>} : memref<81920xf32, #tpu.memory_space<vmem>>, vector<16xf32>,
      tpu.vector_store %arg9[%swap3A], %broadcast_in_dim3A_22 {strides = array<i32>} : memref<81920xf32, #tpu.memory_space<vmem>>, vector<16xf32>,
    }
    %scan3A_6 = arith.constant 5120 : i32
    %scan3A_7 = arith.constant 0 : i32
    %scan3A_8 = arith.constant 257 : i32
    %scan3A_9 = arith.addi %scan3A_7, %scan3A_8 : i32
    %scan3A_10 = arith.constant 1 : i32
    scf.for %scan3A_17 = %scan3A_7 to %scan3A_9 step %scan3A_10  : i32 {
      %mul3A_18 = arith.constant 1 : i32
      %mul3A_19 = arith.muli %scan3A_17, %mul3A_18 : i32
      %add3A_20 = arith.constant 0 : i32
      %add3A_21 = arith.addi %add3A_20, %mul3A_19 : i32
      %broadcast_in_dim3A = arith.constant 0 : i32
      %broadcast_in_dim3A_22 = vector.broadcast %broadcast_in_dim3A : i32 to vector<16xi32>
      %mul3A_23 = arith.constant 16 : i32
      %mul3A_24 = arith.muli %add3A_21, %mul3A_23 : i32
      %swap3A = arith.index_cast %mul3A_24 : i32 to index
      %swap3A_25 = tpu.vector_load %arg6[%swap3A] {strides = array<i32>} : memref<4112xi32, #tpu.memory_space<vmem>>, vector<16xi32>,
      tpu.vector_store %arg6[%swap3A], %broadcast_in_dim3A_22 {strides = array<i32>} : memref<4112xi32, #tpu.memory_space<vmem>>, vector<16xi32>,
      %broadcast_in_dim3A_26 = vector.broadcast %mul3A_2 : i32 to vector<16xi32>
      %mul3A_27 = arith.constant 16 : i32
      %mul3A_28 = arith.muli %add3A_21, %mul3A_27 : i32
      %swap3A_29 = arith.index_cast %mul3A_28 : i32 to index
      %swap3A_30 = tpu.vector_load %arg7[%swap3A_29] {strides = array<i32>} : memref<4112xi32, #tpu.memory_space<vmem>>, vector<16xi32>,
      tpu.vector_store %arg7[%swap3A_29], %broadcast_in_dim3A_26 {strides = array<i32>} : memref<4112xi32, #tpu.memory_space<vmem>>, vector<16xi32>,
    }
    %scan3A_11 = arith.constant 257 : i32
    %scan3A_12 = arith.constant 0 : i32
    %scan3A_13 = arith.constant 40 : i32
    %scan3A_14 = arith.addi %scan3A_12, %scan3A_13 : i32
    %scan3A_15 = arith.constant 1 : i32
    scf.for %scan3A_17 = %scan3A_12 to %scan3A_14 step %scan3A_15  : i32 {
      %mul3A_18 = arith.constant 1 : i32
      %mul3A_19 = arith.muli %scan3A_17, %mul3A_18 : i32
      %add3A_20 = arith.constant 0 : i32
      %add3A_21 = arith.addi %add3A_20, %mul3A_19 : i32
      %mul3A_22 = arith.constant 4096 : i32
      %mul3A_23 = arith.muli %add3A_21, %mul3A_22 : i32
      "tpu.region"() ({
        %run_scoped3A = tpu.sem_alloc : memref<!tpu.dma_semaphore, #tpu.memory_space<semaphore_mem>>
        %dma_start3A = tpu.memref_slice %arg3[%mul3A_23] : memref<163840xi32, #tpu.memory_space<hbm>> -> memref<4096xi32, #tpu.memory_space<hbm>>
        %dma_start3A_69 = tpu.memref_slice %arg3[%mul3A_23] : memref<163840xi32, #tpu.memory_space<hbm>> -> memref<4096xi32, #tpu.memory_space<hbm>>
        tpu.enqueue_dma source(%dma_start3A_69 : memref<4096xi32, #tpu.memory_space<hbm>>) target(%arg5 : memref<4096xi32, #tpu.memory_space<vmem>>) target_semaphore(%run_scoped3A : memref<!tpu.dma_semaphore, #tpu.memory_space<semaphore_mem>>)
        %dma_wait3A = tpu.memref_slice %arg3[%mul3A_23] : memref<163840xi32, #tpu.memory_space<hbm>> -> memref<4096xi32, #tpu.memory_space<hbm>>
        %dma_wait3A_70 = tpu.memref_slice %arg3[%mul3A_23] : memref<163840xi32, #tpu.memory_space<hbm>> -> memref<4096xi32, #tpu.memory_space<hbm>>
        tpu.wait_dma2 semaphore(%run_scoped3A : memref<!tpu.dma_semaphore, #tpu.memory_space<semaphore_mem>>) src(%dma_wait3A_70 : memref<4096xi32, #tpu.memory_space<hbm>>) dst(%arg5 : memref<4096xi32, #tpu.memory_space<vmem>>)
        tpu.yield
      }) : () -> ()
      %scan3A_24 = arith.constant 0 : i32
      %scan3A_25 = arith.constant 0 : i32
      %scan3A_26 = arith.constant 256 : i32
      %scan3A_27 = arith.addi %scan3A_25, %scan3A_26 : i32
      %scan3A_28 = arith.constant 1 : i32
      %scan3A_29 = scf.for %scan3A_69 = %scan3A_25 to %scan3A_27 step %scan3A_28 iter_args(%scan3A_70 = %scan3A_24) -> (i32)  : i32 {
        %mul3A_71 = arith.constant 1 : i32
        %mul3A_72 = arith.muli %scan3A_69, %mul3A_71 : i32
        %add3A_73 = arith.constant 0 : i32
        %add3A_74 = arith.addi %add3A_73, %mul3A_72 : i32
        %mul3A_75 = arith.constant 16 : i32
        %mul3A_76 = arith.muli %add3A_74, %mul3A_75 : i32
        %get3A = arith.index_cast %mul3A_76 : i32 to index
        %get3A_77 = tpu.vector_load %arg5[%get3A] {strides = array<i32>} : memref<4096xi32, #tpu.memory_space<vmem>>, vector<16xi32>,
        %ge3A = vector.broadcast %mul3A_2 : i32 to vector<16xi32>
        %ge3A_78 = arith.cmpi sge, %get3A_77, %ge3A : vector<16xi32>
        %add3A_79 = arith.constant 320 : i32
        %add3A_80 = arith.addi %mul3A_2, %add3A_79 : i32
        %lt3A = vector.broadcast %add3A_80 : i32 to vector<16xi32>
        %lt3A_81 = arith.cmpi slt, %get3A_77, %lt3A : vector<16xi32>
        %and3A_82 = arith.andi %ge3A_78, %lt3A_81 : vector<16xi1>
        %convert_element_type3A = arith.extui %and3A_82 : vector<16xi1> to vector<16xi32>
        %broadcast_in_dim3A = arith.constant true
        %broadcast_in_dim3A_83 = vector.broadcast %broadcast_in_dim3A : i1 to vector<16xi1>
        %masked_cumsum3A = tpu.scan <sum>, %convert_element_type3A masked %broadcast_in_dim3A_83 : vector<16xi32>, vector<16xi1> -> vector<16xi32>
        %add3A_84 = vector.broadcast %scan3A_70 : i32 to vector<16xi32>
        %add3A_85 = arith.addi %add3A_84, %masked_cumsum3A : vector<16xi32>
        %sub3A_86 = arith.subi %add3A_85, %convert_element_type3A : vector<16xi32>
        %jit3A_87 = arith.constant 4096 : i32
        %broadcast_in_dim3A_88 = vector.broadcast %jit3A_87 : i32 to vector<16xi32>
        %select_n3A_89 = arith.select %and3A_82, %sub3A_86, %broadcast_in_dim3A_88 : vector<16xi1>, vector<16xi32>
        %mul3A_90 = arith.constant 16 : i32
        %mul3A_91 = arith.muli %add3A_74, %mul3A_90 : i32
        %add3A_92 = arith.addi %mul3A_23, %mul3A_91 : i32
        %add3A_93 = vector.broadcast %add3A_92 : i32 to vector<16xi32>
        %add3A_94 = arith.addi %iota3A, %add3A_93 : vector<16xi32>
        tpu.vector_store_idx %arg6[%select_n3A_89], %add3A_94 : memref<4112xi32, #tpu.memory_space<vmem>>[vector<16xi32>], vector<16xi32>,
        tpu.vector_store_idx %arg7[%select_n3A_89], %get3A_77 : memref<4112xi32, #tpu.memory_space<vmem>>[vector<16xi32>], vector<16xi32>,
        %reduce_max3A = arith.constant true
        %reduce_max3A_95 = vector.broadcast %reduce_max3A : i1 to vector<16xi1>
        %reduce_max3A_96 = arith.constant -2147483648 : i32
        %reduce_max3A_97 = vector.broadcast %reduce_max3A_96 : i32 to vector<16xi32>
        %reduce_max3A_98 = arith.xori %masked_cumsum3A, %reduce_max3A_97 : vector<16xi32>
        %reduce_max3A_99 = tpu.scan <max>, %reduce_max3A_98 masked %reduce_max3A_95 : vector<16xi32>, vector<16xi1> -> vector<16xi32>
        %reduce_max3A_100 = arith.xori %reduce_max3A_99, %reduce_max3A_97 : vector<16xi32>
        %reduce_max3A_101 = vector.extract %reduce_max3A_100[15] : i32 from vector<16xi32>
        %add3A_102 = arith.addi %scan3A_70, %reduce_max3A_101 : i32
        scf.yield %add3A_102 : i32
      }
      %scan3A_30 = arith.constant 256 : i32
      %add3A_31 = arith.constant 128 : i32
      %add3A_32 = arith.addi %scan3A_29, %add3A_31 : i32
      %sub3A = arith.constant 1 : i32
      %sub3A_33 = arith.subi %add3A_32, %sub3A : i32
      %jit3A = arith.constant 128 : i32
      %div3A = arith.divsi %sub3A_33, %jit3A : i32
      %sign3A = arith.constant 0 : i32
      %sign3A_34 = arith.cmpi sgt, %sub3A_33, %sign3A : i32
      %sign3A_35 = arith.extui %sign3A_34 : i1 to i32
      %sign3A_36 = arith.constant 0 : i32
      %sign3A_37 = arith.cmpi slt, %sub3A_33, %sign3A_36 : i32
      %sign3A_38 = arith.extui %sign3A_37 : i1 to i32
      %sign3A_39 = arith.subi %sign3A_35, %sign3A_38 : i32
      %sign3A_40 = arith.constant 0 : i32
      %sign3A_41 = arith.cmpi sgt, %jit3A, %sign3A_40 : i32
      %sign3A_42 = arith.extui %sign3A_41 : i1 to i32
      %sign3A_43 = arith.constant 0 : i32
      %sign3A_44 = arith.cmpi slt, %jit3A, %sign3A_43 : i32
      %sign3A_45 = arith.extui %sign3A_44 : i1 to i32
      %sign3A_46 = arith.subi %sign3A_42, %sign3A_45 : i32
      %ne3A = arith.cmpi ne, %sign3A_39, %sign3A_46 : i32
      %rem3A = arith.remsi %sub3A_33, %jit3A : i32
      %ne3A_47 = arith.constant 0 : i32
      %ne3A_48 = arith.cmpi ne, %rem3A, %ne3A_47 : i32
      %and3A = arith.andi %ne3A, %ne3A_48 : i1
      %sub3A_49 = arith.constant 1 : i32
      %sub3A_50 = arith.subi %div3A, %sub3A_49 : i32
      %select_n3A = arith.select %and3A, %sub3A_50, %div3A : i32
      %sub3A_51 = arith.constant 0 : i32
      %sub3A_52 = arith.subi %select_n3A, %sub3A_51 : i32
      %sub3A_53 = arith.constant 1 : i32
      %sub3A_54 = arith.constant 1 : i32
      %sub3A_55 = arith.subi %sub3A_53, %sub3A_54 : i32
      %add3A_56 = arith.addi %sub3A_52, %sub3A_55 : i32
      %div3A_57 = arith.constant 1 : i32
      %div3A_58 = arith.divsi %add3A_56, %div3A_57 : i32
      %while3A = arith.constant 1 : i32
      %while3A_59 = arith.constant 0 : i32
      %while3A_60 = arith.constant 0 : i32
      %while3A_61 = arith.subi %div3A_58, %while3A_60 : i32
      %while3A_62 = arith.addi %while3A_60, %while3A_61 : i32
      %while3A_63 = arith.constant 1 : i32
      %while3A_64 = arith.divsi %while3A_61, %while3A_63 : i32
      %while3A_65 = arith.muli %while3A_64, %while3A_63 : i32
      %while3A_66 = arith.addi %while3A_60, %while3A_65 : i32
      %while3A_67 = arith.constant 1 : i32
      scf.for %while3A_69 = %while3A_60 to %while3A_66 step %while3A_67  : i32 {
        %mul3A_70 = arith.muli %while3A_69, %while3A : i32
        %add3A_71 = arith.addi %while3A_59, %mul3A_70 : i32
        %mul3A_72 = arith.constant 128 : i32
        %mul3A_73 = arith.muli %add3A_71, %mul3A_72 : i32
        %dma_start3A = tpu.memref_slice %arg6[%mul3A_73] : memref<4112xi32, #tpu.memory_space<vmem>> -> memref<128xi32, #tpu.memory_space<vmem>>
        %dma_start3A_74 = arith.constant 0 : i32
        %dma_start3A_75 = arith.constant 0 : i32
        %dma_start3A_76 = tpu.memref_slice %arg2[%dma_start3A_74, %dma_start3A_75] : memref<163840x256xf32, #tpu.memory_space<hbm>> -> memref<163840x256xf32, #tpu.memory_space<hbm>>
        tpu.enqueue_indirect_dma source(%dma_start3A_76 : memref<163840x256xf32, #tpu.memory_space<hbm>>) target(%arg8 : memref<128x256xf32, #tpu.memory_space<vmem>>) offsets(%dma_start3A : memref<128xi32, #tpu.memory_space<vmem>>) semaphore(%arg10 : memref<!tpu.dma_semaphore, #tpu.memory_space<semaphore_mem>>)
        %dma_wait3A = tpu.memref_slice %arg6[%mul3A_73] : memref<4112xi32, #tpu.memory_space<vmem>> -> memref<128xi32, #tpu.memory_space<vmem>>
        %dma_wait3A_77 = arith.constant 0 : i32
        %dma_wait3A_78 = arith.constant 0 : i32
        %dma_wait3A_79 = tpu.memref_slice %arg2[%dma_wait3A_77, %dma_wait3A_78] : memref<163840x256xf32, #tpu.memory_space<hbm>> -> memref<163840x256xf32, #tpu.memory_space<hbm>>
        tpu.wait_indirect_dma semaphore(%arg10 : memref<!tpu.dma_semaphore, #tpu.memory_space<semaphore_mem>>) src(%dma_wait3A_79 : memref<163840x256xf32, #tpu.memory_space<hbm>>) dst(%arg8 : memref<128x256xf32, #tpu.memory_space<vmem>>)
        %mul3A_80 = arith.constant 128 : i32
        %mul3A_81 = arith.muli %add3A_71, %mul3A_80 : i32
        %add3A_82 = arith.constant 1 : i32
        %add3A_83 = arith.addi %add3A_71, %add3A_82 : i32
        %mul3A_84 = arith.constant 128 : i32
        %mul3A_85 = arith.muli %add3A_83, %mul3A_84 : i32
        %min3A = arith.minsi %scan3A_29, %mul3A_85 : i32
        %sub3A_86 = arith.subi %min3A, %mul3A_81 : i32
        %sub3A_87 = arith.constant 1 : i32
        %sub3A_88 = arith.constant 1 : i32
        %sub3A_89 = arith.subi %sub3A_87, %sub3A_88 : i32
        %add3A_90 = arith.addi %sub3A_86, %sub3A_89 : i32
        %div3A_91 = arith.constant 1 : i32
        %div3A_92 = arith.divsi %add3A_90, %div3A_91 : i32
        %while3A_93 = arith.constant 1 : i32
        %while3A_94 = arith.constant 0 : i32
        %while3A_95 = arith.subi %div3A_92, %while3A_94 : i32
        %while3A_96 = arith.addi %while3A_94, %while3A_95 : i32
        %while3A_97 = arith.constant 1 : i32
        %while3A_98 = arith.divsi %while3A_95, %while3A_97 : i32
        %while3A_99 = arith.muli %while3A_98, %while3A_97 : i32
        %while3A_100 = arith.addi %while3A_94, %while3A_99 : i32
        %while3A_101 = arith.constant 1 : i32
        scf.for %while3A_103 = %while3A_94 to %while3A_100 step %while3A_101  : i32 {
          %mul3A_104 = arith.muli %while3A_103, %while3A_93 : i32
          %add3A_105 = arith.addi %mul3A_81, %mul3A_104 : i32
          %mul3A_106 = arith.constant 128 : i32
          %mul3A_107 = arith.muli %add3A_71, %mul3A_106 : i32
          %sub3A_108 = arith.subi %add3A_105, %mul3A_107 : i32
          %broadcast_in_dim3A = vector.broadcast %add3A_105 : i32 to vector<16xi32>
          %gather3A = tpu.vector_load_idx %arg7[%broadcast_in_dim3A] : memref<4112xi32, #tpu.memory_space<vmem>>[vector<16xi32>], vector<16xi32>,
          %reduce_max3A = arith.constant true
          %reduce_max3A_109 = vector.broadcast %reduce_max3A : i1 to vector<16xi1>
          %reduce_max3A_110 = arith.constant -2147483648 : i32
          %reduce_max3A_111 = vector.broadcast %reduce_max3A_110 : i32 to vector<16xi32>
          %reduce_max3A_112 = arith.xori %gather3A, %reduce_max3A_111 : vector<16xi32>
          %reduce_max3A_113 = tpu.scan <max>, %reduce_max3A_112 masked %reduce_max3A_109 : vector<16xi32>, vector<16xi1> -> vector<16xi32>
          %reduce_max3A_114 = arith.xori %reduce_max3A_113, %reduce_max3A_111 : vector<16xi32>
          %reduce_max3A_115 = vector.extract %reduce_max3A_114[15] : i32 from vector<16xi32>
          %sub3A_116 = arith.subi %reduce_max3A_115, %mul3A_2 : i32
          %mul3A_117 = arith.constant 256 : i32
          %mul3A_118 = arith.muli %sub3A_116, %mul3A_117 : i32
          %add3A_119 = arith.constant 0 : i32
          %add3A_120 = arith.addi %mul3A_118, %add3A_119 : i32
          %get3A = arith.index_cast %add3A_120 : i32 to index
          %get3A_121 = tpu.vector_load %arg9[%get3A] {strides = array<i32>} : memref<81920xf32, #tpu.memory_space<vmem>>, vector<16xf32>,
          %get3A_122 = arith.index_cast %sub3A_108 : i32 to index
          %get3A_123 = arith.constant 0 : index
          %get3A_124 = tpu.vector_load %arg8[%get3A_122, %get3A_123] {strides = array<i32>} : memref<128x256xf32, #tpu.memory_space<vmem>>, vector<16xf32>,
          %max3A = arith.maximumf %get3A_121, %get3A_124 : vector<16xf32>
          %add3A_125 = arith.constant 0 : i32
          %add3A_126 = arith.addi %mul3A_118, %add3A_125 : i32
          %swap3A = arith.index_cast %add3A_126 : i32 to index
          %swap3A_127 = tpu.vector_load %arg9[%swap3A] {strides = array<i32>} : memref<81920xf32, #tpu.memory_space<vmem>>, vector<16xf32>,
          tpu.vector_store %arg9[%swap3A], %max3A {strides = array<i32>} : memref<81920xf32, #tpu.memory_space<vmem>>, vector<16xf32>,
          %add3A_128 = arith.constant 16 : i32
          %add3A_129 = arith.addi %mul3A_118, %add3A_128 : i32
          %get3A_130 = arith.index_cast %add3A_129 : i32 to index
          %get3A_131 = tpu.vector_load %arg9[%get3A_130] {strides = array<i32>} : memref<81920xf32, #tpu.memory_space<vmem>>, vector<16xf32>,
          %get3A_132 = arith.index_cast %sub3A_108 : i32 to index
          %get3A_133 = arith.constant 16 : index
          %get3A_134 = tpu.vector_load %arg8[%get3A_132, %get3A_133] {strides = array<i32>} : memref<128x256xf32, #tpu.memory_space<vmem>>, vector<16xf32>,
          %max3A_135 = arith.maximumf %get3A_131, %get3A_134 : vector<16xf32>
          %add3A_136 = arith.constant 16 : i32
          %add3A_137 = arith.addi %mul3A_118, %add3A_136 : i32
          %swap3A_138 = arith.index_cast %add3A_137 : i32 to index
          %swap3A_139 = tpu.vector_load %arg9[%swap3A_138] {strides = array<i32>} : memref<81920xf32, #tpu.memory_space<vmem>>, vector<16xf32>,
          tpu.vector_store %arg9[%swap3A_138], %max3A_135 {strides = array<i32>} : memref<81920xf32, #tpu.memory_space<vmem>>, vector<16xf32>,
          %add3A_140 = arith.constant 32 : i32
          %add3A_141 = arith.addi %mul3A_118, %add3A_140 : i32
          %get3A_142 = arith.index_cast %add3A_141 : i32 to index
          %get3A_143 = tpu.vector_load %arg9[%get3A_142] {strides = array<i32>} : memref<81920xf32, #tpu.memory_space<vmem>>, vector<16xf32>,
          %get3A_144 = arith.index_cast %sub3A_108 : i32 to index
          %get3A_145 = arith.constant 32 : index
          %get3A_146 = tpu.vector_load %arg8[%get3A_144, %get3A_145] {strides = array<i32>} : memref<128x256xf32, #tpu.memory_space<vmem>>, vector<16xf32>,
          %max3A_147 = arith.maximumf %get3A_143, %get3A_146 : vector<16xf32>
          %add3A_148 = arith.constant 32 : i32
          %add3A_149 = arith.addi %mul3A_118, %add3A_148 : i32
          %swap3A_150 = arith.index_cast %add3A_149 : i32 to index
          %swap3A_151 = tpu.vector_load %arg9[%swap3A_150] {strides = array<i32>} : memref<81920xf32, #tpu.memory_space<vmem>>, vector<16xf32>,
          tpu.vector_store %arg9[%swap3A_150], %max3A_147 {strides = array<i32>} : memref<81920xf32, #tpu.memory_space<vmem>>, vector<16xf32>,
          %add3A_152 = arith.constant 48 : i32
          %add3A_153 = arith.addi %mul3A_118, %add3A_152 : i32
          %get3A_154 = arith.index_cast %add3A_153 : i32 to index
          %get3A_155 = tpu.vector_load %arg9[%get3A_154] {strides = array<i32>} : memref<81920xf32, #tpu.memory_space<vmem>>, vector<16xf32>,
          %get3A_156 = arith.index_cast %sub3A_108 : i32 to index
          %get3A_157 = arith.constant 48 : index
          %get3A_158 = tpu.vector_load %arg8[%get3A_156, %get3A_157] {strides = array<i32>} : memref<128x256xf32, #tpu.memory_space<vmem>>, vector<16xf32>,
          %max3A_159 = arith.maximumf %get3A_155, %get3A_158 : vector<16xf32>
          %add3A_160 = arith.constant 48 : i32
          %add3A_161 = arith.addi %mul3A_118, %add3A_160 : i32
          %swap3A_162 = arith.index_cast %add3A_161 : i32 to index
          %swap3A_163 = tpu.vector_load %arg9[%swap3A_162] {strides = array<i32>} : memref<81920xf32, #tpu.memory_space<vmem>>, vector<16xf32>,
          tpu.vector_store %arg9[%swap3A_162], %max3A_159 {strides = array<i32>} : memref<81920xf32, #tpu.memory_space<vmem>>, vector<16xf32>,
          %add3A_164 = arith.constant 64 : i32
          %add3A_165 = arith.addi %mul3A_118, %add3A_164 : i32
          %get3A_166 = arith.index_cast %add3A_165 : i32 to index
          %get3A_167 = tpu.vector_load %arg9[%get3A_166] {strides = array<i32>} : memref<81920xf32, #tpu.memory_space<vmem>>, vector<16xf32>,
          %get3A_168 = arith.index_cast %sub3A_108 : i32 to index
          %get3A_169 = arith.constant 64 : index
          %get3A_170 = tpu.vector_load %arg8[%get3A_168, %get3A_169] {strides = array<i32>} : memref<128x256xf32, #tpu.memory_space<vmem>>, vector<16xf32>,
          %max3A_171 = arith.maximumf %get3A_167, %get3A_170 : vector<16xf32>
          %add3A_172 = arith.constant 64 : i32
          %add3A_173 = arith.addi %mul3A_118, %add3A_172 : i32
          %swap3A_174 = arith.index_cast %add3A_173 : i32 to index
          %swap3A_175 = tpu.vector_load %arg9[%swap3A_174] {strides = array<i32>} : memref<81920xf32, #tpu.memory_space<vmem>>, vector<16xf32>,
          tpu.vector_store %arg9[%swap3A_174], %max3A_171 {strides = array<i32>} : memref<81920xf32, #tpu.memory_space<vmem>>, vector<16xf32>,
          %add3A_176 = arith.constant 80 : i32
          %add3A_177 = arith.addi %mul3A_118, %add3A_176 : i32
          %get3A_178 = arith.index_cast %add3A_177 : i32 to index
          %get3A_179 = tpu.vector_load %arg9[%get3A_178] {strides = array<i32>} : memref<81920xf32, #tpu.memory_space<vmem>>, vector<16xf32>,
          %get3A_180 = arith.index_cast %sub3A_108 : i32 to index
          %get3A_181 = arith.constant 80 : index
          %get3A_182 = tpu.vector_load %arg8[%get3A_180, %get3A_181] {strides = array<i32>} : memref<128x256xf32, #tpu.memory_space<vmem>>, vector<16xf32>,
          %max3A_183 = arith.maximumf %get3A_179, %get3A_182 : vector<16xf32>
          %add3A_184 = arith.constant 80 : i32
          %add3A_185 = arith.addi %mul3A_118, %add3A_184 : i32
          %swap3A_186 = arith.index_cast %add3A_185 : i32 to index
          %swap3A_187 = tpu.vector_load %arg9[%swap3A_186] {strides = array<i32>} : memref<81920xf32, #tpu.memory_space<vmem>>, vector<16xf32>,
          tpu.vector_store %arg9[%swap3A_186], %max3A_183 {strides = array<i32>} : memref<81920xf32, #tpu.memory_space<vmem>>, vector<16xf32>,
          %add3A_188 = arith.constant 96 : i32
          %add3A_189 = arith.addi %mul3A_118, %add3A_188 : i32
          %get3A_190 = arith.index_cast %add3A_189 : i32 to index
          %get3A_191 = tpu.vector_load %arg9[%get3A_190] {strides = array<i32>} : memref<81920xf32, #tpu.memory_space<vmem>>, vector<16xf32>,
          %get3A_192 = arith.index_cast %sub3A_108 : i32 to index
          %get3A_193 = arith.constant 96 : index
          %get3A_194 = tpu.vector_load %arg8[%get3A_192, %get3A_193] {strides = array<i32>} : memref<128x256xf32, #tpu.memory_space<vmem>>, vector<16xf32>,
          %max3A_195 = arith.maximumf %get3A_191, %get3A_194 : vector<16xf32>
          %add3A_196 = arith.constant 96 : i32
          %add3A_197 = arith.addi %mul3A_118, %add3A_196 : i32
          %swap3A_198 = arith.index_cast %add3A_197 : i32 to index
          %swap3A_199 = tpu.vector_load %arg9[%swap3A_198] {strides = array<i32>} : memref<81920xf32, #tpu.memory_space<vmem>>, vector<16xf32>,
          tpu.vector_store %arg9[%swap3A_198], %max3A_195 {strides = array<i32>} : memref<81920xf32, #tpu.memory_space<vmem>>, vector<16xf32>,
          %add3A_200 = arith.constant 112 : i32
          %add3A_201 = arith.addi %mul3A_118, %add3A_200 : i32
          %get3A_202 = arith.index_cast %add3A_201 : i32 to index
          %get3A_203 = tpu.vector_load %arg9[%get3A_202] {strides = array<i32>} : memref<81920xf32, #tpu.memory_space<vmem>>, vector<16xf32>,
          %get3A_204 = arith.index_cast %sub3A_108 : i32 to index
          %get3A_205 = arith.constant 112 : index
          %get3A_206 = tpu.vector_load %arg8[%get3A_204, %get3A_205] {strides = array<i32>} : memref<128x256xf32, #tpu.memory_space<vmem>>, vector<16xf32>,
          %max3A_207 = arith.maximumf %get3A_203, %get3A_206 : vector<16xf32>
          %add3A_208 = arith.constant 112 : i32
          %add3A_209 = arith.addi %mul3A_118, %add3A_208 : i32
          %swap3A_210 = arith.index_cast %add3A_209 : i32 to index
          %swap3A_211 = tpu.vector_load %arg9[%swap3A_210] {strides = array<i32>} : memref<81920xf32, #tpu.memory_space<vmem>>, vector<16xf32>,
          tpu.vector_store %arg9[%swap3A_210], %max3A_207 {strides = array<i32>} : memref<81920xf32, #tpu.memory_space<vmem>>, vector<16xf32>,
          %add3A_212 = arith.constant 128 : i32
          %add3A_213 = arith.addi %mul3A_118, %add3A_212 : i32
          %get3A_214 = arith.index_cast %add3A_213 : i32 to index
          %get3A_215 = tpu.vector_load %arg9[%get3A_214] {strides = array<i32>} : memref<81920xf32, #tpu.memory_space<vmem>>, vector<16xf32>,
          %get3A_216 = arith.index_cast %sub3A_108 : i32 to index
          %get3A_217 = arith.constant 128 : index
          %get3A_218 = tpu.vector_load %arg8[%get3A_216, %get3A_217] {strides = array<i32>} : memref<128x256xf32, #tpu.memory_space<vmem>>, vector<16xf32>,
          %max3A_219 = arith.maximumf %get3A_215, %get3A_218 : vector<16xf32>
          %add3A_220 = arith.constant 128 : i32
          %add3A_221 = arith.addi %mul3A_118, %add3A_220 : i32
          %swap3A_222 = arith.index_cast %add3A_221 : i32 to index
          %swap3A_223 = tpu.vector_load %arg9[%swap3A_222] {strides = array<i32>} : memref<81920xf32, #tpu.memory_space<vmem>>, vector<16xf32>,
          tpu.vector_store %arg9[%swap3A_222], %max3A_219 {strides = array<i32>} : memref<81920xf32, #tpu.memory_space<vmem>>, vector<16xf32>,
          %add3A_224 = arith.constant 144 : i32
          %add3A_225 = arith.addi %mul3A_118, %add3A_224 : i32
          %get3A_226 = arith.index_cast %add3A_225 : i32 to index
          %get3A_227 = tpu.vector_load %arg9[%get3A_226] {strides = array<i32>} : memref<81920xf32, #tpu.memory_space<vmem>>, vector<16xf32>,
          %get3A_228 = arith.index_cast %sub3A_108 : i32 to index
          %get3A_229 = arith.constant 144 : index
          %get3A_230 = tpu.vector_load %arg8[%get3A_228, %get3A_229] {strides = array<i32>} : memref<128x256xf32, #tpu.memory_space<vmem>>, vector<16xf32>,
          %max3A_231 = arith.maximumf %get3A_227, %get3A_230 : vector<16xf32>
          %add3A_232 = arith.constant 144 : i32
          %add3A_233 = arith.addi %mul3A_118, %add3A_232 : i32
          %swap3A_234 = arith.index_cast %add3A_233 : i32 to index
          %swap3A_235 = tpu.vector_load %arg9[%swap3A_234] {strides = array<i32>} : memref<81920xf32, #tpu.memory_space<vmem>>, vector<16xf32>,
          tpu.vector_store %arg9[%swap3A_234], %max3A_231 {strides = array<i32>} : memref<81920xf32, #tpu.memory_space<vmem>>, vector<16xf32>,
          %add3A_236 = arith.constant 160 : i32
          %add3A_237 = arith.addi %mul3A_118, %add3A_236 : i32
          %get3A_238 = arith.index_cast %add3A_237 : i32 to index
          %get3A_239 = tpu.vector_load %arg9[%get3A_238] {strides = array<i32>} : memref<81920xf32, #tpu.memory_space<vmem>>, vector<16xf32>,
          %get3A_240 = arith.index_cast %sub3A_108 : i32 to index
          %get3A_241 = arith.constant 160 : index
          %get3A_242 = tpu.vector_load %arg8[%get3A_240, %get3A_241] {strides = array<i32>} : memref<128x256xf32, #tpu.memory_space<vmem>>, vector<16xf32>,
          %max3A_243 = arith.maximumf %get3A_239, %get3A_242 : vector<16xf32>
          %add3A_244 = arith.constant 160 : i32
          %add3A_245 = arith.addi %mul3A_118, %add3A_244 : i32
          %swap3A_246 = arith.index_cast %add3A_245 : i32 to index
          %swap3A_247 = tpu.vector_load %arg9[%swap3A_246] {strides = array<i32>} : memref<81920xf32, #tpu.memory_space<vmem>>, vector<16xf32>,
          tpu.vector_store %arg9[%swap3A_246], %max3A_243 {strides = array<i32>} : memref<81920xf32, #tpu.memory_space<vmem>>, vector<16xf32>,
          %add3A_248 = arith.constant 176 : i32
          %add3A_249 = arith.addi %mul3A_118, %add3A_248 : i32
          %get3A_250 = arith.index_cast %add3A_249 : i32 to index
          %get3A_251 = tpu.vector_load %arg9[%get3A_250] {strides = array<i32>} : memref<81920xf32, #tpu.memory_space<vmem>>, vector<16xf32>,
          %get3A_252 = arith.index_cast %sub3A_108 : i32 to index
          %get3A_253 = arith.constant 176 : index
          %get3A_254 = tpu.vector_load %arg8[%get3A_252, %get3A_253] {strides = array<i32>} : memref<128x256xf32, #tpu.memory_space<vmem>>, vector<16xf32>,
          %max3A_255 = arith.maximumf %get3A_251, %get3A_254 : vector<16xf32>
          %add3A_256 = arith.constant 176 : i32
          %add3A_257 = arith.addi %mul3A_118, %add3A_256 : i32
          %swap3A_258 = arith.index_cast %add3A_257 : i32 to index
          %swap3A_259 = tpu.vector_load %arg9[%swap3A_258] {strides = array<i32>} : memref<81920xf32, #tpu.memory_space<vmem>>, vector<16xf32>,
          tpu.vector_store %arg9[%swap3A_258], %max3A_255 {strides = array<i32>} : memref<81920xf32, #tpu.memory_space<vmem>>, vector<16xf32>,
          %add3A_260 = arith.constant 192 : i32
          %add3A_261 = arith.addi %mul3A_118, %add3A_260 : i32
          %get3A_262 = arith.index_cast %add3A_261 : i32 to index
          %get3A_263 = tpu.vector_load %arg9[%get3A_262] {strides = array<i32>} : memref<81920xf32, #tpu.memory_space<vmem>>, vector<16xf32>,
          %get3A_264 = arith.index_cast %sub3A_108 : i32 to index
          %get3A_265 = arith.constant 192 : index
          %get3A_266 = tpu.vector_load %arg8[%get3A_264, %get3A_265] {strides = array<i32>} : memref<128x256xf32, #tpu.memory_space<vmem>>, vector<16xf32>,
          %max3A_267 = arith.maximumf %get3A_263, %get3A_266 : vector<16xf32>
          %add3A_268 = arith.constant 192 : i32
          %add3A_269 = arith.addi %mul3A_118, %add3A_268 : i32
          %swap3A_270 = arith.index_cast %add3A_269 : i32 to index
          %swap3A_271 = tpu.vector_load %arg9[%swap3A_270] {strides = array<i32>} : memref<81920xf32, #tpu.memory_space<vmem>>, vector<16xf32>,
          tpu.vector_store %arg9[%swap3A_270], %max3A_267 {strides = array<i32>} : memref<81920xf32, #tpu.memory_space<vmem>>, vector<16xf32>,
          %add3A_272 = arith.constant 208 : i32
          %add3A_273 = arith.addi %mul3A_118, %add3A_272 : i32
          %get3A_274 = arith.index_cast %add3A_273 : i32 to index
          %get3A_275 = tpu.vector_load %arg9[%get3A_274] {strides = array<i32>} : memref<81920xf32, #tpu.memory_space<vmem>>, vector<16xf32>,
          %get3A_276 = arith.index_cast %sub3A_108 : i32 to index
          %get3A_277 = arith.constant 208 : index
          %get3A_278 = tpu.vector_load %arg8[%get3A_276, %get3A_277] {strides = array<i32>} : memref<128x256xf32, #tpu.memory_space<vmem>>, vector<16xf32>,
          %max3A_279 = arith.maximumf %get3A_275, %get3A_278 : vector<16xf32>
          %add3A_280 = arith.constant 208 : i32
          %add3A_281 = arith.addi %mul3A_118, %add3A_280 : i32
          %swap3A_282 = arith.index_cast %add3A_281 : i32 to index
          %swap3A_283 = tpu.vector_load %arg9[%swap3A_282] {strides = array<i32>} : memref<81920xf32, #tpu.memory_space<vmem>>, vector<16xf32>,
          tpu.vector_store %arg9[%swap3A_282], %max3A_279 {strides = array<i32>} : memref<81920xf32, #tpu.memory_space<vmem>>, vector<16xf32>,
          %add3A_284 = arith.constant 224 : i32
          %add3A_285 = arith.addi %mul3A_118, %add3A_284 : i32
          %get3A_286 = arith.index_cast %add3A_285 : i32 to index
          %get3A_287 = tpu.vector_load %arg9[%get3A_286] {strides = array<i32>} : memref<81920xf32, #tpu.memory_space<vmem>>, vector<16xf32>,
          %get3A_288 = arith.index_cast %sub3A_108 : i32 to index
          %get3A_289 = arith.constant 224 : index
          %get3A_290 = tpu.vector_load %arg8[%get3A_288, %get3A_289] {strides = array<i32>} : memref<128x256xf32, #tpu.memory_space<vmem>>, vector<16xf32>,
          %max3A_291 = arith.maximumf %get3A_287, %get3A_290 : vector<16xf32>
          %add3A_292 = arith.constant 224 : i32
          %add3A_293 = arith.addi %mul3A_118, %add3A_292 : i32
          %swap3A_294 = arith.index_cast %add3A_293 : i32 to index
          %swap3A_295 = tpu.vector_load %arg9[%swap3A_294] {strides = array<i32>} : memref<81920xf32, #tpu.memory_space<vmem>>, vector<16xf32>,
          tpu.vector_store %arg9[%swap3A_294], %max3A_291 {strides = array<i32>} : memref<81920xf32, #tpu.memory_space<vmem>>, vector<16xf32>,
          %add3A_296 = arith.constant 240 : i32
          %add3A_297 = arith.addi %mul3A_118, %add3A_296 : i32
          %get3A_298 = arith.index_cast %add3A_297 : i32 to index
          %get3A_299 = tpu.vector_load %arg9[%get3A_298] {strides = array<i32>} : memref<81920xf32, #tpu.memory_space<vmem>>, vector<16xf32>,
          %get3A_300 = arith.index_cast %sub3A_108 : i32 to index
          %get3A_301 = arith.constant 240 : index
          %get3A_302 = tpu.vector_load %arg8[%get3A_300, %get3A_301] {strides = array<i32>} : memref<128x256xf32, #tpu.memory_space<vmem>>, vector<16xf32>,
          %max3A_303 = arith.maximumf %get3A_299, %get3A_302 : vector<16xf32>
          %add3A_304 = arith.constant 240 : i32
          %add3A_305 = arith.addi %mul3A_118, %add3A_304 : i32
          %swap3A_306 = arith.index_cast %add3A_305 : i32 to index
          %swap3A_307 = tpu.vector_load %arg9[%swap3A_306] {strides = array<i32>} : memref<81920xf32, #tpu.memory_space<vmem>>, vector<16xf32>,
          tpu.vector_store %arg9[%swap3A_306], %max3A_303 {strides = array<i32>} : memref<81920xf32, #tpu.memory_space<vmem>>, vector<16xf32>,
        }
        %while3A_102 = arith.constant 1 : i32
        scf.for %while3A_103 = %while3A_100 to %while3A_96 step %while3A_102  : i32 {
          %mul3A_104 = arith.muli %while3A_103, %while3A_93 : i32
          %add3A_105 = arith.addi %mul3A_81, %mul3A_104 : i32
          %mul3A_106 = arith.constant 128 : i32
          %mul3A_107 = arith.muli %add3A_71, %mul3A_106 : i32
          %sub3A_108 = arith.subi %add3A_105, %mul3A_107 : i32
          %broadcast_in_dim3A = vector.broadcast %add3A_105 : i32 to vector<16xi32>
          %gather3A = tpu.vector_load_idx %arg7[%broadcast_in_dim3A] : memref<4112xi32, #tpu.memory_space<vmem>>[vector<16xi32>], vector<16xi32>,
          %reduce_max3A = arith.constant true
          %reduce_max3A_109 = vector.broadcast %reduce_max3A : i1 to vector<16xi1>
          %reduce_max3A_110 = arith.constant -2147483648 : i32
          %reduce_max3A_111 = vector.broadcast %reduce_max3A_110 : i32 to vector<16xi32>
          %reduce_max3A_112 = arith.xori %gather3A, %reduce_max3A_111 : vector<16xi32>
          %reduce_max3A_113 = tpu.scan <max>, %reduce_max3A_112 masked %reduce_max3A_109 : vector<16xi32>, vector<16xi1> -> vector<16xi32>
          %reduce_max3A_114 = arith.xori %reduce_max3A_113, %reduce_max3A_111 : vector<16xi32>
          %reduce_max3A_115 = vector.extract %reduce_max3A_114[15] : i32 from vector<16xi32>
          %sub3A_116 = arith.subi %reduce_max3A_115, %mul3A_2 : i32
          %mul3A_117 = arith.constant 256 : i32
          %mul3A_118 = arith.muli %sub3A_116, %mul3A_117 : i32
          %add3A_119 = arith.constant 0 : i32
          %add3A_120 = arith.addi %mul3A_118, %add3A_119 : i32
          %get3A = arith.index_cast %add3A_120 : i32 to index
          %get3A_121 = tpu.vector_load %arg9[%get3A] {strides = array<i32>} : memref<81920xf32, #tpu.memory_space<vmem>>, vector<16xf32>,
          %get3A_122 = arith.index_cast %sub3A_108 : i32 to index
          %get3A_123 = arith.constant 0 : index
          %get3A_124 = tpu.vector_load %arg8[%get3A_122, %get3A_123] {strides = array<i32>} : memref<128x256xf32, #tpu.memory_space<vmem>>, vector<16xf32>,
          %max3A = arith.maximumf %get3A_121, %get3A_124 : vector<16xf32>
          %add3A_125 = arith.constant 0 : i32
          %add3A_126 = arith.addi %mul3A_118, %add3A_125 : i32
          %swap3A = arith.index_cast %add3A_126 : i32 to index
          %swap3A_127 = tpu.vector_load %arg9[%swap3A] {strides = array<i32>} : memref<81920xf32, #tpu.memory_space<vmem>>, vector<16xf32>,
          tpu.vector_store %arg9[%swap3A], %max3A {strides = array<i32>} : memref<81920xf32, #tpu.memory_space<vmem>>, vector<16xf32>,
          %add3A_128 = arith.constant 16 : i32
          %add3A_129 = arith.addi %mul3A_118, %add3A_128 : i32
          %get3A_130 = arith.index_cast %add3A_129 : i32 to index
          %get3A_131 = tpu.vector_load %arg9[%get3A_130] {strides = array<i32>} : memref<81920xf32, #tpu.memory_space<vmem>>, vector<16xf32>,
          %get3A_132 = arith.index_cast %sub3A_108 : i32 to index
          %get3A_133 = arith.constant 16 : index
          %get3A_134 = tpu.vector_load %arg8[%get3A_132, %get3A_133] {strides = array<i32>} : memref<128x256xf32, #tpu.memory_space<vmem>>, vector<16xf32>,
          %max3A_135 = arith.maximumf %get3A_131, %get3A_134 : vector<16xf32>
          %add3A_136 = arith.constant 16 : i32
          %add3A_137 = arith.addi %mul3A_118, %add3A_136 : i32
          %swap3A_138 = arith.index_cast %add3A_137 : i32 to index
          %swap3A_139 = tpu.vector_load %arg9[%swap3A_138] {strides = array<i32>} : memref<81920xf32, #tpu.memory_space<vmem>>, vector<16xf32>,
          tpu.vector_store %arg9[%swap3A_138], %max3A_135 {strides = array<i32>} : memref<81920xf32, #tpu.memory_space<vmem>>, vector<16xf32>,
          %add3A_140 = arith.constant 32 : i32
          %add3A_141 = arith.addi %mul3A_118, %add3A_140 : i32
          %get3A_142 = arith.index_cast %add3A_141 : i32 to index
          %get3A_143 = tpu.vector_load %arg9[%get3A_142] {strides = array<i32>} : memref<81920xf32, #tpu.memory_space<vmem>>, vector<16xf32>,
          %get3A_144 = arith.index_cast %sub3A_108 : i32 to index
          %get3A_145 = arith.constant 32 : index
          %get3A_146 = tpu.vector_load %arg8[%get3A_144, %get3A_145] {strides = array<i32>} : memref<128x256xf32, #tpu.memory_space<vmem>>, vector<16xf32>,
          %max3A_147 = arith.maximumf %get3A_143, %get3A_146 : vector<16xf32>
          %add3A_148 = arith.constant 32 : i32
          %add3A_149 = arith.addi %mul3A_118, %add3A_148 : i32
          %swap3A_150 = arith.index_cast %add3A_149 : i32 to index
          %swap3A_151 = tpu.vector_load %arg9[%swap3A_150] {strides = array<i32>} : memref<81920xf32, #tpu.memory_space<vmem>>, vector<16xf32>,
          tpu.vector_store %arg9[%swap3A_150], %max3A_147 {strides = array<i32>} : memref<81920xf32, #tpu.memory_space<vmem>>, vector<16xf32>,
          %add3A_152 = arith.constant 48 : i32
          %add3A_153 = arith.addi %mul3A_118, %add3A_152 : i32
          %get3A_154 = arith.index_cast %add3A_153 : i32 to index
          %get3A_155 = tpu.vector_load %arg9[%get3A_154] {strides = array<i32>} : memref<81920xf32, #tpu.memory_space<vmem>>, vector<16xf32>,
          %get3A_156 = arith.index_cast %sub3A_108 : i32 to index
          %get3A_157 = arith.constant 48 : index
          %get3A_158 = tpu.vector_load %arg8[%get3A_156, %get3A_157] {strides = array<i32>} : memref<128x256xf32, #tpu.memory_space<vmem>>, vector<16xf32>,
          %max3A_159 = arith.maximumf %get3A_155, %get3A_158 : vector<16xf32>
          %add3A_160 = arith.constant 48 : i32
          %add3A_161 = arith.addi %mul3A_118, %add3A_160 : i32
          %swap3A_162 = arith.index_cast %add3A_161 : i32 to index
          %swap3A_163 = tpu.vector_load %arg9[%swap3A_162] {strides = array<i32>} : memref<81920xf32, #tpu.memory_space<vmem>>, vector<16xf32>,
          tpu.vector_store %arg9[%swap3A_162], %max3A_159 {strides = array<i32>} : memref<81920xf32, #tpu.memory_space<vmem>>, vector<16xf32>,
          %add3A_164 = arith.constant 64 : i32
          %add3A_165 = arith.addi %mul3A_118, %add3A_164 : i32
          %get3A_166 = arith.index_cast %add3A_165 : i32 to index
          %get3A_167 = tpu.vector_load %arg9[%get3A_166] {strides = array<i32>} : memref<81920xf32, #tpu.memory_space<vmem>>, vector<16xf32>,
          %get3A_168 = arith.index_cast %sub3A_108 : i32 to index
          %get3A_169 = arith.constant 64 : index
          %get3A_170 = tpu.vector_load %arg8[%get3A_168, %get3A_169] {strides = array<i32>} : memref<128x256xf32, #tpu.memory_space<vmem>>, vector<16xf32>,
          %max3A_171 = arith.maximumf %get3A_167, %get3A_170 : vector<16xf32>
          %add3A_172 = arith.constant 64 : i32
          %add3A_173 = arith.addi %mul3A_118, %add3A_172 : i32
          %swap3A_174 = arith.index_cast %add3A_173 : i32 to index
          %swap3A_175 = tpu.vector_load %arg9[%swap3A_174] {strides = array<i32>} : memref<81920xf32, #tpu.memory_space<vmem>>, vector<16xf32>,
          tpu.vector_store %arg9[%swap3A_174], %max3A_171 {strides = array<i32>} : memref<81920xf32, #tpu.memory_space<vmem>>, vector<16xf32>,
          %add3A_176 = arith.constant 80 : i32
          %add3A_177 = arith.addi %mul3A_118, %add3A_176 : i32
          %get3A_178 = arith.index_cast %add3A_177 : i32 to index
          %get3A_179 = tpu.vector_load %arg9[%get3A_178] {strides = array<i32>} : memref<81920xf32, #tpu.memory_space<vmem>>, vector<16xf32>,
          %get3A_180 = arith.index_cast %sub3A_108 : i32 to index
          %get3A_181 = arith.constant 80 : index
          %get3A_182 = tpu.vector_load %arg8[%get3A_180, %get3A_181] {strides = array<i32>} : memref<128x256xf32, #tpu.memory_space<vmem>>, vector<16xf32>,
          %max3A_183 = arith.maximumf %get3A_179, %get3A_182 : vector<16xf32>
          %add3A_184 = arith.constant 80 : i32
          %add3A_185 = arith.addi %mul3A_118, %add3A_184 : i32
          %swap3A_186 = arith.index_cast %add3A_185 : i32 to index
          %swap3A_187 = tpu.vector_load %arg9[%swap3A_186] {strides = array<i32>} : memref<81920xf32, #tpu.memory_space<vmem>>, vector<16xf32>,
          tpu.vector_store %arg9[%swap3A_186], %max3A_183 {strides = array<i32>} : memref<81920xf32, #tpu.memory_space<vmem>>, vector<16xf32>,
          %add3A_188 = arith.constant 96 : i32
          %add3A_189 = arith.addi %mul3A_118, %add3A_188 : i32
          %get3A_190 = arith.index_cast %add3A_189 : i32 to index
          %get3A_191 = tpu.vector_load %arg9[%get3A_190] {strides = array<i32>} : memref<81920xf32, #tpu.memory_space<vmem>>, vector<16xf32>,
          %get3A_192 = arith.index_cast %sub3A_108 : i32 to index
          %get3A_193 = arith.constant 96 : index
          %get3A_194 = tpu.vector_load %arg8[%get3A_192, %get3A_193] {strides = array<i32>} : memref<128x256xf32, #tpu.memory_space<vmem>>, vector<16xf32>,
          %max3A_195 = arith.maximumf %get3A_191, %get3A_194 : vector<16xf32>
          %add3A_196 = arith.constant 96 : i32
          %add3A_197 = arith.addi %mul3A_118, %add3A_196 : i32
          %swap3A_198 = arith.index_cast %add3A_197 : i32 to index
          %swap3A_199 = tpu.vector_load %arg9[%swap3A_198] {strides = array<i32>} : memref<81920xf32, #tpu.memory_space<vmem>>, vector<16xf32>,
          tpu.vector_store %arg9[%swap3A_198], %max3A_195 {strides = array<i32>} : memref<81920xf32, #tpu.memory_space<vmem>>, vector<16xf32>,
          %add3A_200 = arith.constant 112 : i32
          %add3A_201 = arith.addi %mul3A_118, %add3A_200 : i32
          %get3A_202 = arith.index_cast %add3A_201 : i32 to index
          %get3A_203 = tpu.vector_load %arg9[%get3A_202] {strides = array<i32>} : memref<81920xf32, #tpu.memory_space<vmem>>, vector<16xf32>,
          %get3A_204 = arith.index_cast %sub3A_108 : i32 to index
          %get3A_205 = arith.constant 112 : index
          %get3A_206 = tpu.vector_load %arg8[%get3A_204, %get3A_205] {strides = array<i32>} : memref<128x256xf32, #tpu.memory_space<vmem>>, vector<16xf32>,
          %max3A_207 = arith.maximumf %get3A_203, %get3A_206 : vector<16xf32>
          %add3A_208 = arith.constant 112 : i32
          %add3A_209 = arith.addi %mul3A_118, %add3A_208 : i32
          %swap3A_210 = arith.index_cast %add3A_209 : i32 to index
          %swap3A_211 = tpu.vector_load %arg9[%swap3A_210] {strides = array<i32>} : memref<81920xf32, #tpu.memory_space<vmem>>, vector<16xf32>,
          tpu.vector_store %arg9[%swap3A_210], %max3A_207 {strides = array<i32>} : memref<81920xf32, #tpu.memory_space<vmem>>, vector<16xf32>,
          %add3A_212 = arith.constant 128 : i32
          %add3A_213 = arith.addi %mul3A_118, %add3A_212 : i32
          %get3A_214 = arith.index_cast %add3A_213 : i32 to index
          %get3A_215 = tpu.vector_load %arg9[%get3A_214] {strides = array<i32>} : memref<81920xf32, #tpu.memory_space<vmem>>, vector<16xf32>,
          %get3A_216 = arith.index_cast %sub3A_108 : i32 to index
          %get3A_217 = arith.constant 128 : index
          %get3A_218 = tpu.vector_load %arg8[%get3A_216, %get3A_217] {strides = array<i32>} : memref<128x256xf32, #tpu.memory_space<vmem>>, vector<16xf32>,
          %max3A_219 = arith.maximumf %get3A_215, %get3A_218 : vector<16xf32>
          %add3A_220 = arith.constant 128 : i32
          %add3A_221 = arith.addi %mul3A_118, %add3A_220 : i32
          %swap3A_222 = arith.index_cast %add3A_221 : i32 to index
          %swap3A_223 = tpu.vector_load %arg9[%swap3A_222] {strides = array<i32>} : memref<81920xf32, #tpu.memory_space<vmem>>, vector<16xf32>,
          tpu.vector_store %arg9[%swap3A_222], %max3A_219 {strides = array<i32>} : memref<81920xf32, #tpu.memory_space<vmem>>, vector<16xf32>,
          %add3A_224 = arith.constant 144 : i32
          %add3A_225 = arith.addi %mul3A_118, %add3A_224 : i32
          %get3A_226 = arith.index_cast %add3A_225 : i32 to index
          %get3A_227 = tpu.vector_load %arg9[%get3A_226] {strides = array<i32>} : memref<81920xf32, #tpu.memory_space<vmem>>, vector<16xf32>,
          %get3A_228 = arith.index_cast %sub3A_108 : i32 to index
          %get3A_229 = arith.constant 144 : index
          %get3A_230 = tpu.vector_load %arg8[%get3A_228, %get3A_229] {strides = array<i32>} : memref<128x256xf32, #tpu.memory_space<vmem>>, vector<16xf32>,
          %max3A_231 = arith.maximumf %get3A_227, %get3A_230 : vector<16xf32>
          %add3A_232 = arith.constant 144 : i32
          %add3A_233 = arith.addi %mul3A_118, %add3A_232 : i32
          %swap3A_234 = arith.index_cast %add3A_233 : i32 to index
          %swap3A_235 = tpu.vector_load %arg9[%swap3A_234] {strides = array<i32>} : memref<81920xf32, #tpu.memory_space<vmem>>, vector<16xf32>,
          tpu.vector_store %arg9[%swap3A_234], %max3A_231 {strides = array<i32>} : memref<81920xf32, #tpu.memory_space<vmem>>, vector<16xf32>,
          %add3A_236 = arith.constant 160 : i32
          %add3A_237 = arith.addi %mul3A_118, %add3A_236 : i32
          %get3A_238 = arith.index_cast %add3A_237 : i32 to index
          %get3A_239 = tpu.vector_load %arg9[%get3A_238] {strides = array<i32>} : memref<81920xf32, #tpu.memory_space<vmem>>, vector<16xf32>,
          %get3A_240 = arith.index_cast %sub3A_108 : i32 to index
          %get3A_241 = arith.constant 160 : index
          %get3A_242 = tpu.vector_load %arg8[%get3A_240, %get3A_241] {strides = array<i32>} : memref<128x256xf32, #tpu.memory_space<vmem>>, vector<16xf32>,
          %max3A_243 = arith.maximumf %get3A_239, %get3A_242 : vector<16xf32>
          %add3A_244 = arith.constant 160 : i32
          %add3A_245 = arith.addi %mul3A_118, %add3A_244 : i32
          %swap3A_246 = arith.index_cast %add3A_245 : i32 to index
          %swap3A_247 = tpu.vector_load %arg9[%swap3A_246] {strides = array<i32>} : memref<81920xf32, #tpu.memory_space<vmem>>, vector<16xf32>,
          tpu.vector_store %arg9[%swap3A_246], %max3A_243 {strides = array<i32>} : memref<81920xf32, #tpu.memory_space<vmem>>, vector<16xf32>,
          %add3A_248 = arith.constant 176 : i32
          %add3A_249 = arith.addi %mul3A_118, %add3A_248 : i32
          %get3A_250 = arith.index_cast %add3A_249 : i32 to index
          %get3A_251 = tpu.vector_load %arg9[%get3A_250] {strides = array<i32>} : memref<81920xf32, #tpu.memory_space<vmem>>, vector<16xf32>,
          %get3A_252 = arith.index_cast %sub3A_108 : i32 to index
          %get3A_253 = arith.constant 176 : index
          %get3A_254 = tpu.vector_load %arg8[%get3A_252, %get3A_253] {strides = array<i32>} : memref<128x256xf32, #tpu.memory_space<vmem>>, vector<16xf32>,
          %max3A_255 = arith.maximumf %get3A_251, %get3A_254 : vector<16xf32>
          %add3A_256 = arith.constant 176 : i32
          %add3A_257 = arith.addi %mul3A_118, %add3A_256 : i32
          %swap3A_258 = arith.index_cast %add3A_257 : i32 to index
          %swap3A_259 = tpu.vector_load %arg9[%swap3A_258] {strides = array<i32>} : memref<81920xf32, #tpu.memory_space<vmem>>, vector<16xf32>,
          tpu.vector_store %arg9[%swap3A_258], %max3A_255 {strides = array<i32>} : memref<81920xf32, #tpu.memory_space<vmem>>, vector<16xf32>,
          %add3A_260 = arith.constant 192 : i32
          %add3A_261 = arith.addi %mul3A_118, %add3A_260 : i32
          %get3A_262 = arith.index_cast %add3A_261 : i32 to index
          %get3A_263 = tpu.vector_load %arg9[%get3A_262] {strides = array<i32>} : memref<81920xf32, #tpu.memory_space<vmem>>, vector<16xf32>,
          %get3A_264 = arith.index_cast %sub3A_108 : i32 to index
          %get3A_265 = arith.constant 192 : index
          %get3A_266 = tpu.vector_load %arg8[%get3A_264, %get3A_265] {strides = array<i32>} : memref<128x256xf32, #tpu.memory_space<vmem>>, vector<16xf32>,
          %max3A_267 = arith.maximumf %get3A_263, %get3A_266 : vector<16xf32>
          %add3A_268 = arith.constant 192 : i32
          %add3A_269 = arith.addi %mul3A_118, %add3A_268 : i32
          %swap3A_270 = arith.index_cast %add3A_269 : i32 to index
          %swap3A_271 = tpu.vector_load %arg9[%swap3A_270] {strides = array<i32>} : memref<81920xf32, #tpu.memory_space<vmem>>, vector<16xf32>,
          tpu.vector_store %arg9[%swap3A_270], %max3A_267 {strides = array<i32>} : memref<81920xf32, #tpu.memory_space<vmem>>, vector<16xf32>,
          %add3A_272 = arith.constant 208 : i32
          %add3A_273 = arith.addi %mul3A_118, %add3A_272 : i32
          %get3A_274 = arith.index_cast %add3A_273 : i32 to index
          %get3A_275 = tpu.vector_load %arg9[%get3A_274] {strides = array<i32>} : memref<81920xf32, #tpu.memory_space<vmem>>, vector<16xf32>,
          %get3A_276 = arith.index_cast %sub3A_108 : i32 to index
          %get3A_277 = arith.constant 208 : index
          %get3A_278 = tpu.vector_load %arg8[%get3A_276, %get3A_277] {strides = array<i32>} : memref<128x256xf32, #tpu.memory_space<vmem>>, vector<16xf32>,
          %max3A_279 = arith.maximumf %get3A_275, %get3A_278 : vector<16xf32>
          %add3A_280 = arith.constant 208 : i32
          %add3A_281 = arith.addi %mul3A_118, %add3A_280 : i32
          %swap3A_282 = arith.index_cast %add3A_281 : i32 to index
          %swap3A_283 = tpu.vector_load %arg9[%swap3A_282] {strides = array<i32>} : memref<81920xf32, #tpu.memory_space<vmem>>, vector<16xf32>,
          tpu.vector_store %arg9[%swap3A_282], %max3A_279 {strides = array<i32>} : memref<81920xf32, #tpu.memory_space<vmem>>, vector<16xf32>,
          %add3A_284 = arith.constant 224 : i32
          %add3A_285 = arith.addi %mul3A_118, %add3A_284 : i32
          %get3A_286 = arith.index_cast %add3A_285 : i32 to index
          %get3A_287 = tpu.vector_load %arg9[%get3A_286] {strides = array<i32>} : memref<81920xf32, #tpu.memory_space<vmem>>, vector<16xf32>,
          %get3A_288 = arith.index_cast %sub3A_108 : i32 to index
          %get3A_289 = arith.constant 224 : index
          %get3A_290 = tpu.vector_load %arg8[%get3A_288, %get3A_289] {strides = array<i32>} : memref<128x256xf32, #tpu.memory_space<vmem>>, vector<16xf32>,
          %max3A_291 = arith.maximumf %get3A_287, %get3A_290 : vector<16xf32>
          %add3A_292 = arith.constant 224 : i32
          %add3A_293 = arith.addi %mul3A_118, %add3A_292 : i32
          %swap3A_294 = arith.index_cast %add3A_293 : i32 to index
          %swap3A_295 = tpu.vector_load %arg9[%swap3A_294] {strides = array<i32>} : memref<81920xf32, #tpu.memory_space<vmem>>, vector<16xf32>,
          tpu.vector_store %arg9[%swap3A_294], %max3A_291 {strides = array<i32>} : memref<81920xf32, #tpu.memory_space<vmem>>, vector<16xf32>,
          %add3A_296 = arith.constant 240 : i32
          %add3A_297 = arith.addi %mul3A_118, %add3A_296 : i32
          %get3A_298 = arith.index_cast %add3A_297 : i32 to index
          %get3A_299 = tpu.vector_load %arg9[%get3A_298] {strides = array<i32>} : memref<81920xf32, #tpu.memory_space<vmem>>, vector<16xf32>,
          %get3A_300 = arith.index_cast %sub3A_108 : i32 to index
          %get3A_301 = arith.constant 240 : index
          %get3A_302 = tpu.vector_load %arg8[%get3A_300, %get3A_301] {strides = array<i32>} : memref<128x256xf32, #tpu.memory_space<vmem>>, vector<16xf32>,
          %max3A_303 = arith.maximumf %get3A_299, %get3A_302 : vector<16xf32>
          %add3A_304 = arith.constant 240 : i32
          %add3A_305 = arith.addi %mul3A_118, %add3A_304 : i32
          %swap3A_306 = arith.index_cast %add3A_305 : i32 to index
          %swap3A_307 = tpu.vector_load %arg9[%swap3A_306] {strides = array<i32>} : memref<81920xf32, #tpu.memory_space<vmem>>, vector<16xf32>,
          tpu.vector_store %arg9[%swap3A_306], %max3A_303 {strides = array<i32>} : memref<81920xf32, #tpu.memory_space<vmem>>, vector<16xf32>,
        }
      }
      %while3A_68 = arith.constant 1 : i32
      scf.for %while3A_69 = %while3A_66 to %while3A_62 step %while3A_68  : i32 {
        %mul3A_70 = arith.muli %while3A_69, %while3A : i32
        %add3A_71 = arith.addi %while3A_59, %mul3A_70 : i32
        %mul3A_72 = arith.constant 128 : i32
        %mul3A_73 = arith.muli %add3A_71, %mul3A_72 : i32
        %dma_start3A = tpu.memref_slice %arg6[%mul3A_73] : memref<4112xi32, #tpu.memory_space<vmem>> -> memref<128xi32, #tpu.memory_space<vmem>>
        %dma_start3A_74 = arith.constant 0 : i32
        %dma_start3A_75 = arith.constant 0 : i32
        %dma_start3A_76 = tpu.memref_slice %arg2[%dma_start3A_74, %dma_start3A_75] : memref<163840x256xf32, #tpu.memory_space<hbm>> -> memref<163840x256xf32, #tpu.memory_space<hbm>>
        tpu.enqueue_indirect_dma source(%dma_start3A_76 : memref<163840x256xf32, #tpu.memory_space<hbm>>) target(%arg8 : memref<128x256xf32, #tpu.memory_space<vmem>>) offsets(%dma_start3A : memref<128xi32, #tpu.memory_space<vmem>>) semaphore(%arg10 : memref<!tpu.dma_semaphore, #tpu.memory_space<semaphore_mem>>)
        %dma_wait3A = tpu.memref_slice %arg6[%mul3A_73] : memref<4112xi32, #tpu.memory_space<vmem>> -> memref<128xi32, #tpu.memory_space<vmem>>
        %dma_wait3A_77 = arith.constant 0 : i32
        %dma_wait3A_78 = arith.constant 0 : i32
        %dma_wait3A_79 = tpu.memref_slice %arg2[%dma_wait3A_77, %dma_wait3A_78] : memref<163840x256xf32, #tpu.memory_space<hbm>> -> memref<163840x256xf32, #tpu.memory_space<hbm>>
        tpu.wait_indirect_dma semaphore(%arg10 : memref<!tpu.dma_semaphore, #tpu.memory_space<semaphore_mem>>) src(%dma_wait3A_79 : memref<163840x256xf32, #tpu.memory_space<hbm>>) dst(%arg8 : memref<128x256xf32, #tpu.memory_space<vmem>>)
        %mul3A_80 = arith.constant 128 : i32
        %mul3A_81 = arith.muli %add3A_71, %mul3A_80 : i32
        %add3A_82 = arith.constant 1 : i32
        %add3A_83 = arith.addi %add3A_71, %add3A_82 : i32
        %mul3A_84 = arith.constant 128 : i32
        %mul3A_85 = arith.muli %add3A_83, %mul3A_84 : i32
        %min3A = arith.minsi %scan3A_29, %mul3A_85 : i32
        %sub3A_86 = arith.subi %min3A, %mul3A_81 : i32
        %sub3A_87 = arith.constant 1 : i32
        %sub3A_88 = arith.constant 1 : i32
        %sub3A_89 = arith.subi %sub3A_87, %sub3A_88 : i32
        %add3A_90 = arith.addi %sub3A_86, %sub3A_89 : i32
        %div3A_91 = arith.constant 1 : i32
        %div3A_92 = arith.divsi %add3A_90, %div3A_91 : i32
        %while3A_93 = arith.constant 1 : i32
        %while3A_94 = arith.constant 0 : i32
        %while3A_95 = arith.subi %div3A_92, %while3A_94 : i32
        %while3A_96 = arith.addi %while3A_94, %while3A_95 : i32
        %while3A_97 = arith.constant 1 : i32
        %while3A_98 = arith.divsi %while3A_95, %while3A_97 : i32
        %while3A_99 = arith.muli %while3A_98, %while3A_97 : i32
        %while3A_100 = arith.addi %while3A_94, %while3A_99 : i32
        %while3A_101 = arith.constant 1 : i32
        scf.for %while3A_103 = %while3A_94 to %while3A_100 step %while3A_101  : i32 {
          %mul3A_104 = arith.muli %while3A_103, %while3A_93 : i32
          %add3A_105 = arith.addi %mul3A_81, %mul3A_104 : i32
          %mul3A_106 = arith.constant 128 : i32
          %mul3A_107 = arith.muli %add3A_71, %mul3A_106 : i32
          %sub3A_108 = arith.subi %add3A_105, %mul3A_107 : i32
          %broadcast_in_dim3A = vector.broadcast %add3A_105 : i32 to vector<16xi32>
          %gather3A = tpu.vector_load_idx %arg7[%broadcast_in_dim3A] : memref<4112xi32, #tpu.memory_space<vmem>>[vector<16xi32>], vector<16xi32>,
          %reduce_max3A = arith.constant true
          %reduce_max3A_109 = vector.broadcast %reduce_max3A : i1 to vector<16xi1>
          %reduce_max3A_110 = arith.constant -2147483648 : i32
          %reduce_max3A_111 = vector.broadcast %reduce_max3A_110 : i32 to vector<16xi32>
          %reduce_max3A_112 = arith.xori %gather3A, %reduce_max3A_111 : vector<16xi32>
          %reduce_max3A_113 = tpu.scan <max>, %reduce_max3A_112 masked %reduce_max3A_109 : vector<16xi32>, vector<16xi1> -> vector<16xi32>
          %reduce_max3A_114 = arith.xori %reduce_max3A_113, %reduce_max3A_111 : vector<16xi32>
          %reduce_max3A_115 = vector.extract %reduce_max3A_114[15] : i32 from vector<16xi32>
          %sub3A_116 = arith.subi %reduce_max3A_115, %mul3A_2 : i32
          %mul3A_117 = arith.constant 256 : i32
          %mul3A_118 = arith.muli %sub3A_116, %mul3A_117 : i32
          %add3A_119 = arith.constant 0 : i32
          %add3A_120 = arith.addi %mul3A_118, %add3A_119 : i32
          %get3A = arith.index_cast %add3A_120 : i32 to index
          %get3A_121 = tpu.vector_load %arg9[%get3A] {strides = array<i32>} : memref<81920xf32, #tpu.memory_space<vmem>>, vector<16xf32>,
          %get3A_122 = arith.index_cast %sub3A_108 : i32 to index
          %get3A_123 = arith.constant 0 : index
          %get3A_124 = tpu.vector_load %arg8[%get3A_122, %get3A_123] {strides = array<i32>} : memref<128x256xf32, #tpu.memory_space<vmem>>, vector<16xf32>,
          %max3A = arith.maximumf %get3A_121, %get3A_124 : vector<16xf32>
          %add3A_125 = arith.constant 0 : i32
          %add3A_126 = arith.addi %mul3A_118, %add3A_125 : i32
          %swap3A = arith.index_cast %add3A_126 : i32 to index
          %swap3A_127 = tpu.vector_load %arg9[%swap3A] {strides = array<i32>} : memref<81920xf32, #tpu.memory_space<vmem>>, vector<16xf32>,
          tpu.vector_store %arg9[%swap3A], %max3A {strides = array<i32>} : memref<81920xf32, #tpu.memory_space<vmem>>, vector<16xf32>,
          %add3A_128 = arith.constant 16 : i32
          %add3A_129 = arith.addi %mul3A_118, %add3A_128 : i32
          %get3A_130 = arith.index_cast %add3A_129 : i32 to index
          %get3A_131 = tpu.vector_load %arg9[%get3A_130] {strides = array<i32>} : memref<81920xf32, #tpu.memory_space<vmem>>, vector<16xf32>,
          %get3A_132 = arith.index_cast %sub3A_108 : i32 to index
          %get3A_133 = arith.constant 16 : index
          %get3A_134 = tpu.vector_load %arg8[%get3A_132, %get3A_133] {strides = array<i32>} : memref<128x256xf32, #tpu.memory_space<vmem>>, vector<16xf32>,
          %max3A_135 = arith.maximumf %get3A_131, %get3A_134 : vector<16xf32>
          %add3A_136 = arith.constant 16 : i32
          %add3A_137 = arith.addi %mul3A_118, %add3A_136 : i32
          %swap3A_138 = arith.index_cast %add3A_137 : i32 to index
          %swap3A_139 = tpu.vector_load %arg9[%swap3A_138] {strides = array<i32>} : memref<81920xf32, #tpu.memory_space<vmem>>, vector<16xf32>,
          tpu.vector_store %arg9[%swap3A_138], %max3A_135 {strides = array<i32>} : memref<81920xf32, #tpu.memory_space<vmem>>, vector<16xf32>,
          %add3A_140 = arith.constant 32 : i32
          %add3A_141 = arith.addi %mul3A_118, %add3A_140 : i32
          %get3A_142 = arith.index_cast %add3A_141 : i32 to index
          %get3A_143 = tpu.vector_load %arg9[%get3A_142] {strides = array<i32>} : memref<81920xf32, #tpu.memory_space<vmem>>, vector<16xf32>,
          %get3A_144 = arith.index_cast %sub3A_108 : i32 to index
          %get3A_145 = arith.constant 32 : index
          %get3A_146 = tpu.vector_load %arg8[%get3A_144, %get3A_145] {strides = array<i32>} : memref<128x256xf32, #tpu.memory_space<vmem>>, vector<16xf32>,
          %max3A_147 = arith.maximumf %get3A_143, %get3A_146 : vector<16xf32>
          %add3A_148 = arith.constant 32 : i32
          %add3A_149 = arith.addi %mul3A_118, %add3A_148 : i32
          %swap3A_150 = arith.index_cast %add3A_149 : i32 to index
          %swap3A_151 = tpu.vector_load %arg9[%swap3A_150] {strides = array<i32>} : memref<81920xf32, #tpu.memory_space<vmem>>, vector<16xf32>,
          tpu.vector_store %arg9[%swap3A_150], %max3A_147 {strides = array<i32>} : memref<81920xf32, #tpu.memory_space<vmem>>, vector<16xf32>,
          %add3A_152 = arith.constant 48 : i32
          %add3A_153 = arith.addi %mul3A_118, %add3A_152 : i32
          %get3A_154 = arith.index_cast %add3A_153 : i32 to index
          %get3A_155 = tpu.vector_load %arg9[%get3A_154] {strides = array<i32>} : memref<81920xf32, #tpu.memory_space<vmem>>, vector<16xf32>,
          %get3A_156 = arith.index_cast %sub3A_108 : i32 to index
          %get3A_157 = arith.constant 48 : index
          %get3A_158 = tpu.vector_load %arg8[%get3A_156, %get3A_157] {strides = array<i32>} : memref<128x256xf32, #tpu.memory_space<vmem>>, vector<16xf32>,
          %max3A_159 = arith.maximumf %get3A_155, %get3A_158 : vector<16xf32>
          %add3A_160 = arith.constant 48 : i32
          %add3A_161 = arith.addi %mul3A_118, %add3A_160 : i32
          %swap3A_162 = arith.index_cast %add3A_161 : i32 to index
          %swap3A_163 = tpu.vector_load %arg9[%swap3A_162] {strides = array<i32>} : memref<81920xf32, #tpu.memory_space<vmem>>, vector<16xf32>,
          tpu.vector_store %arg9[%swap3A_162], %max3A_159 {strides = array<i32>} : memref<81920xf32, #tpu.memory_space<vmem>>, vector<16xf32>,
          %add3A_164 = arith.constant 64 : i32
          %add3A_165 = arith.addi %mul3A_118, %add3A_164 : i32
          %get3A_166 = arith.index_cast %add3A_165 : i32 to index
          %get3A_167 = tpu.vector_load %arg9[%get3A_166] {strides = array<i32>} : memref<81920xf32, #tpu.memory_space<vmem>>, vector<16xf32>,
          %get3A_168 = arith.index_cast %sub3A_108 : i32 to index
          %get3A_169 = arith.constant 64 : index
          %get3A_170 = tpu.vector_load %arg8[%get3A_168, %get3A_169] {strides = array<i32>} : memref<128x256xf32, #tpu.memory_space<vmem>>, vector<16xf32>,
          %max3A_171 = arith.maximumf %get3A_167, %get3A_170 : vector<16xf32>
          %add3A_172 = arith.constant 64 : i32
          %add3A_173 = arith.addi %mul3A_118, %add3A_172 : i32
          %swap3A_174 = arith.index_cast %add3A_173 : i32 to index
          %swap3A_175 = tpu.vector_load %arg9[%swap3A_174] {strides = array<i32>} : memref<81920xf32, #tpu.memory_space<vmem>>, vector<16xf32>,
          tpu.vector_store %arg9[%swap3A_174], %max3A_171 {strides = array<i32>} : memref<81920xf32, #tpu.memory_space<vmem>>, vector<16xf32>,
          %add3A_176 = arith.constant 80 : i32
          %add3A_177 = arith.addi %mul3A_118, %add3A_176 : i32
          %get3A_178 = arith.index_cast %add3A_177 : i32 to index
          %get3A_179 = tpu.vector_load %arg9[%get3A_178] {strides = array<i32>} : memref<81920xf32, #tpu.memory_space<vmem>>, vector<16xf32>,
          %get3A_180 = arith.index_cast %sub3A_108 : i32 to index
          %get3A_181 = arith.constant 80 : index
          %get3A_182 = tpu.vector_load %arg8[%get3A_180, %get3A_181] {strides = array<i32>} : memref<128x256xf32, #tpu.memory_space<vmem>>, vector<16xf32>,
          %max3A_183 = arith.maximumf %get3A_179, %get3A_182 : vector<16xf32>
          %add3A_184 = arith.constant 80 : i32
          %add3A_185 = arith.addi %mul3A_118, %add3A_184 : i32
          %swap3A_186 = arith.index_cast %add3A_185 : i32 to index
          %swap3A_187 = tpu.vector_load %arg9[%swap3A_186] {strides = array<i32>} : memref<81920xf32, #tpu.memory_space<vmem>>, vector<16xf32>,
          tpu.vector_store %arg9[%swap3A_186], %max3A_183 {strides = array<i32>} : memref<81920xf32, #tpu.memory_space<vmem>>, vector<16xf32>,
          %add3A_188 = arith.constant 96 : i32
          %add3A_189 = arith.addi %mul3A_118, %add3A_188 : i32
          %get3A_190 = arith.index_cast %add3A_189 : i32 to index
          %get3A_191 = tpu.vector_load %arg9[%get3A_190] {strides = array<i32>} : memref<81920xf32, #tpu.memory_space<vmem>>, vector<16xf32>,
          %get3A_192 = arith.index_cast %sub3A_108 : i32 to index
          %get3A_193 = arith.constant 96 : index
          %get3A_194 = tpu.vector_load %arg8[%get3A_192, %get3A_193] {strides = array<i32>} : memref<128x256xf32, #tpu.memory_space<vmem>>, vector<16xf32>,
          %max3A_195 = arith.maximumf %get3A_191, %get3A_194 : vector<16xf32>
          %add3A_196 = arith.constant 96 : i32
          %add3A_197 = arith.addi %mul3A_118, %add3A_196 : i32
          %swap3A_198 = arith.index_cast %add3A_197 : i32 to index
          %swap3A_199 = tpu.vector_load %arg9[%swap3A_198] {strides = array<i32>} : memref<81920xf32, #tpu.memory_space<vmem>>, vector<16xf32>,
          tpu.vector_store %arg9[%swap3A_198], %max3A_195 {strides = array<i32>} : memref<81920xf32, #tpu.memory_space<vmem>>, vector<16xf32>,
          %add3A_200 = arith.constant 112 : i32
          %add3A_201 = arith.addi %mul3A_118, %add3A_200 : i32
          %get3A_202 = arith.index_cast %add3A_201 : i32 to index
          %get3A_203 = tpu.vector_load %arg9[%get3A_202] {strides = array<i32>} : memref<81920xf32, #tpu.memory_space<vmem>>, vector<16xf32>,
          %get3A_204 = arith.index_cast %sub3A_108 : i32 to index
          %get3A_205 = arith.constant 112 : index
          %get3A_206 = tpu.vector_load %arg8[%get3A_204, %get3A_205] {strides = array<i32>} : memref<128x256xf32, #tpu.memory_space<vmem>>, vector<16xf32>,
          %max3A_207 = arith.maximumf %get3A_203, %get3A_206 : vector<16xf32>
          %add3A_208 = arith.constant 112 : i32
          %add3A_209 = arith.addi %mul3A_118, %add3A_208 : i32
          %swap3A_210 = arith.index_cast %add3A_209 : i32 to index
          %swap3A_211 = tpu.vector_load %arg9[%swap3A_210] {strides = array<i32>} : memref<81920xf32, #tpu.memory_space<vmem>>, vector<16xf32>,
          tpu.vector_store %arg9[%swap3A_210], %max3A_207 {strides = array<i32>} : memref<81920xf32, #tpu.memory_space<vmem>>, vector<16xf32>,
          %add3A_212 = arith.constant 128 : i32
          %add3A_213 = arith.addi %mul3A_118, %add3A_212 : i32
          %get3A_214 = arith.index_cast %add3A_213 : i32 to index
          %get3A_215 = tpu.vector_load %arg9[%get3A_214] {strides = array<i32>} : memref<81920xf32, #tpu.memory_space<vmem>>, vector<16xf32>,
          %get3A_216 = arith.index_cast %sub3A_108 : i32 to index
          %get3A_217 = arith.constant 128 : index
          %get3A_218 = tpu.vector_load %arg8[%get3A_216, %get3A_217] {strides = array<i32>} : memref<128x256xf32, #tpu.memory_space<vmem>>, vector<16xf32>,
          %max3A_219 = arith.maximumf %get3A_215, %get3A_218 : vector<16xf32>
          %add3A_220 = arith.constant 128 : i32
          %add3A_221 = arith.addi %mul3A_118, %add3A_220 : i32
          %swap3A_222 = arith.index_cast %add3A_221 : i32 to index
          %swap3A_223 = tpu.vector_load %arg9[%swap3A_222] {strides = array<i32>} : memref<81920xf32, #tpu.memory_space<vmem>>, vector<16xf32>,
          tpu.vector_store %arg9[%swap3A_222], %max3A_219 {strides = array<i32>} : memref<81920xf32, #tpu.memory_space<vmem>>, vector<16xf32>,
          %add3A_224 = arith.constant 144 : i32
          %add3A_225 = arith.addi %mul3A_118, %add3A_224 : i32
          %get3A_226 = arith.index_cast %add3A_225 : i32 to index
          %get3A_227 = tpu.vector_load %arg9[%get3A_226] {strides = array<i32>} : memref<81920xf32, #tpu.memory_space<vmem>>, vector<16xf32>,
          %get3A_228 = arith.index_cast %sub3A_108 : i32 to index
          %get3A_229 = arith.constant 144 : index
          %get3A_230 = tpu.vector_load %arg8[%get3A_228, %get3A_229] {strides = array<i32>} : memref<128x256xf32, #tpu.memory_space<vmem>>, vector<16xf32>,
          %max3A_231 = arith.maximumf %get3A_227, %get3A_230 : vector<16xf32>
          %add3A_232 = arith.constant 144 : i32
          %add3A_233 = arith.addi %mul3A_118, %add3A_232 : i32
          %swap3A_234 = arith.index_cast %add3A_233 : i32 to index
          %swap3A_235 = tpu.vector_load %arg9[%swap3A_234] {strides = array<i32>} : memref<81920xf32, #tpu.memory_space<vmem>>, vector<16xf32>,
          tpu.vector_store %arg9[%swap3A_234], %max3A_231 {strides = array<i32>} : memref<81920xf32, #tpu.memory_space<vmem>>, vector<16xf32>,
          %add3A_236 = arith.constant 160 : i32
          %add3A_237 = arith.addi %mul3A_118, %add3A_236 : i32
          %get3A_238 = arith.index_cast %add3A_237 : i32 to index
          %get3A_239 = tpu.vector_load %arg9[%get3A_238] {strides = array<i32>} : memref<81920xf32, #tpu.memory_space<vmem>>, vector<16xf32>,
          %get3A_240 = arith.index_cast %sub3A_108 : i32 to index
          %get3A_241 = arith.constant 160 : index
          %get3A_242 = tpu.vector_load %arg8[%get3A_240, %get3A_241] {strides = array<i32>} : memref<128x256xf32, #tpu.memory_space<vmem>>, vector<16xf32>,
          %max3A_243 = arith.maximumf %get3A_239, %get3A_242 : vector<16xf32>
          %add3A_244 = arith.constant 160 : i32
          %add3A_245 = arith.addi %mul3A_118, %add3A_244 : i32
          %swap3A_246 = arith.index_cast %add3A_245 : i32 to index
          %swap3A_247 = tpu.vector_load %arg9[%swap3A_246] {strides = array<i32>} : memref<81920xf32, #tpu.memory_space<vmem>>, vector<16xf32>,
          tpu.vector_store %arg9[%swap3A_246], %max3A_243 {strides = array<i32>} : memref<81920xf32, #tpu.memory_space<vmem>>, vector<16xf32>,
          %add3A_248 = arith.constant 176 : i32
          %add3A_249 = arith.addi %mul3A_118, %add3A_248 : i32
          %get3A_250 = arith.index_cast %add3A_249 : i32 to index
          %get3A_251 = tpu.vector_load %arg9[%get3A_250] {strides = array<i32>} : memref<81920xf32, #tpu.memory_space<vmem>>, vector<16xf32>,
          %get3A_252 = arith.index_cast %sub3A_108 : i32 to index
          %get3A_253 = arith.constant 176 : index
          %get3A_254 = tpu.vector_load %arg8[%get3A_252, %get3A_253] {strides = array<i32>} : memref<128x256xf32, #tpu.memory_space<vmem>>, vector<16xf32>,
          %max3A_255 = arith.maximumf %get3A_251, %get3A_254 : vector<16xf32>
          %add3A_256 = arith.constant 176 : i32
          %add3A_257 = arith.addi %mul3A_118, %add3A_256 : i32
          %swap3A_258 = arith.index_cast %add3A_257 : i32 to index
          %swap3A_259 = tpu.vector_load %arg9[%swap3A_258] {strides = array<i32>} : memref<81920xf32, #tpu.memory_space<vmem>>, vector<16xf32>,
          tpu.vector_store %arg9[%swap3A_258], %max3A_255 {strides = array<i32>} : memref<81920xf32, #tpu.memory_space<vmem>>, vector<16xf32>,
          %add3A_260 = arith.constant 192 : i32
          %add3A_261 = arith.addi %mul3A_118, %add3A_260 : i32
          %get3A_262 = arith.index_cast %add3A_261 : i32 to index
          %get3A_263 = tpu.vector_load %arg9[%get3A_262] {strides = array<i32>} : memref<81920xf32, #tpu.memory_space<vmem>>, vector<16xf32>,
          %get3A_264 = arith.index_cast %sub3A_108 : i32 to index
          %get3A_265 = arith.constant 192 : index
          %get3A_266 = tpu.vector_load %arg8[%get3A_264, %get3A_265] {strides = array<i32>} : memref<128x256xf32, #tpu.memory_space<vmem>>, vector<16xf32>,
          %max3A_267 = arith.maximumf %get3A_263, %get3A_266 : vector<16xf32>
          %add3A_268 = arith.constant 192 : i32
          %add3A_269 = arith.addi %mul3A_118, %add3A_268 : i32
          %swap3A_270 = arith.index_cast %add3A_269 : i32 to index
          %swap3A_271 = tpu.vector_load %arg9[%swap3A_270] {strides = array<i32>} : memref<81920xf32, #tpu.memory_space<vmem>>, vector<16xf32>,
          tpu.vector_store %arg9[%swap3A_270], %max3A_267 {strides = array<i32>} : memref<81920xf32, #tpu.memory_space<vmem>>, vector<16xf32>,
          %add3A_272 = arith.constant 208 : i32
          %add3A_273 = arith.addi %mul3A_118, %add3A_272 : i32
          %get3A_274 = arith.index_cast %add3A_273 : i32 to index
          %get3A_275 = tpu.vector_load %arg9[%get3A_274] {strides = array<i32>} : memref<81920xf32, #tpu.memory_space<vmem>>, vector<16xf32>,
          %get3A_276 = arith.index_cast %sub3A_108 : i32 to index
          %get3A_277 = arith.constant 208 : index
          %get3A_278 = tpu.vector_load %arg8[%get3A_276, %get3A_277] {strides = array<i32>} : memref<128x256xf32, #tpu.memory_space<vmem>>, vector<16xf32>,
          %max3A_279 = arith.maximumf %get3A_275, %get3A_278 : vector<16xf32>
          %add3A_280 = arith.constant 208 : i32
          %add3A_281 = arith.addi %mul3A_118, %add3A_280 : i32
          %swap3A_282 = arith.index_cast %add3A_281 : i32 to index
          %swap3A_283 = tpu.vector_load %arg9[%swap3A_282] {strides = array<i32>} : memref<81920xf32, #tpu.memory_space<vmem>>, vector<16xf32>,
          tpu.vector_store %arg9[%swap3A_282], %max3A_279 {strides = array<i32>} : memref<81920xf32, #tpu.memory_space<vmem>>, vector<16xf32>,
          %add3A_284 = arith.constant 224 : i32
          %add3A_285 = arith.addi %mul3A_118, %add3A_284 : i32
          %get3A_286 = arith.index_cast %add3A_285 : i32 to index
          %get3A_287 = tpu.vector_load %arg9[%get3A_286] {strides = array<i32>} : memref<81920xf32, #tpu.memory_space<vmem>>, vector<16xf32>,
          %get3A_288 = arith.index_cast %sub3A_108 : i32 to index
          %get3A_289 = arith.constant 224 : index
          %get3A_290 = tpu.vector_load %arg8[%get3A_288, %get3A_289] {strides = array<i32>} : memref<128x256xf32, #tpu.memory_space<vmem>>, vector<16xf32>,
          %max3A_291 = arith.maximumf %get3A_287, %get3A_290 : vector<16xf32>
          %add3A_292 = arith.constant 224 : i32
          %add3A_293 = arith.addi %mul3A_118, %add3A_292 : i32
          %swap3A_294 = arith.index_cast %add3A_293 : i32 to index
          %swap3A_295 = tpu.vector_load %arg9[%swap3A_294] {strides = array<i32>} : memref<81920xf32, #tpu.memory_space<vmem>>, vector<16xf32>,
          tpu.vector_store %arg9[%swap3A_294], %max3A_291 {strides = array<i32>} : memref<81920xf32, #tpu.memory_space<vmem>>, vector<16xf32>,
          %add3A_296 = arith.constant 240 : i32
          %add3A_297 = arith.addi %mul3A_118, %add3A_296 : i32
          %get3A_298 = arith.index_cast %add3A_297 : i32 to index
          %get3A_299 = tpu.vector_load %arg9[%get3A_298] {strides = array<i32>} : memref<81920xf32, #tpu.memory_space<vmem>>, vector<16xf32>,
          %get3A_300 = arith.index_cast %sub3A_108 : i32 to index
          %get3A_301 = arith.constant 240 : index
          %get3A_302 = tpu.vector_load %arg8[%get3A_300, %get3A_301] {strides = array<i32>} : memref<128x256xf32, #tpu.memory_space<vmem>>, vector<16xf32>,
          %max3A_303 = arith.maximumf %get3A_299, %get3A_302 : vector<16xf32>
          %add3A_304 = arith.constant 240 : i32
          %add3A_305 = arith.addi %mul3A_118, %add3A_304 : i32
          %swap3A_306 = arith.index_cast %add3A_305 : i32 to index
          %swap3A_307 = tpu.vector_load %arg9[%swap3A_306] {strides = array<i32>} : memref<81920xf32, #tpu.memory_space<vmem>>, vector<16xf32>,
          tpu.vector_store %arg9[%swap3A_306], %max3A_303 {strides = array<i32>} : memref<81920xf32, #tpu.memory_space<vmem>>, vector<16xf32>,
        }
        %while3A_102 = arith.constant 1 : i32
        scf.for %while3A_103 = %while3A_100 to %while3A_96 step %while3A_102  : i32 {
          %mul3A_104 = arith.muli %while3A_103, %while3A_93 : i32
          %add3A_105 = arith.addi %mul3A_81, %mul3A_104 : i32
          %mul3A_106 = arith.constant 128 : i32
          %mul3A_107 = arith.muli %add3A_71, %mul3A_106 : i32
          %sub3A_108 = arith.subi %add3A_105, %mul3A_107 : i32
          %broadcast_in_dim3A = vector.broadcast %add3A_105 : i32 to vector<16xi32>
          %gather3A = tpu.vector_load_idx %arg7[%broadcast_in_dim3A] : memref<4112xi32, #tpu.memory_space<vmem>>[vector<16xi32>], vector<16xi32>,
          %reduce_max3A = arith.constant true
          %reduce_max3A_109 = vector.broadcast %reduce_max3A : i1 to vector<16xi1>
          %reduce_max3A_110 = arith.constant -2147483648 : i32
          %reduce_max3A_111 = vector.broadcast %reduce_max3A_110 : i32 to vector<16xi32>
          %reduce_max3A_112 = arith.xori %gather3A, %reduce_max3A_111 : vector<16xi32>
          %reduce_max3A_113 = tpu.scan <max>, %reduce_max3A_112 masked %reduce_max3A_109 : vector<16xi32>, vector<16xi1> -> vector<16xi32>
          %reduce_max3A_114 = arith.xori %reduce_max3A_113, %reduce_max3A_111 : vector<16xi32>
          %reduce_max3A_115 = vector.extract %reduce_max3A_114[15] : i32 from vector<16xi32>
          %sub3A_116 = arith.subi %reduce_max3A_115, %mul3A_2 : i32
          %mul3A_117 = arith.constant 256 : i32
          %mul3A_118 = arith.muli %sub3A_116, %mul3A_117 : i32
          %add3A_119 = arith.constant 0 : i32
          %add3A_120 = arith.addi %mul3A_118, %add3A_119 : i32
          %get3A = arith.index_cast %add3A_120 : i32 to index
          %get3A_121 = tpu.vector_load %arg9[%get3A] {strides = array<i32>} : memref<81920xf32, #tpu.memory_space<vmem>>, vector<16xf32>,
          %get3A_122 = arith.index_cast %sub3A_108 : i32 to index
          %get3A_123 = arith.constant 0 : index
          %get3A_124 = tpu.vector_load %arg8[%get3A_122, %get3A_123] {strides = array<i32>} : memref<128x256xf32, #tpu.memory_space<vmem>>, vector<16xf32>,
          %max3A = arith.maximumf %get3A_121, %get3A_124 : vector<16xf32>
          %add3A_125 = arith.constant 0 : i32
          %add3A_126 = arith.addi %mul3A_118, %add3A_125 : i32
          %swap3A = arith.index_cast %add3A_126 : i32 to index
          %swap3A_127 = tpu.vector_load %arg9[%swap3A] {strides = array<i32>} : memref<81920xf32, #tpu.memory_space<vmem>>, vector<16xf32>,
          tpu.vector_store %arg9[%swap3A], %max3A {strides = array<i32>} : memref<81920xf32, #tpu.memory_space<vmem>>, vector<16xf32>,
          %add3A_128 = arith.constant 16 : i32
          %add3A_129 = arith.addi %mul3A_118, %add3A_128 : i32
          %get3A_130 = arith.index_cast %add3A_129 : i32 to index
          %get3A_131 = tpu.vector_load %arg9[%get3A_130] {strides = array<i32>} : memref<81920xf32, #tpu.memory_space<vmem>>, vector<16xf32>,
          %get3A_132 = arith.index_cast %sub3A_108 : i32 to index
          %get3A_133 = arith.constant 16 : index
          %get3A_134 = tpu.vector_load %arg8[%get3A_132, %get3A_133] {strides = array<i32>} : memref<128x256xf32, #tpu.memory_space<vmem>>, vector<16xf32>,
          %max3A_135 = arith.maximumf %get3A_131, %get3A_134 : vector<16xf32>
          %add3A_136 = arith.constant 16 : i32
          %add3A_137 = arith.addi %mul3A_118, %add3A_136 : i32
          %swap3A_138 = arith.index_cast %add3A_137 : i32 to index
          %swap3A_139 = tpu.vector_load %arg9[%swap3A_138] {strides = array<i32>} : memref<81920xf32, #tpu.memory_space<vmem>>, vector<16xf32>,
          tpu.vector_store %arg9[%swap3A_138], %max3A_135 {strides = array<i32>} : memref<81920xf32, #tpu.memory_space<vmem>>, vector<16xf32>,
          %add3A_140 = arith.constant 32 : i32
          %add3A_141 = arith.addi %mul3A_118, %add3A_140 : i32
          %get3A_142 = arith.index_cast %add3A_141 : i32 to index
          %get3A_143 = tpu.vector_load %arg9[%get3A_142] {strides = array<i32>} : memref<81920xf32, #tpu.memory_space<vmem>>, vector<16xf32>,
          %get3A_144 = arith.index_cast %sub3A_108 : i32 to index
          %get3A_145 = arith.constant 32 : index
          %get3A_146 = tpu.vector_load %arg8[%get3A_144, %get3A_145] {strides = array<i32>} : memref<128x256xf32, #tpu.memory_space<vmem>>, vector<16xf32>,
          %max3A_147 = arith.maximumf %get3A_143, %get3A_146 : vector<16xf32>
          %add3A_148 = arith.constant 32 : i32
          %add3A_149 = arith.addi %mul3A_118, %add3A_148 : i32
          %swap3A_150 = arith.index_cast %add3A_149 : i32 to index
          %swap3A_151 = tpu.vector_load %arg9[%swap3A_150] {strides = array<i32>} : memref<81920xf32, #tpu.memory_space<vmem>>, vector<16xf32>,
          tpu.vector_store %arg9[%swap3A_150], %max3A_147 {strides = array<i32>} : memref<81920xf32, #tpu.memory_space<vmem>>, vector<16xf32>,
          %add3A_152 = arith.constant 48 : i32
          %add3A_153 = arith.addi %mul3A_118, %add3A_152 : i32
          %get3A_154 = arith.index_cast %add3A_153 : i32 to index
          %get3A_155 = tpu.vector_load %arg9[%get3A_154] {strides = array<i32>} : memref<81920xf32, #tpu.memory_space<vmem>>, vector<16xf32>,
          %get3A_156 = arith.index_cast %sub3A_108 : i32 to index
          %get3A_157 = arith.constant 48 : index
          %get3A_158 = tpu.vector_load %arg8[%get3A_156, %get3A_157] {strides = array<i32>} : memref<128x256xf32, #tpu.memory_space<vmem>>, vector<16xf32>,
          %max3A_159 = arith.maximumf %get3A_155, %get3A_158 : vector<16xf32>
          %add3A_160 = arith.constant 48 : i32
          %add3A_161 = arith.addi %mul3A_118, %add3A_160 : i32
          %swap3A_162 = arith.index_cast %add3A_161 : i32 to index
          %swap3A_163 = tpu.vector_load %arg9[%swap3A_162] {strides = array<i32>} : memref<81920xf32, #tpu.memory_space<vmem>>, vector<16xf32>,
          tpu.vector_store %arg9[%swap3A_162], %max3A_159 {strides = array<i32>} : memref<81920xf32, #tpu.memory_space<vmem>>, vector<16xf32>,
          %add3A_164 = arith.constant 64 : i32
          %add3A_165 = arith.addi %mul3A_118, %add3A_164 : i32
          %get3A_166 = arith.index_cast %add3A_165 : i32 to index
          %get3A_167 = tpu.vector_load %arg9[%get3A_166] {strides = array<i32>} : memref<81920xf32, #tpu.memory_space<vmem>>, vector<16xf32>,
          %get3A_168 = arith.index_cast %sub3A_108 : i32 to index
          %get3A_169 = arith.constant 64 : index
          %get3A_170 = tpu.vector_load %arg8[%get3A_168, %get3A_169] {strides = array<i32>} : memref<128x256xf32, #tpu.memory_space<vmem>>, vector<16xf32>,
          %max3A_171 = arith.maximumf %get3A_167, %get3A_170 : vector<16xf32>
          %add3A_172 = arith.constant 64 : i32
          %add3A_173 = arith.addi %mul3A_118, %add3A_172 : i32
          %swap3A_174 = arith.index_cast %add3A_173 : i32 to index
          %swap3A_175 = tpu.vector_load %arg9[%swap3A_174] {strides = array<i32>} : memref<81920xf32, #tpu.memory_space<vmem>>, vector<16xf32>,
          tpu.vector_store %arg9[%swap3A_174], %max3A_171 {strides = array<i32>} : memref<81920xf32, #tpu.memory_space<vmem>>, vector<16xf32>,
          %add3A_176 = arith.constant 80 : i32
          %add3A_177 = arith.addi %mul3A_118, %add3A_176 : i32
          %get3A_178 = arith.index_cast %add3A_177 : i32 to index
          %get3A_179 = tpu.vector_load %arg9[%get3A_178] {strides = array<i32>} : memref<81920xf32, #tpu.memory_space<vmem>>, vector<16xf32>,
          %get3A_180 = arith.index_cast %sub3A_108 : i32 to index
          %get3A_181 = arith.constant 80 : index
          %get3A_182 = tpu.vector_load %arg8[%get3A_180, %get3A_181] {strides = array<i32>} : memref<128x256xf32, #tpu.memory_space<vmem>>, vector<16xf32>,
          %max3A_183 = arith.maximumf %get3A_179, %get3A_182 : vector<16xf32>
          %add3A_184 = arith.constant 80 : i32
          %add3A_185 = arith.addi %mul3A_118, %add3A_184 : i32
          %swap3A_186 = arith.index_cast %add3A_185 : i32 to index
          %swap3A_187 = tpu.vector_load %arg9[%swap3A_186] {strides = array<i32>} : memref<81920xf32, #tpu.memory_space<vmem>>, vector<16xf32>,
          tpu.vector_store %arg9[%swap3A_186], %max3A_183 {strides = array<i32>} : memref<81920xf32, #tpu.memory_space<vmem>>, vector<16xf32>,
          %add3A_188 = arith.constant 96 : i32
          %add3A_189 = arith.addi %mul3A_118, %add3A_188 : i32
          %get3A_190 = arith.index_cast %add3A_189 : i32 to index
          %get3A_191 = tpu.vector_load %arg9[%get3A_190] {strides = array<i32>} : memref<81920xf32, #tpu.memory_space<vmem>>, vector<16xf32>,
          %get3A_192 = arith.index_cast %sub3A_108 : i32 to index
          %get3A_193 = arith.constant 96 : index
          %get3A_194 = tpu.vector_load %arg8[%get3A_192, %get3A_193] {strides = array<i32>} : memref<128x256xf32, #tpu.memory_space<vmem>>, vector<16xf32>,
          %max3A_195 = arith.maximumf %get3A_191, %get3A_194 : vector<16xf32>
          %add3A_196 = arith.constant 96 : i32
          %add3A_197 = arith.addi %mul3A_118, %add3A_196 : i32
          %swap3A_198 = arith.index_cast %add3A_197 : i32 to index
          %swap3A_199 = tpu.vector_load %arg9[%swap3A_198] {strides = array<i32>} : memref<81920xf32, #tpu.memory_space<vmem>>, vector<16xf32>,
          tpu.vector_store %arg9[%swap3A_198], %max3A_195 {strides = array<i32>} : memref<81920xf32, #tpu.memory_space<vmem>>, vector<16xf32>,
          %add3A_200 = arith.constant 112 : i32
          %add3A_201 = arith.addi %mul3A_118, %add3A_200 : i32
          %get3A_202 = arith.index_cast %add3A_201 : i32 to index
          %get3A_203 = tpu.vector_load %arg9[%get3A_202] {strides = array<i32>} : memref<81920xf32, #tpu.memory_space<vmem>>, vector<16xf32>,
          %get3A_204 = arith.index_cast %sub3A_108 : i32 to index
          %get3A_205 = arith.constant 112 : index
          %get3A_206 = tpu.vector_load %arg8[%get3A_204, %get3A_205] {strides = array<i32>} : memref<128x256xf32, #tpu.memory_space<vmem>>, vector<16xf32>,
          %max3A_207 = arith.maximumf %get3A_203, %get3A_206 : vector<16xf32>
          %add3A_208 = arith.constant 112 : i32
          %add3A_209 = arith.addi %mul3A_118, %add3A_208 : i32
          %swap3A_210 = arith.index_cast %add3A_209 : i32 to index
          %swap3A_211 = tpu.vector_load %arg9[%swap3A_210] {strides = array<i32>} : memref<81920xf32, #tpu.memory_space<vmem>>, vector<16xf32>,
          tpu.vector_store %arg9[%swap3A_210], %max3A_207 {strides = array<i32>} : memref<81920xf32, #tpu.memory_space<vmem>>, vector<16xf32>,
          %add3A_212 = arith.constant 128 : i32
          %add3A_213 = arith.addi %mul3A_118, %add3A_212 : i32
          %get3A_214 = arith.index_cast %add3A_213 : i32 to index
          %get3A_215 = tpu.vector_load %arg9[%get3A_214] {strides = array<i32>} : memref<81920xf32, #tpu.memory_space<vmem>>, vector<16xf32>,
          %get3A_216 = arith.index_cast %sub3A_108 : i32 to index
          %get3A_217 = arith.constant 128 : index
          %get3A_218 = tpu.vector_load %arg8[%get3A_216, %get3A_217] {strides = array<i32>} : memref<128x256xf32, #tpu.memory_space<vmem>>, vector<16xf32>,
          %max3A_219 = arith.maximumf %get3A_215, %get3A_218 : vector<16xf32>
          %add3A_220 = arith.constant 128 : i32
          %add3A_221 = arith.addi %mul3A_118, %add3A_220 : i32
          %swap3A_222 = arith.index_cast %add3A_221 : i32 to index
          %swap3A_223 = tpu.vector_load %arg9[%swap3A_222] {strides = array<i32>} : memref<81920xf32, #tpu.memory_space<vmem>>, vector<16xf32>,
          tpu.vector_store %arg9[%swap3A_222], %max3A_219 {strides = array<i32>} : memref<81920xf32, #tpu.memory_space<vmem>>, vector<16xf32>,
          %add3A_224 = arith.constant 144 : i32
          %add3A_225 = arith.addi %mul3A_118, %add3A_224 : i32
          %get3A_226 = arith.index_cast %add3A_225 : i32 to index
          %get3A_227 = tpu.vector_load %arg9[%get3A_226] {strides = array<i32>} : memref<81920xf32, #tpu.memory_space<vmem>>, vector<16xf32>,
          %get3A_228 = arith.index_cast %sub3A_108 : i32 to index
          %get3A_229 = arith.constant 144 : index
          %get3A_230 = tpu.vector_load %arg8[%get3A_228, %get3A_229] {strides = array<i32>} : memref<128x256xf32, #tpu.memory_space<vmem>>, vector<16xf32>,
          %max3A_231 = arith.maximumf %get3A_227, %get3A_230 : vector<16xf32>
          %add3A_232 = arith.constant 144 : i32
          %add3A_233 = arith.addi %mul3A_118, %add3A_232 : i32
          %swap3A_234 = arith.index_cast %add3A_233 : i32 to index
          %swap3A_235 = tpu.vector_load %arg9[%swap3A_234] {strides = array<i32>} : memref<81920xf32, #tpu.memory_space<vmem>>, vector<16xf32>,
          tpu.vector_store %arg9[%swap3A_234], %max3A_231 {strides = array<i32>} : memref<81920xf32, #tpu.memory_space<vmem>>, vector<16xf32>,
          %add3A_236 = arith.constant 160 : i32
          %add3A_237 = arith.addi %mul3A_118, %add3A_236 : i32
          %get3A_238 = arith.index_cast %add3A_237 : i32 to index
          %get3A_239 = tpu.vector_load %arg9[%get3A_238] {strides = array<i32>} : memref<81920xf32, #tpu.memory_space<vmem>>, vector<16xf32>,
          %get3A_240 = arith.index_cast %sub3A_108 : i32 to index
          %get3A_241 = arith.constant 160 : index
          %get3A_242 = tpu.vector_load %arg8[%get3A_240, %get3A_241] {strides = array<i32>} : memref<128x256xf32, #tpu.memory_space<vmem>>, vector<16xf32>,
          %max3A_243 = arith.maximumf %get3A_239, %get3A_242 : vector<16xf32>
          %add3A_244 = arith.constant 160 : i32
          %add3A_245 = arith.addi %mul3A_118, %add3A_244 : i32
          %swap3A_246 = arith.index_cast %add3A_245 : i32 to index
          %swap3A_247 = tpu.vector_load %arg9[%swap3A_246] {strides = array<i32>} : memref<81920xf32, #tpu.memory_space<vmem>>, vector<16xf32>,
          tpu.vector_store %arg9[%swap3A_246], %max3A_243 {strides = array<i32>} : memref<81920xf32, #tpu.memory_space<vmem>>, vector<16xf32>,
          %add3A_248 = arith.constant 176 : i32
          %add3A_249 = arith.addi %mul3A_118, %add3A_248 : i32
          %get3A_250 = arith.index_cast %add3A_249 : i32 to index
          %get3A_251 = tpu.vector_load %arg9[%get3A_250] {strides = array<i32>} : memref<81920xf32, #tpu.memory_space<vmem>>, vector<16xf32>,
          %get3A_252 = arith.index_cast %sub3A_108 : i32 to index
          %get3A_253 = arith.constant 176 : index
          %get3A_254 = tpu.vector_load %arg8[%get3A_252, %get3A_253] {strides = array<i32>} : memref<128x256xf32, #tpu.memory_space<vmem>>, vector<16xf32>,
          %max3A_255 = arith.maximumf %get3A_251, %get3A_254 : vector<16xf32>
          %add3A_256 = arith.constant 176 : i32
          %add3A_257 = arith.addi %mul3A_118, %add3A_256 : i32
          %swap3A_258 = arith.index_cast %add3A_257 : i32 to index
          %swap3A_259 = tpu.vector_load %arg9[%swap3A_258] {strides = array<i32>} : memref<81920xf32, #tpu.memory_space<vmem>>, vector<16xf32>,
          tpu.vector_store %arg9[%swap3A_258], %max3A_255 {strides = array<i32>} : memref<81920xf32, #tpu.memory_space<vmem>>, vector<16xf32>,
          %add3A_260 = arith.constant 192 : i32
          %add3A_261 = arith.addi %mul3A_118, %add3A_260 : i32
          %get3A_262 = arith.index_cast %add3A_261 : i32 to index
          %get3A_263 = tpu.vector_load %arg9[%get3A_262] {strides = array<i32>} : memref<81920xf32, #tpu.memory_space<vmem>>, vector<16xf32>,
          %get3A_264 = arith.index_cast %sub3A_108 : i32 to index
          %get3A_265 = arith.constant 192 : index
          %get3A_266 = tpu.vector_load %arg8[%get3A_264, %get3A_265] {strides = array<i32>} : memref<128x256xf32, #tpu.memory_space<vmem>>, vector<16xf32>,
          %max3A_267 = arith.maximumf %get3A_263, %get3A_266 : vector<16xf32>
          %add3A_268 = arith.constant 192 : i32
          %add3A_269 = arith.addi %mul3A_118, %add3A_268 : i32
          %swap3A_270 = arith.index_cast %add3A_269 : i32 to index
          %swap3A_271 = tpu.vector_load %arg9[%swap3A_270] {strides = array<i32>} : memref<81920xf32, #tpu.memory_space<vmem>>, vector<16xf32>,
          tpu.vector_store %arg9[%swap3A_270], %max3A_267 {strides = array<i32>} : memref<81920xf32, #tpu.memory_space<vmem>>, vector<16xf32>,
          %add3A_272 = arith.constant 208 : i32
          %add3A_273 = arith.addi %mul3A_118, %add3A_272 : i32
          %get3A_274 = arith.index_cast %add3A_273 : i32 to index
          %get3A_275 = tpu.vector_load %arg9[%get3A_274] {strides = array<i32>} : memref<81920xf32, #tpu.memory_space<vmem>>, vector<16xf32>,
          %get3A_276 = arith.index_cast %sub3A_108 : i32 to index
          %get3A_277 = arith.constant 208 : index
          %get3A_278 = tpu.vector_load %arg8[%get3A_276, %get3A_277] {strides = array<i32>} : memref<128x256xf32, #tpu.memory_space<vmem>>, vector<16xf32>,
          %max3A_279 = arith.maximumf %get3A_275, %get3A_278 : vector<16xf32>
          %add3A_280 = arith.constant 208 : i32
          %add3A_281 = arith.addi %mul3A_118, %add3A_280 : i32
          %swap3A_282 = arith.index_cast %add3A_281 : i32 to index
          %swap3A_283 = tpu.vector_load %arg9[%swap3A_282] {strides = array<i32>} : memref<81920xf32, #tpu.memory_space<vmem>>, vector<16xf32>,
          tpu.vector_store %arg9[%swap3A_282], %max3A_279 {strides = array<i32>} : memref<81920xf32, #tpu.memory_space<vmem>>, vector<16xf32>,
          %add3A_284 = arith.constant 224 : i32
          %add3A_285 = arith.addi %mul3A_118, %add3A_284 : i32
          %get3A_286 = arith.index_cast %add3A_285 : i32 to index
          %get3A_287 = tpu.vector_load %arg9[%get3A_286] {strides = array<i32>} : memref<81920xf32, #tpu.memory_space<vmem>>, vector<16xf32>,
          %get3A_288 = arith.index_cast %sub3A_108 : i32 to index
          %get3A_289 = arith.constant 224 : index
          %get3A_290 = tpu.vector_load %arg8[%get3A_288, %get3A_289] {strides = array<i32>} : memref<128x256xf32, #tpu.memory_space<vmem>>, vector<16xf32>,
          %max3A_291 = arith.maximumf %get3A_287, %get3A_290 : vector<16xf32>
          %add3A_292 = arith.constant 224 : i32
          %add3A_293 = arith.addi %mul3A_118, %add3A_292 : i32
          %swap3A_294 = arith.index_cast %add3A_293 : i32 to index
          %swap3A_295 = tpu.vector_load %arg9[%swap3A_294] {strides = array<i32>} : memref<81920xf32, #tpu.memory_space<vmem>>, vector<16xf32>,
          tpu.vector_store %arg9[%swap3A_294], %max3A_291 {strides = array<i32>} : memref<81920xf32, #tpu.memory_space<vmem>>, vector<16xf32>,
          %add3A_296 = arith.constant 240 : i32
          %add3A_297 = arith.addi %mul3A_118, %add3A_296 : i32
          %get3A_298 = arith.index_cast %add3A_297 : i32 to index
          %get3A_299 = tpu.vector_load %arg9[%get3A_298] {strides = array<i32>} : memref<81920xf32, #tpu.memory_space<vmem>>, vector<16xf32>,
          %get3A_300 = arith.index_cast %sub3A_108 : i32 to index
          %get3A_301 = arith.constant 240 : index
          %get3A_302 = tpu.vector_load %arg8[%get3A_300, %get3A_301] {strides = array<i32>} : memref<128x256xf32, #tpu.memory_space<vmem>>, vector<16xf32>,
          %max3A_303 = arith.maximumf %get3A_299, %get3A_302 : vector<16xf32>
          %add3A_304 = arith.constant 240 : i32
          %add3A_305 = arith.addi %mul3A_118, %add3A_304 : i32
          %swap3A_306 = arith.index_cast %add3A_305 : i32 to index
          %swap3A_307 = tpu.vector_load %arg9[%swap3A_306] {strides = array<i32>} : memref<81920xf32, #tpu.memory_space<vmem>>, vector<16xf32>,
          tpu.vector_store %arg9[%swap3A_306], %max3A_303 {strides = array<i32>} : memref<81920xf32, #tpu.memory_space<vmem>>, vector<16xf32>,
        }
      }
    }
    %scan3A_16 = arith.constant 40 : i32
    "tpu.region"() ({
      %run_scoped3A = tpu.sem_alloc : memref<!tpu.dma_semaphore, #tpu.memory_space<semaphore_mem>>
      %dma_start3A = arith.constant 0 : i32
      %dma_start3A_17 = tpu.memref_slice %arg4[%add3A, %dma_start3A] : memref<32x81920xf32, #tpu.memory_space<hbm>> -> memref<1x81920xf32, #tpu.memory_space<hbm>>
      %dma_start3A_18 = tpu.memref_squeeze %dma_start3A_17 : memref<1x81920xf32, #tpu.memory_space<hbm>> -> memref<81920xf32, #tpu.memory_space<hbm>>
      %dma_start3A_19 = arith.constant 0 : i32
      %dma_start3A_20 = tpu.memref_slice %arg4[%add3A, %dma_start3A_19] : memref<32x81920xf32, #tpu.memory_space<hbm>> -> memref<1x81920xf32, #tpu.memory_space<hbm>>
      %dma_start3A_21 = tpu.memref_squeeze %dma_start3A_20 : memref<1x81920xf32, #tpu.memory_space<hbm>> -> memref<81920xf32, #tpu.memory_space<hbm>>
      tpu.enqueue_dma source(%arg9 : memref<81920xf32, #tpu.memory_space<vmem>>) target(%dma_start3A_21 : memref<81920xf32, #tpu.memory_space<hbm>>) target_semaphore(%run_scoped3A : memref<!tpu.dma_semaphore, #tpu.memory_space<semaphore_mem>>)
      %dma_wait3A = arith.constant 0 : i32
      %dma_wait3A_22 = tpu.memref_slice %arg4[%add3A, %dma_wait3A] : memref<32x81920xf32, #tpu.memory_space<hbm>> -> memref<1x81920xf32, #tpu.memory_space<hbm>>
      %dma_wait3A_23 = tpu.memref_squeeze %dma_wait3A_22 : memref<1x81920xf32, #tpu.memory_space<hbm>> -> memref<81920xf32, #tpu.memory_space<hbm>>
      %dma_wait3A_24 = arith.constant 0 : i32
      %dma_wait3A_25 = tpu.memref_slice %arg4[%add3A, %dma_wait3A_24] : memref<32x81920xf32, #tpu.memory_space<hbm>> -> memref<1x81920xf32, #tpu.memory_space<hbm>>
      %dma_wait3A_26 = tpu.memref_squeeze %dma_wait3A_25 : memref<1x81920xf32, #tpu.memory_space<hbm>> -> memref<81920xf32, #tpu.memory_space<hbm>>
      tpu.wait_dma2 semaphore(%run_scoped3A : memref<!tpu.dma_semaphore, #tpu.memory_space<semaphore_mem>>) src(%arg9 : memref<81920xf32, #tpu.memory_space<vmem>>) dst(%dma_wait3A_26 : memref<81920xf32, #tpu.memory_space<hbm>>)
      tpu.yield
    }) : () -> ()
    return
  }
}

module attributes {stable_mosaic.version = 14 : i64} {
  func.func @body(%arg0: i32, %arg1: memref<2048x128xf32, #tpu.memory_space<vmem>>, %arg2: memref<2048x128xf32, #tpu.memory_space<vmem>>, %arg3: memref<6x128xf32, #tpu.memory_space<vmem>>, %arg4: memref<1x128xf32, #tpu.memory_space<vmem>>, %arg5: memref<2048x128xf32, #tpu.memory_space<vmem>>) attributes {dimension_semantics = [#tpu.dimension_semantics<arbitrary>], iteration_bounds = array<i64: 80>, scalar_prefetch = 0 : i64, scratch_operands = 0 : i64, tpu.core_type = #tpu.core_type<tc>, window_params = [{transform_indices = @transform_0, window_bounds = array<i64: 2048, 128>}, {transform_indices = @transform_1, window_bounds = array<i64: 2048, 128>}, {pipeline_mode = #tpu.pipeline_mode<synchronous>, transform_indices = @transform_2, window_bounds = array<i64: 6, 128>}, {pipeline_mode = #tpu.pipeline_mode<synchronous>, transform_indices = @transform_3, window_bounds = array<i64: 1, 128>}, {transform_indices = @transform_4, window_bounds = array<i64: 2048, 128>}]} {
    %get3A = arith.constant 0 : index
    %get3A_0 = arith.constant 0 : index
    %get3A_1 = vector.load %arg1[%get3A, %get3A_0] : memref<2048x128xf32, #tpu.memory_space<vmem>>, vector<2048x128xf32>
    %slice3A = vector.extract_strided_slice %get3A_1 {offsets = [0, 0], sizes = [2048, 3], strides = [1, 1]} : vector<2048x128xf32> to vector<2048x3xf32>
    %get3A_2 = arith.constant 0 : index
    %get3A_3 = arith.constant 0 : index
    %get3A_4 = vector.load %arg2[%get3A_2, %get3A_3] : memref<2048x128xf32, #tpu.memory_space<vmem>>, vector<2048x128xf32>
    %slice3A_5 = vector.extract_strided_slice %get3A_4 {offsets = [0, 0], sizes = [2048, 3], strides = [1, 1]} : vector<2048x128xf32> to vector<2048x3xf32>
    %sub3A = arith.subf %slice3A_5, %slice3A : vector<2048x3xf32>
    %concatenate3A = tpu.concatenate %slice3A, %sub3A in 1 : vector<2048x3xf32>, vector<2048x3xf32> -> vector<2048x6xf32>
    %get3A_6 = arith.constant 0 : index
    %get3A_7 = arith.constant 0 : index
    %get3A_8 = vector.load %arg3[%get3A_6, %get3A_7] : memref<6x128xf32, #tpu.memory_space<vmem>>, vector<6x128xf32>
    %dot_general3A = arith.constant dense<0.000000e+00> : vector<2048x128xf32>
    %dot_general3A_9 = tpu.matmul %concatenate3A, %get3A_8, %dot_general3A {dimension_numbers = #tpu.dot_dimension_numbers<[1], [0], [0], [1], [0, 0, 1, 1], [], []>, transpose_lhs_hint = false} : vector<2048x6xf32>, vector<6x128xf32>, vector<2048x128xf32> -> vector<2048x128xf32>
    %get3A_10 = arith.constant 0 : index
    %get3A_11 = arith.constant 0 : index
    %get3A_12 = vector.load %arg4[%get3A_10, %get3A_11] : memref<1x128xf32, #tpu.memory_space<vmem>>, vector<1x128xf32>
    %add3A = vector.broadcast %get3A_12 : vector<1x128xf32> to vector<2048x128xf32>
    %add3A_13 = arith.addf %dot_general3A_9, %add3A : vector<2048x128xf32>
    %max3A = arith.constant 0.000000e+00 : f32
    %max3A_14 = vector.broadcast %max3A : f32 to vector<2048x128xf32>
    %max3A_15 = arith.maximumf %add3A_13, %max3A_14 : vector<2048x128xf32>
    %swap3A = arith.constant 0 : index
    %swap3A_16 = arith.constant 0 : index
    %swap3A_17 = vector.load %arg5[%swap3A, %swap3A_16] : memref<2048x128xf32, #tpu.memory_space<vmem>>, vector<2048x128xf32>
    tpu.vector_store %arg5[%swap3A, %swap3A_16], %max3A_15 {strides = array<i32>} : memref<2048x128xf32, #tpu.memory_space<vmem>>, vector<2048x128xf32>,
    return
  }
  func.func @transform_0(%arg0: i32) -> (i32, i32) {
    %c0_i32 = arith.constant 0 : i32
    %c0_i32_0 = arith.constant 0 : i32
    return %arg0, %c0_i32 : i32, i32
  }
  func.func @transform_1(%arg0: i32) -> (i32, i32) {
    %c0_i32 = arith.constant 0 : i32
    %c0_i32_0 = arith.constant 0 : i32
    return %arg0, %c0_i32 : i32, i32
  }
  func.func @transform_2(%arg0: i32) -> (i32, i32) {
    %c0_i32 = arith.constant 0 : i32
    %c0_i32_0 = arith.constant 0 : i32
    %c0_i32_1 = arith.constant 0 : i32
    return %c0_i32, %c0_i32_0 : i32, i32
  }
  func.func @transform_3(%arg0: i32) -> (i32, i32) {
    %c0_i32 = arith.constant 0 : i32
    %c0_i32_0 = arith.constant 0 : i32
    %c0_i32_1 = arith.constant 0 : i32
    return %c0_i32, %c0_i32_0 : i32, i32
  }
  func.func @transform_4(%arg0: i32) -> (i32, i32) {
    %c0_i32 = arith.constant 0 : i32
    %c0_i32_0 = arith.constant 0 : i32
    return %arg0, %c0_i32 : i32, i32
  }
}

module attributes {stable_mosaic.version = 14 : i64} {
  func.func @body(%arg0: i32, %arg1: memref<2048x128xf32, #tpu.memory_space<vmem>>, %arg2: memref<2048x128xf32, #tpu.memory_space<vmem>>, %arg3: memref<128x128xf32, #tpu.memory_space<vmem>>, %arg4: memref<1x128xf32, #tpu.memory_space<vmem>>, %arg5: memref<2048x128xf32, #tpu.memory_space<vmem>>) attributes {dimension_semantics = [#tpu.dimension_semantics<arbitrary>], iteration_bounds = array<i64: 80>, scalar_prefetch = 0 : i64, scratch_operands = 0 : i64, tpu.core_type = #tpu.core_type<tc>, window_params = [{transform_indices = @transform_0, window_bounds = array<i64: 2048, 128>}, {transform_indices = @transform_1, window_bounds = array<i64: 2048, 128>}, {pipeline_mode = #tpu.pipeline_mode<synchronous>, transform_indices = @transform_2, window_bounds = array<i64: 128, 128>}, {pipeline_mode = #tpu.pipeline_mode<synchronous>, transform_indices = @transform_3, window_bounds = array<i64: 1, 128>}, {transform_indices = @transform_4, window_bounds = array<i64: 2048, 128>}]} {
    %get3A = arith.constant 0 : index
    %get3A_0 = arith.constant 0 : index
    %get3A_1 = vector.load %arg1[%get3A, %get3A_0] : memref<2048x128xf32, #tpu.memory_space<vmem>>, vector<2048x128xf32>
    %slice3A = vector.extract_strided_slice %get3A_1 {offsets = [0, 0], sizes = [2048, 64], strides = [1, 1]} : vector<2048x128xf32> to vector<2048x64xf32>
    %get3A_2 = arith.constant 0 : index
    %get3A_3 = arith.constant 0 : index
    %get3A_4 = vector.load %arg2[%get3A_2, %get3A_3] : memref<2048x128xf32, #tpu.memory_space<vmem>>, vector<2048x128xf32>
    %slice3A_5 = vector.extract_strided_slice %get3A_4 {offsets = [0, 0], sizes = [2048, 64], strides = [1, 1]} : vector<2048x128xf32> to vector<2048x64xf32>
    %sub3A = arith.subf %slice3A_5, %slice3A : vector<2048x64xf32>
    %concatenate3A = tpu.concatenate %slice3A, %sub3A in 1 : vector<2048x64xf32>, vector<2048x64xf32> -> vector<2048x128xf32>
    %get3A_6 = arith.constant 0 : index
    %get3A_7 = arith.constant 0 : index
    %get3A_8 = vector.load %arg3[%get3A_6, %get3A_7] : memref<128x128xf32, #tpu.memory_space<vmem>>, vector<128x128xf32>
    %dot_general3A = arith.constant dense<0.000000e+00> : vector<2048x128xf32>
    %dot_general3A_9 = tpu.matmul %concatenate3A, %get3A_8, %dot_general3A {dimension_numbers = #tpu.dot_dimension_numbers<[1], [0], [0], [1], [0, 0, 1, 1], [], []>, transpose_lhs_hint = false} : vector<2048x128xf32>, vector<128x128xf32>, vector<2048x128xf32> -> vector<2048x128xf32>
    %get3A_10 = arith.constant 0 : index
    %get3A_11 = arith.constant 0 : index
    %get3A_12 = vector.load %arg4[%get3A_10, %get3A_11] : memref<1x128xf32, #tpu.memory_space<vmem>>, vector<1x128xf32>
    %add3A = vector.broadcast %get3A_12 : vector<1x128xf32> to vector<2048x128xf32>
    %add3A_13 = arith.addf %dot_general3A_9, %add3A : vector<2048x128xf32>
    %max3A = arith.constant 0.000000e+00 : f32
    %max3A_14 = vector.broadcast %max3A : f32 to vector<2048x128xf32>
    %max3A_15 = arith.maximumf %add3A_13, %max3A_14 : vector<2048x128xf32>
    %swap3A = arith.constant 0 : index
    %swap3A_16 = arith.constant 0 : index
    %swap3A_17 = vector.load %arg5[%swap3A, %swap3A_16] : memref<2048x128xf32, #tpu.memory_space<vmem>>, vector<2048x128xf32>
    tpu.vector_store %arg5[%swap3A, %swap3A_16], %max3A_15 {strides = array<i32>} : memref<2048x128xf32, #tpu.memory_space<vmem>>, vector<2048x128xf32>,
    return
  }
  func.func @transform_0(%arg0: i32) -> (i32, i32) {
    %c0_i32 = arith.constant 0 : i32
    %c0_i32_0 = arith.constant 0 : i32
    return %arg0, %c0_i32 : i32, i32
  }
  func.func @transform_1(%arg0: i32) -> (i32, i32) {
    %c0_i32 = arith.constant 0 : i32
    %c0_i32_0 = arith.constant 0 : i32
    return %arg0, %c0_i32 : i32, i32
  }
  func.func @transform_2(%arg0: i32) -> (i32, i32) {
    %c0_i32 = arith.constant 0 : i32
    %c0_i32_0 = arith.constant 0 : i32
    %c0_i32_1 = arith.constant 0 : i32
    return %c0_i32, %c0_i32_0 : i32, i32
  }
  func.func @transform_3(%arg0: i32) -> (i32, i32) {
    %c0_i32 = arith.constant 0 : i32
    %c0_i32_0 = arith.constant 0 : i32
    %c0_i32_1 = arith.constant 0 : i32
    return %c0_i32, %c0_i32_0 : i32, i32
  }
  func.func @transform_4(%arg0: i32) -> (i32, i32) {
    %c0_i32 = arith.constant 0 : i32
    %c0_i32_0 = arith.constant 0 : i32
    return %arg0, %c0_i32 : i32, i32
  }
}

module attributes {stable_mosaic.version = 14 : i64} {
  func.func @body(%arg0: i32, %arg1: memref<2048x128xf32, #tpu.memory_space<vmem>>, %arg2: memref<2048x128xf32, #tpu.memory_space<vmem>>, %arg3: memref<256x256xf32, #tpu.memory_space<vmem>>, %arg4: memref<1x256xf32, #tpu.memory_space<vmem>>, %arg5: memref<2048x256xf32, #tpu.memory_space<vmem>>) attributes {dimension_semantics = [#tpu.dimension_semantics<arbitrary>], iteration_bounds = array<i64: 80>, scalar_prefetch = 0 : i64, scratch_operands = 0 : i64, tpu.core_type = #tpu.core_type<tc>, window_params = [{transform_indices = @transform_0, window_bounds = array<i64: 2048, 128>}, {transform_indices = @transform_1, window_bounds = array<i64: 2048, 128>}, {pipeline_mode = #tpu.pipeline_mode<synchronous>, transform_indices = @transform_2, window_bounds = array<i64: 256, 256>}, {pipeline_mode = #tpu.pipeline_mode<synchronous>, transform_indices = @transform_3, window_bounds = array<i64: 1, 256>}, {transform_indices = @transform_4, window_bounds = array<i64: 2048, 256>}]} {
    %get3A = arith.constant 0 : index
    %get3A_0 = arith.constant 0 : index
    %get3A_1 = vector.load %arg1[%get3A, %get3A_0] : memref<2048x128xf32, #tpu.memory_space<vmem>>, vector<2048x128xf32>
    %get3A_2 = arith.constant 0 : index
    %get3A_3 = arith.constant 0 : index
    %get3A_4 = vector.load %arg2[%get3A_2, %get3A_3] : memref<2048x128xf32, #tpu.memory_space<vmem>>, vector<2048x128xf32>
    %sub3A = arith.subf %get3A_4, %get3A_1 : vector<2048x128xf32>
    %concatenate3A = tpu.concatenate %get3A_1, %sub3A in 1 : vector<2048x128xf32>, vector<2048x128xf32> -> vector<2048x256xf32>
    %get3A_5 = arith.constant 0 : index
    %get3A_6 = arith.constant 0 : index
    %get3A_7 = vector.load %arg3[%get3A_5, %get3A_6] : memref<256x256xf32, #tpu.memory_space<vmem>>, vector<256x256xf32>
    %dot_general3A = arith.constant dense<0.000000e+00> : vector<2048x256xf32>
    %dot_general3A_8 = tpu.matmul %concatenate3A, %get3A_7, %dot_general3A {dimension_numbers = #tpu.dot_dimension_numbers<[1], [0], [0], [1], [0, 0, 1, 1], [], []>, transpose_lhs_hint = false} : vector<2048x256xf32>, vector<256x256xf32>, vector<2048x256xf32> -> vector<2048x256xf32>
    %get3A_9 = arith.constant 0 : index
    %get3A_10 = arith.constant 0 : index
    %get3A_11 = vector.load %arg4[%get3A_9, %get3A_10] : memref<1x256xf32, #tpu.memory_space<vmem>>, vector<1x256xf32>
    %add3A = vector.broadcast %get3A_11 : vector<1x256xf32> to vector<2048x256xf32>
    %add3A_12 = arith.addf %dot_general3A_8, %add3A : vector<2048x256xf32>
    %max3A = arith.constant 0.000000e+00 : f32
    %max3A_13 = vector.broadcast %max3A : f32 to vector<2048x256xf32>
    %max3A_14 = arith.maximumf %add3A_12, %max3A_13 : vector<2048x256xf32>
    %swap3A = arith.constant 0 : index
    %swap3A_15 = arith.constant 0 : index
    %swap3A_16 = vector.load %arg5[%swap3A, %swap3A_15] : memref<2048x256xf32, #tpu.memory_space<vmem>>, vector<2048x256xf32>
    tpu.vector_store %arg5[%swap3A, %swap3A_15], %max3A_14 {strides = array<i32>} : memref<2048x256xf32, #tpu.memory_space<vmem>>, vector<2048x256xf32>,
    return
  }
  func.func @transform_0(%arg0: i32) -> (i32, i32) {
    %c0_i32 = arith.constant 0 : i32
    %c0_i32_0 = arith.constant 0 : i32
    return %arg0, %c0_i32 : i32, i32
  }
  func.func @transform_1(%arg0: i32) -> (i32, i32) {
    %c0_i32 = arith.constant 0 : i32
    %c0_i32_0 = arith.constant 0 : i32
    return %arg0, %c0_i32 : i32, i32
  }
  func.func @transform_2(%arg0: i32) -> (i32, i32) {
    %c0_i32 = arith.constant 0 : i32
    %c0_i32_0 = arith.constant 0 : i32
    %c0_i32_1 = arith.constant 0 : i32
    return %c0_i32, %c0_i32_0 : i32, i32
  }
  func.func @transform_3(%arg0: i32) -> (i32, i32) {
    %c0_i32 = arith.constant 0 : i32
    %c0_i32_0 = arith.constant 0 : i32
    %c0_i32_1 = arith.constant 0 : i32
    return %c0_i32, %c0_i32_0 : i32, i32
  }
  func.func @transform_4(%arg0: i32) -> (i32, i32) {
    %c0_i32 = arith.constant 0 : i32
    %c0_i32_0 = arith.constant 0 : i32
    return %arg0, %c0_i32 : i32, i32
  }
}

module attributes {stable_mosaic.version = 14 : i64} {
  func.func @body(%arg0: i32, %arg1: memref<1000x128xf32, #tpu.memory_space<vmem>>, %arg2: memref<1000x128xf32, #tpu.memory_space<vmem>>, %arg3: memref<1000x256xf32, #tpu.memory_space<vmem>>, %arg4: memref<1000x24xf32, #tpu.memory_space<vmem>>, %arg5: memref<1000x1xi32, #tpu.memory_space<vmem>>, %arg6: memref<448x256xf32, #tpu.memory_space<vmem>>, %arg7: memref<1x256xf32, #tpu.memory_space<vmem>>, %arg8: memref<448x256xf32, #tpu.memory_space<vmem>>, %arg9: memref<1x256xf32, #tpu.memory_space<vmem>>, %arg10: memref<1x256xf32, #tpu.memory_space<vmem>>, %arg11: memref<1x256xf32, #tpu.memory_space<vmem>>, %arg12: memref<256x256xf32, #tpu.memory_space<vmem>>, %arg13: memref<256x256xf32, #tpu.memory_space<vmem>>, %arg14: memref<1x256xf32, #tpu.memory_space<vmem>>, %arg15: memref<1x256xf32, #tpu.memory_space<vmem>>, %arg16: memref<1x256xf32, #tpu.memory_space<vmem>>, %arg17: memref<384x256xf32, #tpu.memory_space<vmem>>, %arg18: memref<1x256xf32, #tpu.memory_space<vmem>>, %arg19: memref<1x256xf32, #tpu.memory_space<vmem>>, %arg20: memref<16x448xf32, #tpu.memory_space<vmem>>, %arg21: memref<384x1xf32, #tpu.memory_space<vmem>>, %arg22: memref<384x256xf32, #tpu.memory_space<vmem>>) attributes {dimension_semantics = [#tpu.dimension_semantics<arbitrary>], iteration_bounds = array<i64: 10>, scalar_prefetch = 0 : i64, scratch_operands = 5 : i64, tpu.core_type = #tpu.core_type<tc>, window_params = [{transform_indices = @transform_0, window_bounds = array<i64: 1000, 128>}, {transform_indices = @transform_1, window_bounds = array<i64: 1000, 128>}, {transform_indices = @transform_2, window_bounds = array<i64: 1000, 256>}, {transform_indices = @transform_3, window_bounds = array<i64: 1000, 24>}, {transform_indices = @transform_4, window_bounds = array<i64: 1000, 1>}, {pipeline_mode = #tpu.pipeline_mode<synchronous>, transform_indices = @transform_5, window_bounds = array<i64: 448, 256>}, {pipeline_mode = #tpu.pipeline_mode<synchronous>, transform_indices = @transform_6, window_bounds = array<i64: 1, 256>}, {pipeline_mode = #tpu.pipeline_mode<synchronous>, transform_indices = @transform_7, window_bounds = array<i64: 448, 256>}, {pipeline_mode = #tpu.pipeline_mode<synchronous>, transform_indices = @transform_8, window_bounds = array<i64: 1, 256>}, {pipeline_mode = #tpu.pipeline_mode<synchronous>, transform_indices = @transform_9, window_bounds = array<i64: 1, 256>}, {pipeline_mode = #tpu.pipeline_mode<synchronous>, transform_indices = @transform_10, window_bounds = array<i64: 1, 256>}, {pipeline_mode = #tpu.pipeline_mode<synchronous>, transform_indices = @transform_11, window_bounds = array<i64: 256, 256>}, {pipeline_mode = #tpu.pipeline_mode<synchronous>, transform_indices = @transform_12, window_bounds = array<i64: 256, 256>}, {pipeline_mode = #tpu.pipeline_mode<synchronous>, transform_indices = @transform_13, window_bounds = array<i64: 1, 256>}, {pipeline_mode = #tpu.pipeline_mode<synchronous>, transform_indices = @transform_14, window_bounds = array<i64: 1, 256>}, {pipeline_mode = #tpu.pipeline_mode<synchronous>, transform_indices = @transform_15, window_bounds = array<i64: 1, 256>}, {pipeline_mode = #tpu.pipeline_mode<synchronous>, transform_indices = @transform_16, window_bounds = array<i64: 384, 256>}]} {
    %get3A = arith.constant 0 : index
    %get3A_0 = arith.constant 0 : index
    %get3A_1 = vector.load %arg1[%get3A, %get3A_0] : memref<1000x128xf32, #tpu.memory_space<vmem>>, vector<1000x128xf32>
    %slice3A = vector.extract_strided_slice %get3A_1 {offsets = [0, 0], sizes = [1000, 64], strides = [1, 1]} : vector<1000x128xf32> to vector<1000x64xf32>
    %get3A_2 = arith.constant 0 : index
    %get3A_3 = arith.constant 0 : index
    %get3A_4 = vector.load %arg2[%get3A_2, %get3A_3] : memref<1000x128xf32, #tpu.memory_space<vmem>>, vector<1000x128xf32>
    %get3A_5 = arith.constant 0 : index
    %get3A_6 = arith.constant 0 : index
    %get3A_7 = vector.load %arg3[%get3A_5, %get3A_6] : memref<1000x256xf32, #tpu.memory_space<vmem>>, vector<1000x256xf32>
    %concatenate3A = tpu.concatenate %slice3A, %get3A_4, %get3A_7 in 1 : vector<1000x64xf32>, vector<1000x128xf32>, vector<1000x256xf32> -> vector<1000x448xf32>
    %get3A_8 = arith.constant 0 : index
    %get3A_9 = arith.constant 0 : index
    %get3A_10 = vector.load %arg6[%get3A_8, %get3A_9] : memref<448x256xf32, #tpu.memory_space<vmem>>, vector<448x256xf32>
    %dot_general3A = arith.constant dense<0.000000e+00> : vector<1000x256xf32>
    %dot_general3A_11 = tpu.matmul %concatenate3A, %get3A_10, %dot_general3A {dimension_numbers = #tpu.dot_dimension_numbers<[1], [0], [0], [1], [0, 0, 1, 1], [], []>, transpose_lhs_hint = false} : vector<1000x448xf32>, vector<448x256xf32>, vector<1000x256xf32> -> vector<1000x256xf32>
    %get3A_12 = arith.constant 0 : index
    %get3A_13 = arith.constant 0 : index
    %get3A_14 = vector.load %arg7[%get3A_12, %get3A_13] : memref<1x256xf32, #tpu.memory_space<vmem>>, vector<1x256xf32>
    %add3A = vector.broadcast %get3A_14 : vector<1x256xf32> to vector<1000x256xf32>
    %add3A_15 = arith.addf %dot_general3A_11, %add3A : vector<1000x256xf32>
    %max3A = arith.constant 0.000000e+00 : f32
    %max3A_16 = vector.broadcast %max3A : f32 to vector<1000x256xf32>
    %max3A_17 = arith.maximumf %add3A_15, %max3A_16 : vector<1000x256xf32>
    %get3A_18 = arith.constant 0 : index
    %get3A_19 = arith.constant 0 : index
    %get3A_20 = vector.load %arg5[%get3A_18, %get3A_19] : memref<1000x1xi32, #tpu.memory_space<vmem>>, vector<1000x1xi32>
    %iota3A = tpu.iota {dimensions = array<i32: 1>} : vector<1000x16xi32>
    %eq3A = vector.broadcast %get3A_20 : vector<1000x1xi32> to vector<1000x16xi32>
    %eq3A_21 = arith.cmpi eq, %eq3A, %iota3A : vector<1000x16xi32>
    %convert_element_type3A = arith.extui %eq3A_21 : vector<1000x16xi1> to vector<1000x16xi32>
    %convert_element_type3A_22 = arith.sitofp %convert_element_type3A : vector<1000x16xi32> to vector<1000x16xf32>
    %get3A_23 = arith.constant 0 : index
    %get3A_24 = arith.constant 0 : index
    %get3A_25 = vector.load %arg4[%get3A_23, %get3A_24] : memref<1000x24xf32, #tpu.memory_space<vmem>>, vector<1000x24xf32>
    %slice3A_26 = vector.extract_strided_slice %eq3A_21 {offsets = [0, 0], sizes = [1000, 1], strides = [1, 1]} : vector<1000x16xi1> to vector<1000x1xi1>
    %jit3A = arith.constant 0.000000e+00 : f32
    %broadcast_in_dim3A = vector.shape_cast %slice3A_26 : vector<1000x1xi1> to vector<1000x1xi1>
    %broadcast_in_dim3A_27 = vector.broadcast %broadcast_in_dim3A : vector<1000x1xi1> to vector<1000x448xi1>
    %broadcast_in_dim3A_28 = vector.broadcast %jit3A : f32 to vector<1000x448xf32>
    %select_n3A = arith.select %broadcast_in_dim3A_27, %concatenate3A, %broadcast_in_dim3A_28 : vector<1000x448xi1>, vector<1000x448xf32>
    %reduce_max3A = arith.constant dense<0xFF800000> : vector<448xf32>
    %reduce_max3A_29 = vector.multi_reduction <maximumf>, %select_n3A, %reduce_max3A [0] : vector<1000x448xf32> to vector<448xf32>
    %broadcast_in_dim3A_30 = vector.shape_cast %reduce_max3A_29 : vector<448xf32> to vector<1x448xf32>
    %slice3A_31 = vector.extract_strided_slice %eq3A_21 {offsets = [0, 1], sizes = [1000, 1], strides = [1, 1]} : vector<1000x16xi1> to vector<1000x1xi1>
    %jit3A_32 = arith.constant 0.000000e+00 : f32
    %broadcast_in_dim3A_33 = vector.shape_cast %slice3A_31 : vector<1000x1xi1> to vector<1000x1xi1>
    %broadcast_in_dim3A_34 = vector.broadcast %broadcast_in_dim3A_33 : vector<1000x1xi1> to vector<1000x448xi1>
    %broadcast_in_dim3A_35 = vector.broadcast %jit3A_32 : f32 to vector<1000x448xf32>
    %select_n3A_36 = arith.select %broadcast_in_dim3A_34, %concatenate3A, %broadcast_in_dim3A_35 : vector<1000x448xi1>, vector<1000x448xf32>
    %reduce_max3A_37 = arith.constant dense<0xFF800000> : vector<448xf32>
    %reduce_max3A_38 = vector.multi_reduction <maximumf>, %select_n3A_36, %reduce_max3A_37 [0] : vector<1000x448xf32> to vector<448xf32>
    %broadcast_in_dim3A_39 = vector.shape_cast %reduce_max3A_38 : vector<448xf32> to vector<1x448xf32>
    %slice3A_40 = vector.extract_strided_slice %eq3A_21 {offsets = [0, 2], sizes = [1000, 1], strides = [1, 1]} : vector<1000x16xi1> to vector<1000x1xi1>
    %jit3A_41 = arith.constant 0.000000e+00 : f32
    %broadcast_in_dim3A_42 = vector.shape_cast %slice3A_40 : vector<1000x1xi1> to vector<1000x1xi1>
    %broadcast_in_dim3A_43 = vector.broadcast %broadcast_in_dim3A_42 : vector<1000x1xi1> to vector<1000x448xi1>
    %broadcast_in_dim3A_44 = vector.broadcast %jit3A_41 : f32 to vector<1000x448xf32>
    %select_n3A_45 = arith.select %broadcast_in_dim3A_43, %concatenate3A, %broadcast_in_dim3A_44 : vector<1000x448xi1>, vector<1000x448xf32>
    %reduce_max3A_46 = arith.constant dense<0xFF800000> : vector<448xf32>
    %reduce_max3A_47 = vector.multi_reduction <maximumf>, %select_n3A_45, %reduce_max3A_46 [0] : vector<1000x448xf32> to vector<448xf32>
    %broadcast_in_dim3A_48 = vector.shape_cast %reduce_max3A_47 : vector<448xf32> to vector<1x448xf32>
    %slice3A_49 = vector.extract_strided_slice %eq3A_21 {offsets = [0, 3], sizes = [1000, 1], strides = [1, 1]} : vector<1000x16xi1> to vector<1000x1xi1>
    %jit3A_50 = arith.constant 0.000000e+00 : f32
    %broadcast_in_dim3A_51 = vector.shape_cast %slice3A_49 : vector<1000x1xi1> to vector<1000x1xi1>
    %broadcast_in_dim3A_52 = vector.broadcast %broadcast_in_dim3A_51 : vector<1000x1xi1> to vector<1000x448xi1>
    %broadcast_in_dim3A_53 = vector.broadcast %jit3A_50 : f32 to vector<1000x448xf32>
    %select_n3A_54 = arith.select %broadcast_in_dim3A_52, %concatenate3A, %broadcast_in_dim3A_53 : vector<1000x448xi1>, vector<1000x448xf32>
    %reduce_max3A_55 = arith.constant dense<0xFF800000> : vector<448xf32>
    %reduce_max3A_56 = vector.multi_reduction <maximumf>, %select_n3A_54, %reduce_max3A_55 [0] : vector<1000x448xf32> to vector<448xf32>
    %broadcast_in_dim3A_57 = vector.shape_cast %reduce_max3A_56 : vector<448xf32> to vector<1x448xf32>
    %slice3A_58 = vector.extract_strided_slice %eq3A_21 {offsets = [0, 4], sizes = [1000, 1], strides = [1, 1]} : vector<1000x16xi1> to vector<1000x1xi1>
    %jit3A_59 = arith.constant 0.000000e+00 : f32
    %broadcast_in_dim3A_60 = vector.shape_cast %slice3A_58 : vector<1000x1xi1> to vector<1000x1xi1>
    %broadcast_in_dim3A_61 = vector.broadcast %broadcast_in_dim3A_60 : vector<1000x1xi1> to vector<1000x448xi1>
    %broadcast_in_dim3A_62 = vector.broadcast %jit3A_59 : f32 to vector<1000x448xf32>
    %select_n3A_63 = arith.select %broadcast_in_dim3A_61, %concatenate3A, %broadcast_in_dim3A_62 : vector<1000x448xi1>, vector<1000x448xf32>
    %reduce_max3A_64 = arith.constant dense<0xFF800000> : vector<448xf32>
    %reduce_max3A_65 = vector.multi_reduction <maximumf>, %select_n3A_63, %reduce_max3A_64 [0] : vector<1000x448xf32> to vector<448xf32>
    %broadcast_in_dim3A_66 = vector.shape_cast %reduce_max3A_65 : vector<448xf32> to vector<1x448xf32>
    %slice3A_67 = vector.extract_strided_slice %eq3A_21 {offsets = [0, 5], sizes = [1000, 1], strides = [1, 1]} : vector<1000x16xi1> to vector<1000x1xi1>
    %jit3A_68 = arith.constant 0.000000e+00 : f32
    %broadcast_in_dim3A_69 = vector.shape_cast %slice3A_67 : vector<1000x1xi1> to vector<1000x1xi1>
    %broadcast_in_dim3A_70 = vector.broadcast %broadcast_in_dim3A_69 : vector<1000x1xi1> to vector<1000x448xi1>
    %broadcast_in_dim3A_71 = vector.broadcast %jit3A_68 : f32 to vector<1000x448xf32>
    %select_n3A_72 = arith.select %broadcast_in_dim3A_70, %concatenate3A, %broadcast_in_dim3A_71 : vector<1000x448xi1>, vector<1000x448xf32>
    %reduce_max3A_73 = arith.constant dense<0xFF800000> : vector<448xf32>
    %reduce_max3A_74 = vector.multi_reduction <maximumf>, %select_n3A_72, %reduce_max3A_73 [0] : vector<1000x448xf32> to vector<448xf32>
    %broadcast_in_dim3A_75 = vector.shape_cast %reduce_max3A_74 : vector<448xf32> to vector<1x448xf32>
    %slice3A_76 = vector.extract_strided_slice %eq3A_21 {offsets = [0, 6], sizes = [1000, 1], strides = [1, 1]} : vector<1000x16xi1> to vector<1000x1xi1>
    %jit3A_77 = arith.constant 0.000000e+00 : f32
    %broadcast_in_dim3A_78 = vector.shape_cast %slice3A_76 : vector<1000x1xi1> to vector<1000x1xi1>
    %broadcast_in_dim3A_79 = vector.broadcast %broadcast_in_dim3A_78 : vector<1000x1xi1> to vector<1000x448xi1>
    %broadcast_in_dim3A_80 = vector.broadcast %jit3A_77 : f32 to vector<1000x448xf32>
    %select_n3A_81 = arith.select %broadcast_in_dim3A_79, %concatenate3A, %broadcast_in_dim3A_80 : vector<1000x448xi1>, vector<1000x448xf32>
    %reduce_max3A_82 = arith.constant dense<0xFF800000> : vector<448xf32>
    %reduce_max3A_83 = vector.multi_reduction <maximumf>, %select_n3A_81, %reduce_max3A_82 [0] : vector<1000x448xf32> to vector<448xf32>
    %broadcast_in_dim3A_84 = vector.shape_cast %reduce_max3A_83 : vector<448xf32> to vector<1x448xf32>
    %slice3A_85 = vector.extract_strided_slice %eq3A_21 {offsets = [0, 7], sizes = [1000, 1], strides = [1, 1]} : vector<1000x16xi1> to vector<1000x1xi1>
    %jit3A_86 = arith.constant 0.000000e+00 : f32
    %broadcast_in_dim3A_87 = vector.shape_cast %slice3A_85 : vector<1000x1xi1> to vector<1000x1xi1>
    %broadcast_in_dim3A_88 = vector.broadcast %broadcast_in_dim3A_87 : vector<1000x1xi1> to vector<1000x448xi1>
    %broadcast_in_dim3A_89 = vector.broadcast %jit3A_86 : f32 to vector<1000x448xf32>
    %select_n3A_90 = arith.select %broadcast_in_dim3A_88, %concatenate3A, %broadcast_in_dim3A_89 : vector<1000x448xi1>, vector<1000x448xf32>
    %reduce_max3A_91 = arith.constant dense<0xFF800000> : vector<448xf32>
    %reduce_max3A_92 = vector.multi_reduction <maximumf>, %select_n3A_90, %reduce_max3A_91 [0] : vector<1000x448xf32> to vector<448xf32>
    %broadcast_in_dim3A_93 = vector.shape_cast %reduce_max3A_92 : vector<448xf32> to vector<1x448xf32>
    %slice3A_94 = vector.extract_strided_slice %eq3A_21 {offsets = [0, 8], sizes = [1000, 1], strides = [1, 1]} : vector<1000x16xi1> to vector<1000x1xi1>
    %jit3A_95 = arith.constant 0.000000e+00 : f32
    %broadcast_in_dim3A_96 = vector.shape_cast %slice3A_94 : vector<1000x1xi1> to vector<1000x1xi1>
    %broadcast_in_dim3A_97 = vector.broadcast %broadcast_in_dim3A_96 : vector<1000x1xi1> to vector<1000x448xi1>
    %broadcast_in_dim3A_98 = vector.broadcast %jit3A_95 : f32 to vector<1000x448xf32>
    %select_n3A_99 = arith.select %broadcast_in_dim3A_97, %concatenate3A, %broadcast_in_dim3A_98 : vector<1000x448xi1>, vector<1000x448xf32>
    %reduce_max3A_100 = arith.constant dense<0xFF800000> : vector<448xf32>
    %reduce_max3A_101 = vector.multi_reduction <maximumf>, %select_n3A_99, %reduce_max3A_100 [0] : vector<1000x448xf32> to vector<448xf32>
    %broadcast_in_dim3A_102 = vector.shape_cast %reduce_max3A_101 : vector<448xf32> to vector<1x448xf32>
    %slice3A_103 = vector.extract_strided_slice %eq3A_21 {offsets = [0, 9], sizes = [1000, 1], strides = [1, 1]} : vector<1000x16xi1> to vector<1000x1xi1>
    %jit3A_104 = arith.constant 0.000000e+00 : f32
    %broadcast_in_dim3A_105 = vector.shape_cast %slice3A_103 : vector<1000x1xi1> to vector<1000x1xi1>
    %broadcast_in_dim3A_106 = vector.broadcast %broadcast_in_dim3A_105 : vector<1000x1xi1> to vector<1000x448xi1>
    %broadcast_in_dim3A_107 = vector.broadcast %jit3A_104 : f32 to vector<1000x448xf32>
    %select_n3A_108 = arith.select %broadcast_in_dim3A_106, %concatenate3A, %broadcast_in_dim3A_107 : vector<1000x448xi1>, vector<1000x448xf32>
    %reduce_max3A_109 = arith.constant dense<0xFF800000> : vector<448xf32>
    %reduce_max3A_110 = vector.multi_reduction <maximumf>, %select_n3A_108, %reduce_max3A_109 [0] : vector<1000x448xf32> to vector<448xf32>
    %broadcast_in_dim3A_111 = vector.shape_cast %reduce_max3A_110 : vector<448xf32> to vector<1x448xf32>
    %slice3A_112 = vector.extract_strided_slice %eq3A_21 {offsets = [0, 10], sizes = [1000, 1], strides = [1, 1]} : vector<1000x16xi1> to vector<1000x1xi1>
    %jit3A_113 = arith.constant 0.000000e+00 : f32
    %broadcast_in_dim3A_114 = vector.shape_cast %slice3A_112 : vector<1000x1xi1> to vector<1000x1xi1>
    %broadcast_in_dim3A_115 = vector.broadcast %broadcast_in_dim3A_114 : vector<1000x1xi1> to vector<1000x448xi1>
    %broadcast_in_dim3A_116 = vector.broadcast %jit3A_113 : f32 to vector<1000x448xf32>
    %select_n3A_117 = arith.select %broadcast_in_dim3A_115, %concatenate3A, %broadcast_in_dim3A_116 : vector<1000x448xi1>, vector<1000x448xf32>
    %reduce_max3A_118 = arith.constant dense<0xFF800000> : vector<448xf32>
    %reduce_max3A_119 = vector.multi_reduction <maximumf>, %select_n3A_117, %reduce_max3A_118 [0] : vector<1000x448xf32> to vector<448xf32>
    %broadcast_in_dim3A_120 = vector.shape_cast %reduce_max3A_119 : vector<448xf32> to vector<1x448xf32>
    %slice3A_121 = vector.extract_strided_slice %eq3A_21 {offsets = [0, 11], sizes = [1000, 1], strides = [1, 1]} : vector<1000x16xi1> to vector<1000x1xi1>
    %jit3A_122 = arith.constant 0.000000e+00 : f32
    %broadcast_in_dim3A_123 = vector.shape_cast %slice3A_121 : vector<1000x1xi1> to vector<1000x1xi1>
    %broadcast_in_dim3A_124 = vector.broadcast %broadcast_in_dim3A_123 : vector<1000x1xi1> to vector<1000x448xi1>
    %broadcast_in_dim3A_125 = vector.broadcast %jit3A_122 : f32 to vector<1000x448xf32>
    %select_n3A_126 = arith.select %broadcast_in_dim3A_124, %concatenate3A, %broadcast_in_dim3A_125 : vector<1000x448xi1>, vector<1000x448xf32>
    %reduce_max3A_127 = arith.constant dense<0xFF800000> : vector<448xf32>
    %reduce_max3A_128 = vector.multi_reduction <maximumf>, %select_n3A_126, %reduce_max3A_127 [0] : vector<1000x448xf32> to vector<448xf32>
    %broadcast_in_dim3A_129 = vector.shape_cast %reduce_max3A_128 : vector<448xf32> to vector<1x448xf32>
    %slice3A_130 = vector.extract_strided_slice %eq3A_21 {offsets = [0, 12], sizes = [1000, 1], strides = [1, 1]} : vector<1000x16xi1> to vector<1000x1xi1>
    %jit3A_131 = arith.constant 0.000000e+00 : f32
    %broadcast_in_dim3A_132 = vector.shape_cast %slice3A_130 : vector<1000x1xi1> to vector<1000x1xi1>
    %broadcast_in_dim3A_133 = vector.broadcast %broadcast_in_dim3A_132 : vector<1000x1xi1> to vector<1000x448xi1>
    %broadcast_in_dim3A_134 = vector.broadcast %jit3A_131 : f32 to vector<1000x448xf32>
    %select_n3A_135 = arith.select %broadcast_in_dim3A_133, %concatenate3A, %broadcast_in_dim3A_134 : vector<1000x448xi1>, vector<1000x448xf32>
    %reduce_max3A_136 = arith.constant dense<0xFF800000> : vector<448xf32>
    %reduce_max3A_137 = vector.multi_reduction <maximumf>, %select_n3A_135, %reduce_max3A_136 [0] : vector<1000x448xf32> to vector<448xf32>
    %broadcast_in_dim3A_138 = vector.shape_cast %reduce_max3A_137 : vector<448xf32> to vector<1x448xf32>
    %slice3A_139 = vector.extract_strided_slice %eq3A_21 {offsets = [0, 13], sizes = [1000, 1], strides = [1, 1]} : vector<1000x16xi1> to vector<1000x1xi1>
    %jit3A_140 = arith.constant 0.000000e+00 : f32
    %broadcast_in_dim3A_141 = vector.shape_cast %slice3A_139 : vector<1000x1xi1> to vector<1000x1xi1>
    %broadcast_in_dim3A_142 = vector.broadcast %broadcast_in_dim3A_141 : vector<1000x1xi1> to vector<1000x448xi1>
    %broadcast_in_dim3A_143 = vector.broadcast %jit3A_140 : f32 to vector<1000x448xf32>
    %select_n3A_144 = arith.select %broadcast_in_dim3A_142, %concatenate3A, %broadcast_in_dim3A_143 : vector<1000x448xi1>, vector<1000x448xf32>
    %reduce_max3A_145 = arith.constant dense<0xFF800000> : vector<448xf32>
    %reduce_max3A_146 = vector.multi_reduction <maximumf>, %select_n3A_144, %reduce_max3A_145 [0] : vector<1000x448xf32> to vector<448xf32>
    %broadcast_in_dim3A_147 = vector.shape_cast %reduce_max3A_146 : vector<448xf32> to vector<1x448xf32>
    %slice3A_148 = vector.extract_strided_slice %eq3A_21 {offsets = [0, 14], sizes = [1000, 1], strides = [1, 1]} : vector<1000x16xi1> to vector<1000x1xi1>
    %jit3A_149 = arith.constant 0.000000e+00 : f32
    %broadcast_in_dim3A_150 = vector.shape_cast %slice3A_148 : vector<1000x1xi1> to vector<1000x1xi1>
    %broadcast_in_dim3A_151 = vector.broadcast %broadcast_in_dim3A_150 : vector<1000x1xi1> to vector<1000x448xi1>
    %broadcast_in_dim3A_152 = vector.broadcast %jit3A_149 : f32 to vector<1000x448xf32>
    %select_n3A_153 = arith.select %broadcast_in_dim3A_151, %concatenate3A, %broadcast_in_dim3A_152 : vector<1000x448xi1>, vector<1000x448xf32>
    %reduce_max3A_154 = arith.constant dense<0xFF800000> : vector<448xf32>
    %reduce_max3A_155 = vector.multi_reduction <maximumf>, %select_n3A_153, %reduce_max3A_154 [0] : vector<1000x448xf32> to vector<448xf32>
    %broadcast_in_dim3A_156 = vector.shape_cast %reduce_max3A_155 : vector<448xf32> to vector<1x448xf32>
    %slice3A_157 = vector.extract_strided_slice %eq3A_21 {offsets = [0, 15], sizes = [1000, 1], strides = [1, 1]} : vector<1000x16xi1> to vector<1000x1xi1>
    %jit3A_158 = arith.constant 0.000000e+00 : f32
    %broadcast_in_dim3A_159 = vector.shape_cast %slice3A_157 : vector<1000x1xi1> to vector<1000x1xi1>
    %broadcast_in_dim3A_160 = vector.broadcast %broadcast_in_dim3A_159 : vector<1000x1xi1> to vector<1000x448xi1>
    %broadcast_in_dim3A_161 = vector.broadcast %jit3A_158 : f32 to vector<1000x448xf32>
    %select_n3A_162 = arith.select %broadcast_in_dim3A_160, %concatenate3A, %broadcast_in_dim3A_161 : vector<1000x448xi1>, vector<1000x448xf32>
    %reduce_max3A_163 = arith.constant dense<0xFF800000> : vector<448xf32>
    %reduce_max3A_164 = vector.multi_reduction <maximumf>, %select_n3A_162, %reduce_max3A_163 [0] : vector<1000x448xf32> to vector<448xf32>
    %broadcast_in_dim3A_165 = vector.shape_cast %reduce_max3A_164 : vector<448xf32> to vector<1x448xf32>
    %concatenate3A_166 = tpu.concatenate %broadcast_in_dim3A_30, %broadcast_in_dim3A_39, %broadcast_in_dim3A_48, %broadcast_in_dim3A_57, %broadcast_in_dim3A_66, %broadcast_in_dim3A_75, %broadcast_in_dim3A_84, %broadcast_in_dim3A_93, %broadcast_in_dim3A_102, %broadcast_in_dim3A_111, %broadcast_in_dim3A_120, %broadcast_in_dim3A_129, %broadcast_in_dim3A_138, %broadcast_in_dim3A_147, %broadcast_in_dim3A_156, %broadcast_in_dim3A_165 in 0 : vector<1x448xf32>, vector<1x448xf32>, vector<1x448xf32>, vector<1x448xf32>, vector<1x448xf32>, vector<1x448xf32>, vector<1x448xf32>, vector<1x448xf32>, vector<1x448xf32>, vector<1x448xf32>, vector<1x448xf32>, vector<1x448xf32>, vector<1x448xf32>, vector<1x448xf32>, vector<1x448xf32>, vector<1x448xf32> -> vector<16x448xf32>
    %slice3A_167 = vector.extract_strided_slice %convert_element_type3A_22 {offsets = [0, 0], sizes = [1000, 1], strides = [1, 1]} : vector<1000x16xf32> to vector<1000x1xf32>
    %mul3A = vector.broadcast %slice3A_167 : vector<1000x1xf32> to vector<1000x24xf32>
    %mul3A_168 = arith.mulf %get3A_25, %mul3A : vector<1000x24xf32>
    %slice3A_169 = vector.extract_strided_slice %convert_element_type3A_22 {offsets = [0, 1], sizes = [1000, 1], strides = [1, 1]} : vector<1000x16xf32> to vector<1000x1xf32>
    %mul3A_170 = vector.broadcast %slice3A_169 : vector<1000x1xf32> to vector<1000x24xf32>
    %mul3A_171 = arith.mulf %get3A_25, %mul3A_170 : vector<1000x24xf32>
    %slice3A_172 = vector.extract_strided_slice %convert_element_type3A_22 {offsets = [0, 2], sizes = [1000, 1], strides = [1, 1]} : vector<1000x16xf32> to vector<1000x1xf32>
    %mul3A_173 = vector.broadcast %slice3A_172 : vector<1000x1xf32> to vector<1000x24xf32>
    %mul3A_174 = arith.mulf %get3A_25, %mul3A_173 : vector<1000x24xf32>
    %slice3A_175 = vector.extract_strided_slice %convert_element_type3A_22 {offsets = [0, 3], sizes = [1000, 1], strides = [1, 1]} : vector<1000x16xf32> to vector<1000x1xf32>
    %mul3A_176 = vector.broadcast %slice3A_175 : vector<1000x1xf32> to vector<1000x24xf32>
    %mul3A_177 = arith.mulf %get3A_25, %mul3A_176 : vector<1000x24xf32>
    %slice3A_178 = vector.extract_strided_slice %convert_element_type3A_22 {offsets = [0, 4], sizes = [1000, 1], strides = [1, 1]} : vector<1000x16xf32> to vector<1000x1xf32>
    %mul3A_179 = vector.broadcast %slice3A_178 : vector<1000x1xf32> to vector<1000x24xf32>
    %mul3A_180 = arith.mulf %get3A_25, %mul3A_179 : vector<1000x24xf32>
    %slice3A_181 = vector.extract_strided_slice %convert_element_type3A_22 {offsets = [0, 5], sizes = [1000, 1], strides = [1, 1]} : vector<1000x16xf32> to vector<1000x1xf32>
    %mul3A_182 = vector.broadcast %slice3A_181 : vector<1000x1xf32> to vector<1000x24xf32>
    %mul3A_183 = arith.mulf %get3A_25, %mul3A_182 : vector<1000x24xf32>
    %slice3A_184 = vector.extract_strided_slice %convert_element_type3A_22 {offsets = [0, 6], sizes = [1000, 1], strides = [1, 1]} : vector<1000x16xf32> to vector<1000x1xf32>
    %mul3A_185 = vector.broadcast %slice3A_184 : vector<1000x1xf32> to vector<1000x24xf32>
    %mul3A_186 = arith.mulf %get3A_25, %mul3A_185 : vector<1000x24xf32>
    %slice3A_187 = vector.extract_strided_slice %convert_element_type3A_22 {offsets = [0, 7], sizes = [1000, 1], strides = [1, 1]} : vector<1000x16xf32> to vector<1000x1xf32>
    %mul3A_188 = vector.broadcast %slice3A_187 : vector<1000x1xf32> to vector<1000x24xf32>
    %mul3A_189 = arith.mulf %get3A_25, %mul3A_188 : vector<1000x24xf32>
    %slice3A_190 = vector.extract_strided_slice %convert_element_type3A_22 {offsets = [0, 8], sizes = [1000, 1], strides = [1, 1]} : vector<1000x16xf32> to vector<1000x1xf32>
    %mul3A_191 = vector.broadcast %slice3A_190 : vector<1000x1xf32> to vector<1000x24xf32>
    %mul3A_192 = arith.mulf %get3A_25, %mul3A_191 : vector<1000x24xf32>
    %slice3A_193 = vector.extract_strided_slice %convert_element_type3A_22 {offsets = [0, 9], sizes = [1000, 1], strides = [1, 1]} : vector<1000x16xf32> to vector<1000x1xf32>
    %mul3A_194 = vector.broadcast %slice3A_193 : vector<1000x1xf32> to vector<1000x24xf32>
    %mul3A_195 = arith.mulf %get3A_25, %mul3A_194 : vector<1000x24xf32>
    %slice3A_196 = vector.extract_strided_slice %convert_element_type3A_22 {offsets = [0, 10], sizes = [1000, 1], strides = [1, 1]} : vector<1000x16xf32> to vector<1000x1xf32>
    %mul3A_197 = vector.broadcast %slice3A_196 : vector<1000x1xf32> to vector<1000x24xf32>
    %mul3A_198 = arith.mulf %get3A_25, %mul3A_197 : vector<1000x24xf32>
    %slice3A_199 = vector.extract_strided_slice %convert_element_type3A_22 {offsets = [0, 11], sizes = [1000, 1], strides = [1, 1]} : vector<1000x16xf32> to vector<1000x1xf32>
    %mul3A_200 = vector.broadcast %slice3A_199 : vector<1000x1xf32> to vector<1000x24xf32>
    %mul3A_201 = arith.mulf %get3A_25, %mul3A_200 : vector<1000x24xf32>
    %slice3A_202 = vector.extract_strided_slice %convert_element_type3A_22 {offsets = [0, 12], sizes = [1000, 1], strides = [1, 1]} : vector<1000x16xf32> to vector<1000x1xf32>
    %mul3A_203 = vector.broadcast %slice3A_202 : vector<1000x1xf32> to vector<1000x24xf32>
    %mul3A_204 = arith.mulf %get3A_25, %mul3A_203 : vector<1000x24xf32>
    %slice3A_205 = vector.extract_strided_slice %convert_element_type3A_22 {offsets = [0, 13], sizes = [1000, 1], strides = [1, 1]} : vector<1000x16xf32> to vector<1000x1xf32>
    %mul3A_206 = vector.broadcast %slice3A_205 : vector<1000x1xf32> to vector<1000x24xf32>
    %mul3A_207 = arith.mulf %get3A_25, %mul3A_206 : vector<1000x24xf32>
    %slice3A_208 = vector.extract_strided_slice %convert_element_type3A_22 {offsets = [0, 14], sizes = [1000, 1], strides = [1, 1]} : vector<1000x16xf32> to vector<1000x1xf32>
    %mul3A_209 = vector.broadcast %slice3A_208 : vector<1000x1xf32> to vector<1000x24xf32>
    %mul3A_210 = arith.mulf %get3A_25, %mul3A_209 : vector<1000x24xf32>
    %slice3A_211 = vector.extract_strided_slice %convert_element_type3A_22 {offsets = [0, 15], sizes = [1000, 1], strides = [1, 1]} : vector<1000x16xf32> to vector<1000x1xf32>
    %mul3A_212 = vector.broadcast %slice3A_211 : vector<1000x1xf32> to vector<1000x24xf32>
    %mul3A_213 = arith.mulf %get3A_25, %mul3A_212 : vector<1000x24xf32>
    %concatenate3A_214 = tpu.concatenate %mul3A_168, %mul3A_171, %mul3A_174, %mul3A_177, %mul3A_180, %mul3A_183, %mul3A_186, %mul3A_189, %mul3A_192, %mul3A_195, %mul3A_198, %mul3A_201, %mul3A_204, %mul3A_207, %mul3A_210, %mul3A_213 in 1 : vector<1000x24xf32>, vector<1000x24xf32>, vector<1000x24xf32>, vector<1000x24xf32>, vector<1000x24xf32>, vector<1000x24xf32>, vector<1000x24xf32>, vector<1000x24xf32>, vector<1000x24xf32>, vector<1000x24xf32>, vector<1000x24xf32>, vector<1000x24xf32>, vector<1000x24xf32>, vector<1000x24xf32>, vector<1000x24xf32>, vector<1000x24xf32> -> vector<1000x384xf32>
    %broadcast_in_dim3A_215 = arith.constant 1.000000e+00 : f32
    %broadcast_in_dim3A_216 = vector.broadcast %broadcast_in_dim3A_215 : f32 to vector<1000x1xf32>
    %dot_general3A_217 = arith.constant dense<0.000000e+00> : vector<384x1xf32>
    %dot_general3A_218 = tpu.matmul %concatenate3A_214, %broadcast_in_dim3A_216, %dot_general3A_217 {dimension_numbers = #tpu.dot_dimension_numbers<[0], [0], [1], [1], [0, 1, 1, 1], [], []>, transpose_lhs_hint = false} : vector<1000x384xf32>, vector<1000x1xf32>, vector<384x1xf32> -> vector<384x1xf32>
    %dot_general3A_219 = arith.constant dense<0.000000e+00> : vector<384x256xf32>
    %dot_general3A_220 = tpu.matmul %concatenate3A_214, %max3A_17, %dot_general3A_219 {dimension_numbers = #tpu.dot_dimension_numbers<[0], [0], [1], [1], [0, 1, 1, 1], [], []>, transpose_lhs_hint = false} : vector<1000x384xf32>, vector<1000x256xf32>, vector<384x256xf32> -> vector<384x256xf32>
    %reduce_sum3A = arith.constant dense<0.000000e+00> : vector<256xf32>
    %reduce_sum3A_221 = vector.multi_reduction <add>, %max3A_17, %reduce_sum3A [0] : vector<1000x256xf32> to vector<256xf32>
    %broadcast_in_dim3A_222 = vector.shape_cast %reduce_sum3A_221 : vector<256xf32> to vector<1x256xf32>
    %mul3A_223 = arith.mulf %max3A_17, %max3A_17 : vector<1000x256xf32>
    %reduce_sum3A_224 = arith.constant dense<0.000000e+00> : vector<256xf32>
    %reduce_sum3A_225 = vector.multi_reduction <add>, %mul3A_223, %reduce_sum3A_224 [0] : vector<1000x256xf32> to vector<256xf32>
    %broadcast_in_dim3A_226 = vector.shape_cast %reduce_sum3A_225 : vector<256xf32> to vector<1x256xf32>
    %eq3A_227 = arith.constant 0 : i32
    %eq3A_228 = arith.cmpi eq, %arg0, %eq3A_227 : i32
    %convert_element_type3A_229 = arith.extui %eq3A_228 : i1 to i32
    %cond3A = arith.constant 0 : i32
    %cond3A_230 = arith.cmpi ne, %convert_element_type3A_229, %cond3A : i32
    scf.if %cond3A_230 {
      %swap3A = arith.constant 0 : index
      %swap3A_240 = arith.constant 0 : index
      %swap3A_241 = vector.load %arg18[%swap3A, %swap3A_240] : memref<1x256xf32, #tpu.memory_space<vmem>>, vector<1x256xf32>
      tpu.vector_store %arg18[%swap3A, %swap3A_240], %broadcast_in_dim3A_222 {strides = array<i32>} : memref<1x256xf32, #tpu.memory_space<vmem>>, vector<1x256xf32>,
      %swap3A_242 = arith.constant 0 : index
      %swap3A_243 = arith.constant 0 : index
      %swap3A_244 = vector.load %arg19[%swap3A_242, %swap3A_243] : memref<1x256xf32, #tpu.memory_space<vmem>>, vector<1x256xf32>
      tpu.vector_store %arg19[%swap3A_242, %swap3A_243], %broadcast_in_dim3A_226 {strides = array<i32>} : memref<1x256xf32, #tpu.memory_space<vmem>>, vector<1x256xf32>,
      %swap3A_245 = arith.constant 0 : index
      %swap3A_246 = arith.constant 0 : index
      %swap3A_247 = vector.load %arg20[%swap3A_245, %swap3A_246] : memref<16x448xf32, #tpu.memory_space<vmem>>, vector<16x448xf32>
      tpu.vector_store %arg20[%swap3A_245, %swap3A_246], %concatenate3A_166 {strides = array<i32>} : memref<16x448xf32, #tpu.memory_space<vmem>>, vector<16x448xf32>,
      %swap3A_248 = arith.constant 0 : index
      %swap3A_249 = arith.constant 0 : index
      %swap3A_250 = vector.load %arg21[%swap3A_248, %swap3A_249] : memref<384x1xf32, #tpu.memory_space<vmem>>, vector<384x1xf32>
      tpu.vector_store %arg21[%swap3A_248, %swap3A_249], %dot_general3A_218 {strides = array<i32>} : memref<384x1xf32, #tpu.memory_space<vmem>>, vector<384x1xf32>,
      %swap3A_251 = arith.constant 0 : index
      %swap3A_252 = arith.constant 0 : index
      %swap3A_253 = vector.load %arg22[%swap3A_251, %swap3A_252] : memref<384x256xf32, #tpu.memory_space<vmem>>, vector<384x256xf32>
      tpu.vector_store %arg22[%swap3A_251, %swap3A_252], %dot_general3A_220 {strides = array<i32>} : memref<384x256xf32, #tpu.memory_space<vmem>>, vector<384x256xf32>,
    } else {
    }
    %gt3A = arith.constant 0 : i32
    %gt3A_231 = arith.cmpi sgt, %arg0, %gt3A : i32
    %convert_element_type3A_232 = arith.extui %gt3A_231 : i1 to i32
    %cond3A_233 = arith.constant 0 : i32
    %cond3A_234 = arith.cmpi ne, %convert_element_type3A_232, %cond3A_233 : i32
    scf.if %cond3A_234 {
      %get3A_240 = arith.constant 0 : index
      %get3A_241 = arith.constant 0 : index
      %get3A_242 = vector.load %arg18[%get3A_240, %get3A_241] : memref<1x256xf32, #tpu.memory_space<vmem>>, vector<1x256xf32>
      %add3A_243 = arith.addf %get3A_242, %broadcast_in_dim3A_222 : vector<1x256xf32>
      %swap3A = arith.constant 0 : index
      %swap3A_244 = arith.constant 0 : index
      %swap3A_245 = vector.load %arg18[%swap3A, %swap3A_244] : memref<1x256xf32, #tpu.memory_space<vmem>>, vector<1x256xf32>
      tpu.vector_store %arg18[%swap3A, %swap3A_244], %add3A_243 {strides = array<i32>} : memref<1x256xf32, #tpu.memory_space<vmem>>, vector<1x256xf32>,
      %get3A_246 = arith.constant 0 : index
      %get3A_247 = arith.constant 0 : index
      %get3A_248 = vector.load %arg19[%get3A_246, %get3A_247] : memref<1x256xf32, #tpu.memory_space<vmem>>, vector<1x256xf32>
      %add3A_249 = arith.addf %get3A_248, %broadcast_in_dim3A_226 : vector<1x256xf32>
      %swap3A_250 = arith.constant 0 : index
      %swap3A_251 = arith.constant 0 : index
      %swap3A_252 = vector.load %arg19[%swap3A_250, %swap3A_251] : memref<1x256xf32, #tpu.memory_space<vmem>>, vector<1x256xf32>
      tpu.vector_store %arg19[%swap3A_250, %swap3A_251], %add3A_249 {strides = array<i32>} : memref<1x256xf32, #tpu.memory_space<vmem>>, vector<1x256xf32>,
      %get3A_253 = arith.constant 0 : index
      %get3A_254 = arith.constant 0 : index
      %get3A_255 = vector.load %arg20[%get3A_253, %get3A_254] : memref<16x448xf32, #tpu.memory_space<vmem>>, vector<16x448xf32>
      %max3A_256 = arith.maximumf %get3A_255, %concatenate3A_166 : vector<16x448xf32>
      %swap3A_257 = arith.constant 0 : index
      %swap3A_258 = arith.constant 0 : index
      %swap3A_259 = vector.load %arg20[%swap3A_257, %swap3A_258] : memref<16x448xf32, #tpu.memory_space<vmem>>, vector<16x448xf32>
      tpu.vector_store %arg20[%swap3A_257, %swap3A_258], %max3A_256 {strides = array<i32>} : memref<16x448xf32, #tpu.memory_space<vmem>>, vector<16x448xf32>,
      %get3A_260 = arith.constant 0 : index
      %get3A_261 = arith.constant 0 : index
      %get3A_262 = vector.load %arg21[%get3A_260, %get3A_261] : memref<384x1xf32, #tpu.memory_space<vmem>>, vector<384x1xf32>
      %add3A_263 = arith.addf %get3A_262, %dot_general3A_218 : vector<384x1xf32>
      %swap3A_264 = arith.constant 0 : index
      %swap3A_265 = arith.constant 0 : index
      %swap3A_266 = vector.load %arg21[%swap3A_264, %swap3A_265] : memref<384x1xf32, #tpu.memory_space<vmem>>, vector<384x1xf32>
      tpu.vector_store %arg21[%swap3A_264, %swap3A_265], %add3A_263 {strides = array<i32>} : memref<384x1xf32, #tpu.memory_space<vmem>>, vector<384x1xf32>,
      %get3A_267 = arith.constant 0 : index
      %get3A_268 = arith.constant 0 : index
      %get3A_269 = vector.load %arg22[%get3A_267, %get3A_268] : memref<384x256xf32, #tpu.memory_space<vmem>>, vector<384x256xf32>
      %add3A_270 = arith.addf %get3A_269, %dot_general3A_220 : vector<384x256xf32>
      %swap3A_271 = arith.constant 0 : index
      %swap3A_272 = arith.constant 0 : index
      %swap3A_273 = vector.load %arg22[%swap3A_271, %swap3A_272] : memref<384x256xf32, #tpu.memory_space<vmem>>, vector<384x256xf32>
      tpu.vector_store %arg22[%swap3A_271, %swap3A_272], %add3A_270 {strides = array<i32>} : memref<384x256xf32, #tpu.memory_space<vmem>>, vector<384x256xf32>,
    } else {
    }
    %eq3A_235 = arith.constant 9 : i32
    %eq3A_236 = arith.cmpi eq, %arg0, %eq3A_235 : i32
    %convert_element_type3A_237 = arith.extui %eq3A_236 : i1 to i32
    %cond3A_238 = arith.constant 0 : i32
    %cond3A_239 = arith.cmpi ne, %convert_element_type3A_237, %cond3A_238 : i32
    scf.if %cond3A_239 {
      %get3A_240 = arith.constant 0 : index
      %get3A_241 = arith.constant 0 : index
      %get3A_242 = vector.load %arg18[%get3A_240, %get3A_241] : memref<1x256xf32, #tpu.memory_space<vmem>>, vector<1x256xf32>
      %div3A = arith.constant 1.000000e+04 : f32
      %div3A_243 = vector.broadcast %div3A : f32 to vector<1x256xf32>
      %div3A_244 = arith.divf %get3A_242, %div3A_243 : vector<1x256xf32>
      %get3A_245 = arith.constant 0 : index
      %get3A_246 = arith.constant 0 : index
      %get3A_247 = vector.load %arg19[%get3A_245, %get3A_246] : memref<1x256xf32, #tpu.memory_space<vmem>>, vector<1x256xf32>
      %div3A_248 = arith.constant 1.000000e+04 : f32
      %div3A_249 = vector.broadcast %div3A_248 : f32 to vector<1x256xf32>
      %div3A_250 = arith.divf %get3A_247, %div3A_249 : vector<1x256xf32>
      %mul3A_251 = arith.mulf %div3A_244, %div3A_244 : vector<1x256xf32>
      %sub3A = arith.subf %div3A_250, %mul3A_251 : vector<1x256xf32>
      %get3A_252 = arith.constant 0 : index
      %get3A_253 = arith.constant 0 : index
      %get3A_254 = vector.load %arg15[%get3A_252, %get3A_253] : memref<1x256xf32, #tpu.memory_space<vmem>>, vector<1x256xf32>
      %add3A_255 = arith.constant 9.99999974E-6 : f32
      %add3A_256 = vector.broadcast %add3A_255 : f32 to vector<1x256xf32>
      %add3A_257 = arith.addf %sub3A, %add3A_256 : vector<1x256xf32>
      %sqrt3A = math.sqrt %add3A_257 : vector<1x256xf32>
      %div3A_258 = arith.divf %get3A_254, %sqrt3A : vector<1x256xf32>
      %get3A_259 = arith.constant 0 : index
      %get3A_260 = arith.constant 0 : index
      %get3A_261 = vector.load %arg16[%get3A_259, %get3A_260] : memref<1x256xf32, #tpu.memory_space<vmem>>, vector<1x256xf32>
      %mul3A_262 = arith.mulf %div3A_244, %div3A_258 : vector<1x256xf32>
      %sub3A_263 = arith.subf %get3A_261, %mul3A_262 : vector<1x256xf32>
      %get3A_264 = arith.constant 0 : index
      %get3A_265 = arith.constant 0 : index
      %get3A_266 = vector.load %arg20[%get3A_264, %get3A_265] : memref<16x448xf32, #tpu.memory_space<vmem>>, vector<16x448xf32>
      %get3A_267 = arith.constant 0 : index
      %get3A_268 = arith.constant 0 : index
      %get3A_269 = vector.load %arg8[%get3A_267, %get3A_268] : memref<448x256xf32, #tpu.memory_space<vmem>>, vector<448x256xf32>
      %dot_general3A_270 = arith.constant dense<0.000000e+00> : vector<16x256xf32>
      %dot_general3A_271 = tpu.matmul %get3A_266, %get3A_269, %dot_general3A_270 {dimension_numbers = #tpu.dot_dimension_numbers<[1], [0], [0], [1], [0, 0, 1, 1], [], []>, transpose_lhs_hint = false} : vector<16x448xf32>, vector<448x256xf32>, vector<16x256xf32> -> vector<16x256xf32>
      %get3A_272 = arith.constant 0 : index
      %get3A_273 = arith.constant 0 : index
      %get3A_274 = vector.load %arg9[%get3A_272, %get3A_273] : memref<1x256xf32, #tpu.memory_space<vmem>>, vector<1x256xf32>
      %add3A_275 = vector.broadcast %get3A_274 : vector<1x256xf32> to vector<16x256xf32>
      %add3A_276 = arith.addf %dot_general3A_271, %add3A_275 : vector<16x256xf32>
      %max3A_277 = arith.constant 0.000000e+00 : f32
      %max3A_278 = vector.broadcast %max3A_277 : f32 to vector<16x256xf32>
      %max3A_279 = arith.maximumf %add3A_276, %max3A_278 : vector<16x256xf32>
      %reduce_sum3A_280 = arith.constant dense<0.000000e+00> : vector<256xf32>
      %reduce_sum3A_281 = vector.multi_reduction <add>, %max3A_279, %reduce_sum3A_280 [0] : vector<16x256xf32> to vector<256xf32>
      %broadcast_in_dim3A_282 = vector.shape_cast %reduce_sum3A_281 : vector<256xf32> to vector<1x256xf32>
      %div3A_283 = arith.constant 1.600000e+01 : f32
      %div3A_284 = vector.broadcast %div3A_283 : f32 to vector<1x256xf32>
      %div3A_285 = arith.divf %broadcast_in_dim3A_282, %div3A_284 : vector<1x256xf32>
      %sub3A_286 = vector.broadcast %div3A_285 : vector<1x256xf32> to vector<16x256xf32>
      %sub3A_287 = arith.subf %max3A_279, %sub3A_286 : vector<16x256xf32>
      %integer_pow3A = arith.mulf %sub3A_287, %sub3A_287 : vector<16x256xf32>
      %reduce_sum3A_288 = arith.constant dense<0.000000e+00> : vector<256xf32>
      %reduce_sum3A_289 = vector.multi_reduction <add>, %integer_pow3A, %reduce_sum3A_288 [0] : vector<16x256xf32> to vector<256xf32>
      %broadcast_in_dim3A_290 = vector.shape_cast %reduce_sum3A_289 : vector<256xf32> to vector<1x256xf32>
      %div3A_291 = arith.constant 1.600000e+01 : f32
      %div3A_292 = vector.broadcast %div3A_291 : f32 to vector<1x256xf32>
      %div3A_293 = arith.divf %broadcast_in_dim3A_290, %div3A_292 : vector<1x256xf32>
      %sub3A_294 = vector.broadcast %div3A_285 : vector<1x256xf32> to vector<16x256xf32>
      %sub3A_295 = arith.subf %max3A_279, %sub3A_294 : vector<16x256xf32>
      %add3A_296 = arith.constant 9.99999974E-6 : f32
      %add3A_297 = vector.broadcast %add3A_296 : f32 to vector<1x256xf32>
      %add3A_298 = arith.addf %div3A_293, %add3A_297 : vector<1x256xf32>
      %sqrt3A_299 = math.sqrt %add3A_298 : vector<1x256xf32>
      %div3A_300 = vector.broadcast %sqrt3A_299 : vector<1x256xf32> to vector<16x256xf32>
      %div3A_301 = arith.divf %sub3A_295, %div3A_300 : vector<16x256xf32>
      %get3A_302 = arith.constant 0 : index
      %get3A_303 = arith.constant 0 : index
      %get3A_304 = vector.load %arg10[%get3A_302, %get3A_303] : memref<1x256xf32, #tpu.memory_space<vmem>>, vector<1x256xf32>
      %mul3A_305 = vector.broadcast %get3A_304 : vector<1x256xf32> to vector<16x256xf32>
      %mul3A_306 = arith.mulf %div3A_301, %mul3A_305 : vector<16x256xf32>
      %get3A_307 = arith.constant 0 : index
      %get3A_308 = arith.constant 0 : index
      %get3A_309 = vector.load %arg11[%get3A_307, %get3A_308] : memref<1x256xf32, #tpu.memory_space<vmem>>, vector<1x256xf32>
      %add3A_310 = vector.broadcast %get3A_309 : vector<1x256xf32> to vector<16x256xf32>
      %add3A_311 = arith.addf %mul3A_306, %add3A_310 : vector<16x256xf32>
      %get3A_312 = arith.constant 0 : index
      %get3A_313 = arith.constant 0 : index
      %get3A_314 = vector.load %arg13[%get3A_312, %get3A_313] : memref<256x256xf32, #tpu.memory_space<vmem>>, vector<256x256xf32>
      %dot_general3A_315 = arith.constant dense<0.000000e+00> : vector<16x256xf32>
      %dot_general3A_316 = tpu.matmul %add3A_311, %get3A_314, %dot_general3A_315 {dimension_numbers = #tpu.dot_dimension_numbers<[1], [0], [0], [1], [0, 0, 1, 1], [], []>, transpose_lhs_hint = false} : vector<16x256xf32>, vector<256x256xf32>, vector<16x256xf32> -> vector<16x256xf32>
      %slice3A_317 = vector.extract_strided_slice %dot_general3A_316 {offsets = [0, 0], sizes = [1, 256], strides = [1, 1]} : vector<16x256xf32> to vector<1x256xf32>
      %broadcast_in_dim3A_318 = vector.shape_cast %slice3A_317 : vector<1x256xf32> to vector<1x256xf32>
      %broadcast_in_dim3A_319 = vector.broadcast %broadcast_in_dim3A_318 : vector<1x256xf32> to vector<24x256xf32>
      %slice3A_320 = vector.extract_strided_slice %dot_general3A_316 {offsets = [1, 0], sizes = [1, 256], strides = [1, 1]} : vector<16x256xf32> to vector<1x256xf32>
      %broadcast_in_dim3A_321 = vector.shape_cast %slice3A_320 : vector<1x256xf32> to vector<1x256xf32>
      %broadcast_in_dim3A_322 = vector.broadcast %broadcast_in_dim3A_321 : vector<1x256xf32> to vector<24x256xf32>
      %slice3A_323 = vector.extract_strided_slice %dot_general3A_316 {offsets = [2, 0], sizes = [1, 256], strides = [1, 1]} : vector<16x256xf32> to vector<1x256xf32>
      %broadcast_in_dim3A_324 = vector.shape_cast %slice3A_323 : vector<1x256xf32> to vector<1x256xf32>
      %broadcast_in_dim3A_325 = vector.broadcast %broadcast_in_dim3A_324 : vector<1x256xf32> to vector<24x256xf32>
      %slice3A_326 = vector.extract_strided_slice %dot_general3A_316 {offsets = [3, 0], sizes = [1, 256], strides = [1, 1]} : vector<16x256xf32> to vector<1x256xf32>
      %broadcast_in_dim3A_327 = vector.shape_cast %slice3A_326 : vector<1x256xf32> to vector<1x256xf32>
      %broadcast_in_dim3A_328 = vector.broadcast %broadcast_in_dim3A_327 : vector<1x256xf32> to vector<24x256xf32>
      %slice3A_329 = vector.extract_strided_slice %dot_general3A_316 {offsets = [4, 0], sizes = [1, 256], strides = [1, 1]} : vector<16x256xf32> to vector<1x256xf32>
      %broadcast_in_dim3A_330 = vector.shape_cast %slice3A_329 : vector<1x256xf32> to vector<1x256xf32>
      %broadcast_in_dim3A_331 = vector.broadcast %broadcast_in_dim3A_330 : vector<1x256xf32> to vector<24x256xf32>
      %slice3A_332 = vector.extract_strided_slice %dot_general3A_316 {offsets = [5, 0], sizes = [1, 256], strides = [1, 1]} : vector<16x256xf32> to vector<1x256xf32>
      %broadcast_in_dim3A_333 = vector.shape_cast %slice3A_332 : vector<1x256xf32> to vector<1x256xf32>
      %broadcast_in_dim3A_334 = vector.broadcast %broadcast_in_dim3A_333 : vector<1x256xf32> to vector<24x256xf32>
      %slice3A_335 = vector.extract_strided_slice %dot_general3A_316 {offsets = [6, 0], sizes = [1, 256], strides = [1, 1]} : vector<16x256xf32> to vector<1x256xf32>
      %broadcast_in_dim3A_336 = vector.shape_cast %slice3A_335 : vector<1x256xf32> to vector<1x256xf32>
      %broadcast_in_dim3A_337 = vector.broadcast %broadcast_in_dim3A_336 : vector<1x256xf32> to vector<24x256xf32>
      %slice3A_338 = vector.extract_strided_slice %dot_general3A_316 {offsets = [7, 0], sizes = [1, 256], strides = [1, 1]} : vector<16x256xf32> to vector<1x256xf32>
      %broadcast_in_dim3A_339 = vector.shape_cast %slice3A_338 : vector<1x256xf32> to vector<1x256xf32>
      %broadcast_in_dim3A_340 = vector.broadcast %broadcast_in_dim3A_339 : vector<1x256xf32> to vector<24x256xf32>
      %slice3A_341 = vector.extract_strided_slice %dot_general3A_316 {offsets = [8, 0], sizes = [1, 256], strides = [1, 1]} : vector<16x256xf32> to vector<1x256xf32>
      %broadcast_in_dim3A_342 = vector.shape_cast %slice3A_341 : vector<1x256xf32> to vector<1x256xf32>
      %broadcast_in_dim3A_343 = vector.broadcast %broadcast_in_dim3A_342 : vector<1x256xf32> to vector<24x256xf32>
      %slice3A_344 = vector.extract_strided_slice %dot_general3A_316 {offsets = [9, 0], sizes = [1, 256], strides = [1, 1]} : vector<16x256xf32> to vector<1x256xf32>
      %broadcast_in_dim3A_345 = vector.shape_cast %slice3A_344 : vector<1x256xf32> to vector<1x256xf32>
      %broadcast_in_dim3A_346 = vector.broadcast %broadcast_in_dim3A_345 : vector<1x256xf32> to vector<24x256xf32>
      %slice3A_347 = vector.extract_strided_slice %dot_general3A_316 {offsets = [10, 0], sizes = [1, 256], strides = [1, 1]} : vector<16x256xf32> to vector<1x256xf32>
      %broadcast_in_dim3A_348 = vector.shape_cast %slice3A_347 : vector<1x256xf32> to vector<1x256xf32>
      %broadcast_in_dim3A_349 = vector.broadcast %broadcast_in_dim3A_348 : vector<1x256xf32> to vector<24x256xf32>
      %slice3A_350 = vector.extract_strided_slice %dot_general3A_316 {offsets = [11, 0], sizes = [1, 256], strides = [1, 1]} : vector<16x256xf32> to vector<1x256xf32>
      %broadcast_in_dim3A_351 = vector.shape_cast %slice3A_350 : vector<1x256xf32> to vector<1x256xf32>
      %broadcast_in_dim3A_352 = vector.broadcast %broadcast_in_dim3A_351 : vector<1x256xf32> to vector<24x256xf32>
      %slice3A_353 = vector.extract_strided_slice %dot_general3A_316 {offsets = [12, 0], sizes = [1, 256], strides = [1, 1]} : vector<16x256xf32> to vector<1x256xf32>
      %broadcast_in_dim3A_354 = vector.shape_cast %slice3A_353 : vector<1x256xf32> to vector<1x256xf32>
      %broadcast_in_dim3A_355 = vector.broadcast %broadcast_in_dim3A_354 : vector<1x256xf32> to vector<24x256xf32>
      %slice3A_356 = vector.extract_strided_slice %dot_general3A_316 {offsets = [13, 0], sizes = [1, 256], strides = [1, 1]} : vector<16x256xf32> to vector<1x256xf32>
      %broadcast_in_dim3A_357 = vector.shape_cast %slice3A_356 : vector<1x256xf32> to vector<1x256xf32>
      %broadcast_in_dim3A_358 = vector.broadcast %broadcast_in_dim3A_357 : vector<1x256xf32> to vector<24x256xf32>
      %slice3A_359 = vector.extract_strided_slice %dot_general3A_316 {offsets = [14, 0], sizes = [1, 256], strides = [1, 1]} : vector<16x256xf32> to vector<1x256xf32>
      %broadcast_in_dim3A_360 = vector.shape_cast %slice3A_359 : vector<1x256xf32> to vector<1x256xf32>
      %broadcast_in_dim3A_361 = vector.broadcast %broadcast_in_dim3A_360 : vector<1x256xf32> to vector<24x256xf32>
      %slice3A_362 = vector.extract_strided_slice %dot_general3A_316 {offsets = [15, 0], sizes = [1, 256], strides = [1, 1]} : vector<16x256xf32> to vector<1x256xf32>
      %broadcast_in_dim3A_363 = vector.shape_cast %slice3A_362 : vector<1x256xf32> to vector<1x256xf32>
      %broadcast_in_dim3A_364 = vector.broadcast %broadcast_in_dim3A_363 : vector<1x256xf32> to vector<24x256xf32>
      %concatenate3A_365 = tpu.concatenate %broadcast_in_dim3A_319, %broadcast_in_dim3A_322, %broadcast_in_dim3A_325, %broadcast_in_dim3A_328, %broadcast_in_dim3A_331, %broadcast_in_dim3A_334, %broadcast_in_dim3A_337, %broadcast_in_dim3A_340, %broadcast_in_dim3A_343, %broadcast_in_dim3A_346, %broadcast_in_dim3A_349, %broadcast_in_dim3A_352, %broadcast_in_dim3A_355, %broadcast_in_dim3A_358, %broadcast_in_dim3A_361, %broadcast_in_dim3A_364 in 0 : vector<24x256xf32>, vector<24x256xf32>, vector<24x256xf32>, vector<24x256xf32>, vector<24x256xf32>, vector<24x256xf32>, vector<24x256xf32>, vector<24x256xf32>, vector<24x256xf32>, vector<24x256xf32>, vector<24x256xf32>, vector<24x256xf32>, vector<24x256xf32>, vector<24x256xf32>, vector<24x256xf32>, vector<24x256xf32> -> vector<384x256xf32>
      %get3A_366 = arith.constant 0 : index
      %get3A_367 = arith.constant 0 : index
      %get3A_368 = vector.load %arg21[%get3A_366, %get3A_367] : memref<384x1xf32, #tpu.memory_space<vmem>>, vector<384x1xf32>
      %get3A_369 = arith.constant 0 : index
      %get3A_370 = arith.constant 0 : index
      %get3A_371 = vector.load %arg22[%get3A_369, %get3A_370] : memref<384x256xf32, #tpu.memory_space<vmem>>, vector<384x256xf32>
      %mul3A_372 = vector.broadcast %div3A_258 : vector<1x256xf32> to vector<384x256xf32>
      %mul3A_373 = arith.mulf %mul3A_372, %get3A_371 : vector<384x256xf32>
      %mul3A_374 = vector.broadcast %sub3A_263 : vector<1x256xf32> to vector<384x256xf32>
      %mul3A_375 = vector.broadcast %get3A_368 : vector<384x1xf32> to vector<384x256xf32>
      %mul3A_376 = arith.mulf %mul3A_374, %mul3A_375 : vector<384x256xf32>
      %add3A_377 = arith.addf %mul3A_373, %mul3A_376 : vector<384x256xf32>
      %get3A_378 = arith.constant 0 : index
      %get3A_379 = arith.constant 0 : index
      %get3A_380 = vector.load %arg12[%get3A_378, %get3A_379] : memref<256x256xf32, #tpu.memory_space<vmem>>, vector<256x256xf32>
      %dot_general3A_381 = arith.constant dense<0.000000e+00> : vector<384x256xf32>
      %dot_general3A_382 = tpu.matmul %add3A_377, %get3A_380, %dot_general3A_381 {dimension_numbers = #tpu.dot_dimension_numbers<[1], [0], [0], [1], [0, 0, 1, 1], [], []>, transpose_lhs_hint = false} : vector<384x256xf32>, vector<256x256xf32>, vector<384x256xf32> -> vector<384x256xf32>
      %mul3A_383 = vector.broadcast %get3A_368 : vector<384x1xf32> to vector<384x256xf32>
      %mul3A_384 = arith.mulf %mul3A_383, %concatenate3A_365 : vector<384x256xf32>
      %add3A_385 = arith.addf %dot_general3A_382, %mul3A_384 : vector<384x256xf32>
      %get3A_386 = arith.constant 0 : index
      %get3A_387 = arith.constant 0 : index
      %get3A_388 = vector.load %arg14[%get3A_386, %get3A_387] : memref<1x256xf32, #tpu.memory_space<vmem>>, vector<1x256xf32>
      %add3A_389 = vector.broadcast %get3A_388 : vector<1x256xf32> to vector<384x256xf32>
      %add3A_390 = arith.addf %add3A_385, %add3A_389 : vector<384x256xf32>
      %max3A_391 = arith.constant 0.000000e+00 : f32
      %max3A_392 = vector.broadcast %max3A_391 : f32 to vector<384x256xf32>
      %max3A_393 = arith.maximumf %add3A_390, %max3A_392 : vector<384x256xf32>
      %swap3A = arith.constant 0 : index
      %swap3A_394 = arith.constant 0 : index
      %swap3A_395 = vector.load %arg17[%swap3A, %swap3A_394] : memref<384x256xf32, #tpu.memory_space<vmem>>, vector<384x256xf32>
      tpu.vector_store %arg17[%swap3A, %swap3A_394], %max3A_393 {strides = array<i32>} : memref<384x256xf32, #tpu.memory_space<vmem>>, vector<384x256xf32>,
    } else {
    }
    return
  }
  func.func @transform_0(%arg0: i32) -> (i32, i32) {
    %c0_i32 = arith.constant 0 : i32
    %c0_i32_0 = arith.constant 0 : i32
    return %arg0, %c0_i32 : i32, i32
  }
  func.func @transform_1(%arg0: i32) -> (i32, i32) {
    %c0_i32 = arith.constant 0 : i32
    %c0_i32_0 = arith.constant 0 : i32
    return %arg0, %c0_i32 : i32, i32
  }
  func.func @transform_2(%arg0: i32) -> (i32, i32) {
    %c0_i32 = arith.constant 0 : i32
    %c0_i32_0 = arith.constant 0 : i32
    return %arg0, %c0_i32 : i32, i32
  }
  func.func @transform_3(%arg0: i32) -> (i32, i32) {
    %c0_i32 = arith.constant 0 : i32
    %c0_i32_0 = arith.constant 0 : i32
    return %arg0, %c0_i32 : i32, i32
  }
  func.func @transform_4(%arg0: i32) -> (i32, i32) {
    %c0_i32 = arith.constant 0 : i32
    %c0_i32_0 = arith.constant 0 : i32
    return %arg0, %c0_i32 : i32, i32
  }
  func.func @transform_5(%arg0: i32) -> (i32, i32) {
    %c0_i32 = arith.constant 0 : i32
    %c0_i32_0 = arith.constant 0 : i32
    %c0_i32_1 = arith.constant 0 : i32
    return %c0_i32, %c0_i32_0 : i32, i32
  }
  func.func @transform_6(%arg0: i32) -> (i32, i32) {
    %c0_i32 = arith.constant 0 : i32
    %c0_i32_0 = arith.constant 0 : i32
    %c0_i32_1 = arith.constant 0 : i32
    return %c0_i32, %c0_i32_0 : i32, i32
  }
  func.func @transform_7(%arg0: i32) -> (i32, i32) {
    %c0_i32 = arith.constant 0 : i32
    %c0_i32_0 = arith.constant 0 : i32
    %c0_i32_1 = arith.constant 0 : i32
    return %c0_i32, %c0_i32_0 : i32, i32
  }
  func.func @transform_8(%arg0: i32) -> (i32, i32) {
    %c0_i32 = arith.constant 0 : i32
    %c0_i32_0 = arith.constant 0 : i32
    %c0_i32_1 = arith.constant 0 : i32
    return %c0_i32, %c0_i32_0 : i32, i32
  }
  func.func @transform_9(%arg0: i32) -> (i32, i32) {
    %c0_i32 = arith.constant 0 : i32
    %c0_i32_0 = arith.constant 0 : i32
    %c0_i32_1 = arith.constant 0 : i32
    return %c0_i32, %c0_i32_0 : i32, i32
  }
  func.func @transform_10(%arg0: i32) -> (i32, i32) {
    %c0_i32 = arith.constant 0 : i32
    %c0_i32_0 = arith.constant 0 : i32
    %c0_i32_1 = arith.constant 0 : i32
    return %c0_i32, %c0_i32_0 : i32, i32
  }
  func.func @transform_11(%arg0: i32) -> (i32, i32) {
    %c0_i32 = arith.constant 0 : i32
    %c0_i32_0 = arith.constant 0 : i32
    %c0_i32_1 = arith.constant 0 : i32
    return %c0_i32, %c0_i32_0 : i32, i32
  }
  func.func @transform_12(%arg0: i32) -> (i32, i32) {
    %c0_i32 = arith.constant 0 : i32
    %c0_i32_0 = arith.constant 0 : i32
    %c0_i32_1 = arith.constant 0 : i32
    return %c0_i32, %c0_i32_0 : i32, i32
  }
  func.func @transform_13(%arg0: i32) -> (i32, i32) {
    %c0_i32 = arith.constant 0 : i32
    %c0_i32_0 = arith.constant 0 : i32
    %c0_i32_1 = arith.constant 0 : i32
    return %c0_i32, %c0_i32_0 : i32, i32
  }
  func.func @transform_14(%arg0: i32) -> (i32, i32) {
    %c0_i32 = arith.constant 0 : i32
    %c0_i32_0 = arith.constant 0 : i32
    %c0_i32_1 = arith.constant 0 : i32
    return %c0_i32, %c0_i32_0 : i32, i32
  }
  func.func @transform_15(%arg0: i32) -> (i32, i32) {
    %c0_i32 = arith.constant 0 : i32
    %c0_i32_0 = arith.constant 0 : i32
    %c0_i32_1 = arith.constant 0 : i32
    return %c0_i32, %c0_i32_0 : i32, i32
  }
  func.func @transform_16(%arg0: i32) -> (i32, i32) {
    %c0_i32 = arith.constant 0 : i32
    %c0_i32_0 = arith.constant 0 : i32
    %c0_i32_1 = arith.constant 0 : i32
    return %c0_i32, %c0_i32_0 : i32, i32
  }
}

module attributes {stable_mosaic.version = 14 : i64} {
  func.func @body(%arg0: memref<384x256xf32, #tpu.memory_space<vmem>>, %arg1: memref<1x256xf32, #tpu.memory_space<vmem>>, %arg2: memref<1x256xf32, #tpu.memory_space<vmem>>, %arg3: memref<384x256xf32, #tpu.memory_space<vmem>>) attributes {dimension_semantics = [], scalar_prefetch = 0 : i64, scratch_operands = 0 : i64, tpu.core_type = #tpu.core_type<tc>} {
    %get3A = arith.constant 0 : index
    %get3A_0 = arith.constant 0 : index
    %get3A_1 = vector.load %arg0[%get3A, %get3A_0] : memref<384x256xf32, #tpu.memory_space<vmem>>, vector<384x256xf32>
    %reduce_sum3A = arith.constant dense<0.000000e+00> : vector<256xf32>
    %reduce_sum3A_2 = vector.multi_reduction <add>, %get3A_1, %reduce_sum3A [0] : vector<384x256xf32> to vector<256xf32>
    %broadcast_in_dim3A = vector.shape_cast %reduce_sum3A_2 : vector<256xf32> to vector<1x256xf32>
    %div3A = arith.constant 3.840000e+02 : f32
    %div3A_3 = vector.broadcast %div3A : f32 to vector<1x256xf32>
    %div3A_4 = arith.divf %broadcast_in_dim3A, %div3A_3 : vector<1x256xf32>
    %sub3A = vector.broadcast %div3A_4 : vector<1x256xf32> to vector<384x256xf32>
    %sub3A_5 = arith.subf %get3A_1, %sub3A : vector<384x256xf32>
    %integer_pow3A = arith.mulf %sub3A_5, %sub3A_5 : vector<384x256xf32>
    %reduce_sum3A_6 = arith.constant dense<0.000000e+00> : vector<256xf32>
    %reduce_sum3A_7 = vector.multi_reduction <add>, %integer_pow3A, %reduce_sum3A_6 [0] : vector<384x256xf32> to vector<256xf32>
    %broadcast_in_dim3A_8 = vector.shape_cast %reduce_sum3A_7 : vector<256xf32> to vector<1x256xf32>
    %div3A_9 = arith.constant 3.840000e+02 : f32
    %div3A_10 = vector.broadcast %div3A_9 : f32 to vector<1x256xf32>
    %div3A_11 = arith.divf %broadcast_in_dim3A_8, %div3A_10 : vector<1x256xf32>
    %sub3A_12 = vector.broadcast %div3A_4 : vector<1x256xf32> to vector<384x256xf32>
    %sub3A_13 = arith.subf %get3A_1, %sub3A_12 : vector<384x256xf32>
    %add3A = arith.constant 9.99999974E-6 : f32
    %add3A_14 = vector.broadcast %add3A : f32 to vector<1x256xf32>
    %add3A_15 = arith.addf %div3A_11, %add3A_14 : vector<1x256xf32>
    %sqrt3A = math.sqrt %add3A_15 : vector<1x256xf32>
    %div3A_16 = vector.broadcast %sqrt3A : vector<1x256xf32> to vector<384x256xf32>
    %div3A_17 = arith.divf %sub3A_13, %div3A_16 : vector<384x256xf32>
    %get3A_18 = arith.constant 0 : index
    %get3A_19 = arith.constant 0 : index
    %get3A_20 = vector.load %arg1[%get3A_18, %get3A_19] : memref<1x256xf32, #tpu.memory_space<vmem>>, vector<1x256xf32>
    %mul3A = vector.broadcast %get3A_20 : vector<1x256xf32> to vector<384x256xf32>
    %mul3A_21 = arith.mulf %div3A_17, %mul3A : vector<384x256xf32>
    %get3A_22 = arith.constant 0 : index
    %get3A_23 = arith.constant 0 : index
    %get3A_24 = vector.load %arg2[%get3A_22, %get3A_23] : memref<1x256xf32, #tpu.memory_space<vmem>>, vector<1x256xf32>
    %add3A_25 = vector.broadcast %get3A_24 : vector<1x256xf32> to vector<384x256xf32>
    %add3A_26 = arith.addf %mul3A_21, %add3A_25 : vector<384x256xf32>
    %swap3A = arith.constant 0 : index
    %swap3A_27 = arith.constant 0 : index
    %swap3A_28 = vector.load %arg3[%swap3A, %swap3A_27] : memref<384x256xf32, #tpu.memory_space<vmem>>, vector<384x256xf32>
    tpu.vector_store %arg3[%swap3A, %swap3A_27], %add3A_26 {strides = array<i32>} : memref<384x256xf32, #tpu.memory_space<vmem>>, vector<384x256xf32>,
    return
  }
}

</mosaic_0001>

<sc_bundles>
// kernel: kernel.13.cloned.1.call-start
scs
__scs_entry_jumppad:
0x0: {  	(pc) =	sbr.rel $0x88, $3  }
0x1: {  	(tag) =	ssettag $0x0;
	lr =	simm.s32 $0x1  }
0x2: {  	[smem:$0x3F8B] =	sst lr;
	_ =	strace $0xD0000000  }
0x3: {  	_ = 	snop  }
0x4: {  	_ = 	snop  }
0x5: {  	_ = 	snop  }
0x6: {  	_ = 	snop  }
0x7: {  	_ = 	snop  }
__scs_overlays_trampoline_lowered:
0x8: {  	[smem:$0x3F9A] =	sst s0  }
0x9: {  	[smem:$0x3F9B] =	sst s1  }
0xa: {  	[smem:$0x3F9C] =	sst s2  }
0xb: {  	[smem:$0x3F9D] =	sst s3  }
0xc: {  	[smem:$0x3F9E] =	sst s4  }
0xd: {  	[smem:$0x3F9F] =	sst s5  }
0xe: {  	[smem:$0x3FA0] =	sst s6  }
0xf: {  	[smem:$0x3FA1] =	sst s7  }
0x10: {  	[smem:$0x3FA2] =	sst s8  }
0x11: {  	[smem:$0x3FA3] =	sst s9;
	s0 =	simm.s32 @!p0 $0x0  }
0x12: {  	s1 =	sld [smem:$0x3F89];
	s0 =	simm.s32 @p0 $0x1  }
0x13: {  	[smem:$0x3FA4] =	sst s0;
	s0 =	simm.s32 @!p1 $0x0  }
0x14: {  	s2 =	sld [smem:$0x3F88];
	s0 =	simm.s32 @p1 $0x1  }
0x15: {  	[smem:$0x3FA5] =	sst s0;
	s0 =	simm.s32 @!p2 $0x0  }
0x16: {  	s3 =	sld [smem:$0x3FDB];
	s0 =	simm.s32 @p2 $0x1  }
0x17: {  	s4 =	simm.s32 $0x1BF5;
	[smem:$0x3FA7] =	sst s0  }
0x18: {  	s0 =	sld [smem:$0x3F8A];
	_ =	swait.ge [sflag:s4], $0x0  }
0x19: {  	s7 =	sld [smem:$0x3F8B]  }
0x1a: {  	s8 =	sadd.s32 $0xFFFFE003, lr  }
0x1b: {  	s9 =	sadd.s32 $0xFFFFFEF7, lr;
	s5 =	simm.s32 $0xFFFFFFFF;
	p2 =	slt.u32 s8, $0xFFFFF086  }
0x1c: {  	p1 =	slt.u32 s9, $0xF7A;
	s5 =	simm.s32 @!p2 $0x0  }
0x1d: {  	s5 =	simm.s32 @p1 $0x1;
	p0 =	seq.s32 s7, s2  }
0x1e: {  	s7 =	smul.u32 @!p0 $0xF7A, s2;
	p2 =	seq.s32 @!p0 s5, $0x0  }
0x1f: {  	s9 =	smul.u32 $0xF7A, s1;
	s8 =	simm.s32 @!p0 $0x1BF5;
	p2 =	por !p2, p0  }
0x20: {  	[sflag:s8] =	ssyncset.s32 @!p0 $0xFFFFF086;
	s6 =	sadd.s32 @!p0 s3, s7;
	s7 =	simm.s32 @!p0 $0x108  }
0x21: {  	s3 =	sadd.s32 s3, s9;
	s6 =	sadd.s32 @!p0 $0x88, s6;
	s7 =	simm.s32 @p2 $0x1082  }
0x22: {  	[simem:s7], [sflag:s8] =	dma.local @!p0 [hbm:s6], $0xF7A  }
0x23: {  	s9 =	sor.u32 $0xD0000000, s2;
	s6 =	simm.s32 $0x108;
	_ =	swait.ge @!p0 [sflag:s8], $0x0  }
0x24: {  	s3 =	sadd.s32 $0x88, s3;
	s6 =	simm.s32 @!p1 $0x1082;
	[sflag:s4] =	ssyncset.s32 $0xFFFFF086  }
0x25: {  	[simem:s6], [sflag:s4] =	dma.local [hbm:s3], $0xF7A  }
0x26: {  	[smem:$0x3F8B] =	sst s1;
	(tag) =	ssettag s2;
	_ =	strace s9  }
0x27: {  	s1 =	sld [smem:$0x3F9B]  }
0x28: {  	s2 =	sld [smem:$0x3F9C]  }
0x29: {  	s4 =	sld [smem:$0x3F9E]  }
0x2a: {  	p0 =	seq.s32 s5, $0x0;
	s5 =	sld [smem:$0x3F9F]  }
0x2b: {  	s6 =	sld [smem:$0x3FA0]  }
0x2c: {  	s7 =	sld [smem:$0x3FA1]  }
0x2d: {  	s3 =	simm.s32 $0x108;
	s8 =	sld [smem:$0x3FA2]  }
0x2e: {  	s3 =	simm.s32 @!p0 $0x1082;
	s9 =	sld [smem:$0x3FA3]  }
0x2f: {  	lr =	sadd.s32 s0, s3;
	s0 =	sld [smem:$0x3F9A]  }
0x30: {  	s3 =	sld [smem:$0x3F9D]  }
0x31: {  	[smem:$0x3FA6] =	sst s10  }
0x32: {  	s10 =	sld [smem:$0x3FA4];
	_ =	sdelay $0x3  }
0x33: {  	p0 =	seq.s32 s10, $0x1;
	s10 =	sld [smem:$0x3FA6];
	_ =	sdelay $0x3  }
0x34: {  	[smem:$0x3FA6] =	sst s10  }
0x35: {  	s10 =	sld [smem:$0x3FA5];
	_ =	sdelay $0x3  }
0x36: {  	p1 =	seq.s32 s10, $0x1;
	s10 =	sld [smem:$0x3FA6];
	_ =	sdelay $0x3  }
0x37: {  	[smem:$0x3FA6] =	sst s10  }
0x38: {  	s10 =	sld [smem:$0x3FA7]  }
0x39: {  	_ = 	snop;
	(pc) =	sbr.ind lr, $3  }
0x3a: {  	_ = 	snop  }
0x3b: {  	_ = 	snop  }
0x3c: {  	p2 =	seq.s32 s10, $0x1;
	s10 =	sld [smem:$0x3FA6]  }
0x3d: {  	_ =	shalt  }
0x3e: {  	_ =	shalt  }
0x3f: {  	_ =	shalt  }
0x40: {  	_ =	shalt  }
0x41: {  	_ =	shalt  }
0x42: {  	_ =	shalt  }
0x43: {  	_ =	shalt  }
0x44: {  	_ =	shalt  }
0x45: {  	_ =	shalt  }
0x46: {  	_ =	shalt  }
0x47: {  	_ =	shalt  }
0x48: {  	_ =	shalt  }
0x49: {  	_ =	shalt  }
0x4a: {  	_ =	shalt  }
0x4b: {  	_ =	shalt  }
0x4c: {  	_ =	shalt  }
0x4d: {  	_ =	shalt  }
0x4e: {  	_ =	shalt  }
0x4f: {  	_ =	shalt  }
0x50: {  	_ =	shalt  }
0x51: {  	_ =	shalt  }
0x52: {  	_ =	shalt  }
0x53: {  	_ =	shalt  }
0x54: {  	_ =	shalt  }
0x55: {  	_ =	shalt  }
0x56: {  	_ =	shalt  }
0x57: {  	_ =	shalt  }
0x58: {  	_ =	shalt  }
0x59: {  	_ =	shalt  }
0x5a: {  	_ =	shalt  }
0x5b: {  	_ =	shalt  }
0x5c: {  	_ =	shalt  }
0x5d: {  	_ =	shalt  }
0x5e: {  	_ =	shalt  }
0x5f: {  	_ =	shalt  }
0x60: {  	_ =	shalt  }
0x61: {  	_ =	shalt  }
0x62: {  	_ =	shalt  }
0x63: {  	_ =	shalt  }
0x64: {  	_ =	shalt  }
0x65: {  	_ =	shalt  }
0x66: {  	_ =	shalt  }
0x67: {  	_ =	shalt  }
0x68: {  	_ =	shalt  }
0x69: {  	_ =	shalt  }
0x6a: {  	_ =	shalt  }
0x6b: {  	_ =	shalt  }
0x6c: {  	_ =	shalt  }
0x6d: {  	_ =	shalt  }
0x6e: {  	_ =	shalt  }
0x6f: {  	_ =	shalt  }
0x70: {  	_ =	shalt  }
0x71: {  	_ =	shalt  }
0x72: {  	_ =	shalt  }
0x73: {  	_ =	shalt  }
0x74: {  	_ =	shalt  }
0x75: {  	_ =	shalt  }
0x76: {  	_ =	shalt  }
0x77: {  	_ =	shalt  }
0x78: {  	_ =	shalt  }
0x79: {  	_ =	shalt  }
0x7a: {  	_ =	shalt  }
0x7b: {  	_ =	shalt  }
0x7c: {  	_ =	shalt  }
0x7d: {  	_ =	shalt  }
0x7e: {  	_ =	shalt  }
0x7f: {  	_ =	shalt  }
0x80: {  	_ =	shalt  }
0x81: {  	_ =	shalt  }
0x82: {  	_ =	shalt  }
0x83: {  	_ =	shalt  }
0x84: {  	_ =	shalt  }
0x85: {  	_ =	shalt  }
0x86: {  	_ =	shalt  }
0x87: {  	_ =	shalt  }
.Lfunc_end0:
.L_simem_size_0:
called_computation_lowered:
.L_overlay_start_0:
0x88: {  	s2 =	sld [smem:$0x3FD9]  }
0x89: {  	s3 =	sld [smem:$0x3FFE];
	_ =	sdelay $0x1  }
0x8a: {  	s1 =	srdreg.scid  }
0x8b: {  	s0 =	sand.u32 $0x1, s1  }
0x8c: {  	s16 =	sshll.u32 s0, $0xA;
	s2 =	sadd.s32 s3, s2  }
0x8d: {  	s2 =	sadd.s32 s2, s16  }
0x8e: {  	[smem:$0x3FB2] =	sst s2  }
0x8f: {  	_ = 	snop  }
0x90: {  	(tm) =	ssettm $0x1  }
0x91: {  	s17 =	sld [smem:$0x3FFB];
	_ =	sdelay $0x3  }
0x92: {  	_ =	strace s17  }
0x93: {  	s2 =	sld [smem:$0x3FFC];
	_ =	sdelay $0x3  }
0x94: {  	_ =	strace s2  }
0x95: {  	s2 =	sld [smem:$0x3FFD];
	_ =	sdelay $0x3  }
0x96: {  	_ =	strace s2  }
0x97: {  	_ =	strace $0x8FFFFFFF  }
0x98: {  	s18 =	sld [smem:$0x3FDB];
	_ =	sdelay $0x1  }
0x99: {  	s19 =	simm.s32 $_scs_section_size  }
0x9a: {  	s4 =	simm.s32 $_size__tile_overlayer_lowered;
	s5 =	simm.s32 $_tile_overlayer_lowered  }
0x9b: {  	s22 =	simm.s32 $0x1BFF;
	s21 =	sshll.u32 s5, $0x1;
	s2 =	sadd.s32 s19, s18  }
0x9c: {  	s6 =	simm.s32 $0x0;
	s20 =	sshll.u32 s4, $0x1;
	s4 =	sadd.s32 s21, s2  }
0x9d: {  	[timem:s6], [sflag:s22] =	dma.local [hbm:s4], s20  }
0x9e: {  	_ =	swait.ge [sflag:s22], s20  }
0x9f: {  	s3 =	ssub.s32 $0x0, s20;
	[sflag:s22] =	ssyncset.done $0x0  }
0xa0: {  	[sflag:s22] =	ssyncadd.s32 s3;
	_ =	sdelay $0x1  }
0xa1: {  	s23 =	simm.s32 $0x1B8B  }
0xa2: {  	_ =	swait.ge [sflag:s23], $0x1  }
0xa3: {  	[sflag:s23] =	ssyncset.done $0x0  }
0xa4: {  	s25 =	simm.s32 $0x1B8E;
	s24 =	sld [smem:$0x3FFE];
	[sflag:s23] =	ssyncadd.s32 $0xFFFFFFFF  }
0xa5: {  	s26 =	simm.s32 $execute0_lowered;
	[smem:$0x3FD2] =	sst s25  }
0xa6: {  	s4 =	sshll.u32 s26, $0x1;
	_ =	strace $0x80000046;
	[dreg:$0x1] =	wrdreg $0xFFFFFFFF  }
0xa7: {  	s28 =	simm.s32 $_size_execute0_lowered;
	s2 =	sadd.s32 s2, s4;
	[dreg:$0x0] =	wrdreg $0x0  }
0xa8: {  	s4 =	sshll.u32 s28, $0x1;
	[dreg:$0x2] =	wrdreg s2  }
0xa9: {  	[dreg:$0x3] =	wrdreg s4  }
0xaa: {  	[dreg:$0x4] =	wrdreg $0xC0  }
0xab: {  	_ =	task [dreg:s6], $0x5FFFF  }
0xac: {  	[dreg:$0x1] =	wrdreg $0xFFFFFFFF  }
0xad: {  	[dreg:$0x0] =	wrdreg $0x60  }
0xae: {  	[dreg:$0x2] =	wrdreg s24  }
0xaf: {  	[dreg:$0x3] =	wrdreg $0x9  }
0xb0: {  	_ =	task.clear_ibuf [dreg:s6], $0x4FFFF;
	_ =	strace $0x90000046  }
0xb1: {  	s29 =	simm.s32 $0x9;
	_ =	strace $0x80000048  }
0xb2: {  	_ =	swait.ge [sflag:s29], $0x1  }
0xb3: {  	[sflag:s29] =	ssyncadd.s32 $0xFFFFFFFF  }
0xb4: {  	_ =	strace $0x90000048  }
0xb5: {  	_ =	sfence  }
0xb6: {  	s30 =	sld [smem:$0x0];
	_ =	sdelay $0x2  }
0xb7: {  	s31 =	sshll.u32 s1, $0xD;
	s1 =	sshrl.u32 s1, $0x2  }
0xb8: {  	s3 =	sand.u32 $0x4000, s31;
	s1 =	sadd.s32 s1, s30  }
0xb9: {  	s0 =	sor.u32 s3, s0;
	s1 =	sshll.u32 s1, $0x11  }
0xba: {  	s0 =	sor.u32 s1, s0  }
0xbb: {  	s0 =	sadd.s32 $0x8F2B, s0  }
0xbc: {  	[sflag:s0] =	ssyncadd.remote.s32 $0x1  }
0xbd: {  	_ =	sfence.sel $0xFFFF  }
0xbe: {  	[dreg:$0x0] =	wrdreg $0xFFFFFFFF;
	(pc) =	sbr.abs _section_cstart, $3  }
0xbf: {  	[dreg:$0x1] =	wrdreg $0xFFFFFFFF  }
0xc0: {  	_ =	task.clear_ibuf [dreg:s6], $0x2FFFF;
	_ =	strace $0x9FFFFFFF  }
0xc1: {  	(tm) =	ssettm $0x7FFFFFFF  }
tec
execute0_lowered:
.L_overlay_start_1:
0x0: {  	(tag) =	ssettag $0x1  }
0x1: {  	s4 =	rddreg [dreg:$0x0]  }
0x2: {  	s0 =	rddreg [dreg:$0x1];
	s3 =	srdreg.scid  }
0x3: {  	s1 =	stileid.u32;
	s2 =	simm.s32 $0x0;
	s11 =	simm.s32 $0x200  }
0x4: {  	s12 =	simm.s32 $0x4200;
	s13 =	simm.s32 $0x100;
	s14 =	simm.s32 $0x8200  }
0x5: {  	s15 =	simm.s32 $0x180;
	s16 =	simm.s32 $0xC200;
	s6 =	smul.u32 $0x2800, s1  }
0x6: {  	s17 =	simm.s32 $0x1;
	s5 =	sand.u32 $0x1, s3;
	s8 =	smul.u32 $0x28000, s1  }
0x7: {  	s18 =	simm.s32 $0x0;
	[smem:$0x7FF] =	sst s2;
	s7 =	smul.u32 $0x1400, s5  }
0x8: {  	s3 =	sadd.s32 $0x14800, s4;
	s29 =	ssub.s32 $0x2, s5;
	s5 =	smul.u32 $0x14000, s5  }
0x9: {  	_ =	strace $0x80000047;
	s8 =	sadd.s32 s8, s4;
	s9 =	sshrl.u32 s29, $0x1  }
0xa: {  	s6 =	sadd.s32 s7, s6;
	s30 =	ssub.s32 s29, s9;
	s31 =	sadd.s32 s5, s8  }
0xb: {  	s9 =	simm.s32 $0x2;
	s6 =	sshrl.u32 s6, $0x3;
	s5 =	sadd.s32 $0x3BA00, s31  }
0xc: {  	s7 =	sadd.s32 $0x2BBA00, s31;
	s10 =	sadd.s32 s6, s4;
	s4 =	smax.u32 s30, $0x1  }
0xd: {  	s6 =	sadd.s32 $0x5800, s10;
	s8 =	sadd.s32 $0xF800, s10;
	s10 =	simm.s32 $0x80  }
.LBB2_1:
0xe: {  	s19 =	sadd.s32 $0x0, s6  }
0xf: {  	[tilespmem:s2], [sflag:$0x2] =	stream.linear.gather [hbm4b:s19+s2], $0x200, $0x38;
	[tilespmem:$0x10200] =	vst v63  }
0x10: {  	_ =	swait.ge [sflag:s9], $0x200  }
0x11: {  	[sflag:s9] =	ssyncset.done $0x0  }
0x12: {  	[sflag:s9] =	ssyncadd.s32 $0xFFFFFE00  }
0x13: {  	[tilespmem:s11], [sflag:$0x1] =	stream.indirect.gather [hbm4b:s3+s10], $0x80, s2, s10, $0xb8;
	[tilespmem:$0x10200] =	vst v63  }
0x14: {  	_ = 	snop  }
0x15: {  	[tilespmem:s12], [sflag:$0x1] =	stream.indirect.gather [hbm4b:s3+s10], $0x80, s10, s10, $0xb8;
	[tilespmem:$0x10200] =	vst v63  }
0x16: {  	_ = 	snop  }
0x17: {  	[tilespmem:s14], [sflag:$0x1] =	stream.indirect.gather [hbm4b:s3+s10], $0x80, s13, s10, $0xb8;
	[tilespmem:$0x10200] =	vst v63  }
0x18: {  	_ = 	snop  }
0x19: {  	[tilespmem:s16], [sflag:$0x1] =	stream.indirect.gather [hbm4b:s3+s10], $0x80, s15, s10, $0xb8;
	[tilespmem:$0x10200] =	vst v63  }
0x1a: {  	_ =	swait.ge [sflag:s17], $0x4000  }
0x1b: {  	[sflag:s17] =	ssyncset.done $0x0  }
0x1c: {  	[sflag:s17] =	ssyncadd.s32 $0xFFFFC000  }
0x1d: {  	_ =	swait.ge [sflag:s17], $0x4000  }
0x1e: {  	[sflag:s17] =	ssyncset.done $0x0  }
0x1f: {  	[sflag:s17] =	ssyncadd.s32 $0xFFFFC000  }
0x20: {  	_ =	swait.ge [sflag:s17], $0x4000  }
0x21: {  	[sflag:s17] =	ssyncset.done $0x0  }
0x22: {  	[sflag:s17] =	ssyncadd.s32 $0xFFFFC000  }
0x23: {  	_ =	swait.ge [sflag:s17], $0x4000  }
0x24: {  	[sflag:s17] =	ssyncset.done $0x0  }
0x25: {  	[sflag:s17] =	ssyncadd.s32 $0xFFFFC000  }
0x26: {  	[hbm4b:s5+s2] =	stream.linear.scatter [tilespmem:s11], [sflag:$0x2], $0x10000, $0x38;
	[tilespmem:$0x10200] =	vst v63  }
0x27: {  	s22 =	sadd.s32 $0x40, s6;
	_ =	swait.ge [sflag:s9], $0x10000  }
0x28: {  	s20 =	simm.s32 $0x80;
	s19 =	sadd.s32 $0x2000, s5;
	[sflag:s9] =	ssyncset.done $0x0  }
.LBB2_2:
0x29: {  	s23 =	sadd.s32 s20, s6;
	s21 =	simm.s32 $0x0;
	[sflag:s9] =	ssyncadd.s32 $0xFFFF0000  }
0x2a: {  	[tilespmem:s21], [sflag:$0x2] =	stream.linear.gather [hbm4b:s22+s21], $0x200, $0x38;
	[tilespmem:$0x10200] =	vst v63  }
0x2b: {  	p0 =	sne.s32 s20, $0x240;
	s20 =	sadd.s32 $0x40, s20;
	_ =	swait.ge [sflag:s9], $0x200  }
0x2c: {  	s22 =	smov.u32 s23;
	[sflag:s9] =	ssyncset.done $0x0  }
0x2d: {  	[sflag:s9] =	ssyncadd.s32 $0xFFFFFE00  }
0x2e: {  	[tilespmem:s11], [sflag:$0x1] =	stream.indirect.gather [hbm4b:s3+s10], $0x80, s21, s10, $0xb8;
	[tilespmem:$0x10200] =	vst v63  }
0x2f: {  	_ = 	snop  }
0x30: {  	[tilespmem:s12], [sflag:$0x1] =	stream.indirect.gather [hbm4b:s3+s10], $0x80, s10, s10, $0xb8;
	[tilespmem:$0x10200] =	vst v63  }
0x31: {  	_ = 	snop  }
0x32: {  	[tilespmem:s14], [sflag:$0x1] =	stream.indirect.gather [hbm4b:s3+s10], $0x80, s13, s10, $0xb8;
	[tilespmem:$0x10200] =	vst v63  }
0x33: {  	_ = 	snop  }
0x34: {  	[tilespmem:s16], [sflag:$0x1] =	stream.indirect.gather [hbm4b:s3+s10], $0x80, s15, s10, $0xb8;
	[tilespmem:$0x10200] =	vst v63  }
0x35: {  	_ =	swait.ge [sflag:s17], $0x4000  }
0x36: {  	[sflag:s17] =	ssyncset.done $0x0  }
0x37: {  	[sflag:s17] =	ssyncadd.s32 $0xFFFFC000  }
0x38: {  	_ =	swait.ge [sflag:s17], $0x4000  }
0x39: {  	[sflag:s17] =	ssyncset.done $0x0  }
0x3a: {  	[sflag:s17] =	ssyncadd.s32 $0xFFFFC000  }
0x3b: {  	_ =	swait.ge [sflag:s17], $0x4000  }
0x3c: {  	[sflag:s17] =	ssyncset.done $0x0  }
0x3d: {  	[sflag:s17] =	ssyncadd.s32 $0xFFFFC000  }
0x3e: {  	_ =	swait.ge [sflag:s17], $0x4000  }
.Ltmp0:
0x3f: {  	[sflag:s17] =	ssyncset.done $0x0;
	(pc) =	sbr.rel @p0 .LBB2_2-.Ltmp0, $4  }
0x40: {  	[sflag:s17] =	ssyncadd.s32 $0xFFFFC000  }
0x41: {  	[hbm4b:s19+s21] =	stream.linear.scatter [tilespmem:s11], [sflag:$0x2], $0x10000, $0x38;
	[tilespmem:$0x10200] =	vst v63  }
0x42: {  	_ =	swait.ge [sflag:s9], $0x10000  }
0x43: {  	s19 =	sadd.s32 $0x2000, s19;
	[sflag:s9] =	ssyncset.done $0x0  }
0x44: {  	[sflag:s9] =	ssyncadd.s32 $0xFFFF0000  }
0x45: {  	[tilespmem:s21], [sflag:$0x2] =	stream.linear.gather [hbm4b:s22+s21], $0x200, $0x38;
	[tilespmem:$0x10200] =	vst v63  }
0x46: {  	_ =	swait.ge [sflag:s9], $0x200  }
0x47: {  	[sflag:s9] =	ssyncset.done $0x0  }
0x48: {  	[sflag:s9] =	ssyncadd.s32 $0xFFFFFE00  }
0x49: {  	[tilespmem:s11], [sflag:$0x1] =	stream.indirect.gather [hbm4b:s3+s10], $0x80, s21, s10, $0xb8;
	[tilespmem:$0x10200] =	vst v63  }
0x4a: {  	_ = 	snop  }
0x4b: {  	[tilespmem:s12], [sflag:$0x1] =	stream.indirect.gather [hbm4b:s3+s10], $0x80, s10, s10, $0xb8;
	[tilespmem:$0x10200] =	vst v63  }
0x4c: {  	_ = 	snop  }
0x4d: {  	[tilespmem:s14], [sflag:$0x1] =	stream.indirect.gather [hbm4b:s3+s10], $0x80, s13, s10, $0xb8;
	[tilespmem:$0x10200] =	vst v63  }
0x4e: {  	_ = 	snop  }
0x4f: {  	[tilespmem:s16], [sflag:$0x1] =	stream.indirect.gather [hbm4b:s3+s10], $0x80, s15, s10, $0xb8;
	[tilespmem:$0x10200] =	vst v63  }
0x50: {  	_ =	swait.ge [sflag:s17], $0x4000  }
0x51: {  	[sflag:s17] =	ssyncset.done $0x0  }
0x52: {  	[sflag:s17] =	ssyncadd.s32 $0xFFFFC000  }
0x53: {  	_ =	swait.ge [sflag:s17], $0x4000  }
0x54: {  	[sflag:s17] =	ssyncset.done $0x0  }
0x55: {  	[sflag:s17] =	ssyncadd.s32 $0xFFFFC000  }
0x56: {  	_ =	swait.ge [sflag:s17], $0x4000  }
0x57: {  	[sflag:s17] =	ssyncset.done $0x0  }
0x58: {  	[sflag:s17] =	ssyncadd.s32 $0xFFFFC000  }
0x59: {  	_ =	swait.ge [sflag:s17], $0x4000  }
0x5a: {  	p1 =	por $0x1, $0x1;
	[sflag:s17] =	ssyncset.done $0x0  }
.Ltmp1:
0x5b: {  	[sflag:s17] =	ssyncadd.s32 $0xFFFFC000;
	(pc) =	sbr.rel @!p1 .LBB2_8-.Ltmp1, $4  }
0x5c: {  	[hbm4b:s19+s21] =	stream.linear.scatter [tilespmem:s11], [sflag:$0x2], $0x10000, $0x38;
	[tilespmem:$0x10200] =	vst v63  }
0x5d: {  	_ =	swait.ge [sflag:s9], $0x10000  }
0x5e: {  	p0 =	por $0x0, $0x0;
	[sflag:s9] =	ssyncset.done $0x0  }
0x5f: {  	s20 =	smov.u32 s7;
	s19 =	simm.s32 $0x40;
	[sflag:s9] =	ssyncadd.s32 $0xFFFF0000  }
0x60: {  	s20 =	sadd.s32 $0x0, s8  }
0x61: {  	[tilespmem:s2], [sflag:$0x2] =	stream.linear.gather [hbm4b:s20+s2], $0x200, $0x38;
	[tilespmem:$0x10200] =	vst v63  }
0x62: {  	_ =	swait.ge [sflag:s9], $0x200  }
0x63: {  	[sflag:s9] =	ssyncset.done $0x0  }
0x64: {  	[sflag:s9] =	ssyncadd.s32 $0xFFFFFE00  }
0x65: {  	[tilespmem:s11], [sflag:$0x1] =	stream.indirect.gather [hbm4b:s3+s10], $0x80, s2, s10, $0xb8;
	[tilespmem:$0x10200] =	vst v63  }
0x66: {  	_ = 	snop  }
0x67: {  	[tilespmem:s12], [sflag:$0x1] =	stream.indirect.gather [hbm4b:s3+s10], $0x80, s10, s10, $0xb8;
	[tilespmem:$0x10200] =	vst v63  }
0x68: {  	_ = 	snop  }
0x69: {  	[tilespmem:s14], [sflag:$0x1] =	stream.indirect.gather [hbm4b:s3+s10], $0x80, s13, s10, $0xb8;
	[tilespmem:$0x10200] =	vst v63  }
0x6a: {  	_ = 	snop  }
0x6b: {  	[tilespmem:s16], [sflag:$0x1] =	stream.indirect.gather [hbm4b:s3+s10], $0x80, s15, s10, $0xb8;
	[tilespmem:$0x10200] =	vst v63  }
0x6c: {  	_ =	swait.ge [sflag:s17], $0x4000  }
0x6d: {  	[sflag:s17] =	ssyncset.done $0x0  }
0x6e: {  	[sflag:s17] =	ssyncadd.s32 $0xFFFFC000  }
0x6f: {  	_ =	swait.ge [sflag:s17], $0x4000  }
0x70: {  	[sflag:s17] =	ssyncset.done $0x0  }
0x71: {  	[sflag:s17] =	ssyncadd.s32 $0xFFFFC000  }
0x72: {  	_ =	swait.ge [sflag:s17], $0x4000  }
0x73: {  	[sflag:s17] =	ssyncset.done $0x0  }
0x74: {  	[sflag:s17] =	ssyncadd.s32 $0xFFFFC000  }
0x75: {  	p1 =	por $0x1, $0x1;
	_ =	swait.ge [sflag:s17], $0x4000  }
.Ltmp2:
0x76: {  	[sflag:s17] =	ssyncset.done $0x0;
	(pc) =	sbr.rel @!p1 .LBB2_5-.Ltmp2, $4  }
0x77: {  	[sflag:s17] =	ssyncadd.s32 $0xFFFFC000  }
0x78: {  	[hbm4b:s7+s2] =	stream.linear.scatter [tilespmem:s11], [sflag:$0x2], $0x10000, $0x38;
	[tilespmem:$0x10200] =	vst v63  }
0x79: {  	s21 =	simm.s32 $0x80;
	_ =	swait.ge [sflag:s9], $0x10000  }
0x7a: {  	p0 =	por $0x1, $0x1;
	s20 =	sadd.s32 $0x2000, s7;
	[sflag:s9] =	ssyncset.done $0x0  }
.LBB2_6:
0x7b: {  	s22 =	sadd.s32 s19, s8  }
0x7c: {  	[sflag:s9] =	ssyncadd.s32 $0xFFFF0000;
	s19 =	smov.u32 s21;
	s23 =	sadd.s32 $0x40, s21  }
0x7d: {  	[tilespmem:s2], [sflag:$0x2] =	stream.linear.gather [hbm4b:s22+s2], $0x200, $0x38;
	[tilespmem:$0x10200] =	vst v63  }
0x7e: {  	p1 =	sne.s32 s21, $0x240;
	_ =	swait.ge [sflag:s9], $0x200  }
0x7f: {  	[sflag:s9] =	ssyncset.done $0x0  }
0x80: {  	[sflag:s9] =	ssyncadd.s32 $0xFFFFFE00  }
0x81: {  	[tilespmem:s11], [sflag:$0x1] =	stream.indirect.gather [hbm4b:s3+s10], $0x80, s2, s10, $0xb8;
	[tilespmem:$0x10200] =	vst v63  }
0x82: {  	_ = 	snop  }
0x83: {  	[tilespmem:s12], [sflag:$0x1] =	stream.indirect.gather [hbm4b:s3+s10], $0x80, s10, s10, $0xb8;
	[tilespmem:$0x10200] =	vst v63  }
0x84: {  	_ = 	snop  }
0x85: {  	[tilespmem:s14], [sflag:$0x1] =	stream.indirect.gather [hbm4b:s3+s10], $0x80, s13, s10, $0xb8;
	[tilespmem:$0x10200] =	vst v63  }
0x86: {  	_ = 	snop  }
0x87: {  	[tilespmem:s16], [sflag:$0x1] =	stream.indirect.gather [hbm4b:s3+s10], $0x80, s15, s10, $0xb8;
	[tilespmem:$0x10200] =	vst v63  }
0x88: {  	_ =	swait.ge [sflag:s17], $0x4000  }
0x89: {  	[sflag:s17] =	ssyncset.done $0x0  }
0x8a: {  	[sflag:s17] =	ssyncadd.s32 $0xFFFFC000  }
0x8b: {  	_ =	swait.ge [sflag:s17], $0x4000  }
0x8c: {  	[sflag:s17] =	ssyncset.done $0x0  }
0x8d: {  	[sflag:s17] =	ssyncadd.s32 $0xFFFFC000  }
0x8e: {  	_ =	swait.ge [sflag:s17], $0x4000  }
0x8f: {  	[sflag:s17] =	ssyncset.done $0x0  }
0x90: {  	[sflag:s17] =	ssyncadd.s32 $0xFFFFC000  }
0x91: {  	_ =	swait.ge [sflag:s17], $0x4000  }
.Ltmp3:
0x92: {  	[sflag:s17] =	ssyncset.done $0x0;
	(pc) =	sbr.rel @p1 .LBB2_6-.Ltmp3, $4  }
0x93: {  	[sflag:s17] =	ssyncadd.s32 $0xFFFFC000  }
0x94: {  	[hbm4b:s20+s2] =	stream.linear.scatter [tilespmem:s11], [sflag:$0x2], $0x10000, $0x38;
	[tilespmem:$0x10200] =	vst v63  }
0x95: {  	_ =	swait.ge [sflag:s9], $0x10000  }
0x96: {  	s21 =	smov.u32 s23;
	s20 =	sadd.s32 $0x2000, s20;
	[sflag:s9] =	ssyncset.done $0x0  }
0x97: {  	s21 =	smov.u32 s19  }
.LBB2_8:
0x98: {  	s19 =	sadd.s32 s21, s8;
	[sflag:s9] =	ssyncadd.s32 @p0 $0xFFFF0000  }
0x99: {  	[tilespmem:s2], [sflag:$0x2] =	stream.linear.gather [hbm4b:s19+s2], $0x200, $0x38;
	[tilespmem:$0x10200] =	vst v63  }
0x9a: {  	_ =	swait.ge [sflag:s9], $0x200  }
0x9b: {  	[sflag:s9] =	ssyncset.done $0x0  }
0x9c: {  	[sflag:s9] =	ssyncadd.s32 $0xFFFFFE00  }
0x9d: {  	[tilespmem:s11], [sflag:$0x1] =	stream.indirect.gather [hbm4b:s3+s10], $0x80, s2, s10, $0xb8;
	[tilespmem:$0x10200] =	vst v63  }
0x9e: {  	_ = 	snop  }
0x9f: {  	[tilespmem:s12], [sflag:$0x1] =	stream.indirect.gather [hbm4b:s3+s10], $0x80, s10, s10, $0xb8;
	[tilespmem:$0x10200] =	vst v63  }
0xa0: {  	_ = 	snop  }
0xa1: {  	[tilespmem:s14], [sflag:$0x1] =	stream.indirect.gather [hbm4b:s3+s10], $0x80, s13, s10, $0xb8;
	[tilespmem:$0x10200] =	vst v63  }
0xa2: {  	_ = 	snop  }
0xa3: {  	[tilespmem:s16], [sflag:$0x1] =	stream.indirect.gather [hbm4b:s3+s10], $0x80, s15, s10, $0xb8;
	[tilespmem:$0x10200] =	vst v63  }
0xa4: {  	_ =	swait.ge [sflag:s17], $0x4000  }
0xa5: {  	[sflag:s17] =	ssyncset.done $0x0  }
0xa6: {  	[sflag:s17] =	ssyncadd.s32 $0xFFFFC000  }
0xa7: {  	_ =	swait.ge [sflag:s17], $0x4000  }
0xa8: {  	[sflag:s17] =	ssyncset.done $0x0  }
0xa9: {  	[sflag:s17] =	ssyncadd.s32 $0xFFFFC000  }
0xaa: {  	_ =	swait.ge [sflag:s17], $0x4000  }
0xab: {  	[sflag:s17] =	ssyncset.done $0x0  }
0xac: {  	[sflag:s17] =	ssyncadd.s32 $0xFFFFC000  }
0xad: {  	_ =	swait.ge [sflag:s17], $0x4000  }
0xae: {  	s18 =	sadd.s32 $0x1, s18;
	[sflag:s17] =	ssyncset.done $0x0  }
0xaf: {  	p0 =	sne.s32 s18, s4;
	[sflag:s17] =	ssyncadd.s32 $0xFFFFC000  }
0xb0: {  	[hbm4b:s20+s2] =	stream.linear.scatter [tilespmem:s11], [sflag:$0x2], $0x10000, $0x38;
	[tilespmem:$0x10200] =	vst v63  }
.Ltmp4:
0xb1: {  	_ = 	snop;
	(pc) =	sbr.rel @p0 .LBB2_1-.Ltmp4, $4  }
.Ltmp5:
0xb2: {  	_ = 	snop;
	(pc) =	sbr.rel @!p0 .LBB2_9-.Ltmp5, $4  }
0xb3: {  	_ =	swait.ge [sflag:s9], $0x10000  }
0xb4: {  	[sflag:s9] =	ssyncset.done $0x0  }
0xb5: {  	[sflag:s9] =	ssyncadd.s32 $0xFFFF0000  }
0xb6: {  	_ = 	snop  }
.LBB2_5:
.Ltmp6:
0xb7: {  	(pc) =	sbr.rel .LBB2_8-.Ltmp6, $2  }
0xb8: {  	_ =	sdelay $0x2  }
0xb9: {  	s21 =	simm.s32 $0x40  }
.LBB2_9:
0xba: {  	_ =	sfence.sel $0x180000  }
0xbb: {  	[bflag:$0x0] =	sbarrier.arrive $0xFFFF  }
0xbc: {  	p0 =	sne.s32 s1, $0x0;
	_ =	strace $0x90000047  }
0xbd: {  	s0 =	sadd.s32 @!p0 $0x100000, s0;
	[bflag:$0x2] =	sbarrier.arrive $0xFFFF  }
0xbe: {  	[sflag:s0] =	ssyncadd.tile.s32 @!p0 $0x1;
	_ =	shalt  }
.Lfunc_end2:
_tile_overlayer_lowered:
.L_overlay_start_2:
0xbf: {  	(tag) =	ssettag $0x2  }
0xc0: {  	s0 =	rddreg [dreg:$0x0];
	s2 =	stileid.u32  }
0xc1: {  	s1 =	rddreg [dreg:$0x1];
	p0 =	sne.s32 s2, $0x0  }
0xc2: {  	s3 =	rddreg [dreg:$0x2];
	[bflag:$0x3] =	sbarrier.arrive $0xFFFF;
	s2 =	simm.s32 @!p0 $0x1C02  }
0xc3: {  	[timem:s3], [sflag:s2] =	dma.local @!p0 [hbm:s0], s1  }
0xc4: {  	s0 =	simm.s32 @!p0 $0x2  }
0xc5: {  	_ =	swait.ge @!p0 [sflag:s0], s1  }
0xc6: {  	s1 =	ssub.s32 @!p0 $0x0, s1;
	[sflag:s0] =	ssyncset.done @!p0 $0x0  }
0xc7: {  	[sflag:s0] =	ssyncadd.s32 @!p0 s1  }
0xc8: {  	[bflag:$0x3] =	sbarrier.arrive $0xFFFF  }
0xc9: {  	_ =	shalt  }

// kernel: kernel.16.cloned.1.call-start
scs
__scs_entry_jumppad:
0x0: {  	(pc) =	sbr.rel $0x88, $3  }
0x1: {  	(tag) =	ssettag $0x0;
	lr =	simm.s32 $0x1  }
0x2: {  	[smem:$0x3F8B] =	sst lr;
	_ =	strace $0xD0000000  }
0x3: {  	_ = 	snop  }
0x4: {  	_ = 	snop  }
0x5: {  	_ = 	snop  }
0x6: {  	_ = 	snop  }
0x7: {  	_ = 	snop  }
__scs_overlays_trampoline_lowered:
0x8: {  	[smem:$0x3F9A] =	sst s0  }
0x9: {  	[smem:$0x3F9B] =	sst s1  }
0xa: {  	[smem:$0x3F9C] =	sst s2  }
0xb: {  	[smem:$0x3F9D] =	sst s3  }
0xc: {  	[smem:$0x3F9E] =	sst s4  }
0xd: {  	[smem:$0x3F9F] =	sst s5  }
0xe: {  	[smem:$0x3FA0] =	sst s6  }
0xf: {  	[smem:$0x3FA1] =	sst s7  }
0x10: {  	[smem:$0x3FA2] =	sst s8  }
0x11: {  	[smem:$0x3FA3] =	sst s9;
	s0 =	simm.s32 @!p0 $0x0  }
0x12: {  	s1 =	sld [smem:$0x3F89];
	s0 =	simm.s32 @p0 $0x1  }
0x13: {  	[smem:$0x3FA4] =	sst s0;
	s0 =	simm.s32 @!p1 $0x0  }
0x14: {  	s2 =	sld [smem:$0x3F88];
	s0 =	simm.s32 @p1 $0x1  }
0x15: {  	[smem:$0x3FA5] =	sst s0;
	s0 =	simm.s32 @!p2 $0x0  }
0x16: {  	s3 =	sld [smem:$0x3FDB];
	s0 =	simm.s32 @p2 $0x1  }
0x17: {  	s4 =	simm.s32 $0x1BF5;
	[smem:$0x3FA7] =	sst s0  }
0x18: {  	s0 =	sld [smem:$0x3F8A];
	_ =	swait.ge [sflag:s4], $0x0  }
0x19: {  	s7 =	sld [smem:$0x3F8B]  }
0x1a: {  	s8 =	sadd.s32 $0xFFFFE003, lr  }
0x1b: {  	s9 =	sadd.s32 $0xFFFFFEF7, lr;
	s5 =	simm.s32 $0xFFFFFFFF;
	p2 =	slt.u32 s8, $0xFFFFF086  }
0x1c: {  	p1 =	slt.u32 s9, $0xF7A;
	s5 =	simm.s32 @!p2 $0x0  }
0x1d: {  	s5 =	simm.s32 @p1 $0x1;
	p0 =	seq.s32 s7, s2  }
0x1e: {  	s7 =	smul.u32 @!p0 $0xF7A, s2;
	p2 =	seq.s32 @!p0 s5, $0x0  }
0x1f: {  	s9 =	smul.u32 $0xF7A, s1;
	s8 =	simm.s32 @!p0 $0x1BF5;
	p2 =	por !p2, p0  }
0x20: {  	[sflag:s8] =	ssyncset.s32 @!p0 $0xFFFFF086;
	s6 =	sadd.s32 @!p0 s3, s7;
	s7 =	simm.s32 @!p0 $0x108  }
0x21: {  	s3 =	sadd.s32 s3, s9;
	s6 =	sadd.s32 @!p0 $0x88, s6;
	s7 =	simm.s32 @p2 $0x1082  }
0x22: {  	[simem:s7], [sflag:s8] =	dma.local @!p0 [hbm:s6], $0xF7A  }
0x23: {  	s9 =	sor.u32 $0xD0000000, s2;
	s6 =	simm.s32 $0x108;
	_ =	swait.ge @!p0 [sflag:s8], $0x0  }
0x24: {  	s3 =	sadd.s32 $0x88, s3;
	s6 =	simm.s32 @!p1 $0x1082;
	[sflag:s4] =	ssyncset.s32 $0xFFFFF086  }
0x25: {  	[simem:s6], [sflag:s4] =	dma.local [hbm:s3], $0xF7A  }
0x26: {  	[smem:$0x3F8B] =	sst s1;
	(tag) =	ssettag s2;
	_ =	strace s9  }
0x27: {  	s1 =	sld [smem:$0x3F9B]  }
0x28: {  	s2 =	sld [smem:$0x3F9C]  }
0x29: {  	s4 =	sld [smem:$0x3F9E]  }
0x2a: {  	p0 =	seq.s32 s5, $0x0;
	s5 =	sld [smem:$0x3F9F]  }
0x2b: {  	s6 =	sld [smem:$0x3FA0]  }
0x2c: {  	s7 =	sld [smem:$0x3FA1]  }
0x2d: {  	s3 =	simm.s32 $0x108;
	s8 =	sld [smem:$0x3FA2]  }
0x2e: {  	s3 =	simm.s32 @!p0 $0x1082;
	s9 =	sld [smem:$0x3FA3]  }
0x2f: {  	lr =	sadd.s32 s0, s3;
	s0 =	sld [smem:$0x3F9A]  }
0x30: {  	s3 =	sld [smem:$0x3F9D]  }
0x31: {  	[smem:$0x3FA6] =	sst s10  }
0x32: {  	s10 =	sld [smem:$0x3FA4];
	_ =	sdelay $0x3  }
0x33: {  	p0 =	seq.s32 s10, $0x1;
	s10 =	sld [smem:$0x3FA6];
	_ =	sdelay $0x3  }
0x34: {  	[smem:$0x3FA6] =	sst s10  }
0x35: {  	s10 =	sld [smem:$0x3FA5];
	_ =	sdelay $0x3  }
0x36: {  	p1 =	seq.s32 s10, $0x1;
	s10 =	sld [smem:$0x3FA6];
	_ =	sdelay $0x3  }
0x37: {  	[smem:$0x3FA6] =	sst s10  }
0x38: {  	s10 =	sld [smem:$0x3FA7]  }
0x39: {  	_ = 	snop;
	(pc) =	sbr.ind lr, $3  }
0x3a: {  	_ = 	snop  }
0x3b: {  	_ = 	snop  }
0x3c: {  	p2 =	seq.s32 s10, $0x1;
	s10 =	sld [smem:$0x3FA6]  }
0x3d: {  	_ =	shalt  }
0x3e: {  	_ =	shalt  }
0x3f: {  	_ =	shalt  }
0x40: {  	_ =	shalt  }
0x41: {  	_ =	shalt  }
0x42: {  	_ =	shalt  }
0x43: {  	_ =	shalt  }
0x44: {  	_ =	shalt  }
0x45: {  	_ =	shalt  }
0x46: {  	_ =	shalt  }
0x47: {  	_ =	shalt  }
0x48: {  	_ =	shalt  }
0x49: {  	_ =	shalt  }
0x4a: {  	_ =	shalt  }
0x4b: {  	_ =	shalt  }
0x4c: {  	_ =	shalt  }
0x4d: {  	_ =	shalt  }
0x4e: {  	_ =	shalt  }
0x4f: {  	_ =	shalt  }
0x50: {  	_ =	shalt  }
0x51: {  	_ =	shalt  }
0x52: {  	_ =	shalt  }
0x53: {  	_ =	shalt  }
0x54: {  	_ =	shalt  }
0x55: {  	_ =	shalt  }
0x56: {  	_ =	shalt  }
0x57: {  	_ =	shalt  }
0x58: {  	_ =	shalt  }
0x59: {  	_ =	shalt  }
0x5a: {  	_ =	shalt  }
0x5b: {  	_ =	shalt  }
0x5c: {  	_ =	shalt  }
0x5d: {  	_ =	shalt  }
0x5e: {  	_ =	shalt  }
0x5f: {  	_ =	shalt  }
0x60: {  	_ =	shalt  }
0x61: {  	_ =	shalt  }
0x62: {  	_ =	shalt  }
0x63: {  	_ =	shalt  }
0x64: {  	_ =	shalt  }
0x65: {  	_ =	shalt  }
0x66: {  	_ =	shalt  }
0x67: {  	_ =	shalt  }
0x68: {  	_ =	shalt  }
0x69: {  	_ =	shalt  }
0x6a: {  	_ =	shalt  }
0x6b: {  	_ =	shalt  }
0x6c: {  	_ =	shalt  }
0x6d: {  	_ =	shalt  }
0x6e: {  	_ =	shalt  }
0x6f: {  	_ =	shalt  }
0x70: {  	_ =	shalt  }
0x71: {  	_ =	shalt  }
0x72: {  	_ =	shalt  }
0x73: {  	_ =	shalt  }
0x74: {  	_ =	shalt  }
0x75: {  	_ =	shalt  }
0x76: {  	_ =	shalt  }
0x77: {  	_ =	shalt  }
0x78: {  	_ =	shalt  }
0x79: {  	_ =	shalt  }
0x7a: {  	_ =	shalt  }
0x7b: {  	_ =	shalt  }
0x7c: {  	_ =	shalt  }
0x7d: {  	_ =	shalt  }
0x7e: {  	_ =	shalt  }
0x7f: {  	_ =	shalt  }
0x80: {  	_ =	shalt  }
0x81: {  	_ =	shalt  }
0x82: {  	_ =	shalt  }
0x83: {  	_ =	shalt  }
0x84: {  	_ =	shalt  }
0x85: {  	_ =	shalt  }
0x86: {  	_ =	shalt  }
0x87: {  	_ =	shalt  }
.Lfunc_end0:
.L_simem_size_0:
called_computation.1_lowered:
.L_overlay_start_0:
0x88: {  	s2 =	sld [smem:$0x3FD9]  }
0x89: {  	s3 =	sld [smem:$0x3FFE];
	_ =	sdelay $0x1  }
0x8a: {  	s1 =	srdreg.scid  }
0x8b: {  	s0 =	sand.u32 $0x1, s1  }
0x8c: {  	s16 =	sshll.u32 s0, $0xA;
	s2 =	sadd.s32 s3, s2  }
0x8d: {  	s2 =	sadd.s32 s2, s16  }
0x8e: {  	[smem:$0x3FB2] =	sst s2  }
0x8f: {  	_ = 	snop  }
0x90: {  	(tm) =	ssettm $0x1  }
0x91: {  	s17 =	sld [smem:$0x3FFB];
	_ =	sdelay $0x3  }
0x92: {  	_ =	strace s17  }
0x93: {  	s2 =	sld [smem:$0x3FFC];
	_ =	sdelay $0x3  }
0x94: {  	_ =	strace s2  }
0x95: {  	s2 =	sld [smem:$0x3FFD];
	_ =	sdelay $0x3  }
0x96: {  	_ =	strace s2  }
0x97: {  	_ =	strace $0x8FFFFFFF  }
0x98: {  	s18 =	sld [smem:$0x3FDB];
	_ =	sdelay $0x1  }
0x99: {  	s19 =	simm.s32 $_scs_section_size  }
0x9a: {  	s4 =	simm.s32 $_size__tile_overlayer_lowered;
	s5 =	simm.s32 $_tile_overlayer_lowered  }
0x9b: {  	s22 =	simm.s32 $0x1BFF;
	s21 =	sshll.u32 s5, $0x1;
	s2 =	sadd.s32 s19, s18  }
0x9c: {  	s6 =	simm.s32 $0x0;
	s20 =	sshll.u32 s4, $0x1;
	s4 =	sadd.s32 s21, s2  }
0x9d: {  	[timem:s6], [sflag:s22] =	dma.local [hbm:s4], s20  }
0x9e: {  	_ =	swait.ge [sflag:s22], s20  }
0x9f: {  	s3 =	ssub.s32 $0x0, s20;
	[sflag:s22] =	ssyncset.done $0x0  }
0xa0: {  	[sflag:s22] =	ssyncadd.s32 s3;
	_ =	sdelay $0x1  }
0xa1: {  	s23 =	simm.s32 $0x1B8B  }
0xa2: {  	_ =	swait.ge [sflag:s23], $0x1  }
0xa3: {  	[sflag:s23] =	ssyncset.done $0x0  }
0xa4: {  	s25 =	simm.s32 $0x1B8E;
	s24 =	sld [smem:$0x3FFE];
	[sflag:s23] =	ssyncadd.s32 $0xFFFFFFFF  }
0xa5: {  	s26 =	simm.s32 $execute0_lowered;
	[smem:$0x3FD2] =	sst s25  }
0xa6: {  	s4 =	sshll.u32 s26, $0x1;
	_ =	strace $0x80000049;
	[dreg:$0x1] =	wrdreg $0xFFFFFFFF  }
0xa7: {  	s28 =	simm.s32 $_size_execute0_lowered;
	s2 =	sadd.s32 s2, s4;
	[dreg:$0x0] =	wrdreg $0x0  }
0xa8: {  	s4 =	sshll.u32 s28, $0x1;
	[dreg:$0x2] =	wrdreg s2  }
0xa9: {  	[dreg:$0x3] =	wrdreg s4  }
0xaa: {  	[dreg:$0x4] =	wrdreg $0xC0  }
0xab: {  	_ =	task [dreg:s6], $0x5FFFF  }
0xac: {  	[dreg:$0x1] =	wrdreg $0xFFFFFFFF  }
0xad: {  	[dreg:$0x0] =	wrdreg $0x60  }
0xae: {  	[dreg:$0x2] =	wrdreg s24  }
0xaf: {  	[dreg:$0x3] =	wrdreg $0x9  }
0xb0: {  	_ =	task.clear_ibuf [dreg:s6], $0x4FFFF;
	_ =	strace $0x90000049  }
0xb1: {  	s29 =	simm.s32 $0x9;
	_ =	strace $0x8000004B  }
0xb2: {  	_ =	swait.ge [sflag:s29], $0x1  }
0xb3: {  	[sflag:s29] =	ssyncadd.s32 $0xFFFFFFFF  }
0xb4: {  	_ =	strace $0x9000004B  }
0xb5: {  	_ =	sfence  }
0xb6: {  	s30 =	sld [smem:$0x0];
	_ =	sdelay $0x2  }
0xb7: {  	s31 =	sshll.u32 s1, $0xD;
	s1 =	sshrl.u32 s1, $0x2  }
0xb8: {  	s3 =	sand.u32 $0x4000, s31;
	s1 =	sadd.s32 s1, s30  }
0xb9: {  	s0 =	sor.u32 s3, s0;
	s1 =	sshll.u32 s1, $0x11  }
0xba: {  	s0 =	sor.u32 s1, s0  }
0xbb: {  	s0 =	sadd.s32 $0x8F2B, s0  }
0xbc: {  	[sflag:s0] =	ssyncadd.remote.s32 $0x1  }
0xbd: {  	_ =	sfence.sel $0xFFFF  }
0xbe: {  	[dreg:$0x0] =	wrdreg $0xFFFFFFFF;
	(pc) =	sbr.abs _section_cstart, $3  }
0xbf: {  	[dreg:$0x1] =	wrdreg $0xFFFFFFFF  }
0xc0: {  	_ =	task.clear_ibuf [dreg:s6], $0x2FFFF;
	_ =	strace $0x9FFFFFFF  }
0xc1: {  	(tm) =	ssettm $0x7FFFFFFF  }
tec
execute0_lowered:
.L_overlay_start_1:
0x0: {  	(tag) =	ssettag $0x1  }
0x1: {  	s1 =	srdreg.scid;
	s0 =	stileid.u32  }
0x2: {  	s6 =	rddreg [dreg:$0x0];
	s9 =	simm.s32 $0x1000;
	s11 =	simm.s32 $0x1  }
0x3: {  	s12 =	simm.s32 $0x80;
	s13 =	simm.s32 $0x3100;
	s14 =	simm.s32 $0x400  }
0x4: {  	s15 =	simm.s32 $0x7100;
	s4 =	sand.u32 $0x1, s1;
	s2 =	sshll.u32 s0, $0x1  }
0x5: {  	s1 =	rddreg [dreg:$0x1];
	s3 =	sshrl.u32 s0, $0x2;
	s5 =	sor.u32 s4, s2  }
0x6: {  	s2 =	simm.s32 $0x0;
	s7 =	smul.u32 $0x50000, s3;
	s3 =	sadd.s32 $0x53BA00, s6  }
0x7: {  	s30 =	ssub.s32 $0x2, s4;
	s29 =	sshll.u32 s5, $0x7;
	s4 =	smul.u32 $0x140, s5  }
.Ltmp0:
0x8: {  	[smem:$0x7FF] =	sst s2;
	s8 =	sand.u32 $0x380, s29;
	(pc) =	sbr.rel .LBB2_1-.Ltmp0, $4  }
0x9: {  	s5 =	sadd.s32 $0xA800, s6;
	s31 =	sshrl.u32 s30, $0x1;
	s7 =	sor.u32 s7, s8  }
0xa: {  	_ =	strace $0x8000004A;
	s10 =	sadd.s32 $0x140, s4;
	s7 =	sshrl.u32 s7, $0x3  }
0xb: {  	v2 =	vimm.f32 $0.0e+00;
	v3 =	vimm.s32 $0x0;
	s8 =	simm.s32 $0x2;
	s6 =	sadd.s32 s7, s6;
	s7 =	ssub.s32 s30, s31  }
0xc: {  	v4 =	vlaneseq.u32;
	v0 =	vmov s4;
	v1 =	vmov s10;
	s10 =	simm.s32 $0x2080;
	s6 =	sadd.s32 $0x14800, s6;
	s7 =	smax.u32 s7, $0x1  }
.LBB2_10:
0xd: {  	s2 =	sadd.s32 $0x1, s2  }
0xe: {  	p0 =	sne.s32 s2, s7  }
.Ltmp1:
0xf: {  	_ = 	snop;
	(pc) =	sbr.rel @!p0 .LBB2_11-.Ltmp1, $4  }
0x10: {  	[hbm4b:s6+s12] =	stream.strided.scatter [tilespmem:s15], [sflag:$0x2], $0xA000, s14, s12, $0x38;
	[tilespmem:$0x11100] =	vst v63  }
0x11: {  	_ =	swait.ge [sflag:s8], $0xA000  }
0x12: {  	[sflag:s8] =	ssyncset.done $0x0  }
0x13: {  	[sflag:s8] =	ssyncadd.s32 $0xFFFF6000  }
.LBB2_1:
0x14: {  	s16 =	simm.s32 $0x40;
	s17 =	simm.s32 $0x0  }
.LBB2_2:
0x15: {  	p0 =	sne.s32 s16, $0x27FC0;
	[tilespmem:s17+$0x7100] =	vst v2;
	s17 =	smov.u32 s16;
	s16 =	sadd.s32 $0x40, s16  }
.Ltmp2:
0x16: {  	(pc) =	sbr.rel @p0 .LBB2_2-.Ltmp2, $2  }
0x17: {  	_ =	sdelay $0x2  }
0x18: {  	s17 =	sshra.s32 s17, $0x2  }
0x19: {  	[tilespmem:s17+$0x7100] =	vst v2;
	s16 =	simm.s32 $0x0;
	s17 =	simm.s32 $0x40;
	s18 =	simm.s32 $0x0  }
.LBB2_4:
0x1a: {  	p0 =	sne.s32 s17, $0x4000;
	[tilespmem:s18+$0x1000] =	vst v3;
	s19 =	smov.u32 s17;
	s17 =	sadd.s32 $0x40, s17  }
.Ltmp3:
0x1b: {  	[tilespmem:s18+$0x2080] =	vst v0;
	(pc) =	sbr.rel @p0 .LBB2_4-.Ltmp3, $2  }
0x1c: {  	_ =	sdelay $0x2  }
0x1d: {  	s18 =	sshra.s32 s19, $0x2  }
.Ltmp4:
0x1e: {  	(pc) =	sbr.rel .LBB2_6-.Ltmp4, $3  }
0x1f: {  	_ =	sdelay $0x1  }
0x20: {  	[tilespmem:s18+$0x1000] =	vst v3  }
0x21: {  	[tilespmem:s18+$0x2080] =	vst v0;
	s17 =	simm.s32 $0x0  }
.LBB2_9:
0x22: {  	s17 =	sadd.s32 $0x1, s17  }
0x23: {  	p0 =	sne.s32 s17, $0x28  }
.Ltmp5:
0x24: {  	_ = 	snop;
	(pc) =	sbr.rel @!p0 .LBB2_10-.Ltmp5, $2  }
0x25: {  	_ =	sdelay $0x2  }
0x26: {  	s16 =	sadd.s32 $0x1000, s16  }
.LBB2_6:
0x27: {  	s18 =	sshll.u32 s17, $0x9  }
0x28: {  	s19 =	sadd.s32 s5, s18;
	s18 =	simm.s32 $0x0  }
0x29: {  	[tilespmem:s18], [sflag:$0x2] =	stream.linear.gather [hbm4b:s19+s18], $0x1000, $0x38;
	[tilespmem:$0x11100] =	vst v63  }
0x2a: {  	_ =	swait.ge [sflag:s8], $0x1000  }
0x2b: {  	[sflag:s8] =	ssyncset.done $0x0  }
0x2c: {  	s31 =	simm.s32 $0x0;
	[sflag:s8] =	ssyncadd.s32 $0xFFFFF000  }
0x2d: {  	v5 =	vld [tilespmem:s31+$0x0];
	_ =	sdelay $0x4  }
0x2e: {  	vm0 =	vge.s32 v5, v0;
	vm1 =	vlt.s32 v5, v1  }
0x2f: {  	vm0 =	vmand vm0, vm1  }
0x30: {  	v6 =	vsel vm0, $0x1, v3  }
0x31: {  	(xrf0) =	vadd.scan.msk.s32 $0xffff, v6;
	_ =	sdelay $0x5  }
0x32: {  	v7, _, _ =	vpop (xrf0)  }
0x33: {  	v6 =	vsel vm0, $0xFFFFFFFF, v3;
	v8 =	vxor.u32 $0x80000000, v7  }
0x34: {  	v6 =	vadd.s32 s18, v6;
	(xrf0) =	vmax.scan.msk.u32 $0xffff, v8  }
0x35: {  	v6 =	vadd.s32 v7, v6  }
0x36: {  	v6 =	vnsel vm0, $0x1000, v6;
	_ =	sdelay $0x3  }
0x37: {  	v7 =	vor.u32 s16, v4;
	v8, _, _ =	vpop (xrf0)  }
0x38: {  	[tilespmem:v6+s9+$0x0] =	vst.idx.msk $0xffff, v7;
	(v2sf) =	vpush v8, $0xF  }
0x39: {  	s21 =	simm.s32 $0x10;
	s20 =	simm.s32 $0x80;
	s19 =	smov.u32 s16;
	[tilespmem:v6+s10+$0x0] =	vst.idx.msk $0xffff, v5  }
.LBB2_7:
0x3a: {  	p0 =	sne.s32 s20, $0x3FC0;
	v5 =	vld [tilespmem:s21+$0x0];
	_ =	sdelay $0x4  }
0x3b: {  	vm0 =	vge.s32 v5, v0;
	vm1 =	vlt.s32 v5, v1  }
0x3c: {  	vm0 =	vmand vm0, vm1  }
0x3d: {  	v6 =	vsel vm0, $0xFFFFFFFF, v3;
	v7 =	vsel vm0, $0x1, v3  }
0x3e: {  	(xrf0) =	vadd.scan.msk.s32 $0xffff, v7;
	_ =	sdelay $0x4  }
0x3f: {  	s21 =	spop (v2sf)  }
0x40: {  	v7, _, _ =	vpop (xrf0);
	s18 =	sadd.s32 s21, s18  }
0x41: {  	v8 =	vxor.u32 $0x80000000, v7;
	s18 =	sadd.s32 $0x80000000, s18  }
0x42: {  	v6 =	vadd.s32 s18, v6;
	(xrf0) =	vmax.scan.msk.u32 $0xffff, v8  }
0x43: {  	v6 =	vadd.s32 v7, v6  }
0x44: {  	v6 =	vnsel vm0, $0x1000, v6;
	_ =	sdelay $0x1  }
.Ltmp6:
0x45: {  	(pc) =	sbr.rel @p0 .LBB2_7-.Ltmp6, $4  }
0x46: {  	s19 =	sadd.s32 $0x10, s19  }
0x47: {  	v7 =	vor.u32 s19, v4;
	v8, _, _ =	vpop (xrf0)  }
0x48: {  	[tilespmem:v6+s9+$0x0] =	vst.idx.msk $0xffff, v7;
	(v2sf) =	vpush v8, $0xF  }
0x49: {  	s21 =	sshra.s32 s20, $0x2;
	s20 =	sadd.s32 $0x40, s20;
	[tilespmem:v6+s10+$0x0] =	vst.idx.msk $0xffff, v5  }
0x4a: {  	v5 =	vld [tilespmem:s21+$0x0];
	_ =	sdelay $0x4  }
0x4b: {  	vm0 =	vge.s32 v5, v0;
	vm1 =	vlt.s32 v5, v1  }
0x4c: {  	vm0 =	vmand vm0, vm1  }
0x4d: {  	v6 =	vsel vm0, $0x1, v3  }
0x4e: {  	(xrf0) =	vadd.scan.msk.s32 $0xffff, v6;
	_ =	sdelay $0x5  }
0x4f: {  	v6, _, _ =	vpop (xrf0)  }
0x50: {  	v7 =	vxor.u32 $0x80000000, v6  }
0x51: {  	(xrf0) =	vmax.scan.msk.u32 $0xffff, v7;
	_ =	sdelay $0x5  }
0x52: {  	v7, _, _ =	vpop (xrf0)  }
0x53: {  	(v2sf) =	vpush v7, $0xF;
	_ =	sdelay $0xc  }
0x54: {  	s20 =	spop (v2sf)  }
0x55: {  	s18 =	sadd.s32 s20, s18  }
0x56: {  	s20 =	sadd.s32 $0x80000000, s18;
	s28 =	spop (v2sf)  }
0x57: {  	s18 =	sadd.s32 s28, s20  }
0x58: {  	s18 =	sadd.s32 $0x80000000, s18  }
0x59: {  	s29 =	sadd.s32 $0x7F, s18  }
0x5a: {  	s30 =	sand.u32 $0x7F, s29  }
0x5b: {  	s31 =	sshra.s32 s29, $0x1F;
	p1 =	slt.s32 s29, $0x1;
	p0 =	sne.s32 s30, $0x0  }
0x5c: {  	v7 =	vsel vm0, $0xFFFFFFFF, v3;
	s21 =	sshrl.u32 s31, $0x19;
	p0 =	por !p1, !p0  }
0x5d: {  	v7 =	vadd.s32 s20, v7;
	s20 =	sadd.s32 s21, s29;
	s21 =	simm.s32 $0x1;
	p0 =	por !p0, !p0  }
0x5e: {  	s19 =	sadd.s32 $0x10, s19;
	v6 =	vadd.s32 v6, v7;
	s20 =	sshra.s32 s20, $0x7;
	s21 =	simm.s32 @!p0 $0x0  }
0x5f: {  	v7 =	vor.u32 s19, v4;
	v6 =	vnsel vm0, $0x1000, v6;
	s19 =	ssub.s32 s20, s21  }
0x60: {  	p0 =	sgt.s32 s19, $0x0  }
.Ltmp7:
0x61: {  	_ = 	snop;
	(pc) =	sbr.rel @p0 .LBB2_13-.Ltmp7, $4  }
.Ltmp8:
0x62: {  	_ = 	snop;
	(pc) =	sbr.rel @!p0 .LBB2_9-.Ltmp8, $4  }
0x63: {  	_ = 	snop  }
0x64: {  	[tilespmem:v6+s9+$0x0] =	vst.idx.msk $0xffff, v7  }
0x65: {  	[tilespmem:v6+s10+$0x0] =	vst.idx.msk $0xffff, v5;
	s20 =	simm.s32 $0x0;
	s21 =	simm.s32 $0x0  }
0x66: {  	_ = 	snop  }
.LBB2_15:
0x67: {  	s24 =	simm.s32 $0x3120  }
.LBB2_19:
0x68: {  	_ =	sdelay $0x2  }
0x69: {  	[tilespmem:s28+$0x7130] =	vst @p0 v6  }
0x6a: {  	v5 =	vld.idx.msk [tilespmem:v5+s10+$0x0], $0xffff;
	_ =	sdelay $0x4  }
0x6b: {  	v5 =	vxor.u32 $0x80000000, v5  }
0x6c: {  	(xrf0) =	vmax.scan.msk.u32 $0xffff, v5;
	_ =	sdelay $0x5  }
0x6d: {  	v5, _, _ =	vpop (xrf0)  }
0x6e: {  	(v2sf) =	vpush v5, $0xF;
	_ =	sdelay $0xe  }
0x6f: {  	s23 =	spop (v2sf)  }
0x70: {  	s24 =	sadd.s32 @p0 $0x80, s24;
	s23 =	ssub.s32 s23, s4  }
0x71: {  	s22 =	smov.u32 @p0 s24;
	s23 =	sshll.u32 s23, $0x9  }
0x72: {  	v5 =	vld [tilespmem:s22+$0xFFFFFFE0];
	s23 =	sshra.s32 s23, $0x2  }
0x73: {  	v6 =	vld [tilespmem:s23+$0x7100];
	_ =	sdelay $0x4  }
0x74: {  	v5 =	vmax.f32 v6, v5  }
0x75: {  	[tilespmem:s23+$0x7100] =	vst v5;
	v5 =	vld [tilespmem:s23+$0x7110]  }
0x76: {  	v6 =	vld [tilespmem:s22+$0xFFFFFFF0];
	_ =	sdelay $0x4  }
0x77: {  	v5 =	vmax.f32 v5, v6  }
0x78: {  	[tilespmem:s23+$0x7110] =	vst v5;
	v5 =	vld [tilespmem:s23+$0x7120]  }
0x79: {  	v6 =	vld [tilespmem:s22+$0x0];
	_ =	sdelay $0x4  }
0x7a: {  	v5 =	vmax.f32 v5, v6  }
0x7b: {  	[tilespmem:s23+$0x7120] =	vst v5;
	v5 =	vld [tilespmem:s23+$0x7130]  }
0x7c: {  	v6 =	vld [tilespmem:s22+$0x10];
	_ =	sdelay $0x4  }
0x7d: {  	v5 =	vmax.f32 v5, v6  }
0x7e: {  	[tilespmem:s23+$0x7130] =	vst v5  }
.LBB2_12:
0x7f: {  	p0 =	seq.s32 s21, s19  }
.Ltmp9:
0x80: {  	_ = 	snop;
	(pc) =	sbr.rel @p0 .LBB2_9-.Ltmp9, $2  }
0x81: {  	_ =	sdelay $0x2  }
0x82: {  	s20 =	sadd.s32 $0x80, s20  }
.LBB2_13:
0x83: {  	s22 =	sshll.u32 s21, $0x9  }
0x84: {  	s22 =	sshra.s32 s22, $0x2  }
0x85: {  	s23 =	sshll.u32 s21, $0x7;
	s21 =	sadd.s32 $0x1, s21;
	s22 =	sadd.s32 $0x1000, s22  }
0x86: {  	[tilespmem:s13], [sflag:$0x1] =	stream.indirect.gather [hbm4b:s3+s12], $0x80, s22, s12, $0xb8;
	[tilespmem:$0x11100] =	vst v63  }
0x87: {  	s22 =	sshll.u32 s21, $0x7  }
0x88: {  	p0 =	slt.s32 s18, s22  }
0x89: {  	s22 =	smov.u32 @p0 s18  }
0x8a: {  	s23 =	ssub.s32 s22, s23  }
0x8b: {  	p0 =	slt.s32 s23, $0x1  }
.Ltmp10:
0x8c: {  	_ = 	snop;
	(pc) =	sbr.rel @p0 .LBB2_12-.Ltmp10, $4  }
0x8d: {  	_ = 	snop  }
0x8e: {  	_ =	swait.ge [sflag:s11], $0x4000  }
0x8f: {  	[sflag:s11] =	ssyncset.done $0x0  }
0x90: {  	[sflag:s11] =	ssyncadd.s32 $0xFFFFC000;
	s22 =	simm.s32 $0x3120  }
0x91: {  	p1 =	sgt.s32 s23, $0x1  }
.Ltmp11:
0x92: {  	_ = 	snop;
	(pc) =	sbr.rel @!p1 .LBB2_15-.Ltmp11, $3  }
0x93: {  	_ =	sdelay $0x1  }
0x94: {  	s24 =	sadd.s32 $0x0, s20  }
0x95: {  	p0 =	por $0x0, $0x0;
	v5 =	vmov s24  }
0x96: {  	_ =	sdelay $0x3  }
0x97: {  	v5 =	vld.idx.msk [tilespmem:v5+s10+$0x0], $0xffff;
	_ =	sdelay $0x4  }
0x98: {  	v5 =	vxor.u32 $0x80000000, v5  }
0x99: {  	(xrf0) =	vmax.scan.msk.u32 $0xffff, v5;
	_ =	sdelay $0x5  }
0x9a: {  	v5, _, _ =	vpop (xrf0)  }
0x9b: {  	(v2sf) =	vpush v5, $0xF;
	_ =	sdelay $0xe  }
0x9c: {  	s24 =	spop (v2sf)  }
0x9d: {  	s24 =	ssub.s32 s24, s4  }
0x9e: {  	s24 =	sshll.u32 s24, $0x9  }
0x9f: {  	v5 =	vld [tilespmem:s22+$0xFFFFFFE0];
	s28 =	sshra.s32 s24, $0x2  }
0xa0: {  	v6 =	vld [tilespmem:s28+$0x7100];
	_ =	sdelay $0x4  }
0xa1: {  	v5 =	vmax.f32 v6, v5  }
0xa2: {  	[tilespmem:s28+$0x7100] =	vst v5;
	v5 =	vld [tilespmem:s28+$0x7110]  }
0xa3: {  	v6 =	vld [tilespmem:s22+$0xFFFFFFF0];
	_ =	sdelay $0x4  }
0xa4: {  	v5 =	vmax.f32 v5, v6  }
0xa5: {  	[tilespmem:s28+$0x7110] =	vst v5;
	v5 =	vld [tilespmem:s28+$0x7120]  }
0xa6: {  	v6 =	vld [tilespmem:s22+$0x0];
	_ =	sdelay $0x4  }
0xa7: {  	v5 =	vmax.f32 v5, v6  }
0xa8: {  	v6 =	vld [tilespmem:s28+$0x7130];
	[tilespmem:s28+$0x7120] =	vst v5  }
0xa9: {  	p1 =	sgt.s32 s23, $0x2;
	v7 =	vld [tilespmem:s22+$0x10]  }
.Ltmp12:
0xaa: {  	s31 =	sadd.s32 $0x1, s20;
	(pc) =	sbr.rel @!p1 .LBB2_17-.Ltmp12, $2  }
0xab: {  	v5 =	vmov s31;
	_ =	sdelay $0x2  }
0xac: {  	s25 =	simm.s32 $0x2;
	p0 =	por $0x1, $0x1;
	s24 =	simm.s32 $0x3120;
	v6 =	vmax.f32 v6, v7  }
.LBB2_18:
0xad: {  	[tilespmem:s28+$0x7130] =	vst v6;
	s24 =	sadd.s32 $0x80, s24;
	s26 =	smov.u32 s25;
	s25 =	sadd.s32 $0x1, s25  }
0xae: {  	p1 =	slt.s32 s25, s23;
	v5 =	vld.idx.msk [tilespmem:v5+s10+$0x0], $0xffff;
	_ =	sdelay $0x5  }
0xaf: {  	v5 =	vxor.u32 $0x80000000, v5  }
0xb0: {  	(xrf0) =	vmax.scan.msk.u32 $0xffff, v5;
	_ =	sdelay $0x5  }
0xb1: {  	v5, _, _ =	vpop (xrf0)  }
0xb2: {  	(v2sf) =	vpush v5, $0xF;
	_ =	sdelay $0xe  }
0xb3: {  	s28 =	spop (v2sf)  }
0xb4: {  	s28 =	ssub.s32 s28, s4  }
0xb5: {  	s28 =	sshll.u32 s28, $0x9  }
0xb6: {  	s28 =	sshra.s32 s28, $0x2;
	v5 =	vld [tilespmem:s24+$0xFFFFFFE0]  }
0xb7: {  	v6 =	vld [tilespmem:s28+$0x7100];
	_ =	sdelay $0x4  }
0xb8: {  	v5 =	vmax.f32 v6, v5  }
0xb9: {  	[tilespmem:s28+$0x7100] =	vst v5;
	v5 =	vld [tilespmem:s28+$0x7110]  }
0xba: {  	v6 =	vld [tilespmem:s24+$0xFFFFFFF0];
	_ =	sdelay $0x4  }
0xbb: {  	v5 =	vmax.f32 v5, v6  }
0xbc: {  	[tilespmem:s28+$0x7110] =	vst v5;
	v5 =	vld [tilespmem:s28+$0x7120]  }
0xbd: {  	v6 =	vld [tilespmem:s24+$0x0];
	_ =	sdelay $0x4  }
0xbe: {  	v5 =	vmax.f32 v5, v6  }
0xbf: {  	[tilespmem:s28+$0x7120] =	vst v5;
	v6 =	vld [tilespmem:s28+$0x7130]  }
0xc0: {  	v7 =	vld [tilespmem:s24+$0x10]  }
.Ltmp13:
0xc1: {  	s26 =	sadd.s32 s26, s20;
	(pc) =	sbr.rel @p1 .LBB2_18-.Ltmp13, $2  }
0xc2: {  	v5 =	vmov s26;
	_ =	sdelay $0x2  }
0xc3: {  	v6 =	vmax.f32 v6, v7  }
.Ltmp14:
0xc4: {  	_ = 	snop;
	(pc) =	sbr.rel .LBB2_19-.Ltmp14, $1  }
0xc5: {  	_ =	sdelay $0x3  }
.LBB2_17:
.Ltmp15:
0xc6: {  	(pc) =	sbr.rel .LBB2_19-.Ltmp15, $2  }
0xc7: {  	_ =	sdelay $0x2  }
0xc8: {  	s24 =	simm.s32 $0x3120  }
.LBB2_11:
0xc9: {  	_ =	sfence.sel $0x180000  }
0xca: {  	[bflag:$0x0] =	sbarrier.arrive $0xFFFF  }
0xcb: {  	p0 =	sne.s32 s0, $0x0;
	_ =	strace $0x9000004A  }
0xcc: {  	s0 =	sadd.s32 @!p0 $0x100000, s1;
	[bflag:$0x2] =	sbarrier.arrive $0xFFFF  }
0xcd: {  	[sflag:s0] =	ssyncadd.tile.s32 @!p0 $0x1;
	_ =	shalt  }
.Lfunc_end2:
_tile_overlayer_lowered:
.L_overlay_start_2:
0xce: {  	(tag) =	ssettag $0x2  }
0xcf: {  	s0 =	rddreg [dreg:$0x0];
	s2 =	stileid.u32  }
0xd0: {  	s1 =	rddreg [dreg:$0x1];
	p0 =	sne.s32 s2, $0x0  }
0xd1: {  	s3 =	rddreg [dreg:$0x2];
	[bflag:$0x3] =	sbarrier.arrive $0xFFFF;
	s2 =	simm.s32 @!p0 $0x1C02  }
0xd2: {  	[timem:s3], [sflag:s2] =	dma.local @!p0 [hbm:s0], s1  }
0xd3: {  	s0 =	simm.s32 @!p0 $0x2  }
0xd4: {  	_ =	swait.ge @!p0 [sflag:s0], s1  }
0xd5: {  	s1 =	ssub.s32 @!p0 $0x0, s1;
	[sflag:s0] =	ssyncset.done @!p0 $0x0  }
0xd6: {  	[sflag:s0] =	ssyncadd.s32 @!p0 s1  }
0xd7: {  	[bflag:$0x3] =	sbarrier.arrive $0xFFFF  }
0xd8: {  	_ =	shalt  }

// kernel: kernel.19.cloned.1.call-start
scs
__scs_entry_jumppad:
0x0: {  	(pc) =	sbr.rel $0x88, $3  }
0x1: {  	(tag) =	ssettag $0x0;
	lr =	simm.s32 $0x1  }
0x2: {  	[smem:$0x3F8B] =	sst lr;
	_ =	strace $0xD0000000  }
0x3: {  	_ = 	snop  }
0x4: {  	_ = 	snop  }
0x5: {  	_ = 	snop  }
0x6: {  	_ = 	snop  }
0x7: {  	_ = 	snop  }
__scs_overlays_trampoline_lowered:
0x8: {  	[smem:$0x3F9A] =	sst s0  }
0x9: {  	[smem:$0x3F9B] =	sst s1  }
0xa: {  	[smem:$0x3F9C] =	sst s2  }
0xb: {  	[smem:$0x3F9D] =	sst s3  }
0xc: {  	[smem:$0x3F9E] =	sst s4  }
0xd: {  	[smem:$0x3F9F] =	sst s5  }
0xe: {  	[smem:$0x3FA0] =	sst s6  }
0xf: {  	[smem:$0x3FA1] =	sst s7  }
0x10: {  	[smem:$0x3FA2] =	sst s8  }
0x11: {  	[smem:$0x3FA3] =	sst s9;
	s0 =	simm.s32 @!p0 $0x0  }
0x12: {  	s1 =	sld [smem:$0x3F89];
	s0 =	simm.s32 @p0 $0x1  }
0x13: {  	[smem:$0x3FA4] =	sst s0;
	s0 =	simm.s32 @!p1 $0x0  }
0x14: {  	s2 =	sld [smem:$0x3F88];
	s0 =	simm.s32 @p1 $0x1  }
0x15: {  	[smem:$0x3FA5] =	sst s0;
	s0 =	simm.s32 @!p2 $0x0  }
0x16: {  	s3 =	sld [smem:$0x3FDB];
	s0 =	simm.s32 @p2 $0x1  }
0x17: {  	s4 =	simm.s32 $0x1BF5;
	[smem:$0x3FA7] =	sst s0  }
0x18: {  	s0 =	sld [smem:$0x3F8A];
	_ =	swait.ge [sflag:s4], $0x0  }
0x19: {  	s7 =	sld [smem:$0x3F8B]  }
0x1a: {  	s8 =	sadd.s32 $0xFFFFE003, lr  }
0x1b: {  	s9 =	sadd.s32 $0xFFFFFEF7, lr;
	s5 =	simm.s32 $0xFFFFFFFF;
	p2 =	slt.u32 s8, $0xFFFFF086  }
0x1c: {  	p1 =	slt.u32 s9, $0xF7A;
	s5 =	simm.s32 @!p2 $0x0  }
0x1d: {  	s5 =	simm.s32 @p1 $0x1;
	p0 =	seq.s32 s7, s2  }
0x1e: {  	s7 =	smul.u32 @!p0 $0xF7A, s2;
	p2 =	seq.s32 @!p0 s5, $0x0  }
0x1f: {  	s9 =	smul.u32 $0xF7A, s1;
	s8 =	simm.s32 @!p0 $0x1BF5;
	p2 =	por !p2, p0  }
0x20: {  	[sflag:s8] =	ssyncset.s32 @!p0 $0xFFFFF086;
	s6 =	sadd.s32 @!p0 s3, s7;
	s7 =	simm.s32 @!p0 $0x108  }
0x21: {  	s3 =	sadd.s32 s3, s9;
	s6 =	sadd.s32 @!p0 $0x88, s6;
	s7 =	simm.s32 @p2 $0x1082  }
0x22: {  	[simem:s7], [sflag:s8] =	dma.local @!p0 [hbm:s6], $0xF7A  }
0x23: {  	s9 =	sor.u32 $0xD0000000, s2;
	s6 =	simm.s32 $0x108;
	_ =	swait.ge @!p0 [sflag:s8], $0x0  }
0x24: {  	s3 =	sadd.s32 $0x88, s3;
	s6 =	simm.s32 @!p1 $0x1082;
	[sflag:s4] =	ssyncset.s32 $0xFFFFF086  }
0x25: {  	[simem:s6], [sflag:s4] =	dma.local [hbm:s3], $0xF7A  }
0x26: {  	[smem:$0x3F8B] =	sst s1;
	(tag) =	ssettag s2;
	_ =	strace s9  }
0x27: {  	s1 =	sld [smem:$0x3F9B]  }
0x28: {  	s2 =	sld [smem:$0x3F9C]  }
0x29: {  	s4 =	sld [smem:$0x3F9E]  }
0x2a: {  	p0 =	seq.s32 s5, $0x0;
	s5 =	sld [smem:$0x3F9F]  }
0x2b: {  	s6 =	sld [smem:$0x3FA0]  }
0x2c: {  	s7 =	sld [smem:$0x3FA1]  }
0x2d: {  	s3 =	simm.s32 $0x108;
	s8 =	sld [smem:$0x3FA2]  }
0x2e: {  	s3 =	simm.s32 @!p0 $0x1082;
	s9 =	sld [smem:$0x3FA3]  }
0x2f: {  	lr =	sadd.s32 s0, s3;
	s0 =	sld [smem:$0x3F9A]  }
0x30: {  	s3 =	sld [smem:$0x3F9D]  }
0x31: {  	[smem:$0x3FA6] =	sst s10  }
0x32: {  	s10 =	sld [smem:$0x3FA4];
	_ =	sdelay $0x3  }
0x33: {  	p0 =	seq.s32 s10, $0x1;
	s10 =	sld [smem:$0x3FA6];
	_ =	sdelay $0x3  }
0x34: {  	[smem:$0x3FA6] =	sst s10  }
0x35: {  	s10 =	sld [smem:$0x3FA5];
	_ =	sdelay $0x3  }
0x36: {  	p1 =	seq.s32 s10, $0x1;
	s10 =	sld [smem:$0x3FA6];
	_ =	sdelay $0x3  }
0x37: {  	[smem:$0x3FA6] =	sst s10  }
0x38: {  	s10 =	sld [smem:$0x3FA7]  }
0x39: {  	_ = 	snop;
	(pc) =	sbr.ind lr, $3  }
0x3a: {  	_ = 	snop  }
0x3b: {  	_ = 	snop  }
0x3c: {  	p2 =	seq.s32 s10, $0x1;
	s10 =	sld [smem:$0x3FA6]  }
0x3d: {  	_ =	shalt  }
0x3e: {  	_ =	shalt  }
0x3f: {  	_ =	shalt  }
0x40: {  	_ =	shalt  }
0x41: {  	_ =	shalt  }
0x42: {  	_ =	shalt  }
0x43: {  	_ =	shalt  }
0x44: {  	_ =	shalt  }
0x45: {  	_ =	shalt  }
0x46: {  	_ =	shalt  }
0x47: {  	_ =	shalt  }
0x48: {  	_ =	shalt  }
0x49: {  	_ =	shalt  }
0x4a: {  	_ =	shalt  }
0x4b: {  	_ =	shalt  }
0x4c: {  	_ =	shalt  }
0x4d: {  	_ =	shalt  }
0x4e: {  	_ =	shalt  }
0x4f: {  	_ =	shalt  }
0x50: {  	_ =	shalt  }
0x51: {  	_ =	shalt  }
0x52: {  	_ =	shalt  }
0x53: {  	_ =	shalt  }
0x54: {  	_ =	shalt  }
0x55: {  	_ =	shalt  }
0x56: {  	_ =	shalt  }
0x57: {  	_ =	shalt  }
0x58: {  	_ =	shalt  }
0x59: {  	_ =	shalt  }
0x5a: {  	_ =	shalt  }
0x5b: {  	_ =	shalt  }
0x5c: {  	_ =	shalt  }
0x5d: {  	_ =	shalt  }
0x5e: {  	_ =	shalt  }
0x5f: {  	_ =	shalt  }
0x60: {  	_ =	shalt  }
0x61: {  	_ =	shalt  }
0x62: {  	_ =	shalt  }
0x63: {  	_ =	shalt  }
0x64: {  	_ =	shalt  }
0x65: {  	_ =	shalt  }
0x66: {  	_ =	shalt  }
0x67: {  	_ =	shalt  }
0x68: {  	_ =	shalt  }
0x69: {  	_ =	shalt  }
0x6a: {  	_ =	shalt  }
0x6b: {  	_ =	shalt  }
0x6c: {  	_ =	shalt  }
0x6d: {  	_ =	shalt  }
0x6e: {  	_ =	shalt  }
0x6f: {  	_ =	shalt  }
0x70: {  	_ =	shalt  }
0x71: {  	_ =	shalt  }
0x72: {  	_ =	shalt  }
0x73: {  	_ =	shalt  }
0x74: {  	_ =	shalt  }
0x75: {  	_ =	shalt  }
0x76: {  	_ =	shalt  }
0x77: {  	_ =	shalt  }
0x78: {  	_ =	shalt  }
0x79: {  	_ =	shalt  }
0x7a: {  	_ =	shalt  }
0x7b: {  	_ =	shalt  }
0x7c: {  	_ =	shalt  }
0x7d: {  	_ =	shalt  }
0x7e: {  	_ =	shalt  }
0x7f: {  	_ =	shalt  }
0x80: {  	_ =	shalt  }
0x81: {  	_ =	shalt  }
0x82: {  	_ =	shalt  }
0x83: {  	_ =	shalt  }
0x84: {  	_ =	shalt  }
0x85: {  	_ =	shalt  }
0x86: {  	_ =	shalt  }
0x87: {  	_ =	shalt  }
.Lfunc_end0:
.L_simem_size_0:
called_computation.2_lowered:
.L_overlay_start_0:
0x88: {  	s2 =	sld [smem:$0x3FD9]  }
0x89: {  	s3 =	sld [smem:$0x3FFE];
	_ =	sdelay $0x1  }
0x8a: {  	s1 =	srdreg.scid  }
0x8b: {  	s0 =	sand.u32 $0x1, s1  }
0x8c: {  	s16 =	sshll.u32 s0, $0xA;
	s2 =	sadd.s32 s3, s2  }
0x8d: {  	s2 =	sadd.s32 s2, s16  }
0x8e: {  	[smem:$0x3FB2] =	sst s2  }
0x8f: {  	_ = 	snop  }
0x90: {  	(tm) =	ssettm $0x1  }
0x91: {  	s17 =	sld [smem:$0x3FFB];
	_ =	sdelay $0x3  }
0x92: {  	_ =	strace s17  }
0x93: {  	s2 =	sld [smem:$0x3FFC];
	_ =	sdelay $0x3  }
0x94: {  	_ =	strace s2  }
0x95: {  	s2 =	sld [smem:$0x3FFD];
	_ =	sdelay $0x3  }
0x96: {  	_ =	strace s2  }
0x97: {  	_ =	strace $0x8FFFFFFF  }
0x98: {  	s18 =	sld [smem:$0x3FDB];
	_ =	sdelay $0x1  }
0x99: {  	s19 =	simm.s32 $_scs_section_size  }
0x9a: {  	s4 =	simm.s32 $_size__tile_overlayer_lowered;
	s5 =	simm.s32 $_tile_overlayer_lowered  }
0x9b: {  	s22 =	simm.s32 $0x1BFF;
	s21 =	sshll.u32 s5, $0x1;
	s2 =	sadd.s32 s19, s18  }
0x9c: {  	s6 =	simm.s32 $0x0;
	s20 =	sshll.u32 s4, $0x1;
	s4 =	sadd.s32 s21, s2  }
0x9d: {  	[timem:s6], [sflag:s22] =	dma.local [hbm:s4], s20  }
0x9e: {  	_ =	swait.ge [sflag:s22], s20  }
0x9f: {  	s3 =	ssub.s32 $0x0, s20;
	[sflag:s22] =	ssyncset.done $0x0  }
0xa0: {  	[sflag:s22] =	ssyncadd.s32 s3;
	_ =	sdelay $0x1  }
0xa1: {  	s23 =	simm.s32 $0x1B8B  }
0xa2: {  	_ =	swait.ge [sflag:s23], $0x1  }
0xa3: {  	[sflag:s23] =	ssyncset.done $0x0  }
0xa4: {  	s25 =	simm.s32 $0x1B8E;
	s24 =	sld [smem:$0x3FFE];
	[sflag:s23] =	ssyncadd.s32 $0xFFFFFFFF  }
0xa5: {  	s26 =	simm.s32 $execute0_lowered;
	[smem:$0x3FD2] =	sst s25  }
0xa6: {  	s4 =	sshll.u32 s26, $0x1;
	_ =	strace $0x8000004C;
	[dreg:$0x1] =	wrdreg $0xFFFFFFFF  }
0xa7: {  	s28 =	simm.s32 $_size_execute0_lowered;
	s2 =	sadd.s32 s2, s4;
	[dreg:$0x0] =	wrdreg $0x0  }
0xa8: {  	s4 =	sshll.u32 s28, $0x1;
	[dreg:$0x2] =	wrdreg s2  }
0xa9: {  	[dreg:$0x3] =	wrdreg s4  }
0xaa: {  	[dreg:$0x4] =	wrdreg $0xC0  }
0xab: {  	_ =	task [dreg:s6], $0x5FFFF  }
0xac: {  	[dreg:$0x1] =	wrdreg $0xFFFFFFFF  }
0xad: {  	[dreg:$0x0] =	wrdreg $0x60  }
0xae: {  	[dreg:$0x2] =	wrdreg s24  }
0xaf: {  	[dreg:$0x3] =	wrdreg $0x9  }
0xb0: {  	_ =	task.clear_ibuf [dreg:s6], $0x4FFFF;
	_ =	strace $0x9000004C  }
0xb1: {  	s29 =	simm.s32 $0x9;
	_ =	strace $0x8000004E  }
0xb2: {  	_ =	swait.ge [sflag:s29], $0x1  }
0xb3: {  	[sflag:s29] =	ssyncadd.s32 $0xFFFFFFFF  }
0xb4: {  	_ =	strace $0x9000004E  }
0xb5: {  	_ =	sfence  }
0xb6: {  	s30 =	sld [smem:$0x0];
	_ =	sdelay $0x2  }
0xb7: {  	s31 =	sshll.u32 s1, $0xD;
	s1 =	sshrl.u32 s1, $0x2  }
0xb8: {  	s3 =	sand.u32 $0x4000, s31;
	s1 =	sadd.s32 s1, s30  }
0xb9: {  	s0 =	sor.u32 s3, s0;
	s1 =	sshll.u32 s1, $0x11  }
0xba: {  	s0 =	sor.u32 s1, s0  }
0xbb: {  	s0 =	sadd.s32 $0x8F2B, s0  }
0xbc: {  	[sflag:s0] =	ssyncadd.remote.s32 $0x1  }
0xbd: {  	_ =	sfence.sel $0xFFFF  }
0xbe: {  	[dreg:$0x0] =	wrdreg $0xFFFFFFFF;
	(pc) =	sbr.abs _section_cstart, $3  }
0xbf: {  	[dreg:$0x1] =	wrdreg $0xFFFFFFFF  }
0xc0: {  	_ =	task.clear_ibuf [dreg:s6], $0x2FFFF;
	_ =	strace $0x9FFFFFFF  }
0xc1: {  	(tm) =	ssettm $0x7FFFFFFF  }
tec
execute0_lowered:
.L_overlay_start_1:
0x0: {  	(tag) =	ssettag $0x1  }
0x1: {  	s4 =	rddreg [dreg:$0x0]  }
0x2: {  	s0 =	rddreg [dreg:$0x1];
	s3 =	srdreg.scid  }
0x3: {  	s1 =	stileid.u32;
	s2 =	simm.s32 $0x0;
	s11 =	simm.s32 $0x200  }
0x4: {  	s12 =	simm.s32 $0x4200;
	s13 =	simm.s32 $0x100;
	s14 =	simm.s32 $0x8200  }
0x5: {  	s15 =	simm.s32 $0x180;
	s16 =	simm.s32 $0xC200;
	s6 =	smul.u32 $0x2800, s1  }
0x6: {  	s17 =	simm.s32 $0x1;
	s5 =	sand.u32 $0x1, s3;
	s8 =	smul.u32 $0x28000, s1  }
0x7: {  	s18 =	simm.s32 $0x0;
	[smem:$0x7FF] =	sst s2;
	s7 =	smul.u32 $0x1400, s5  }
0x8: {  	s3 =	sadd.s32 $0x3C800, s4;
	s29 =	ssub.s32 $0x2, s5;
	s5 =	smul.u32 $0x14000, s5  }
0x9: {  	_ =	strace $0x8000004D;
	s8 =	sadd.s32 s8, s4;
	s9 =	sshrl.u32 s29, $0x1  }
0xa: {  	s6 =	sadd.s32 s7, s6;
	s30 =	ssub.s32 s29, s9;
	s31 =	sadd.s32 s5, s8  }
0xb: {  	s9 =	simm.s32 $0x2;
	s6 =	sshrl.u32 s6, $0x3;
	s5 =	sadd.s32 $0x64800, s31  }
0xc: {  	s7 =	sadd.s32 $0x2E4800, s31;
	s10 =	sadd.s32 s6, s4;
	s4 =	smax.u32 s30, $0x1  }
0xd: {  	s6 =	sadd.s32 $0x5800, s10;
	s8 =	sadd.s32 $0xF800, s10;
	s10 =	simm.s32 $0x80  }
.LBB2_1:
0xe: {  	s19 =	sadd.s32 $0x0, s6  }
0xf: {  	[tilespmem:s2], [sflag:$0x2] =	stream.linear.gather [hbm4b:s19+s2], $0x200, $0x38;
	[tilespmem:$0x10200] =	vst v63  }
0x10: {  	_ =	swait.ge [sflag:s9], $0x200  }
0x11: {  	[sflag:s9] =	ssyncset.done $0x0  }
0x12: {  	[sflag:s9] =	ssyncadd.s32 $0xFFFFFE00  }
0x13: {  	[tilespmem:s11], [sflag:$0x1] =	stream.indirect.gather [hbm4b:s3+s10], $0x80, s2, s10, $0xb8;
	[tilespmem:$0x10200] =	vst v63  }
0x14: {  	_ = 	snop  }
0x15: {  	[tilespmem:s12], [sflag:$0x1] =	stream.indirect.gather [hbm4b:s3+s10], $0x80, s10, s10, $0xb8;
	[tilespmem:$0x10200] =	vst v63  }
0x16: {  	_ = 	snop  }
0x17: {  	[tilespmem:s14], [sflag:$0x1] =	stream.indirect.gather [hbm4b:s3+s10], $0x80, s13, s10, $0xb8;
	[tilespmem:$0x10200] =	vst v63  }
0x18: {  	_ = 	snop  }
0x19: {  	[tilespmem:s16], [sflag:$0x1] =	stream.indirect.gather [hbm4b:s3+s10], $0x80, s15, s10, $0xb8;
	[tilespmem:$0x10200] =	vst v63  }
0x1a: {  	_ =	swait.ge [sflag:s17], $0x4000  }
0x1b: {  	[sflag:s17] =	ssyncset.done $0x0  }
0x1c: {  	[sflag:s17] =	ssyncadd.s32 $0xFFFFC000  }
0x1d: {  	_ =	swait.ge [sflag:s17], $0x4000  }
0x1e: {  	[sflag:s17] =	ssyncset.done $0x0  }
0x1f: {  	[sflag:s17] =	ssyncadd.s32 $0xFFFFC000  }
0x20: {  	_ =	swait.ge [sflag:s17], $0x4000  }
0x21: {  	[sflag:s17] =	ssyncset.done $0x0  }
0x22: {  	[sflag:s17] =	ssyncadd.s32 $0xFFFFC000  }
0x23: {  	_ =	swait.ge [sflag:s17], $0x4000  }
0x24: {  	[sflag:s17] =	ssyncset.done $0x0  }
0x25: {  	[sflag:s17] =	ssyncadd.s32 $0xFFFFC000  }
0x26: {  	[hbm4b:s5+s2] =	stream.linear.scatter [tilespmem:s11], [sflag:$0x2], $0x10000, $0x38;
	[tilespmem:$0x10200] =	vst v63  }
0x27: {  	s22 =	sadd.s32 $0x40, s6;
	_ =	swait.ge [sflag:s9], $0x10000  }
0x28: {  	s20 =	simm.s32 $0x80;
	s19 =	sadd.s32 $0x2000, s5;
	[sflag:s9] =	ssyncset.done $0x0  }
.LBB2_2:
0x29: {  	s23 =	sadd.s32 s20, s6;
	s21 =	simm.s32 $0x0;
	[sflag:s9] =	ssyncadd.s32 $0xFFFF0000  }
0x2a: {  	[tilespmem:s21], [sflag:$0x2] =	stream.linear.gather [hbm4b:s22+s21], $0x200, $0x38;
	[tilespmem:$0x10200] =	vst v63  }
0x2b: {  	p0 =	sne.s32 s20, $0x240;
	s20 =	sadd.s32 $0x40, s20;
	_ =	swait.ge [sflag:s9], $0x200  }
0x2c: {  	s22 =	smov.u32 s23;
	[sflag:s9] =	ssyncset.done $0x0  }
0x2d: {  	[sflag:s9] =	ssyncadd.s32 $0xFFFFFE00  }
0x2e: {  	[tilespmem:s11], [sflag:$0x1] =	stream.indirect.gather [hbm4b:s3+s10], $0x80, s21, s10, $0xb8;
	[tilespmem:$0x10200] =	vst v63  }
0x2f: {  	_ = 	snop  }
0x30: {  	[tilespmem:s12], [sflag:$0x1] =	stream.indirect.gather [hbm4b:s3+s10], $0x80, s10, s10, $0xb8;
	[tilespmem:$0x10200] =	vst v63  }
0x31: {  	_ = 	snop  }
0x32: {  	[tilespmem:s14], [sflag:$0x1] =	stream.indirect.gather [hbm4b:s3+s10], $0x80, s13, s10, $0xb8;
	[tilespmem:$0x10200] =	vst v63  }
0x33: {  	_ = 	snop  }
0x34: {  	[tilespmem:s16], [sflag:$0x1] =	stream.indirect.gather [hbm4b:s3+s10], $0x80, s15, s10, $0xb8;
	[tilespmem:$0x10200] =	vst v63  }
0x35: {  	_ =	swait.ge [sflag:s17], $0x4000  }
0x36: {  	[sflag:s17] =	ssyncset.done $0x0  }
0x37: {  	[sflag:s17] =	ssyncadd.s32 $0xFFFFC000  }
0x38: {  	_ =	swait.ge [sflag:s17], $0x4000  }
0x39: {  	[sflag:s17] =	ssyncset.done $0x0  }
0x3a: {  	[sflag:s17] =	ssyncadd.s32 $0xFFFFC000  }
0x3b: {  	_ =	swait.ge [sflag:s17], $0x4000  }
0x3c: {  	[sflag:s17] =	ssyncset.done $0x0  }
0x3d: {  	[sflag:s17] =	ssyncadd.s32 $0xFFFFC000  }
0x3e: {  	_ =	swait.ge [sflag:s17], $0x4000  }
.Ltmp0:
0x3f: {  	[sflag:s17] =	ssyncset.done $0x0;
	(pc) =	sbr.rel @p0 .LBB2_2-.Ltmp0, $4  }
0x40: {  	[sflag:s17] =	ssyncadd.s32 $0xFFFFC000  }
0x41: {  	[hbm4b:s19+s21] =	stream.linear.scatter [tilespmem:s11], [sflag:$0x2], $0x10000, $0x38;
	[tilespmem:$0x10200] =	vst v63  }
0x42: {  	_ =	swait.ge [sflag:s9], $0x10000  }
0x43: {  	s19 =	sadd.s32 $0x2000, s19;
	[sflag:s9] =	ssyncset.done $0x0  }
0x44: {  	[sflag:s9] =	ssyncadd.s32 $0xFFFF0000  }
0x45: {  	[tilespmem:s21], [sflag:$0x2] =	stream.linear.gather [hbm4b:s22+s21], $0x200, $0x38;
	[tilespmem:$0x10200] =	vst v63  }
0x46: {  	_ =	swait.ge [sflag:s9], $0x200  }
0x47: {  	[sflag:s9] =	ssyncset.done $0x0  }
0x48: {  	[sflag:s9] =	ssyncadd.s32 $0xFFFFFE00  }
0x49: {  	[tilespmem:s11], [sflag:$0x1] =	stream.indirect.gather [hbm4b:s3+s10], $0x80, s21, s10, $0xb8;
	[tilespmem:$0x10200] =	vst v63  }
0x4a: {  	_ = 	snop  }
0x4b: {  	[tilespmem:s12], [sflag:$0x1] =	stream.indirect.gather [hbm4b:s3+s10], $0x80, s10, s10, $0xb8;
	[tilespmem:$0x10200] =	vst v63  }
0x4c: {  	_ = 	snop  }
0x4d: {  	[tilespmem:s14], [sflag:$0x1] =	stream.indirect.gather [hbm4b:s3+s10], $0x80, s13, s10, $0xb8;
	[tilespmem:$0x10200] =	vst v63  }
0x4e: {  	_ = 	snop  }
0x4f: {  	[tilespmem:s16], [sflag:$0x1] =	stream.indirect.gather [hbm4b:s3+s10], $0x80, s15, s10, $0xb8;
	[tilespmem:$0x10200] =	vst v63  }
0x50: {  	_ =	swait.ge [sflag:s17], $0x4000  }
0x51: {  	[sflag:s17] =	ssyncset.done $0x0  }
0x52: {  	[sflag:s17] =	ssyncadd.s32 $0xFFFFC000  }
0x53: {  	_ =	swait.ge [sflag:s17], $0x4000  }
0x54: {  	[sflag:s17] =	ssyncset.done $0x0  }
0x55: {  	[sflag:s17] =	ssyncadd.s32 $0xFFFFC000  }
0x56: {  	_ =	swait.ge [sflag:s17], $0x4000  }
0x57: {  	[sflag:s17] =	ssyncset.done $0x0  }
0x58: {  	[sflag:s17] =	ssyncadd.s32 $0xFFFFC000  }
0x59: {  	_ =	swait.ge [sflag:s17], $0x4000  }
0x5a: {  	p1 =	por $0x1, $0x1;
	[sflag:s17] =	ssyncset.done $0x0  }
.Ltmp1:
0x5b: {  	[sflag:s17] =	ssyncadd.s32 $0xFFFFC000;
	(pc) =	sbr.rel @!p1 .LBB2_8-.Ltmp1, $4  }
0x5c: {  	[hbm4b:s19+s21] =	stream.linear.scatter [tilespmem:s11], [sflag:$0x2], $0x10000, $0x38;
	[tilespmem:$0x10200] =	vst v63  }
0x5d: {  	_ =	swait.ge [sflag:s9], $0x10000  }
0x5e: {  	p0 =	por $0x0, $0x0;
	[sflag:s9] =	ssyncset.done $0x0  }
0x5f: {  	s20 =	smov.u32 s7;
	s19 =	simm.s32 $0x40;
	[sflag:s9] =	ssyncadd.s32 $0xFFFF0000  }
0x60: {  	s20 =	sadd.s32 $0x0, s8  }
0x61: {  	[tilespmem:s2], [sflag:$0x2] =	stream.linear.gather [hbm4b:s20+s2], $0x200, $0x38;
	[tilespmem:$0x10200] =	vst v63  }
0x62: {  	_ =	swait.ge [sflag:s9], $0x200  }
0x63: {  	[sflag:s9] =	ssyncset.done $0x0  }
0x64: {  	[sflag:s9] =	ssyncadd.s32 $0xFFFFFE00  }
0x65: {  	[tilespmem:s11], [sflag:$0x1] =	stream.indirect.gather [hbm4b:s3+s10], $0x80, s2, s10, $0xb8;
	[tilespmem:$0x10200] =	vst v63  }
0x66: {  	_ = 	snop  }
0x67: {  	[tilespmem:s12], [sflag:$0x1] =	stream.indirect.gather [hbm4b:s3+s10], $0x80, s10, s10, $0xb8;
	[tilespmem:$0x10200] =	vst v63  }
0x68: {  	_ = 	snop  }
0x69: {  	[tilespmem:s14], [sflag:$0x1] =	stream.indirect.gather [hbm4b:s3+s10], $0x80, s13, s10, $0xb8;
	[tilespmem:$0x10200] =	vst v63  }
0x6a: {  	_ = 	snop  }
0x6b: {  	[tilespmem:s16], [sflag:$0x1] =	stream.indirect.gather [hbm4b:s3+s10], $0x80, s15, s10, $0xb8;
	[tilespmem:$0x10200] =	vst v63  }
0x6c: {  	_ =	swait.ge [sflag:s17], $0x4000  }
0x6d: {  	[sflag:s17] =	ssyncset.done $0x0  }
0x6e: {  	[sflag:s17] =	ssyncadd.s32 $0xFFFFC000  }
0x6f: {  	_ =	swait.ge [sflag:s17], $0x4000  }
0x70: {  	[sflag:s17] =	ssyncset.done $0x0  }
0x71: {  	[sflag:s17] =	ssyncadd.s32 $0xFFFFC000  }
0x72: {  	_ =	swait.ge [sflag:s17], $0x4000  }
0x73: {  	[sflag:s17] =	ssyncset.done $0x0  }
0x74: {  	[sflag:s17] =	ssyncadd.s32 $0xFFFFC000  }
0x75: {  	p1 =	por $0x1, $0x1;
	_ =	swait.ge [sflag:s17], $0x4000  }
.Ltmp2:
0x76: {  	[sflag:s17] =	ssyncset.done $0x0;
	(pc) =	sbr.rel @!p1 .LBB2_5-.Ltmp2, $4  }
0x77: {  	[sflag:s17] =	ssyncadd.s32 $0xFFFFC000  }
0x78: {  	[hbm4b:s7+s2] =	stream.linear.scatter [tilespmem:s11], [sflag:$0x2], $0x10000, $0x38;
	[tilespmem:$0x10200] =	vst v63  }
0x79: {  	s21 =	simm.s32 $0x80;
	_ =	swait.ge [sflag:s9], $0x10000  }
0x7a: {  	p0 =	por $0x1, $0x1;
	s20 =	sadd.s32 $0x2000, s7;
	[sflag:s9] =	ssyncset.done $0x0  }
.LBB2_6:
0x7b: {  	s22 =	sadd.s32 s19, s8  }
0x7c: {  	[sflag:s9] =	ssyncadd.s32 $0xFFFF0000;
	s19 =	smov.u32 s21;
	s23 =	sadd.s32 $0x40, s21  }
0x7d: {  	[tilespmem:s2], [sflag:$0x2] =	stream.linear.gather [hbm4b:s22+s2], $0x200, $0x38;
	[tilespmem:$0x10200] =	vst v63  }
0x7e: {  	p1 =	sne.s32 s21, $0x240;
	_ =	swait.ge [sflag:s9], $0x200  }
0x7f: {  	[sflag:s9] =	ssyncset.done $0x0  }
0x80: {  	[sflag:s9] =	ssyncadd.s32 $0xFFFFFE00  }
0x81: {  	[tilespmem:s11], [sflag:$0x1] =	stream.indirect.gather [hbm4b:s3+s10], $0x80, s2, s10, $0xb8;
	[tilespmem:$0x10200] =	vst v63  }
0x82: {  	_ = 	snop  }
0x83: {  	[tilespmem:s12], [sflag:$0x1] =	stream.indirect.gather [hbm4b:s3+s10], $0x80, s10, s10, $0xb8;
	[tilespmem:$0x10200] =	vst v63  }
0x84: {  	_ = 	snop  }
0x85: {  	[tilespmem:s14], [sflag:$0x1] =	stream.indirect.gather [hbm4b:s3+s10], $0x80, s13, s10, $0xb8;
	[tilespmem:$0x10200] =	vst v63  }
0x86: {  	_ = 	snop  }
0x87: {  	[tilespmem:s16], [sflag:$0x1] =	stream.indirect.gather [hbm4b:s3+s10], $0x80, s15, s10, $0xb8;
	[tilespmem:$0x10200] =	vst v63  }
0x88: {  	_ =	swait.ge [sflag:s17], $0x4000  }
0x89: {  	[sflag:s17] =	ssyncset.done $0x0  }
0x8a: {  	[sflag:s17] =	ssyncadd.s32 $0xFFFFC000  }
0x8b: {  	_ =	swait.ge [sflag:s17], $0x4000  }
0x8c: {  	[sflag:s17] =	ssyncset.done $0x0  }
0x8d: {  	[sflag:s17] =	ssyncadd.s32 $0xFFFFC000  }
0x8e: {  	_ =	swait.ge [sflag:s17], $0x4000  }
0x8f: {  	[sflag:s17] =	ssyncset.done $0x0  }
0x90: {  	[sflag:s17] =	ssyncadd.s32 $0xFFFFC000  }
0x91: {  	_ =	swait.ge [sflag:s17], $0x4000  }
.Ltmp3:
0x92: {  	[sflag:s17] =	ssyncset.done $0x0;
	(pc) =	sbr.rel @p1 .LBB2_6-.Ltmp3, $4  }
0x93: {  	[sflag:s17] =	ssyncadd.s32 $0xFFFFC000  }
0x94: {  	[hbm4b:s20+s2] =	stream.linear.scatter [tilespmem:s11], [sflag:$0x2], $0x10000, $0x38;
	[tilespmem:$0x10200] =	vst v63  }
0x95: {  	_ =	swait.ge [sflag:s9], $0x10000  }
0x96: {  	s21 =	smov.u32 s23;
	s20 =	sadd.s32 $0x2000, s20;
	[sflag:s9] =	ssyncset.done $0x0  }
0x97: {  	s21 =	smov.u32 s19  }
.LBB2_8:
0x98: {  	s19 =	sadd.s32 s21, s8;
	[sflag:s9] =	ssyncadd.s32 @p0 $0xFFFF0000  }
0x99: {  	[tilespmem:s2], [sflag:$0x2] =	stream.linear.gather [hbm4b:s19+s2], $0x200, $0x38;
	[tilespmem:$0x10200] =	vst v63  }
0x9a: {  	_ =	swait.ge [sflag:s9], $0x200  }
0x9b: {  	[sflag:s9] =	ssyncset.done $0x0  }
0x9c: {  	[sflag:s9] =	ssyncadd.s32 $0xFFFFFE00  }
0x9d: {  	[tilespmem:s11], [sflag:$0x1] =	stream.indirect.gather [hbm4b:s3+s10], $0x80, s2, s10, $0xb8;
	[tilespmem:$0x10200] =	vst v63  }
0x9e: {  	_ = 	snop  }
0x9f: {  	[tilespmem:s12], [sflag:$0x1] =	stream.indirect.gather [hbm4b:s3+s10], $0x80, s10, s10, $0xb8;
	[tilespmem:$0x10200] =	vst v63  }
0xa0: {  	_ = 	snop  }
0xa1: {  	[tilespmem:s14], [sflag:$0x1] =	stream.indirect.gather [hbm4b:s3+s10], $0x80, s13, s10, $0xb8;
	[tilespmem:$0x10200] =	vst v63  }
0xa2: {  	_ = 	snop  }
0xa3: {  	[tilespmem:s16], [sflag:$0x1] =	stream.indirect.gather [hbm4b:s3+s10], $0x80, s15, s10, $0xb8;
	[tilespmem:$0x10200] =	vst v63  }
0xa4: {  	_ =	swait.ge [sflag:s17], $0x4000  }
0xa5: {  	[sflag:s17] =	ssyncset.done $0x0  }
0xa6: {  	[sflag:s17] =	ssyncadd.s32 $0xFFFFC000  }
0xa7: {  	_ =	swait.ge [sflag:s17], $0x4000  }
0xa8: {  	[sflag:s17] =	ssyncset.done $0x0  }
0xa9: {  	[sflag:s17] =	ssyncadd.s32 $0xFFFFC000  }
0xaa: {  	_ =	swait.ge [sflag:s17], $0x4000  }
0xab: {  	[sflag:s17] =	ssyncset.done $0x0  }
0xac: {  	[sflag:s17] =	ssyncadd.s32 $0xFFFFC000  }
0xad: {  	_ =	swait.ge [sflag:s17], $0x4000  }
0xae: {  	s18 =	sadd.s32 $0x1, s18;
	[sflag:s17] =	ssyncset.done $0x0  }
0xaf: {  	p0 =	sne.s32 s18, s4;
	[sflag:s17] =	ssyncadd.s32 $0xFFFFC000  }
0xb0: {  	[hbm4b:s20+s2] =	stream.linear.scatter [tilespmem:s11], [sflag:$0x2], $0x10000, $0x38;
	[tilespmem:$0x10200] =	vst v63  }
.Ltmp4:
0xb1: {  	_ = 	snop;
	(pc) =	sbr.rel @p0 .LBB2_1-.Ltmp4, $4  }
.Ltmp5:
0xb2: {  	_ = 	snop;
	(pc) =	sbr.rel @!p0 .LBB2_9-.Ltmp5, $4  }
0xb3: {  	_ =	swait.ge [sflag:s9], $0x10000  }
0xb4: {  	[sflag:s9] =	ssyncset.done $0x0  }
0xb5: {  	[sflag:s9] =	ssyncadd.s32 $0xFFFF0000  }
0xb6: {  	_ = 	snop  }
.LBB2_5:
.Ltmp6:
0xb7: {  	(pc) =	sbr.rel .LBB2_8-.Ltmp6, $2  }
0xb8: {  	_ =	sdelay $0x2  }
0xb9: {  	s21 =	simm.s32 $0x40  }
.LBB2_9:
0xba: {  	_ =	sfence.sel $0x180000  }
0xbb: {  	[bflag:$0x0] =	sbarrier.arrive $0xFFFF  }
0xbc: {  	p0 =	sne.s32 s1, $0x0;
	_ =	strace $0x9000004D  }
0xbd: {  	s0 =	sadd.s32 @!p0 $0x100000, s0;
	[bflag:$0x2] =	sbarrier.arrive $0xFFFF  }
0xbe: {  	[sflag:s0] =	ssyncadd.tile.s32 @!p0 $0x1;
	_ =	shalt  }
.Lfunc_end2:
_tile_overlayer_lowered:
.L_overlay_start_2:
0xbf: {  	(tag) =	ssettag $0x2  }
0xc0: {  	s0 =	rddreg [dreg:$0x0];
	s2 =	stileid.u32  }
0xc1: {  	s1 =	rddreg [dreg:$0x1];
	p0 =	sne.s32 s2, $0x0  }
0xc2: {  	s3 =	rddreg [dreg:$0x2];
	[bflag:$0x3] =	sbarrier.arrive $0xFFFF;
	s2 =	simm.s32 @!p0 $0x1C02  }
0xc3: {  	[timem:s3], [sflag:s2] =	dma.local @!p0 [hbm:s0], s1  }
0xc4: {  	s0 =	simm.s32 @!p0 $0x2  }
0xc5: {  	_ =	swait.ge @!p0 [sflag:s0], s1  }
0xc6: {  	s1 =	ssub.s32 @!p0 $0x0, s1;
	[sflag:s0] =	ssyncset.done @!p0 $0x0  }
0xc7: {  	[sflag:s0] =	ssyncadd.s32 @!p0 s1  }
0xc8: {  	[bflag:$0x3] =	sbarrier.arrive $0xFFFF  }
0xc9: {  	_ =	shalt  }

// kernel: kernel.22.cloned.1.call-start
scs
__scs_entry_jumppad:
0x0: {  	(pc) =	sbr.rel $0x88, $3  }
0x1: {  	(tag) =	ssettag $0x0;
	lr =	simm.s32 $0x1  }
0x2: {  	[smem:$0x3F8B] =	sst lr;
	_ =	strace $0xD0000000  }
0x3: {  	_ = 	snop  }
0x4: {  	_ = 	snop  }
0x5: {  	_ = 	snop  }
0x6: {  	_ = 	snop  }
0x7: {  	_ = 	snop  }
__scs_overlays_trampoline_lowered:
0x8: {  	[smem:$0x3F9A] =	sst s0  }
0x9: {  	[smem:$0x3F9B] =	sst s1  }
0xa: {  	[smem:$0x3F9C] =	sst s2  }
0xb: {  	[smem:$0x3F9D] =	sst s3  }
0xc: {  	[smem:$0x3F9E] =	sst s4  }
0xd: {  	[smem:$0x3F9F] =	sst s5  }
0xe: {  	[smem:$0x3FA0] =	sst s6  }
0xf: {  	[smem:$0x3FA1] =	sst s7  }
0x10: {  	[smem:$0x3FA2] =	sst s8  }
0x11: {  	[smem:$0x3FA3] =	sst s9;
	s0 =	simm.s32 @!p0 $0x0  }
0x12: {  	s1 =	sld [smem:$0x3F89];
	s0 =	simm.s32 @p0 $0x1  }
0x13: {  	[smem:$0x3FA4] =	sst s0;
	s0 =	simm.s32 @!p1 $0x0  }
0x14: {  	s2 =	sld [smem:$0x3F88];
	s0 =	simm.s32 @p1 $0x1  }
0x15: {  	[smem:$0x3FA5] =	sst s0;
	s0 =	simm.s32 @!p2 $0x0  }
0x16: {  	s3 =	sld [smem:$0x3FDB];
	s0 =	simm.s32 @p2 $0x1  }
0x17: {  	s4 =	simm.s32 $0x1BF5;
	[smem:$0x3FA7] =	sst s0  }
0x18: {  	s0 =	sld [smem:$0x3F8A];
	_ =	swait.ge [sflag:s4], $0x0  }
0x19: {  	s7 =	sld [smem:$0x3F8B]  }
0x1a: {  	s8 =	sadd.s32 $0xFFFFE003, lr  }
0x1b: {  	s9 =	sadd.s32 $0xFFFFFEF7, lr;
	s5 =	simm.s32 $0xFFFFFFFF;
	p2 =	slt.u32 s8, $0xFFFFF086  }
0x1c: {  	p1 =	slt.u32 s9, $0xF7A;
	s5 =	simm.s32 @!p2 $0x0  }
0x1d: {  	s5 =	simm.s32 @p1 $0x1;
	p0 =	seq.s32 s7, s2  }
0x1e: {  	s7 =	smul.u32 @!p0 $0xF7A, s2;
	p2 =	seq.s32 @!p0 s5, $0x0  }
0x1f: {  	s9 =	smul.u32 $0xF7A, s1;
	s8 =	simm.s32 @!p0 $0x1BF5;
	p2 =	por !p2, p0  }
0x20: {  	[sflag:s8] =	ssyncset.s32 @!p0 $0xFFFFF086;
	s6 =	sadd.s32 @!p0 s3, s7;
	s7 =	simm.s32 @!p0 $0x108  }
0x21: {  	s3 =	sadd.s32 s3, s9;
	s6 =	sadd.s32 @!p0 $0x88, s6;
	s7 =	simm.s32 @p2 $0x1082  }
0x22: {  	[simem:s7], [sflag:s8] =	dma.local @!p0 [hbm:s6], $0xF7A  }
0x23: {  	s9 =	sor.u32 $0xD0000000, s2;
	s6 =	simm.s32 $0x108;
	_ =	swait.ge @!p0 [sflag:s8], $0x0  }
0x24: {  	s3 =	sadd.s32 $0x88, s3;
	s6 =	simm.s32 @!p1 $0x1082;
	[sflag:s4] =	ssyncset.s32 $0xFFFFF086  }
0x25: {  	[simem:s6], [sflag:s4] =	dma.local [hbm:s3], $0xF7A  }
0x26: {  	[smem:$0x3F8B] =	sst s1;
	(tag) =	ssettag s2;
	_ =	strace s9  }
0x27: {  	s1 =	sld [smem:$0x3F9B]  }
0x28: {  	s2 =	sld [smem:$0x3F9C]  }
0x29: {  	s4 =	sld [smem:$0x3F9E]  }
0x2a: {  	p0 =	seq.s32 s5, $0x0;
	s5 =	sld [smem:$0x3F9F]  }
0x2b: {  	s6 =	sld [smem:$0x3FA0]  }
0x2c: {  	s7 =	sld [smem:$0x3FA1]  }
0x2d: {  	s3 =	simm.s32 $0x108;
	s8 =	sld [smem:$0x3FA2]  }
0x2e: {  	s3 =	simm.s32 @!p0 $0x1082;
	s9 =	sld [smem:$0x3FA3]  }
0x2f: {  	lr =	sadd.s32 s0, s3;
	s0 =	sld [smem:$0x3F9A]  }
0x30: {  	s3 =	sld [smem:$0x3F9D]  }
0x31: {  	[smem:$0x3FA6] =	sst s10  }
0x32: {  	s10 =	sld [smem:$0x3FA4];
	_ =	sdelay $0x3  }
0x33: {  	p0 =	seq.s32 s10, $0x1;
	s10 =	sld [smem:$0x3FA6];
	_ =	sdelay $0x3  }
0x34: {  	[smem:$0x3FA6] =	sst s10  }
0x35: {  	s10 =	sld [smem:$0x3FA5];
	_ =	sdelay $0x3  }
0x36: {  	p1 =	seq.s32 s10, $0x1;
	s10 =	sld [smem:$0x3FA6];
	_ =	sdelay $0x3  }
0x37: {  	[smem:$0x3FA6] =	sst s10  }
0x38: {  	s10 =	sld [smem:$0x3FA7]  }
0x39: {  	_ = 	snop;
	(pc) =	sbr.ind lr, $3  }
0x3a: {  	_ = 	snop  }
0x3b: {  	_ = 	snop  }
0x3c: {  	p2 =	seq.s32 s10, $0x1;
	s10 =	sld [smem:$0x3FA6]  }
0x3d: {  	_ =	shalt  }
0x3e: {  	_ =	shalt  }
0x3f: {  	_ =	shalt  }
0x40: {  	_ =	shalt  }
0x41: {  	_ =	shalt  }
0x42: {  	_ =	shalt  }
0x43: {  	_ =	shalt  }
0x44: {  	_ =	shalt  }
0x45: {  	_ =	shalt  }
0x46: {  	_ =	shalt  }
0x47: {  	_ =	shalt  }
0x48: {  	_ =	shalt  }
0x49: {  	_ =	shalt  }
0x4a: {  	_ =	shalt  }
0x4b: {  	_ =	shalt  }
0x4c: {  	_ =	shalt  }
0x4d: {  	_ =	shalt  }
0x4e: {  	_ =	shalt  }
0x4f: {  	_ =	shalt  }
0x50: {  	_ =	shalt  }
0x51: {  	_ =	shalt  }
0x52: {  	_ =	shalt  }
0x53: {  	_ =	shalt  }
0x54: {  	_ =	shalt  }
0x55: {  	_ =	shalt  }
0x56: {  	_ =	shalt  }
0x57: {  	_ =	shalt  }
0x58: {  	_ =	shalt  }
0x59: {  	_ =	shalt  }
0x5a: {  	_ =	shalt  }
0x5b: {  	_ =	shalt  }
0x5c: {  	_ =	shalt  }
0x5d: {  	_ =	shalt  }
0x5e: {  	_ =	shalt  }
0x5f: {  	_ =	shalt  }
0x60: {  	_ =	shalt  }
0x61: {  	_ =	shalt  }
0x62: {  	_ =	shalt  }
0x63: {  	_ =	shalt  }
0x64: {  	_ =	shalt  }
0x65: {  	_ =	shalt  }
0x66: {  	_ =	shalt  }
0x67: {  	_ =	shalt  }
0x68: {  	_ =	shalt  }
0x69: {  	_ =	shalt  }
0x6a: {  	_ =	shalt  }
0x6b: {  	_ =	shalt  }
0x6c: {  	_ =	shalt  }
0x6d: {  	_ =	shalt  }
0x6e: {  	_ =	shalt  }
0x6f: {  	_ =	shalt  }
0x70: {  	_ =	shalt  }
0x71: {  	_ =	shalt  }
0x72: {  	_ =	shalt  }
0x73: {  	_ =	shalt  }
0x74: {  	_ =	shalt  }
0x75: {  	_ =	shalt  }
0x76: {  	_ =	shalt  }
0x77: {  	_ =	shalt  }
0x78: {  	_ =	shalt  }
0x79: {  	_ =	shalt  }
0x7a: {  	_ =	shalt  }
0x7b: {  	_ =	shalt  }
0x7c: {  	_ =	shalt  }
0x7d: {  	_ =	shalt  }
0x7e: {  	_ =	shalt  }
0x7f: {  	_ =	shalt  }
0x80: {  	_ =	shalt  }
0x81: {  	_ =	shalt  }
0x82: {  	_ =	shalt  }
0x83: {  	_ =	shalt  }
0x84: {  	_ =	shalt  }
0x85: {  	_ =	shalt  }
0x86: {  	_ =	shalt  }
0x87: {  	_ =	shalt  }
.Lfunc_end0:
.L_simem_size_0:
called_computation.3_lowered:
.L_overlay_start_0:
0x88: {  	s2 =	sld [smem:$0x3FD9]  }
0x89: {  	s3 =	sld [smem:$0x3FFE];
	_ =	sdelay $0x1  }
0x8a: {  	s1 =	srdreg.scid  }
0x8b: {  	s0 =	sand.u32 $0x1, s1  }
0x8c: {  	s16 =	sshll.u32 s0, $0xA;
	s2 =	sadd.s32 s3, s2  }
0x8d: {  	s2 =	sadd.s32 s2, s16  }
0x8e: {  	[smem:$0x3FB2] =	sst s2  }
0x8f: {  	_ = 	snop  }
0x90: {  	(tm) =	ssettm $0x1  }
0x91: {  	s17 =	sld [smem:$0x3FFB];
	_ =	sdelay $0x3  }
0x92: {  	_ =	strace s17  }
0x93: {  	s2 =	sld [smem:$0x3FFC];
	_ =	sdelay $0x3  }
0x94: {  	_ =	strace s2  }
0x95: {  	s2 =	sld [smem:$0x3FFD];
	_ =	sdelay $0x3  }
0x96: {  	_ =	strace s2  }
0x97: {  	_ =	strace $0x8FFFFFFF  }
0x98: {  	s18 =	sld [smem:$0x3FDB];
	_ =	sdelay $0x1  }
0x99: {  	s19 =	simm.s32 $_scs_section_size  }
0x9a: {  	s4 =	simm.s32 $_size__tile_overlayer_lowered;
	s5 =	simm.s32 $_tile_overlayer_lowered  }
0x9b: {  	s22 =	simm.s32 $0x1BFF;
	s21 =	sshll.u32 s5, $0x1;
	s2 =	sadd.s32 s19, s18  }
0x9c: {  	s6 =	simm.s32 $0x0;
	s20 =	sshll.u32 s4, $0x1;
	s4 =	sadd.s32 s21, s2  }
0x9d: {  	[timem:s6], [sflag:s22] =	dma.local [hbm:s4], s20  }
0x9e: {  	_ =	swait.ge [sflag:s22], s20  }
0x9f: {  	s3 =	ssub.s32 $0x0, s20;
	[sflag:s22] =	ssyncset.done $0x0  }
0xa0: {  	[sflag:s22] =	ssyncadd.s32 s3;
	_ =	sdelay $0x1  }
0xa1: {  	s23 =	simm.s32 $0x1B8B  }
0xa2: {  	_ =	swait.ge [sflag:s23], $0x1  }
0xa3: {  	[sflag:s23] =	ssyncset.done $0x0  }
0xa4: {  	s25 =	simm.s32 $0x1B8E;
	s24 =	sld [smem:$0x3FFE];
	[sflag:s23] =	ssyncadd.s32 $0xFFFFFFFF  }
0xa5: {  	s26 =	simm.s32 $execute0_lowered;
	[smem:$0x3FD2] =	sst s25  }
0xa6: {  	s4 =	sshll.u32 s26, $0x1;
	_ =	strace $0x8000004F;
	[dreg:$0x1] =	wrdreg $0xFFFFFFFF  }
0xa7: {  	s28 =	simm.s32 $_size_execute0_lowered;
	s2 =	sadd.s32 s2, s4;
	[dreg:$0x0] =	wrdreg $0x0  }
0xa8: {  	s4 =	sshll.u32 s28, $0x1;
	[dreg:$0x2] =	wrdreg s2  }
0xa9: {  	[dreg:$0x3] =	wrdreg s4  }
0xaa: {  	[dreg:$0x4] =	wrdreg $0xC0  }
0xab: {  	_ =	task [dreg:s6], $0x5FFFF  }
0xac: {  	[dreg:$0x1] =	wrdreg $0xFFFFFFFF  }
0xad: {  	[dreg:$0x0] =	wrdreg $0x60  }
0xae: {  	[dreg:$0x2] =	wrdreg s24  }
0xaf: {  	[dreg:$0x3] =	wrdreg $0x9  }
0xb0: {  	_ =	task.clear_ibuf [dreg:s6], $0x4FFFF;
	_ =	strace $0x9000004F  }
0xb1: {  	s29 =	simm.s32 $0x9;
	_ =	strace $0x80000051  }
0xb2: {  	_ =	swait.ge [sflag:s29], $0x1  }
0xb3: {  	[sflag:s29] =	ssyncadd.s32 $0xFFFFFFFF  }
0xb4: {  	_ =	strace $0x90000051  }
0xb5: {  	_ =	sfence  }
0xb6: {  	s30 =	sld [smem:$0x0];
	_ =	sdelay $0x2  }
0xb7: {  	s31 =	sshll.u32 s1, $0xD;
	s1 =	sshrl.u32 s1, $0x2  }
0xb8: {  	s3 =	sand.u32 $0x4000, s31;
	s1 =	sadd.s32 s1, s30  }
0xb9: {  	s0 =	sor.u32 s3, s0;
	s1 =	sshll.u32 s1, $0x11  }
0xba: {  	s0 =	sor.u32 s1, s0  }
0xbb: {  	s0 =	sadd.s32 $0x8F2B, s0  }
0xbc: {  	[sflag:s0] =	ssyncadd.remote.s32 $0x1  }
0xbd: {  	_ =	sfence.sel $0xFFFF  }
0xbe: {  	[dreg:$0x0] =	wrdreg $0xFFFFFFFF;
	(pc) =	sbr.abs _section_cstart, $3  }
0xbf: {  	[dreg:$0x1] =	wrdreg $0xFFFFFFFF  }
0xc0: {  	_ =	task.clear_ibuf [dreg:s6], $0x2FFFF;
	_ =	strace $0x9FFFFFFF  }
0xc1: {  	(tm) =	ssettm $0x7FFFFFFF  }
tec
execute0_lowered:
.L_overlay_start_1:
0x0: {  	(tag) =	ssettag $0x1  }
0x1: {  	s1 =	srdreg.scid;
	s0 =	stileid.u32  }
0x2: {  	s6 =	rddreg [dreg:$0x0];
	s9 =	simm.s32 $0x1000;
	s11 =	simm.s32 $0x1  }
0x3: {  	s12 =	simm.s32 $0x80;
	s13 =	simm.s32 $0x3100;
	s14 =	simm.s32 $0x400  }
0x4: {  	s15 =	simm.s32 $0x7100;
	s4 =	sand.u32 $0x1, s1;
	s2 =	sshll.u32 s0, $0x1  }
0x5: {  	s1 =	rddreg [dreg:$0x1];
	s3 =	sshrl.u32 s0, $0x2;
	s5 =	sor.u32 s4, s2  }
0x6: {  	s2 =	simm.s32 $0x0;
	s7 =	smul.u32 $0x50000, s3;
	s3 =	sadd.s32 $0x564800, s6  }
0x7: {  	s30 =	ssub.s32 $0x2, s4;
	s29 =	sshll.u32 s5, $0x7;
	s4 =	smul.u32 $0x140, s5  }
.Ltmp0:
0x8: {  	[smem:$0x7FF] =	sst s2;
	s8 =	sand.u32 $0x380, s29;
	(pc) =	sbr.rel .LBB2_1-.Ltmp0, $4  }
0x9: {  	s5 =	sadd.s32 $0xA800, s6;
	s31 =	sshrl.u32 s30, $0x1;
	s7 =	sor.u32 s7, s8  }
0xa: {  	_ =	strace $0x80000050;
	s10 =	sadd.s32 $0x140, s4;
	s7 =	sshrl.u32 s7, $0x3  }
0xb: {  	v2 =	vimm.f32 $0.0e+00;
	v3 =	vimm.s32 $0x0;
	s8 =	simm.s32 $0x2;
	s6 =	sadd.s32 s7, s6;
	s7 =	ssub.s32 s30, s31  }
0xc: {  	v4 =	vlaneseq.u32;
	v0 =	vmov s4;
	v1 =	vmov s10;
	s10 =	simm.s32 $0x2080;
	s6 =	sadd.s32 $0x14800, s6;
	s7 =	smax.u32 s7, $0x1  }
.LBB2_10:
0xd: {  	s2 =	sadd.s32 $0x1, s2  }
0xe: {  	p0 =	sne.s32 s2, s7  }
.Ltmp1:
0xf: {  	_ = 	snop;
	(pc) =	sbr.rel @!p0 .LBB2_11-.Ltmp1, $4  }
0x10: {  	[hbm4b:s6+s12] =	stream.strided.scatter [tilespmem:s15], [sflag:$0x2], $0xA000, s14, s12, $0x38;
	[tilespmem:$0x11100] =	vst v63  }
0x11: {  	_ =	swait.ge [sflag:s8], $0xA000  }
0x12: {  	[sflag:s8] =	ssyncset.done $0x0  }
0x13: {  	[sflag:s8] =	ssyncadd.s32 $0xFFFF6000  }
.LBB2_1:
0x14: {  	s16 =	simm.s32 $0x40;
	s17 =	simm.s32 $0x0  }
.LBB2_2:
0x15: {  	p0 =	sne.s32 s16, $0x27FC0;
	[tilespmem:s17+$0x7100] =	vst v2;
	s17 =	smov.u32 s16;
	s16 =	sadd.s32 $0x40, s16  }
.Ltmp2:
0x16: {  	(pc) =	sbr.rel @p0 .LBB2_2-.Ltmp2, $2  }
0x17: {  	_ =	sdelay $0x2  }
0x18: {  	s17 =	sshra.s32 s17, $0x2  }
0x19: {  	[tilespmem:s17+$0x7100] =	vst v2;
	s16 =	simm.s32 $0x0;
	s17 =	simm.s32 $0x40;
	s18 =	simm.s32 $0x0  }
.LBB2_4:
0x1a: {  	p0 =	sne.s32 s17, $0x4000;
	[tilespmem:s18+$0x1000] =	vst v3;
	s19 =	smov.u32 s17;
	s17 =	sadd.s32 $0x40, s17  }
.Ltmp3:
0x1b: {  	[tilespmem:s18+$0x2080] =	vst v0;
	(pc) =	sbr.rel @p0 .LBB2_4-.Ltmp3, $2  }
0x1c: {  	_ =	sdelay $0x2  }
0x1d: {  	s18 =	sshra.s32 s19, $0x2  }
.Ltmp4:
0x1e: {  	(pc) =	sbr.rel .LBB2_6-.Ltmp4, $3  }
0x1f: {  	_ =	sdelay $0x1  }
0x20: {  	[tilespmem:s18+$0x1000] =	vst v3  }
0x21: {  	[tilespmem:s18+$0x2080] =	vst v0;
	s17 =	simm.s32 $0x0  }
.LBB2_9:
0x22: {  	s17 =	sadd.s32 $0x1, s17  }
0x23: {  	p0 =	sne.s32 s17, $0x28  }
.Ltmp5:
0x24: {  	_ = 	snop;
	(pc) =	sbr.rel @!p0 .LBB2_10-.Ltmp5, $2  }
0x25: {  	_ =	sdelay $0x2  }
0x26: {  	s16 =	sadd.s32 $0x1000, s16  }
.LBB2_6:
0x27: {  	s18 =	sshll.u32 s17, $0x9  }
0x28: {  	s19 =	sadd.s32 s5, s18;
	s18 =	simm.s32 $0x0  }
0x29: {  	[tilespmem:s18], [sflag:$0x2] =	stream.linear.gather [hbm4b:s19+s18], $0x1000, $0x38;
	[tilespmem:$0x11100] =	vst v63  }
0x2a: {  	_ =	swait.ge [sflag:s8], $0x1000  }
0x2b: {  	[sflag:s8] =	ssyncset.done $0x0  }
0x2c: {  	s31 =	simm.s32 $0x0;
	[sflag:s8] =	ssyncadd.s32 $0xFFFFF000  }
0x2d: {  	v5 =	vld [tilespmem:s31+$0x0];
	_ =	sdelay $0x4  }
0x2e: {  	vm0 =	vge.s32 v5, v0;
	vm1 =	vlt.s32 v5, v1  }
0x2f: {  	vm0 =	vmand vm0, vm1  }
0x30: {  	v6 =	vsel vm0, $0x1, v3  }
0x31: {  	(xrf0) =	vadd.scan.msk.s32 $0xffff, v6;
	_ =	sdelay $0x5  }
0x32: {  	v7, _, _ =	vpop (xrf0)  }
0x33: {  	v6 =	vsel vm0, $0xFFFFFFFF, v3;
	v8 =	vxor.u32 $0x80000000, v7  }
0x34: {  	v6 =	vadd.s32 s18, v6;
	(xrf0) =	vmax.scan.msk.u32 $0xffff, v8  }
0x35: {  	v6 =	vadd.s32 v7, v6  }
0x36: {  	v6 =	vnsel vm0, $0x1000, v6;
	_ =	sdelay $0x3  }
0x37: {  	v7 =	vor.u32 s16, v4;
	v8, _, _ =	vpop (xrf0)  }
0x38: {  	[tilespmem:v6+s9+$0x0] =	vst.idx.msk $0xffff, v7;
	(v2sf) =	vpush v8, $0xF  }
0x39: {  	s21 =	simm.s32 $0x10;
	s20 =	simm.s32 $0x80;
	s19 =	smov.u32 s16;
	[tilespmem:v6+s10+$0x0] =	vst.idx.msk $0xffff, v5  }
.LBB2_7:
0x3a: {  	p0 =	sne.s32 s20, $0x3FC0;
	v5 =	vld [tilespmem:s21+$0x0];
	_ =	sdelay $0x4  }
0x3b: {  	vm0 =	vge.s32 v5, v0;
	vm1 =	vlt.s32 v5, v1  }
0x3c: {  	vm0 =	vmand vm0, vm1  }
0x3d: {  	v6 =	vsel vm0, $0xFFFFFFFF, v3;
	v7 =	vsel vm0, $0x1, v3  }
0x3e: {  	(xrf0) =	vadd.scan.msk.s32 $0xffff, v7;
	_ =	sdelay $0x4  }
0x3f: {  	s21 =	spop (v2sf)  }
0x40: {  	v7, _, _ =	vpop (xrf0);
	s18 =	sadd.s32 s21, s18  }
0x41: {  	v8 =	vxor.u32 $0x80000000, v7;
	s18 =	sadd.s32 $0x80000000, s18  }
0x42: {  	v6 =	vadd.s32 s18, v6;
	(xrf0) =	vmax.scan.msk.u32 $0xffff, v8  }
0x43: {  	v6 =	vadd.s32 v7, v6  }
0x44: {  	v6 =	vnsel vm0, $0x1000, v6;
	_ =	sdelay $0x1  }
.Ltmp6:
0x45: {  	(pc) =	sbr.rel @p0 .LBB2_7-.Ltmp6, $4  }
0x46: {  	s19 =	sadd.s32 $0x10, s19  }
0x47: {  	v7 =	vor.u32 s19, v4;
	v8, _, _ =	vpop (xrf0)  }
0x48: {  	[tilespmem:v6+s9+$0x0] =	vst.idx.msk $0xffff, v7;
	(v2sf) =	vpush v8, $0xF  }
0x49: {  	s21 =	sshra.s32 s20, $0x2;
	s20 =	sadd.s32 $0x40, s20;
	[tilespmem:v6+s10+$0x0] =	vst.idx.msk $0xffff, v5  }
0x4a: {  	v5 =	vld [tilespmem:s21+$0x0];
	_ =	sdelay $0x4  }
0x4b: {  	vm0 =	vge.s32 v5, v0;
	vm1 =	vlt.s32 v5, v1  }
0x4c: {  	vm0 =	vmand vm0, vm1  }
0x4d: {  	v6 =	vsel vm0, $0x1, v3  }
0x4e: {  	(xrf0) =	vadd.scan.msk.s32 $0xffff, v6;
	_ =	sdelay $0x5  }
0x4f: {  	v6, _, _ =	vpop (xrf0)  }
0x50: {  	v7 =	vxor.u32 $0x80000000, v6  }
0x51: {  	(xrf0) =	vmax.scan.msk.u32 $0xffff, v7;
	_ =	sdelay $0x5  }
0x52: {  	v7, _, _ =	vpop (xrf0)  }
0x53: {  	(v2sf) =	vpush v7, $0xF;
	_ =	sdelay $0xc  }
0x54: {  	s20 =	spop (v2sf)  }
0x55: {  	s18 =	sadd.s32 s20, s18  }
0x56: {  	s20 =	sadd.s32 $0x80000000, s18;
	s28 =	spop (v2sf)  }
0x57: {  	s18 =	sadd.s32 s28, s20  }
0x58: {  	s18 =	sadd.s32 $0x80000000, s18  }
0x59: {  	s29 =	sadd.s32 $0x7F, s18  }
0x5a: {  	s30 =	sand.u32 $0x7F, s29  }
0x5b: {  	s31 =	sshra.s32 s29, $0x1F;
	p1 =	slt.s32 s29, $0x1;
	p0 =	sne.s32 s30, $0x0  }
0x5c: {  	v7 =	vsel vm0, $0xFFFFFFFF, v3;
	s21 =	sshrl.u32 s31, $0x19;
	p0 =	por !p1, !p0  }
0x5d: {  	v7 =	vadd.s32 s20, v7;
	s20 =	sadd.s32 s21, s29;
	s21 =	simm.s32 $0x1;
	p0 =	por !p0, !p0  }
0x5e: {  	s19 =	sadd.s32 $0x10, s19;
	v6 =	vadd.s32 v6, v7;
	s20 =	sshra.s32 s20, $0x7;
	s21 =	simm.s32 @!p0 $0x0  }
0x5f: {  	v7 =	vor.u32 s19, v4;
	v6 =	vnsel vm0, $0x1000, v6;
	s19 =	ssub.s32 s20, s21  }
0x60: {  	p0 =	sgt.s32 s19, $0x0  }
.Ltmp7:
0x61: {  	_ = 	snop;
	(pc) =	sbr.rel @p0 .LBB2_13-.Ltmp7, $4  }
.Ltmp8:
0x62: {  	_ = 	snop;
	(pc) =	sbr.rel @!p0 .LBB2_9-.Ltmp8, $4  }
0x63: {  	_ = 	snop  }
0x64: {  	[tilespmem:v6+s9+$0x0] =	vst.idx.msk $0xffff, v7  }
0x65: {  	[tilespmem:v6+s10+$0x0] =	vst.idx.msk $0xffff, v5;
	s20 =	simm.s32 $0x0;
	s21 =	simm.s32 $0x0  }
0x66: {  	_ = 	snop  }
.LBB2_15:
0x67: {  	s24 =	simm.s32 $0x3140  }
.LBB2_19:
0x68: {  	_ =	sdelay $0x2  }
0x69: {  	[tilespmem:s26+$0x7170] =	vst @p0 v6  }
0x6a: {  	v5 =	vld.idx.msk [tilespmem:v5+s10+$0x0], $0xffff;
	_ =	sdelay $0x4  }
0x6b: {  	v5 =	vxor.u32 $0x80000000, v5  }
0x6c: {  	(xrf0) =	vmax.scan.msk.u32 $0xffff, v5;
	_ =	sdelay $0x5  }
0x6d: {  	v5, _, _ =	vpop (xrf0)  }
0x6e: {  	(v2sf) =	vpush v5, $0xF;
	_ =	sdelay $0xe  }
0x6f: {  	s23 =	spop (v2sf)  }
0x70: {  	s24 =	sadd.s32 @p0 $0x80, s24;
	s23 =	ssub.s32 s23, s4  }
0x71: {  	s22 =	smov.u32 @p0 s24;
	s23 =	sshll.u32 s23, $0x9  }
0x72: {  	v5 =	vld [tilespmem:s22+$0xFFFFFFC0];
	s23 =	sshra.s32 s23, $0x2  }
0x73: {  	v6 =	vld [tilespmem:s23+$0x7100];
	_ =	sdelay $0x4  }
0x74: {  	v5 =	vmax.f32 v6, v5  }
0x75: {  	[tilespmem:s23+$0x7100] =	vst v5;
	v5 =	vld [tilespmem:s23+$0x7110]  }
0x76: {  	v6 =	vld [tilespmem:s22+$0xFFFFFFD0];
	_ =	sdelay $0x4  }
0x77: {  	v5 =	vmax.f32 v5, v6  }
0x78: {  	[tilespmem:s23+$0x7110] =	vst v5;
	v5 =	vld [tilespmem:s23+$0x7120]  }
0x79: {  	v6 =	vld [tilespmem:s22+$0xFFFFFFE0];
	_ =	sdelay $0x4  }
0x7a: {  	v5 =	vmax.f32 v5, v6  }
0x7b: {  	[tilespmem:s23+$0x7120] =	vst v5;
	v5 =	vld [tilespmem:s23+$0x7130]  }
0x7c: {  	v6 =	vld [tilespmem:s22+$0xFFFFFFF0];
	_ =	sdelay $0x4  }
0x7d: {  	v5 =	vmax.f32 v5, v6  }
0x7e: {  	[tilespmem:s23+$0x7130] =	vst v5;
	v5 =	vld [tilespmem:s23+$0x7140]  }
0x7f: {  	v6 =	vld [tilespmem:s22+$0x0];
	_ =	sdelay $0x4  }
0x80: {  	v5 =	vmax.f32 v5, v6  }
0x81: {  	[tilespmem:s23+$0x7140] =	vst v5;
	v5 =	vld [tilespmem:s23+$0x7150]  }
0x82: {  	v6 =	vld [tilespmem:s22+$0x10];
	_ =	sdelay $0x4  }
0x83: {  	v5 =	vmax.f32 v5, v6  }
0x84: {  	[tilespmem:s23+$0x7150] =	vst v5;
	v5 =	vld [tilespmem:s23+$0x7160]  }
0x85: {  	v6 =	vld [tilespmem:s22+$0x20];
	_ =	sdelay $0x4  }
0x86: {  	v5 =	vmax.f32 v5, v6  }
0x87: {  	[tilespmem:s23+$0x7160] =	vst v5;
	v5 =	vld [tilespmem:s23+$0x7170]  }
0x88: {  	v6 =	vld [tilespmem:s22+$0x30];
	_ =	sdelay $0x4  }
0x89: {  	v5 =	vmax.f32 v5, v6  }
0x8a: {  	[tilespmem:s23+$0x7170] =	vst v5  }
.LBB2_12:
0x8b: {  	p0 =	seq.s32 s21, s19  }
.Ltmp9:
0x8c: {  	_ = 	snop;
	(pc) =	sbr.rel @p0 .LBB2_9-.Ltmp9, $2  }
0x8d: {  	_ =	sdelay $0x2  }
0x8e: {  	s20 =	sadd.s32 $0x80, s20  }
.LBB2_13:
0x8f: {  	s22 =	sshll.u32 s21, $0x9  }
0x90: {  	s22 =	sshra.s32 s22, $0x2  }
0x91: {  	s23 =	sshll.u32 s21, $0x7;
	s21 =	sadd.s32 $0x1, s21;
	s22 =	sadd.s32 $0x1000, s22  }
0x92: {  	[tilespmem:s13], [sflag:$0x1] =	stream.indirect.gather [hbm4b:s3+s12], $0x80, s22, s12, $0xb8;
	[tilespmem:$0x11100] =	vst v63  }
0x93: {  	s22 =	sshll.u32 s21, $0x7  }
0x94: {  	p0 =	slt.s32 s18, s22  }
0x95: {  	s22 =	smov.u32 @p0 s18  }
0x96: {  	s23 =	ssub.s32 s22, s23  }
0x97: {  	p0 =	slt.s32 s23, $0x1  }
.Ltmp10:
0x98: {  	_ = 	snop;
	(pc) =	sbr.rel @p0 .LBB2_12-.Ltmp10, $4  }
0x99: {  	_ = 	snop  }
0x9a: {  	_ =	swait.ge [sflag:s11], $0x4000  }
0x9b: {  	[sflag:s11] =	ssyncset.done $0x0  }
0x9c: {  	[sflag:s11] =	ssyncadd.s32 $0xFFFFC000;
	s22 =	simm.s32 $0x3140  }
0x9d: {  	p1 =	sgt.s32 s23, $0x1  }
.Ltmp11:
0x9e: {  	_ = 	snop;
	(pc) =	sbr.rel @!p1 .LBB2_15-.Ltmp11, $3  }
0x9f: {  	_ =	sdelay $0x1  }
0xa0: {  	s24 =	sadd.s32 $0x0, s20  }
0xa1: {  	p0 =	por $0x0, $0x0;
	v5 =	vmov s24  }
0xa2: {  	_ =	sdelay $0x3  }
0xa3: {  	v5 =	vld.idx.msk [tilespmem:v5+s10+$0x0], $0xffff;
	_ =	sdelay $0x4  }
0xa4: {  	v5 =	vxor.u32 $0x80000000, v5  }
0xa5: {  	(xrf0) =	vmax.scan.msk.u32 $0xffff, v5;
	_ =	sdelay $0x5  }
0xa6: {  	v5, _, _ =	vpop (xrf0)  }
0xa7: {  	(v2sf) =	vpush v5, $0xF;
	_ =	sdelay $0xe  }
0xa8: {  	s24 =	spop (v2sf)  }
0xa9: {  	s24 =	ssub.s32 s24, s4  }
0xaa: {  	s24 =	sshll.u32 s24, $0x9  }
0xab: {  	v5 =	vld [tilespmem:s22+$0xFFFFFFC0];
	s26 =	sshra.s32 s24, $0x2  }
0xac: {  	v6 =	vld [tilespmem:s26+$0x7100];
	_ =	sdelay $0x4  }
0xad: {  	v5 =	vmax.f32 v6, v5  }
0xae: {  	[tilespmem:s26+$0x7100] =	vst v5;
	v5 =	vld [tilespmem:s26+$0x7110]  }
0xaf: {  	v6 =	vld [tilespmem:s22+$0xFFFFFFD0];
	_ =	sdelay $0x4  }
0xb0: {  	v5 =	vmax.f32 v5, v6  }
0xb1: {  	[tilespmem:s26+$0x7110] =	vst v5;
	v5 =	vld [tilespmem:s26+$0x7120]  }
0xb2: {  	v6 =	vld [tilespmem:s22+$0xFFFFFFE0];
	_ =	sdelay $0x4  }
0xb3: {  	v5 =	vmax.f32 v5, v6  }
0xb4: {  	[tilespmem:s26+$0x7120] =	vst v5;
	v5 =	vld [tilespmem:s26+$0x7130]  }
0xb5: {  	v6 =	vld [tilespmem:s22+$0xFFFFFFF0];
	_ =	sdelay $0x4  }
0xb6: {  	v5 =	vmax.f32 v5, v6  }
0xb7: {  	[tilespmem:s26+$0x7130] =	vst v5;
	v5 =	vld [tilespmem:s26+$0x7140]  }
0xb8: {  	v6 =	vld [tilespmem:s22+$0x0];
	_ =	sdelay $0x4  }
0xb9: {  	v5 =	vmax.f32 v5, v6  }
0xba: {  	[tilespmem:s26+$0x7140] =	vst v5;
	v5 =	vld [tilespmem:s26+$0x7150]  }
0xbb: {  	v6 =	vld [tilespmem:s22+$0x10];
	_ =	sdelay $0x4  }
0xbc: {  	v5 =	vmax.f32 v5, v6  }
0xbd: {  	[tilespmem:s26+$0x7150] =	vst v5;
	v5 =	vld [tilespmem:s26+$0x7160]  }
0xbe: {  	v6 =	vld [tilespmem:s22+$0x20];
	_ =	sdelay $0x4  }
0xbf: {  	v5 =	vmax.f32 v5, v6  }
0xc0: {  	v6 =	vld [tilespmem:s26+$0x7170];
	[tilespmem:s26+$0x7160] =	vst v5  }
0xc1: {  	p1 =	sgt.s32 s23, $0x2;
	v7 =	vld [tilespmem:s22+$0x30]  }
.Ltmp12:
0xc2: {  	s31 =	sadd.s32 $0x1, s20;
	(pc) =	sbr.rel @!p1 .LBB2_17-.Ltmp12, $2  }
0xc3: {  	v5 =	vmov s31;
	_ =	sdelay $0x2  }
0xc4: {  	s25 =	simm.s32 $0x2;
	p0 =	por $0x1, $0x1;
	s24 =	simm.s32 $0x3140;
	v6 =	vmax.f32 v6, v7  }
.LBB2_18:
0xc5: {  	[tilespmem:s26+$0x7170] =	vst v6;
	s24 =	sadd.s32 $0x80, s24;
	s28 =	smov.u32 s25;
	s25 =	sadd.s32 $0x1, s25  }
0xc6: {  	p1 =	slt.s32 s25, s23;
	v5 =	vld.idx.msk [tilespmem:v5+s10+$0x0], $0xffff;
	_ =	sdelay $0x5  }
0xc7: {  	v5 =	vxor.u32 $0x80000000, v5  }
0xc8: {  	(xrf0) =	vmax.scan.msk.u32 $0xffff, v5;
	_ =	sdelay $0x5  }
0xc9: {  	v5, _, _ =	vpop (xrf0)  }
0xca: {  	(v2sf) =	vpush v5, $0xF;
	_ =	sdelay $0xe  }
0xcb: {  	s26 =	spop (v2sf)  }
0xcc: {  	s26 =	ssub.s32 s26, s4  }
0xcd: {  	s26 =	sshll.u32 s26, $0x9  }
0xce: {  	s26 =	sshra.s32 s26, $0x2;
	v5 =	vld [tilespmem:s24+$0xFFFFFFC0]  }
0xcf: {  	v6 =	vld [tilespmem:s26+$0x7100];
	_ =	sdelay $0x4  }
0xd0: {  	v5 =	vmax.f32 v6, v5  }
0xd1: {  	[tilespmem:s26+$0x7100] =	vst v5;
	v5 =	vld [tilespmem:s26+$0x7110]  }
0xd2: {  	v6 =	vld [tilespmem:s24+$0xFFFFFFD0];
	_ =	sdelay $0x4  }
0xd3: {  	v5 =	vmax.f32 v5, v6  }
0xd4: {  	[tilespmem:s26+$0x7110] =	vst v5;
	v5 =	vld [tilespmem:s26+$0x7120]  }
0xd5: {  	v6 =	vld [tilespmem:s24+$0xFFFFFFE0];
	_ =	sdelay $0x4  }
0xd6: {  	v5 =	vmax.f32 v5, v6  }
0xd7: {  	[tilespmem:s26+$0x7120] =	vst v5;
	v5 =	vld [tilespmem:s26+$0x7130]  }
0xd8: {  	v6 =	vld [tilespmem:s24+$0xFFFFFFF0];
	_ =	sdelay $0x4  }
0xd9: {  	v5 =	vmax.f32 v5, v6  }
0xda: {  	[tilespmem:s26+$0x7130] =	vst v5;
	v5 =	vld [tilespmem:s26+$0x7140]  }
0xdb: {  	v6 =	vld [tilespmem:s24+$0x0];
	_ =	sdelay $0x4  }
0xdc: {  	v5 =	vmax.f32 v5, v6  }
0xdd: {  	[tilespmem:s26+$0x7140] =	vst v5;
	v5 =	vld [tilespmem:s26+$0x7150]  }
0xde: {  	v6 =	vld [tilespmem:s24+$0x10];
	_ =	sdelay $0x4  }
0xdf: {  	v5 =	vmax.f32 v5, v6  }
0xe0: {  	[tilespmem:s26+$0x7150] =	vst v5;
	v5 =	vld [tilespmem:s26+$0x7160]  }
0xe1: {  	v6 =	vld [tilespmem:s24+$0x20];
	_ =	sdelay $0x4  }
0xe2: {  	v5 =	vmax.f32 v5, v6  }
0xe3: {  	[tilespmem:s26+$0x7160] =	vst v5;
	v6 =	vld [tilespmem:s26+$0x7170]  }
0xe4: {  	v7 =	vld [tilespmem:s24+$0x30]  }
.Ltmp13:
0xe5: {  	s28 =	sadd.s32 s28, s20;
	(pc) =	sbr.rel @p1 .LBB2_18-.Ltmp13, $2  }
0xe6: {  	v5 =	vmov s28;
	_ =	sdelay $0x2  }
0xe7: {  	v6 =	vmax.f32 v6, v7  }
.Ltmp14:
0xe8: {  	_ = 	snop;
	(pc) =	sbr.rel .LBB2_19-.Ltmp14, $1  }
0xe9: {  	_ =	sdelay $0x3  }
.LBB2_17:
.Ltmp15:
0xea: {  	(pc) =	sbr.rel .LBB2_19-.Ltmp15, $2  }
0xeb: {  	_ =	sdelay $0x2  }
0xec: {  	s24 =	simm.s32 $0x3140  }
.LBB2_11:
0xed: {  	_ =	sfence.sel $0x180000  }
0xee: {  	[bflag:$0x0] =	sbarrier.arrive $0xFFFF  }
0xef: {  	p0 =	sne.s32 s0, $0x0;
	_ =	strace $0x90000050  }
0xf0: {  	s0 =	sadd.s32 @!p0 $0x100000, s1;
	[bflag:$0x2] =	sbarrier.arrive $0xFFFF  }
0xf1: {  	[sflag:s0] =	ssyncadd.tile.s32 @!p0 $0x1;
	_ =	shalt  }
.Lfunc_end2:
_tile_overlayer_lowered:
.L_overlay_start_2:
0xf2: {  	(tag) =	ssettag $0x2  }
0xf3: {  	s0 =	rddreg [dreg:$0x0];
	s2 =	stileid.u32  }
0xf4: {  	s1 =	rddreg [dreg:$0x1];
	p0 =	sne.s32 s2, $0x0  }
0xf5: {  	s3 =	rddreg [dreg:$0x2];
	[bflag:$0x3] =	sbarrier.arrive $0xFFFF;
	s2 =	simm.s32 @!p0 $0x1C02  }
0xf6: {  	[timem:s3], [sflag:s2] =	dma.local @!p0 [hbm:s0], s1  }
0xf7: {  	s0 =	simm.s32 @!p0 $0x2  }
0xf8: {  	_ =	swait.ge @!p0 [sflag:s0], s1  }
0xf9: {  	s1 =	ssub.s32 @!p0 $0x0, s1;
	[sflag:s0] =	ssyncset.done @!p0 $0x0  }
0xfa: {  	[sflag:s0] =	ssyncadd.s32 @!p0 s1  }
0xfb: {  	[bflag:$0x3] =	sbarrier.arrive $0xFFFF  }
0xfc: {  	_ =	shalt  }

// kernel: kernel.25.cloned.1.call-start
scs
__scs_entry_jumppad:
0x0: {  	(pc) =	sbr.rel $0x88, $3  }
0x1: {  	(tag) =	ssettag $0x0;
	lr =	simm.s32 $0x1  }
0x2: {  	[smem:$0x3F8B] =	sst lr;
	_ =	strace $0xD0000000  }
0x3: {  	_ = 	snop  }
0x4: {  	_ = 	snop  }
0x5: {  	_ = 	snop  }
0x6: {  	_ = 	snop  }
0x7: {  	_ = 	snop  }
__scs_overlays_trampoline_lowered:
0x8: {  	[smem:$0x3F9A] =	sst s0  }
0x9: {  	[smem:$0x3F9B] =	sst s1  }
0xa: {  	[smem:$0x3F9C] =	sst s2  }
0xb: {  	[smem:$0x3F9D] =	sst s3  }
0xc: {  	[smem:$0x3F9E] =	sst s4  }
0xd: {  	[smem:$0x3F9F] =	sst s5  }
0xe: {  	[smem:$0x3FA0] =	sst s6  }
0xf: {  	[smem:$0x3FA1] =	sst s7  }
0x10: {  	[smem:$0x3FA2] =	sst s8  }
0x11: {  	[smem:$0x3FA3] =	sst s9;
	s0 =	simm.s32 @!p0 $0x0  }
0x12: {  	s1 =	sld [smem:$0x3F89];
	s0 =	simm.s32 @p0 $0x1  }
0x13: {  	[smem:$0x3FA4] =	sst s0;
	s0 =	simm.s32 @!p1 $0x0  }
0x14: {  	s2 =	sld [smem:$0x3F88];
	s0 =	simm.s32 @p1 $0x1  }
0x15: {  	[smem:$0x3FA5] =	sst s0;
	s0 =	simm.s32 @!p2 $0x0  }
0x16: {  	s3 =	sld [smem:$0x3FDB];
	s0 =	simm.s32 @p2 $0x1  }
0x17: {  	s4 =	simm.s32 $0x1BF5;
	[smem:$0x3FA7] =	sst s0  }
0x18: {  	s0 =	sld [smem:$0x3F8A];
	_ =	swait.ge [sflag:s4], $0x0  }
0x19: {  	s7 =	sld [smem:$0x3F8B]  }
0x1a: {  	s8 =	sadd.s32 $0xFFFFE003, lr  }
0x1b: {  	s9 =	sadd.s32 $0xFFFFFEF7, lr;
	s5 =	simm.s32 $0xFFFFFFFF;
	p2 =	slt.u32 s8, $0xFFFFF086  }
0x1c: {  	p1 =	slt.u32 s9, $0xF7A;
	s5 =	simm.s32 @!p2 $0x0  }
0x1d: {  	s5 =	simm.s32 @p1 $0x1;
	p0 =	seq.s32 s7, s2  }
0x1e: {  	s7 =	smul.u32 @!p0 $0xF7A, s2;
	p2 =	seq.s32 @!p0 s5, $0x0  }
0x1f: {  	s9 =	smul.u32 $0xF7A, s1;
	s8 =	simm.s32 @!p0 $0x1BF5;
	p2 =	por !p2, p0  }
0x20: {  	[sflag:s8] =	ssyncset.s32 @!p0 $0xFFFFF086;
	s6 =	sadd.s32 @!p0 s3, s7;
	s7 =	simm.s32 @!p0 $0x108  }
0x21: {  	s3 =	sadd.s32 s3, s9;
	s6 =	sadd.s32 @!p0 $0x88, s6;
	s7 =	simm.s32 @p2 $0x1082  }
0x22: {  	[simem:s7], [sflag:s8] =	dma.local @!p0 [hbm:s6], $0xF7A  }
0x23: {  	s9 =	sor.u32 $0xD0000000, s2;
	s6 =	simm.s32 $0x108;
	_ =	swait.ge @!p0 [sflag:s8], $0x0  }
0x24: {  	s3 =	sadd.s32 $0x88, s3;
	s6 =	simm.s32 @!p1 $0x1082;
	[sflag:s4] =	ssyncset.s32 $0xFFFFF086  }
0x25: {  	[simem:s6], [sflag:s4] =	dma.local [hbm:s3], $0xF7A  }
0x26: {  	[smem:$0x3F8B] =	sst s1;
	(tag) =	ssettag s2;
	_ =	strace s9  }
0x27: {  	s1 =	sld [smem:$0x3F9B]  }
0x28: {  	s2 =	sld [smem:$0x3F9C]  }
0x29: {  	s4 =	sld [smem:$0x3F9E]  }
0x2a: {  	p0 =	seq.s32 s5, $0x0;
	s5 =	sld [smem:$0x3F9F]  }
0x2b: {  	s6 =	sld [smem:$0x3FA0]  }
0x2c: {  	s7 =	sld [smem:$0x3FA1]  }
0x2d: {  	s3 =	simm.s32 $0x108;
	s8 =	sld [smem:$0x3FA2]  }
0x2e: {  	s3 =	simm.s32 @!p0 $0x1082;
	s9 =	sld [smem:$0x3FA3]  }
0x2f: {  	lr =	sadd.s32 s0, s3;
	s0 =	sld [smem:$0x3F9A]  }
0x30: {  	s3 =	sld [smem:$0x3F9D]  }
0x31: {  	[smem:$0x3FA6] =	sst s10  }
0x32: {  	s10 =	sld [smem:$0x3FA4];
	_ =	sdelay $0x3  }
0x33: {  	p0 =	seq.s32 s10, $0x1;
	s10 =	sld [smem:$0x3FA6];
	_ =	sdelay $0x3  }
0x34: {  	[smem:$0x3FA6] =	sst s10  }
0x35: {  	s10 =	sld [smem:$0x3FA5];
	_ =	sdelay $0x3  }
0x36: {  	p1 =	seq.s32 s10, $0x1;
	s10 =	sld [smem:$0x3FA6];
	_ =	sdelay $0x3  }
0x37: {  	[smem:$0x3FA6] =	sst s10  }
0x38: {  	s10 =	sld [smem:$0x3FA7]  }
0x39: {  	_ = 	snop;
	(pc) =	sbr.ind lr, $3  }
0x3a: {  	_ = 	snop  }
0x3b: {  	_ = 	snop  }
0x3c: {  	p2 =	seq.s32 s10, $0x1;
	s10 =	sld [smem:$0x3FA6]  }
0x3d: {  	_ =	shalt  }
0x3e: {  	_ =	shalt  }
0x3f: {  	_ =	shalt  }
0x40: {  	_ =	shalt  }
0x41: {  	_ =	shalt  }
0x42: {  	_ =	shalt  }
0x43: {  	_ =	shalt  }
0x44: {  	_ =	shalt  }
0x45: {  	_ =	shalt  }
0x46: {  	_ =	shalt  }
0x47: {  	_ =	shalt  }
0x48: {  	_ =	shalt  }
0x49: {  	_ =	shalt  }
0x4a: {  	_ =	shalt  }
0x4b: {  	_ =	shalt  }
0x4c: {  	_ =	shalt  }
0x4d: {  	_ =	shalt  }
0x4e: {  	_ =	shalt  }
0x4f: {  	_ =	shalt  }
0x50: {  	_ =	shalt  }
0x51: {  	_ =	shalt  }
0x52: {  	_ =	shalt  }
0x53: {  	_ =	shalt  }
0x54: {  	_ =	shalt  }
0x55: {  	_ =	shalt  }
0x56: {  	_ =	shalt  }
0x57: {  	_ =	shalt  }
0x58: {  	_ =	shalt  }
0x59: {  	_ =	shalt  }
0x5a: {  	_ =	shalt  }
0x5b: {  	_ =	shalt  }
0x5c: {  	_ =	shalt  }
0x5d: {  	_ =	shalt  }
0x5e: {  	_ =	shalt  }
0x5f: {  	_ =	shalt  }
0x60: {  	_ =	shalt  }
0x61: {  	_ =	shalt  }
0x62: {  	_ =	shalt  }
0x63: {  	_ =	shalt  }
0x64: {  	_ =	shalt  }
0x65: {  	_ =	shalt  }
0x66: {  	_ =	shalt  }
0x67: {  	_ =	shalt  }
0x68: {  	_ =	shalt  }
0x69: {  	_ =	shalt  }
0x6a: {  	_ =	shalt  }
0x6b: {  	_ =	shalt  }
0x6c: {  	_ =	shalt  }
0x6d: {  	_ =	shalt  }
0x6e: {  	_ =	shalt  }
0x6f: {  	_ =	shalt  }
0x70: {  	_ =	shalt  }
0x71: {  	_ =	shalt  }
0x72: {  	_ =	shalt  }
0x73: {  	_ =	shalt  }
0x74: {  	_ =	shalt  }
0x75: {  	_ =	shalt  }
0x76: {  	_ =	shalt  }
0x77: {  	_ =	shalt  }
0x78: {  	_ =	shalt  }
0x79: {  	_ =	shalt  }
0x7a: {  	_ =	shalt  }
0x7b: {  	_ =	shalt  }
0x7c: {  	_ =	shalt  }
0x7d: {  	_ =	shalt  }
0x7e: {  	_ =	shalt  }
0x7f: {  	_ =	shalt  }
0x80: {  	_ =	shalt  }
0x81: {  	_ =	shalt  }
0x82: {  	_ =	shalt  }
0x83: {  	_ =	shalt  }
0x84: {  	_ =	shalt  }
0x85: {  	_ =	shalt  }
0x86: {  	_ =	shalt  }
0x87: {  	_ =	shalt  }
.Lfunc_end0:
.L_simem_size_0:
called_computation.4_lowered:
.L_overlay_start_0:
0x88: {  	s2 =	sld [smem:$0x3FD9]  }
0x89: {  	s3 =	sld [smem:$0x3FFE];
	_ =	sdelay $0x1  }
0x8a: {  	s1 =	srdreg.scid  }
0x8b: {  	s0 =	sand.u32 $0x1, s1  }
0x8c: {  	s16 =	sshll.u32 s0, $0xA;
	s2 =	sadd.s32 s3, s2  }
0x8d: {  	s2 =	sadd.s32 s2, s16  }
0x8e: {  	[smem:$0x3FB2] =	sst s2  }
0x8f: {  	_ = 	snop  }
0x90: {  	(tm) =	ssettm $0x1  }
0x91: {  	s17 =	sld [smem:$0x3FFB];
	_ =	sdelay $0x3  }
0x92: {  	_ =	strace s17  }
0x93: {  	s2 =	sld [smem:$0x3FFC];
	_ =	sdelay $0x3  }
0x94: {  	_ =	strace s2  }
0x95: {  	s2 =	sld [smem:$0x3FFD];
	_ =	sdelay $0x3  }
0x96: {  	_ =	strace s2  }
0x97: {  	_ =	strace $0x8FFFFFFF  }
0x98: {  	s18 =	sld [smem:$0x3FDB];
	_ =	sdelay $0x1  }
0x99: {  	s19 =	simm.s32 $_scs_section_size  }
0x9a: {  	s4 =	simm.s32 $_size__tile_overlayer_lowered;
	s5 =	simm.s32 $_tile_overlayer_lowered  }
0x9b: {  	s22 =	simm.s32 $0x1BFF;
	s21 =	sshll.u32 s5, $0x1;
	s2 =	sadd.s32 s19, s18  }
0x9c: {  	s6 =	simm.s32 $0x0;
	s20 =	sshll.u32 s4, $0x1;
	s4 =	sadd.s32 s21, s2  }
0x9d: {  	[timem:s6], [sflag:s22] =	dma.local [hbm:s4], s20  }
0x9e: {  	_ =	swait.ge [sflag:s22], s20  }
0x9f: {  	s3 =	ssub.s32 $0x0, s20;
	[sflag:s22] =	ssyncset.done $0x0  }
0xa0: {  	[sflag:s22] =	ssyncadd.s32 s3;
	_ =	sdelay $0x1  }
0xa1: {  	s23 =	simm.s32 $0x1B8B  }
0xa2: {  	_ =	swait.ge [sflag:s23], $0x1  }
0xa3: {  	[sflag:s23] =	ssyncset.done $0x0  }
0xa4: {  	s25 =	simm.s32 $0x1B8E;
	s24 =	sld [smem:$0x3FFE];
	[sflag:s23] =	ssyncadd.s32 $0xFFFFFFFF  }
0xa5: {  	s26 =	simm.s32 $execute0_lowered;
	[smem:$0x3FD2] =	sst s25  }
0xa6: {  	s4 =	sshll.u32 s26, $0x1;
	_ =	strace $0x80000052;
	[dreg:$0x1] =	wrdreg $0xFFFFFFFF  }
0xa7: {  	s28 =	simm.s32 $_size_execute0_lowered;
	s2 =	sadd.s32 s2, s4;
	[dreg:$0x0] =	wrdreg $0x0  }
0xa8: {  	s4 =	sshll.u32 s28, $0x1;
	[dreg:$0x2] =	wrdreg s2  }
0xa9: {  	[dreg:$0x3] =	wrdreg s4  }
0xaa: {  	[dreg:$0x4] =	wrdreg $0xC0  }
0xab: {  	_ =	task [dreg:s6], $0x5FFFF  }
0xac: {  	[dreg:$0x1] =	wrdreg $0xFFFFFFFF  }
0xad: {  	[dreg:$0x0] =	wrdreg $0x60  }
0xae: {  	[dreg:$0x2] =	wrdreg s24  }
0xaf: {  	[dreg:$0x3] =	wrdreg $0x9  }
0xb0: {  	_ =	task.clear_ibuf [dreg:s6], $0x4FFFF;
	_ =	strace $0x90000052  }
0xb1: {  	s29 =	simm.s32 $0x9;
	_ =	strace $0x80000054  }
0xb2: {  	_ =	swait.ge [sflag:s29], $0x1  }
0xb3: {  	[sflag:s29] =	ssyncadd.s32 $0xFFFFFFFF  }
0xb4: {  	_ =	strace $0x90000054  }
0xb5: {  	_ =	sfence  }
0xb6: {  	s30 =	sld [smem:$0x0];
	_ =	sdelay $0x2  }
0xb7: {  	s31 =	sshll.u32 s1, $0xD;
	s1 =	sshrl.u32 s1, $0x2  }
0xb8: {  	s3 =	sand.u32 $0x4000, s31;
	s1 =	sadd.s32 s1, s30  }
0xb9: {  	s0 =	sor.u32 s3, s0;
	s1 =	sshll.u32 s1, $0x11  }
0xba: {  	s0 =	sor.u32 s1, s0  }
0xbb: {  	s0 =	sadd.s32 $0x8F2B, s0  }
0xbc: {  	[sflag:s0] =	ssyncadd.remote.s32 $0x1  }
0xbd: {  	_ =	sfence.sel $0xFFFF  }
0xbe: {  	[dreg:$0x0] =	wrdreg $0xFFFFFFFF;
	(pc) =	sbr.abs _section_cstart, $3  }
0xbf: {  	[dreg:$0x1] =	wrdreg $0xFFFFFFFF  }
0xc0: {  	_ =	task.clear_ibuf [dreg:s6], $0x2FFFF;
	_ =	strace $0x9FFFFFFF  }
0xc1: {  	(tm) =	ssettm $0x7FFFFFFF  }
tec
execute0_lowered:
.L_overlay_start_1:
0x0: {  	(tag) =	ssettag $0x1  }
0x1: {  	s4 =	rddreg [dreg:$0x0]  }
0x2: {  	s0 =	rddreg [dreg:$0x1];
	s3 =	srdreg.scid  }
0x3: {  	s1 =	stileid.u32;
	s2 =	simm.s32 $0x0;
	s11 =	simm.s32 $0x200  }
0x4: {  	s12 =	simm.s32 $0x4200;
	s13 =	simm.s32 $0x100;
	s14 =	simm.s32 $0x8200  }
0x5: {  	s15 =	simm.s32 $0x180;
	s16 =	simm.s32 $0xC200;
	s6 =	smul.u32 $0x2800, s1  }
0x6: {  	s17 =	simm.s32 $0x1;
	s5 =	sand.u32 $0x1, s3;
	s8 =	smul.u32 $0x28000, s1  }
0x7: {  	s18 =	simm.s32 $0x0;
	[smem:$0x7FF] =	sst s2;
	s7 =	smul.u32 $0x1400, s5  }
0x8: {  	s3 =	sadd.s32 $0x64800, s4;
	s29 =	ssub.s32 $0x2, s5;
	s5 =	smul.u32 $0x14000, s5  }
0x9: {  	_ =	strace $0x80000053;
	s8 =	sadd.s32 s8, s4;
	s9 =	sshrl.u32 s29, $0x1  }
0xa: {  	s6 =	sadd.s32 s7, s6;
	s30 =	ssub.s32 s29, s9;
	s31 =	sadd.s32 s5, s8  }
0xb: {  	s9 =	simm.s32 $0x2;
	s6 =	sshrl.u32 s6, $0x3;
	s5 =	sadd.s32 $0x8C800, s31  }
0xc: {  	s7 =	sadd.s32 $0x30C800, s31;
	s10 =	sadd.s32 s6, s4;
	s4 =	smax.u32 s30, $0x1  }
0xd: {  	s6 =	sadd.s32 $0x5800, s10;
	s8 =	sadd.s32 $0xF800, s10;
	s10 =	simm.s32 $0x80  }
.LBB2_1:
0xe: {  	s19 =	sadd.s32 $0x0, s6  }
0xf: {  	[tilespmem:s2], [sflag:$0x2] =	stream.linear.gather [hbm4b:s19+s2], $0x200, $0x38;
	[tilespmem:$0x10200] =	vst v63  }
0x10: {  	_ =	swait.ge [sflag:s9], $0x200  }
0x11: {  	[sflag:s9] =	ssyncset.done $0x0  }
0x12: {  	[sflag:s9] =	ssyncadd.s32 $0xFFFFFE00  }
0x13: {  	[tilespmem:s11], [sflag:$0x1] =	stream.indirect.gather [hbm4b:s3+s10], $0x80, s2, s10, $0xb8;
	[tilespmem:$0x10200] =	vst v63  }
0x14: {  	_ = 	snop  }
0x15: {  	[tilespmem:s12], [sflag:$0x1] =	stream.indirect.gather [hbm4b:s3+s10], $0x80, s10, s10, $0xb8;
	[tilespmem:$0x10200] =	vst v63  }
0x16: {  	_ = 	snop  }
0x17: {  	[tilespmem:s14], [sflag:$0x1] =	stream.indirect.gather [hbm4b:s3+s10], $0x80, s13, s10, $0xb8;
	[tilespmem:$0x10200] =	vst v63  }
0x18: {  	_ = 	snop  }
0x19: {  	[tilespmem:s16], [sflag:$0x1] =	stream.indirect.gather [hbm4b:s3+s10], $0x80, s15, s10, $0xb8;
	[tilespmem:$0x10200] =	vst v63  }
0x1a: {  	_ =	swait.ge [sflag:s17], $0x4000  }
0x1b: {  	[sflag:s17] =	ssyncset.done $0x0  }
0x1c: {  	[sflag:s17] =	ssyncadd.s32 $0xFFFFC000  }
0x1d: {  	_ =	swait.ge [sflag:s17], $0x4000  }
0x1e: {  	[sflag:s17] =	ssyncset.done $0x0  }
0x1f: {  	[sflag:s17] =	ssyncadd.s32 $0xFFFFC000  }
0x20: {  	_ =	swait.ge [sflag:s17], $0x4000  }
0x21: {  	[sflag:s17] =	ssyncset.done $0x0  }
0x22: {  	[sflag:s17] =	ssyncadd.s32 $0xFFFFC000  }
0x23: {  	_ =	swait.ge [sflag:s17], $0x4000  }
0x24: {  	[sflag:s17] =	ssyncset.done $0x0  }
0x25: {  	[sflag:s17] =	ssyncadd.s32 $0xFFFFC000  }
0x26: {  	[hbm4b:s5+s2] =	stream.linear.scatter [tilespmem:s11], [sflag:$0x2], $0x10000, $0x38;
	[tilespmem:$0x10200] =	vst v63  }
0x27: {  	s22 =	sadd.s32 $0x40, s6;
	_ =	swait.ge [sflag:s9], $0x10000  }
0x28: {  	s20 =	simm.s32 $0x80;
	s19 =	sadd.s32 $0x2000, s5;
	[sflag:s9] =	ssyncset.done $0x0  }
.LBB2_2:
0x29: {  	s23 =	sadd.s32 s20, s6;
	s21 =	simm.s32 $0x0;
	[sflag:s9] =	ssyncadd.s32 $0xFFFF0000  }
0x2a: {  	[tilespmem:s21], [sflag:$0x2] =	stream.linear.gather [hbm4b:s22+s21], $0x200, $0x38;
	[tilespmem:$0x10200] =	vst v63  }
0x2b: {  	p0 =	sne.s32 s20, $0x240;
	s20 =	sadd.s32 $0x40, s20;
	_ =	swait.ge [sflag:s9], $0x200  }
0x2c: {  	s22 =	smov.u32 s23;
	[sflag:s9] =	ssyncset.done $0x0  }
0x2d: {  	[sflag:s9] =	ssyncadd.s32 $0xFFFFFE00  }
0x2e: {  	[tilespmem:s11], [sflag:$0x1] =	stream.indirect.gather [hbm4b:s3+s10], $0x80, s21, s10, $0xb8;
	[tilespmem:$0x10200] =	vst v63  }
0x2f: {  	_ = 	snop  }
0x30: {  	[tilespmem:s12], [sflag:$0x1] =	stream.indirect.gather [hbm4b:s3+s10], $0x80, s10, s10, $0xb8;
	[tilespmem:$0x10200] =	vst v63  }
0x31: {  	_ = 	snop  }
0x32: {  	[tilespmem:s14], [sflag:$0x1] =	stream.indirect.gather [hbm4b:s3+s10], $0x80, s13, s10, $0xb8;
	[tilespmem:$0x10200] =	vst v63  }
0x33: {  	_ = 	snop  }
0x34: {  	[tilespmem:s16], [sflag:$0x1] =	stream.indirect.gather [hbm4b:s3+s10], $0x80, s15, s10, $0xb8;
	[tilespmem:$0x10200] =	vst v63  }
0x35: {  	_ =	swait.ge [sflag:s17], $0x4000  }
0x36: {  	[sflag:s17] =	ssyncset.done $0x0  }
0x37: {  	[sflag:s17] =	ssyncadd.s32 $0xFFFFC000  }
0x38: {  	_ =	swait.ge [sflag:s17], $0x4000  }
0x39: {  	[sflag:s17] =	ssyncset.done $0x0  }
0x3a: {  	[sflag:s17] =	ssyncadd.s32 $0xFFFFC000  }
0x3b: {  	_ =	swait.ge [sflag:s17], $0x4000  }
0x3c: {  	[sflag:s17] =	ssyncset.done $0x0  }
0x3d: {  	[sflag:s17] =	ssyncadd.s32 $0xFFFFC000  }
0x3e: {  	_ =	swait.ge [sflag:s17], $0x4000  }
.Ltmp0:
0x3f: {  	[sflag:s17] =	ssyncset.done $0x0;
	(pc) =	sbr.rel @p0 .LBB2_2-.Ltmp0, $4  }
0x40: {  	[sflag:s17] =	ssyncadd.s32 $0xFFFFC000  }
0x41: {  	[hbm4b:s19+s21] =	stream.linear.scatter [tilespmem:s11], [sflag:$0x2], $0x10000, $0x38;
	[tilespmem:$0x10200] =	vst v63  }
0x42: {  	_ =	swait.ge [sflag:s9], $0x10000  }
0x43: {  	s19 =	sadd.s32 $0x2000, s19;
	[sflag:s9] =	ssyncset.done $0x0  }
0x44: {  	[sflag:s9] =	ssyncadd.s32 $0xFFFF0000  }
0x45: {  	[tilespmem:s21], [sflag:$0x2] =	stream.linear.gather [hbm4b:s22+s21], $0x200, $0x38;
	[tilespmem:$0x10200] =	vst v63  }
0x46: {  	_ =	swait.ge [sflag:s9], $0x200  }
0x47: {  	[sflag:s9] =	ssyncset.done $0x0  }
0x48: {  	[sflag:s9] =	ssyncadd.s32 $0xFFFFFE00  }
0x49: {  	[tilespmem:s11], [sflag:$0x1] =	stream.indirect.gather [hbm4b:s3+s10], $0x80, s21, s10, $0xb8;
	[tilespmem:$0x10200] =	vst v63  }
0x4a: {  	_ = 	snop  }
0x4b: {  	[tilespmem:s12], [sflag:$0x1] =	stream.indirect.gather [hbm4b:s3+s10], $0x80, s10, s10, $0xb8;
	[tilespmem:$0x10200] =	vst v63  }
0x4c: {  	_ = 	snop  }
0x4d: {  	[tilespmem:s14], [sflag:$0x1] =	stream.indirect.gather [hbm4b:s3+s10], $0x80, s13, s10, $0xb8;
	[tilespmem:$0x10200] =	vst v63  }
0x4e: {  	_ = 	snop  }
0x4f: {  	[tilespmem:s16], [sflag:$0x1] =	stream.indirect.gather [hbm4b:s3+s10], $0x80, s15, s10, $0xb8;
	[tilespmem:$0x10200] =	vst v63  }
0x50: {  	_ =	swait.ge [sflag:s17], $0x4000  }
0x51: {  	[sflag:s17] =	ssyncset.done $0x0  }
0x52: {  	[sflag:s17] =	ssyncadd.s32 $0xFFFFC000  }
0x53: {  	_ =	swait.ge [sflag:s17], $0x4000  }
0x54: {  	[sflag:s17] =	ssyncset.done $0x0  }
0x55: {  	[sflag:s17] =	ssyncadd.s32 $0xFFFFC000  }
0x56: {  	_ =	swait.ge [sflag:s17], $0x4000  }
0x57: {  	[sflag:s17] =	ssyncset.done $0x0  }
0x58: {  	[sflag:s17] =	ssyncadd.s32 $0xFFFFC000  }
0x59: {  	_ =	swait.ge [sflag:s17], $0x4000  }
0x5a: {  	p1 =	por $0x1, $0x1;
	[sflag:s17] =	ssyncset.done $0x0  }
.Ltmp1:
0x5b: {  	[sflag:s17] =	ssyncadd.s32 $0xFFFFC000;
	(pc) =	sbr.rel @!p1 .LBB2_8-.Ltmp1, $4  }
0x5c: {  	[hbm4b:s19+s21] =	stream.linear.scatter [tilespmem:s11], [sflag:$0x2], $0x10000, $0x38;
	[tilespmem:$0x10200] =	vst v63  }
0x5d: {  	_ =	swait.ge [sflag:s9], $0x10000  }
0x5e: {  	p0 =	por $0x0, $0x0;
	[sflag:s9] =	ssyncset.done $0x0  }
0x5f: {  	s20 =	smov.u32 s7;
	s19 =	simm.s32 $0x40;
	[sflag:s9] =	ssyncadd.s32 $0xFFFF0000  }
0x60: {  	s20 =	sadd.s32 $0x0, s8  }
0x61: {  	[tilespmem:s2], [sflag:$0x2] =	stream.linear.gather [hbm4b:s20+s2], $0x200, $0x38;
	[tilespmem:$0x10200] =	vst v63  }
0x62: {  	_ =	swait.ge [sflag:s9], $0x200  }
0x63: {  	[sflag:s9] =	ssyncset.done $0x0  }
0x64: {  	[sflag:s9] =	ssyncadd.s32 $0xFFFFFE00  }
0x65: {  	[tilespmem:s11], [sflag:$0x1] =	stream.indirect.gather [hbm4b:s3+s10], $0x80, s2, s10, $0xb8;
	[tilespmem:$0x10200] =	vst v63  }
0x66: {  	_ = 	snop  }
0x67: {  	[tilespmem:s12], [sflag:$0x1] =	stream.indirect.gather [hbm4b:s3+s10], $0x80, s10, s10, $0xb8;
	[tilespmem:$0x10200] =	vst v63  }
0x68: {  	_ = 	snop  }
0x69: {  	[tilespmem:s14], [sflag:$0x1] =	stream.indirect.gather [hbm4b:s3+s10], $0x80, s13, s10, $0xb8;
	[tilespmem:$0x10200] =	vst v63  }
0x6a: {  	_ = 	snop  }
0x6b: {  	[tilespmem:s16], [sflag:$0x1] =	stream.indirect.gather [hbm4b:s3+s10], $0x80, s15, s10, $0xb8;
	[tilespmem:$0x10200] =	vst v63  }
0x6c: {  	_ =	swait.ge [sflag:s17], $0x4000  }
0x6d: {  	[sflag:s17] =	ssyncset.done $0x0  }
0x6e: {  	[sflag:s17] =	ssyncadd.s32 $0xFFFFC000  }
0x6f: {  	_ =	swait.ge [sflag:s17], $0x4000  }
0x70: {  	[sflag:s17] =	ssyncset.done $0x0  }
0x71: {  	[sflag:s17] =	ssyncadd.s32 $0xFFFFC000  }
0x72: {  	_ =	swait.ge [sflag:s17], $0x4000  }
0x73: {  	[sflag:s17] =	ssyncset.done $0x0  }
0x74: {  	[sflag:s17] =	ssyncadd.s32 $0xFFFFC000  }
0x75: {  	p1 =	por $0x1, $0x1;
	_ =	swait.ge [sflag:s17], $0x4000  }
.Ltmp2:
0x76: {  	[sflag:s17] =	ssyncset.done $0x0;
	(pc) =	sbr.rel @!p1 .LBB2_5-.Ltmp2, $4  }
0x77: {  	[sflag:s17] =	ssyncadd.s32 $0xFFFFC000  }
0x78: {  	[hbm4b:s7+s2] =	stream.linear.scatter [tilespmem:s11], [sflag:$0x2], $0x10000, $0x38;
	[tilespmem:$0x10200] =	vst v63  }
0x79: {  	s21 =	simm.s32 $0x80;
	_ =	swait.ge [sflag:s9], $0x10000  }
0x7a: {  	p0 =	por $0x1, $0x1;
	s20 =	sadd.s32 $0x2000, s7;
	[sflag:s9] =	ssyncset.done $0x0  }
.LBB2_6:
0x7b: {  	s22 =	sadd.s32 s19, s8  }
0x7c: {  	[sflag:s9] =	ssyncadd.s32 $0xFFFF0000;
	s19 =	smov.u32 s21;
	s23 =	sadd.s32 $0x40, s21  }
0x7d: {  	[tilespmem:s2], [sflag:$0x2] =	stream.linear.gather [hbm4b:s22+s2], $0x200, $0x38;
	[tilespmem:$0x10200] =	vst v63  }
0x7e: {  	p1 =	sne.s32 s21, $0x240;
	_ =	swait.ge [sflag:s9], $0x200  }
0x7f: {  	[sflag:s9] =	ssyncset.done $0x0  }
0x80: {  	[sflag:s9] =	ssyncadd.s32 $0xFFFFFE00  }
0x81: {  	[tilespmem:s11], [sflag:$0x1] =	stream.indirect.gather [hbm4b:s3+s10], $0x80, s2, s10, $0xb8;
	[tilespmem:$0x10200] =	vst v63  }
0x82: {  	_ = 	snop  }
0x83: {  	[tilespmem:s12], [sflag:$0x1] =	stream.indirect.gather [hbm4b:s3+s10], $0x80, s10, s10, $0xb8;
	[tilespmem:$0x10200] =	vst v63  }
0x84: {  	_ = 	snop  }
0x85: {  	[tilespmem:s14], [sflag:$0x1] =	stream.indirect.gather [hbm4b:s3+s10], $0x80, s13, s10, $0xb8;
	[tilespmem:$0x10200] =	vst v63  }
0x86: {  	_ = 	snop  }
0x87: {  	[tilespmem:s16], [sflag:$0x1] =	stream.indirect.gather [hbm4b:s3+s10], $0x80, s15, s10, $0xb8;
	[tilespmem:$0x10200] =	vst v63  }
0x88: {  	_ =	swait.ge [sflag:s17], $0x4000  }
0x89: {  	[sflag:s17] =	ssyncset.done $0x0  }
0x8a: {  	[sflag:s17] =	ssyncadd.s32 $0xFFFFC000  }
0x8b: {  	_ =	swait.ge [sflag:s17], $0x4000  }
0x8c: {  	[sflag:s17] =	ssyncset.done $0x0  }
0x8d: {  	[sflag:s17] =	ssyncadd.s32 $0xFFFFC000  }
0x8e: {  	_ =	swait.ge [sflag:s17], $0x4000  }
0x8f: {  	[sflag:s17] =	ssyncset.done $0x0  }
0x90: {  	[sflag:s17] =	ssyncadd.s32 $0xFFFFC000  }
0x91: {  	_ =	swait.ge [sflag:s17], $0x4000  }
.Ltmp3:
0x92: {  	[sflag:s17] =	ssyncset.done $0x0;
	(pc) =	sbr.rel @p1 .LBB2_6-.Ltmp3, $4  }
0x93: {  	[sflag:s17] =	ssyncadd.s32 $0xFFFFC000  }
0x94: {  	[hbm4b:s20+s2] =	stream.linear.scatter [tilespmem:s11], [sflag:$0x2], $0x10000, $0x38;
	[tilespmem:$0x10200] =	vst v63  }
0x95: {  	_ =	swait.ge [sflag:s9], $0x10000  }
0x96: {  	s21 =	smov.u32 s23;
	s20 =	sadd.s32 $0x2000, s20;
	[sflag:s9] =	ssyncset.done $0x0  }
0x97: {  	s21 =	smov.u32 s19  }
.LBB2_8:
0x98: {  	s19 =	sadd.s32 s21, s8;
	[sflag:s9] =	ssyncadd.s32 @p0 $0xFFFF0000  }
0x99: {  	[tilespmem:s2], [sflag:$0x2] =	stream.linear.gather [hbm4b:s19+s2], $0x200, $0x38;
	[tilespmem:$0x10200] =	vst v63  }
0x9a: {  	_ =	swait.ge [sflag:s9], $0x200  }
0x9b: {  	[sflag:s9] =	ssyncset.done $0x0  }
0x9c: {  	[sflag:s9] =	ssyncadd.s32 $0xFFFFFE00  }
0x9d: {  	[tilespmem:s11], [sflag:$0x1] =	stream.indirect.gather [hbm4b:s3+s10], $0x80, s2, s10, $0xb8;
	[tilespmem:$0x10200] =	vst v63  }
0x9e: {  	_ = 	snop  }
0x9f: {  	[tilespmem:s12], [sflag:$0x1] =	stream.indirect.gather [hbm4b:s3+s10], $0x80, s10, s10, $0xb8;
	[tilespmem:$0x10200] =	vst v63  }
0xa0: {  	_ = 	snop  }
0xa1: {  	[tilespmem:s14], [sflag:$0x1] =	stream.indirect.gather [hbm4b:s3+s10], $0x80, s13, s10, $0xb8;
	[tilespmem:$0x10200] =	vst v63  }
0xa2: {  	_ = 	snop  }
0xa3: {  	[tilespmem:s16], [sflag:$0x1] =	stream.indirect.gather [hbm4b:s3+s10], $0x80, s15, s10, $0xb8;
	[tilespmem:$0x10200] =	vst v63  }
0xa4: {  	_ =	swait.ge [sflag:s17], $0x4000  }
0xa5: {  	[sflag:s17] =	ssyncset.done $0x0  }
0xa6: {  	[sflag:s17] =	ssyncadd.s32 $0xFFFFC000  }
0xa7: {  	_ =	swait.ge [sflag:s17], $0x4000  }
0xa8: {  	[sflag:s17] =	ssyncset.done $0x0  }
0xa9: {  	[sflag:s17] =	ssyncadd.s32 $0xFFFFC000  }
0xaa: {  	_ =	swait.ge [sflag:s17], $0x4000  }
0xab: {  	[sflag:s17] =	ssyncset.done $0x0  }
0xac: {  	[sflag:s17] =	ssyncadd.s32 $0xFFFFC000  }
0xad: {  	_ =	swait.ge [sflag:s17], $0x4000  }
0xae: {  	s18 =	sadd.s32 $0x1, s18;
	[sflag:s17] =	ssyncset.done $0x0  }
0xaf: {  	p0 =	sne.s32 s18, s4;
	[sflag:s17] =	ssyncadd.s32 $0xFFFFC000  }
0xb0: {  	[hbm4b:s20+s2] =	stream.linear.scatter [tilespmem:s11], [sflag:$0x2], $0x10000, $0x38;
	[tilespmem:$0x10200] =	vst v63  }
.Ltmp4:
0xb1: {  	_ = 	snop;
	(pc) =	sbr.rel @p0 .LBB2_1-.Ltmp4, $4  }
.Ltmp5:
0xb2: {  	_ = 	snop;
	(pc) =	sbr.rel @!p0 .LBB2_9-.Ltmp5, $4  }
0xb3: {  	_ =	swait.ge [sflag:s9], $0x10000  }
0xb4: {  	[sflag:s9] =	ssyncset.done $0x0  }
0xb5: {  	[sflag:s9] =	ssyncadd.s32 $0xFFFF0000  }
0xb6: {  	_ = 	snop  }
.LBB2_5:
.Ltmp6:
0xb7: {  	(pc) =	sbr.rel .LBB2_8-.Ltmp6, $2  }
0xb8: {  	_ =	sdelay $0x2  }
0xb9: {  	s21 =	simm.s32 $0x40  }
.LBB2_9:
0xba: {  	_ =	sfence.sel $0x180000  }
0xbb: {  	[bflag:$0x0] =	sbarrier.arrive $0xFFFF  }
0xbc: {  	p0 =	sne.s32 s1, $0x0;
	_ =	strace $0x90000053  }
0xbd: {  	s0 =	sadd.s32 @!p0 $0x100000, s0;
	[bflag:$0x2] =	sbarrier.arrive $0xFFFF  }
0xbe: {  	[sflag:s0] =	ssyncadd.tile.s32 @!p0 $0x1;
	_ =	shalt  }
.Lfunc_end2:
_tile_overlayer_lowered:
.L_overlay_start_2:
0xbf: {  	(tag) =	ssettag $0x2  }
0xc0: {  	s0 =	rddreg [dreg:$0x0];
	s2 =	stileid.u32  }
0xc1: {  	s1 =	rddreg [dreg:$0x1];
	p0 =	sne.s32 s2, $0x0  }
0xc2: {  	s3 =	rddreg [dreg:$0x2];
	[bflag:$0x3] =	sbarrier.arrive $0xFFFF;
	s2 =	simm.s32 @!p0 $0x1C02  }
0xc3: {  	[timem:s3], [sflag:s2] =	dma.local @!p0 [hbm:s0], s1  }
0xc4: {  	s0 =	simm.s32 @!p0 $0x2  }
0xc5: {  	_ =	swait.ge @!p0 [sflag:s0], s1  }
0xc6: {  	s1 =	ssub.s32 @!p0 $0x0, s1;
	[sflag:s0] =	ssyncset.done @!p0 $0x0  }
0xc7: {  	[sflag:s0] =	ssyncadd.s32 @!p0 s1  }
0xc8: {  	[bflag:$0x3] =	sbarrier.arrive $0xFFFF  }
0xc9: {  	_ =	shalt  }

// kernel: kernel.28.cloned.1.call-start
scs
__scs_entry_jumppad:
0x0: {  	(pc) =	sbr.rel $0x88, $3  }
0x1: {  	(tag) =	ssettag $0x0;
	lr =	simm.s32 $0x1  }
0x2: {  	[smem:$0x3F8B] =	sst lr;
	_ =	strace $0xD0000000  }
0x3: {  	_ = 	snop  }
0x4: {  	_ = 	snop  }
0x5: {  	_ = 	snop  }
0x6: {  	_ = 	snop  }
0x7: {  	_ = 	snop  }
__scs_overlays_trampoline_lowered:
0x8: {  	[smem:$0x3F9A] =	sst s0  }
0x9: {  	[smem:$0x3F9B] =	sst s1  }
0xa: {  	[smem:$0x3F9C] =	sst s2  }
0xb: {  	[smem:$0x3F9D] =	sst s3  }
0xc: {  	[smem:$0x3F9E] =	sst s4  }
0xd: {  	[smem:$0x3F9F] =	sst s5  }
0xe: {  	[smem:$0x3FA0] =	sst s6  }
0xf: {  	[smem:$0x3FA1] =	sst s7  }
0x10: {  	[smem:$0x3FA2] =	sst s8  }
0x11: {  	[smem:$0x3FA3] =	sst s9;
	s0 =	simm.s32 @!p0 $0x0  }
0x12: {  	s1 =	sld [smem:$0x3F89];
	s0 =	simm.s32 @p0 $0x1  }
0x13: {  	[smem:$0x3FA4] =	sst s0;
	s0 =	simm.s32 @!p1 $0x0  }
0x14: {  	s2 =	sld [smem:$0x3F88];
	s0 =	simm.s32 @p1 $0x1  }
0x15: {  	[smem:$0x3FA5] =	sst s0;
	s0 =	simm.s32 @!p2 $0x0  }
0x16: {  	s3 =	sld [smem:$0x3FDB];
	s0 =	simm.s32 @p2 $0x1  }
0x17: {  	s4 =	simm.s32 $0x1BF5;
	[smem:$0x3FA7] =	sst s0  }
0x18: {  	s0 =	sld [smem:$0x3F8A];
	_ =	swait.ge [sflag:s4], $0x0  }
0x19: {  	s7 =	sld [smem:$0x3F8B]  }
0x1a: {  	s8 =	sadd.s32 $0xFFFFE003, lr  }
0x1b: {  	s9 =	sadd.s32 $0xFFFFFEF7, lr;
	s5 =	simm.s32 $0xFFFFFFFF;
	p2 =	slt.u32 s8, $0xFFFFF086  }
0x1c: {  	p1 =	slt.u32 s9, $0xF7A;
	s5 =	simm.s32 @!p2 $0x0  }
0x1d: {  	s5 =	simm.s32 @p1 $0x1;
	p0 =	seq.s32 s7, s2  }
0x1e: {  	s7 =	smul.u32 @!p0 $0xF7A, s2;
	p2 =	seq.s32 @!p0 s5, $0x0  }
0x1f: {  	s9 =	smul.u32 $0xF7A, s1;
	s8 =	simm.s32 @!p0 $0x1BF5;
	p2 =	por !p2, p0  }
0x20: {  	[sflag:s8] =	ssyncset.s32 @!p0 $0xFFFFF086;
	s6 =	sadd.s32 @!p0 s3, s7;
	s7 =	simm.s32 @!p0 $0x108  }
0x21: {  	s3 =	sadd.s32 s3, s9;
	s6 =	sadd.s32 @!p0 $0x88, s6;
	s7 =	simm.s32 @p2 $0x1082  }
0x22: {  	[simem:s7], [sflag:s8] =	dma.local @!p0 [hbm:s6], $0xF7A  }
0x23: {  	s9 =	sor.u32 $0xD0000000, s2;
	s6 =	simm.s32 $0x108;
	_ =	swait.ge @!p0 [sflag:s8], $0x0  }
0x24: {  	s3 =	sadd.s32 $0x88, s3;
	s6 =	simm.s32 @!p1 $0x1082;
	[sflag:s4] =	ssyncset.s32 $0xFFFFF086  }
0x25: {  	[simem:s6], [sflag:s4] =	dma.local [hbm:s3], $0xF7A  }
0x26: {  	[smem:$0x3F8B] =	sst s1;
	(tag) =	ssettag s2;
	_ =	strace s9  }
0x27: {  	s1 =	sld [smem:$0x3F9B]  }
0x28: {  	s2 =	sld [smem:$0x3F9C]  }
0x29: {  	s4 =	sld [smem:$0x3F9E]  }
0x2a: {  	p0 =	seq.s32 s5, $0x0;
	s5 =	sld [smem:$0x3F9F]  }
0x2b: {  	s6 =	sld [smem:$0x3FA0]  }
0x2c: {  	s7 =	sld [smem:$0x3FA1]  }
0x2d: {  	s3 =	simm.s32 $0x108;
	s8 =	sld [smem:$0x3FA2]  }
0x2e: {  	s3 =	simm.s32 @!p0 $0x1082;
	s9 =	sld [smem:$0x3FA3]  }
0x2f: {  	lr =	sadd.s32 s0, s3;
	s0 =	sld [smem:$0x3F9A]  }
0x30: {  	s3 =	sld [smem:$0x3F9D]  }
0x31: {  	[smem:$0x3FA6] =	sst s10  }
0x32: {  	s10 =	sld [smem:$0x3FA4];
	_ =	sdelay $0x3  }
0x33: {  	p0 =	seq.s32 s10, $0x1;
	s10 =	sld [smem:$0x3FA6];
	_ =	sdelay $0x3  }
0x34: {  	[smem:$0x3FA6] =	sst s10  }
0x35: {  	s10 =	sld [smem:$0x3FA5];
	_ =	sdelay $0x3  }
0x36: {  	p1 =	seq.s32 s10, $0x1;
	s10 =	sld [smem:$0x3FA6];
	_ =	sdelay $0x3  }
0x37: {  	[smem:$0x3FA6] =	sst s10  }
0x38: {  	s10 =	sld [smem:$0x3FA7]  }
0x39: {  	_ = 	snop;
	(pc) =	sbr.ind lr, $3  }
0x3a: {  	_ = 	snop  }
0x3b: {  	_ = 	snop  }
0x3c: {  	p2 =	seq.s32 s10, $0x1;
	s10 =	sld [smem:$0x3FA6]  }
0x3d: {  	_ =	shalt  }
0x3e: {  	_ =	shalt  }
0x3f: {  	_ =	shalt  }
0x40: {  	_ =	shalt  }
0x41: {  	_ =	shalt  }
0x42: {  	_ =	shalt  }
0x43: {  	_ =	shalt  }
0x44: {  	_ =	shalt  }
0x45: {  	_ =	shalt  }
0x46: {  	_ =	shalt  }
0x47: {  	_ =	shalt  }
0x48: {  	_ =	shalt  }
0x49: {  	_ =	shalt  }
0x4a: {  	_ =	shalt  }
0x4b: {  	_ =	shalt  }
0x4c: {  	_ =	shalt  }
0x4d: {  	_ =	shalt  }
0x4e: {  	_ =	shalt  }
0x4f: {  	_ =	shalt  }
0x50: {  	_ =	shalt  }
0x51: {  	_ =	shalt  }
0x52: {  	_ =	shalt  }
0x53: {  	_ =	shalt  }
0x54: {  	_ =	shalt  }
0x55: {  	_ =	shalt  }
0x56: {  	_ =	shalt  }
0x57: {  	_ =	shalt  }
0x58: {  	_ =	shalt  }
0x59: {  	_ =	shalt  }
0x5a: {  	_ =	shalt  }
0x5b: {  	_ =	shalt  }
0x5c: {  	_ =	shalt  }
0x5d: {  	_ =	shalt  }
0x5e: {  	_ =	shalt  }
0x5f: {  	_ =	shalt  }
0x60: {  	_ =	shalt  }
0x61: {  	_ =	shalt  }
0x62: {  	_ =	shalt  }
0x63: {  	_ =	shalt  }
0x64: {  	_ =	shalt  }
0x65: {  	_ =	shalt  }
0x66: {  	_ =	shalt  }
0x67: {  	_ =	shalt  }
0x68: {  	_ =	shalt  }
0x69: {  	_ =	shalt  }
0x6a: {  	_ =	shalt  }
0x6b: {  	_ =	shalt  }
0x6c: {  	_ =	shalt  }
0x6d: {  	_ =	shalt  }
0x6e: {  	_ =	shalt  }
0x6f: {  	_ =	shalt  }
0x70: {  	_ =	shalt  }
0x71: {  	_ =	shalt  }
0x72: {  	_ =	shalt  }
0x73: {  	_ =	shalt  }
0x74: {  	_ =	shalt  }
0x75: {  	_ =	shalt  }
0x76: {  	_ =	shalt  }
0x77: {  	_ =	shalt  }
0x78: {  	_ =	shalt  }
0x79: {  	_ =	shalt  }
0x7a: {  	_ =	shalt  }
0x7b: {  	_ =	shalt  }
0x7c: {  	_ =	shalt  }
0x7d: {  	_ =	shalt  }
0x7e: {  	_ =	shalt  }
0x7f: {  	_ =	shalt  }
0x80: {  	_ =	shalt  }
0x81: {  	_ =	shalt  }
0x82: {  	_ =	shalt  }
0x83: {  	_ =	shalt  }
0x84: {  	_ =	shalt  }
0x85: {  	_ =	shalt  }
0x86: {  	_ =	shalt  }
0x87: {  	_ =	shalt  }
.Lfunc_end0:
.L_simem_size_0:
called_computation.5_lowered:
.L_overlay_start_0:
0x88: {  	s2 =	sld [smem:$0x3FD9]  }
0x89: {  	s3 =	sld [smem:$0x3FFE];
	_ =	sdelay $0x1  }
0x8a: {  	s1 =	srdreg.scid  }
0x8b: {  	s0 =	sand.u32 $0x1, s1  }
0x8c: {  	s16 =	sshll.u32 s0, $0xA;
	s2 =	sadd.s32 s3, s2  }
0x8d: {  	s2 =	sadd.s32 s2, s16  }
0x8e: {  	[smem:$0x3FB2] =	sst s2  }
0x8f: {  	_ = 	snop  }
0x90: {  	(tm) =	ssettm $0x1  }
0x91: {  	s17 =	sld [smem:$0x3FFB];
	_ =	sdelay $0x3  }
0x92: {  	_ =	strace s17  }
0x93: {  	s2 =	sld [smem:$0x3FFC];
	_ =	sdelay $0x3  }
0x94: {  	_ =	strace s2  }
0x95: {  	s2 =	sld [smem:$0x3FFD];
	_ =	sdelay $0x3  }
0x96: {  	_ =	strace s2  }
0x97: {  	_ =	strace $0x8FFFFFFF  }
0x98: {  	s18 =	sld [smem:$0x3FDB];
	_ =	sdelay $0x1  }
0x99: {  	s19 =	simm.s32 $_scs_section_size  }
0x9a: {  	s4 =	simm.s32 $_size__tile_overlayer_lowered;
	s5 =	simm.s32 $_tile_overlayer_lowered  }
0x9b: {  	s22 =	simm.s32 $0x1BFF;
	s21 =	sshll.u32 s5, $0x1;
	s2 =	sadd.s32 s19, s18  }
0x9c: {  	s6 =	simm.s32 $0x0;
	s20 =	sshll.u32 s4, $0x1;
	s4 =	sadd.s32 s21, s2  }
0x9d: {  	[timem:s6], [sflag:s22] =	dma.local [hbm:s4], s20  }
0x9e: {  	_ =	swait.ge [sflag:s22], s20  }
0x9f: {  	s3 =	ssub.s32 $0x0, s20;
	[sflag:s22] =	ssyncset.done $0x0  }
0xa0: {  	[sflag:s22] =	ssyncadd.s32 s3;
	_ =	sdelay $0x1  }
0xa1: {  	s23 =	simm.s32 $0x1B8B  }
0xa2: {  	_ =	swait.ge [sflag:s23], $0x1  }
0xa3: {  	[sflag:s23] =	ssyncset.done $0x0  }
0xa4: {  	s25 =	simm.s32 $0x1B8E;
	s24 =	sld [smem:$0x3FFE];
	[sflag:s23] =	ssyncadd.s32 $0xFFFFFFFF  }
0xa5: {  	s26 =	simm.s32 $execute0_lowered;
	[smem:$0x3FD2] =	sst s25  }
0xa6: {  	s4 =	sshll.u32 s26, $0x1;
	_ =	strace $0x80000055;
	[dreg:$0x1] =	wrdreg $0xFFFFFFFF  }
0xa7: {  	s28 =	simm.s32 $_size_execute0_lowered;
	s2 =	sadd.s32 s2, s4;
	[dreg:$0x0] =	wrdreg $0x0  }
0xa8: {  	s4 =	sshll.u32 s28, $0x1;
	[dreg:$0x2] =	wrdreg s2  }
0xa9: {  	[dreg:$0x3] =	wrdreg s4  }
0xaa: {  	[dreg:$0x4] =	wrdreg $0xC0  }
0xab: {  	_ =	task [dreg:s6], $0x5FFFF  }
0xac: {  	[dreg:$0x1] =	wrdreg $0xFFFFFFFF  }
0xad: {  	[dreg:$0x0] =	wrdreg $0x60  }
0xae: {  	[dreg:$0x2] =	wrdreg s24  }
0xaf: {  	[dreg:$0x3] =	wrdreg $0x9  }
0xb0: {  	_ =	task.clear_ibuf [dreg:s6], $0x4FFFF;
	_ =	strace $0x90000055  }
0xb1: {  	s29 =	simm.s32 $0x9;
	_ =	strace $0x80000057  }
0xb2: {  	_ =	swait.ge [sflag:s29], $0x1  }
0xb3: {  	[sflag:s29] =	ssyncadd.s32 $0xFFFFFFFF  }
0xb4: {  	_ =	strace $0x90000057  }
0xb5: {  	_ =	sfence  }
0xb6: {  	s30 =	sld [smem:$0x0];
	_ =	sdelay $0x2  }
0xb7: {  	s31 =	sshll.u32 s1, $0xD;
	s1 =	sshrl.u32 s1, $0x2  }
0xb8: {  	s3 =	sand.u32 $0x4000, s31;
	s1 =	sadd.s32 s1, s30  }
0xb9: {  	s0 =	sor.u32 s3, s0;
	s1 =	sshll.u32 s1, $0x11  }
0xba: {  	s0 =	sor.u32 s1, s0  }
0xbb: {  	s0 =	sadd.s32 $0x8F2B, s0  }
0xbc: {  	[sflag:s0] =	ssyncadd.remote.s32 $0x1  }
0xbd: {  	_ =	sfence.sel $0xFFFF  }
0xbe: {  	[dreg:$0x0] =	wrdreg $0xFFFFFFFF;
	(pc) =	sbr.abs _section_cstart, $3  }
0xbf: {  	[dreg:$0x1] =	wrdreg $0xFFFFFFFF  }
0xc0: {  	_ =	task.clear_ibuf [dreg:s6], $0x2FFFF;
	_ =	strace $0x9FFFFFFF  }
0xc1: {  	(tm) =	ssettm $0x7FFFFFFF  }
tec
execute0_lowered:
.L_overlay_start_1:
0x0: {  	(tag) =	ssettag $0x1  }
0x1: {  	s0 =	srdreg.scid  }
0x2: {  	s3 =	stileid.u32;
	s1 =	rddreg [dreg:$0x0];
	s6 =	simm.s32 $0x0  }
0x3: {  	s9 =	simm.s32 $0x1000;
	s10 =	simm.s32 $0x2080;
	s11 =	simm.s32 $0x1  }
0x4: {  	s15 =	simm.s32 $0x4900;
	s16 =	simm.s32 $0x5100;
	s17 =	simm.s32 $0x5900  }
0x5: {  	s18 =	simm.s32 $0x6100;
	s19 =	simm.s32 $0x6900;
	s20 =	simm.s32 $0x7100  }
0x6: {  	s21 =	simm.s32 $0x7900;
	s22 =	simm.s32 $0x8100;
	s23 =	simm.s32 $0x8900  }
0x7: {  	s24 =	simm.s32 $0x9100;
	s28 =	simm.s32 $0xA900;
	s31 =	simm.s32 $0x0  }
0x8: {  	s0 =	sand.u32 $0x1, s0;
	s2 =	sshll.u32 s3, $0x1;
	s3 =	sshrl.u32 s3, $0x2  }
0x9: {  	[smem:$0x7FF] =	sst s6;
	s26 =	sadd.s32 $0xA800, s1;
	s2 =	sor.u32 s0, s2  }
0xa: {  	s4 =	smul.u32 $0xA0000, s3;
	_ =	strace $0x80000056;
	s25 =	sshll.u32 s2, $0x7  }
0xb: {  	s3 =	sadd.s32 $0x58C800, s1;
	s0 =	ssub.s32 $0x2, s0;
	s5 =	sand.u32 $0x380, s25  }
.Ltmp0:
0xc: {  	s29 =	sshrl.u32 s0, $0x1;
	s4 =	sor.u32 s4, s5;
	(pc) =	sbr.rel .LBB2_1-.Ltmp0, $4  }
0xd: {  	v2 =	vimm.f32 $0.0e+00;
	s0 =	ssub.s32 s0, s29;
	s5 =	sshrl.u32 s4, $0x3;
	s4 =	smul.u32 $0x140, s2  }
0xe: {  	v3 =	vlaneseq.u32;
	v4 =	vimm.s32 $0x0;
	vm0 =	vmmov $0xffff;
	[dreg:$0x3] =	wrdreg s26;
	s0 =	smax.u32 s0, $0x1;
	s1 =	sadd.s32 s5, s1  }
0xf: {  	v5 =	vand.u32 $0x7, v3;
	v6 =	vshrl.u32 v3, $0x3;
	v7 =	vor.u32 $0x8, v3;
	[dreg:$0x5] =	wrdreg s0;
	s30 =	sadd.s32 $0x140, s4;
	s1 =	sadd.s32 $0x8C800, s1  }
0x10: {  	s26 =	simm.s32 $0xA100;
	v6 =	vmul.u32 $0x8, v6;
	s25 =	simm.s32 $0x9900;
	v0 =	vmov s4;
	[dreg:$0x4] =	wrdreg s1;
	v1 =	vmov s30  }
.LBB2_10:
0x11: {  	s0 =	rddreg [dreg:$0x4];
	s1 =	simm.s32 $0x80  }
0x12: {  	s2 =	simm.s32 $0x400;
	s5 =	simm.s32 $0xB100;
	s29 =	simm.s32 $0x2  }
0x13: {  	[hbm4b:s0+s1] =	stream.strided.scatter [tilespmem:s5], [sflag:$0x2], $0x14000, s2, s1, $0x38;
	[tilespmem:$0x1F100] =	vst v63  }
0x14: {  	_ =	swait.ge [sflag:s29], $0x14000  }
0x15: {  	s6 =	rddreg [dreg:$0x2]  }
0x16: {  	s30 =	rddreg [dreg:$0x5];
	s6 =	sadd.s32 $0x1, s6  }
0x17: {  	p0 =	sne.s32 s6, s30  }
.Ltmp1:
0x18: {  	_ = 	snop;
	(pc) =	sbr.rel @!p0 .LBB2_11-.Ltmp1, $3  }
0x19: {  	_ =	sdelay $0x1  }
0x1a: {  	[sflag:s29] =	ssyncset.done $0x0  }
0x1b: {  	[sflag:s29] =	ssyncadd.s32 $0xFFFEC000  }
.LBB2_1:
0x1c: {  	s0 =	simm.s32 $0x40;
	s1 =	simm.s32 $0x0  }
.LBB2_2:
0x1d: {  	p0 =	sne.s32 s0, $0x4FFC0;
	[tilespmem:s1+$0xB100] =	vst v2;
	s1 =	smov.u32 s0;
	s0 =	sadd.s32 $0x40, s0  }
.Ltmp2:
0x1e: {  	(pc) =	sbr.rel @p0 .LBB2_2-.Ltmp2, $2  }
0x1f: {  	_ =	sdelay $0x2  }
0x20: {  	s1 =	sshra.s32 s1, $0x2  }
0x21: {  	[dreg:$0x2] =	wrdreg s6  }
0x22: {  	[tilespmem:s1+$0xB100] =	vst v2;
	s6 =	simm.s32 $0x0;
	s0 =	simm.s32 $0x40;
	s1 =	simm.s32 $0x0  }
.LBB2_4:
0x23: {  	p0 =	sne.s32 s0, $0x4000;
	[tilespmem:s1+$0x1000] =	vst v4;
	s2 =	smov.u32 s0;
	s0 =	sadd.s32 $0x40, s0  }
.Ltmp3:
0x24: {  	[tilespmem:s1+$0x2080] =	vst v0;
	(pc) =	sbr.rel @p0 .LBB2_4-.Ltmp3, $2  }
0x25: {  	_ =	sdelay $0x2  }
0x26: {  	s1 =	sshra.s32 s2, $0x2  }
.Ltmp4:
0x27: {  	(pc) =	sbr.rel .LBB2_6-.Ltmp4, $3  }
0x28: {  	_ =	sdelay $0x1  }
0x29: {  	[tilespmem:s1+$0x1000] =	vst v4  }
0x2a: {  	[tilespmem:s1+$0x2080] =	vst v0;
	s0 =	simm.s32 $0x0  }
.LBB2_9:
0x2b: {  	s0 =	rddreg [dreg:$0x7]  }
0x2c: {  	s0 =	sadd.s32 $0x1, s0  }
0x2d: {  	p0 =	sne.s32 s0, $0x28  }
.Ltmp5:
0x2e: {  	_ = 	snop;
	(pc) =	sbr.rel @!p0 .LBB2_10-.Ltmp5, $3  }
0x2f: {  	_ =	sdelay $0x1  }
0x30: {  	s6 =	rddreg [dreg:$0x6]  }
0x31: {  	s6 =	sadd.s32 $0x1000, s6  }
.LBB2_6:
0x32: {  	[dreg:$0x7] =	wrdreg s0  }
0x33: {  	s14 =	sshll.u32 s0, $0x9;
	s1 =	rddreg [dreg:$0x3]  }
0x34: {  	s0 =	simm.s32 $0x0;
	s29 =	simm.s32 $0x2;
	s1 =	sadd.s32 s1, s14  }
0x35: {  	[tilespmem:s0], [sflag:$0x2] =	stream.linear.gather [hbm4b:s1+s0], $0x1000, $0x38;
	[tilespmem:$0x1F100] =	vst v63  }
0x36: {  	_ =	swait.ge [sflag:s29], $0x1000  }
0x37: {  	[sflag:s29] =	ssyncset.done $0x0  }
0x38: {  	s30 =	simm.s32 $0x0;
	[sflag:s29] =	ssyncadd.s32 $0xFFFFF000  }
0x39: {  	v8 =	vld [tilespmem:s30+$0x0];
	_ =	sdelay $0x4  }
0x3a: {  	vm1 =	vge.s32 v8, v0;
	vm2 =	vlt.s32 v8, v1  }
0x3b: {  	vm1 =	vmand vm1, vm2  }
0x3c: {  	v9 =	vsel vm1, $0x1, v4  }
0x3d: {  	(xrf0) =	vadd.scan.msk.s32 $0xffff, v9;
	_ =	sdelay $0x5  }
0x3e: {  	v10, _, _ =	vpop (xrf0)  }
0x3f: {  	v62 =	vsel vm1, $0xFFFFFFFF, v4;
	v11 =	vxor.u32 $0x80000000, v10  }
0x40: {  	v9 =	vadd.s32 s0, v62;
	(xrf0) =	vmax.scan.msk.u32 $0xffff, v11  }
0x41: {  	v9 =	vadd.s32 v10, v9  }
0x42: {  	v9 =	vnsel vm1, $0x1000, v9;
	_ =	sdelay $0x3  }
0x43: {  	v63 =	vor.u32 s6, v3;
	v11, _, _ =	vpop (xrf0)  }
0x44: {  	s5 =	simm.s32 $0x10;
	[tilespmem:v9+s9+$0x0] =	vst.idx.msk $0xffff, v63;
	(v2sf) =	vpush v11, $0xF  }
0x45: {  	s2 =	simm.s32 $0x80;
	s1 =	smov.u32 s6;
	[dreg:$0x6] =	wrdreg s6;
	[tilespmem:v9+s10+$0x0] =	vst.idx.msk $0xffff, v8  }
.LBB2_7:
0x46: {  	p0 =	sne.s32 s2, $0x3FC0;
	v8 =	vld [tilespmem:s5+$0x0];
	_ =	sdelay $0x4  }
0x47: {  	vm1 =	vge.s32 v8, v0;
	vm2 =	vlt.s32 v8, v1  }
0x48: {  	vm1 =	vmand vm1, vm2  }
0x49: {  	v9 =	vsel vm1, $0xFFFFFFFF, v4;
	v10 =	vsel vm1, $0x1, v4  }
0x4a: {  	(xrf0) =	vadd.scan.msk.s32 $0xffff, v10;
	_ =	sdelay $0x4  }
0x4b: {  	s5 =	spop (v2sf)  }
0x4c: {  	v10, _, _ =	vpop (xrf0);
	s0 =	sadd.s32 s5, s0  }
0x4d: {  	v11 =	vxor.u32 $0x80000000, v10;
	s0 =	sadd.s32 $0x80000000, s0  }
0x4e: {  	v9 =	vadd.s32 s0, v9;
	(xrf0) =	vmax.scan.msk.u32 $0xffff, v11  }
0x4f: {  	v9 =	vadd.s32 v10, v9  }
0x50: {  	v9 =	vnsel vm1, $0x1000, v9;
	_ =	sdelay $0x1  }
.Ltmp6:
0x51: {  	(pc) =	sbr.rel @p0 .LBB2_7-.Ltmp6, $4  }
0x52: {  	s1 =	sadd.s32 $0x10, s1  }
0x53: {  	v10 =	vor.u32 s1, v3;
	v11, _, _ =	vpop (xrf0)  }
0x54: {  	[tilespmem:v9+s9+$0x0] =	vst.idx.msk $0xffff, v10;
	(v2sf) =	vpush v11, $0xF  }
0x55: {  	s5 =	sshra.s32 s2, $0x2;
	s2 =	sadd.s32 $0x40, s2;
	[tilespmem:v9+s10+$0x0] =	vst.idx.msk $0xffff, v8  }
0x56: {  	v8 =	vld [tilespmem:s5+$0x0];
	_ =	sdelay $0x4  }
0x57: {  	vm1 =	vge.s32 v8, v0;
	vm2 =	vlt.s32 v8, v1  }
0x58: {  	vm1 =	vmand vm1, vm2  }
0x59: {  	v9 =	vsel vm1, $0x1, v4  }
0x5a: {  	(xrf0) =	vadd.scan.msk.s32 $0xffff, v9;
	_ =	sdelay $0x5  }
0x5b: {  	v9, _, _ =	vpop (xrf0)  }
0x5c: {  	v10 =	vxor.u32 $0x80000000, v9  }
0x5d: {  	(xrf0) =	vmax.scan.msk.u32 $0xffff, v10;
	_ =	sdelay $0x5  }
0x5e: {  	v10, _, _ =	vpop (xrf0)  }
0x5f: {  	(v2sf) =	vpush v10, $0xF;
	_ =	sdelay $0xc  }
0x60: {  	s2 =	spop (v2sf)  }
0x61: {  	s0 =	sadd.s32 s2, s0  }
0x62: {  	s0 =	sadd.s32 $0x80000000, s0;
	s7 =	spop (v2sf)  }
0x63: {  	s2 =	sadd.s32 s7, s0  }
0x64: {  	s29 =	sadd.s32 $0x80000000, s2  }
0x65: {  	s8 =	sadd.s32 $0x7F, s29  }
0x66: {  	s12 =	sand.u32 $0x7F, s8  }
0x67: {  	s13 =	sshra.s32 s8, $0x1F;
	p0 =	slt.s32 s8, $0x1;
	p1 =	sne.s32 s12, $0x0  }
0x68: {  	v62 =	vsel vm1, $0xFFFFFFFF, v4;
	s14 =	sshrl.u32 s13, $0x19;
	p0 =	por !p0, !p1  }
0x69: {  	v10 =	vadd.s32 s0, v62;
	s2 =	simm.s32 $0x1;
	s0 =	sadd.s32 s14, s8;
	p0 =	por !p0, !p0  }
0x6a: {  	v9 =	vadd.s32 v9, v10;
	s0 =	sshra.s32 s0, $0x7;
	s2 =	simm.s32 @!p0 $0x0  }
0x6b: {  	v9 =	vnsel vm1, $0x1000, v9;
	s30 =	ssub.s32 s0, s2  }
0x6c: {  	p0 =	sgt.s32 s30, $0x0  }
.Ltmp7:
0x6d: {  	_ = 	snop;
	(pc) =	sbr.rel @p0 .LBB2_13-.Ltmp7, $4  }
.Ltmp8:
0x6e: {  	s1 =	sadd.s32 $0x10, s1;
	(pc) =	sbr.rel @!p0 .LBB2_9-.Ltmp8, $4  }
0x6f: {  	v63 =	vor.u32 s1, v3  }
0x70: {  	[tilespmem:v9+s9+$0x0] =	vst.idx.msk $0xffff, v63  }
0x71: {  	s6 =	simm.s32 $0x0;
	[tilespmem:v9+s10+$0x0] =	vst.idx.msk $0xffff, v8;
	s7 =	simm.s32 $0x0  }
0x72: {  	_ = 	snop  }
.LBB2_15:
0x73: {  	s8 =	simm.s32 $0x0;
	s1 =	simm.s32 $0x0  }
.LBB2_19:
0x74: {  	_ =	sdelay $0x2  }
0x75: {  	[tilespmem:s5+$0xB1F0] =	vst @p0 v9  }
0x76: {  	v8 =	vld.idx.msk [tilespmem:v8+s10+$0x0], $0xffff;
	_ =	sdelay $0x4  }
0x77: {  	v8 =	vxor.u32 $0x80000000, v8  }
0x78: {  	(xrf0) =	vmax.scan.msk.u32 $0xffff, v8;
	_ =	sdelay $0x5  }
0x79: {  	v8, _, _ =	vpop (xrf0)  }
0x7a: {  	(v2sf) =	vpush v8, $0xF;
	_ =	sdelay $0xc  }
0x7b: {  	s0 =	sadd.s32 @p0 $0x100, s1;
	s1 =	simm.s32 $0x0  }
0x7c: {  	s2 =	sadd.s32 @p0 $0x80, s8;
	s1 =	smov.u32 @p0 s0;
	s0 =	simm.s32 $0x0  }
0x7d: {  	s0 =	smov.u32 @p0 s2;
	s12 =	spop (v2sf)  }
0x7e: {  	s1 =	sand.u32 $0xFFFFF800, s1;
	s0 =	sand.u32 $0x380, s0;
	s13 =	ssub.s32 s12, s4  }
0x7f: {  	s1 =	sor.u32 s0, s1;
	s2 =	sshll.u32 s13, $0xA  }
0x80: {  	v8 =	vld [tilespmem:s1+$0x3100];
	s14 =	sshra.s32 s2, $0x2  }
0x81: {  	v9 =	vld [tilespmem:s14+$0xB100];
	_ =	sdelay $0x4  }
0x82: {  	v8 =	vmax.f32 v9, v8  }
0x83: {  	[tilespmem:s14+$0xB100] =	vst v8;
	v8 =	vld [tilespmem:s14+$0xB110]  }
0x84: {  	v49 =	vld [tilespmem:s1+$0x3110];
	_ =	sdelay $0x4  }
0x85: {  	v8 =	vmax.f32 v8, v49  }
0x86: {  	[tilespmem:s14+$0xB110] =	vst v8;
	v8 =	vld [tilespmem:s14+$0xB120]  }
0x87: {  	v50 =	vld [tilespmem:s1+$0x3120];
	_ =	sdelay $0x4  }
0x88: {  	v8 =	vmax.f32 v8, v50  }
0x89: {  	[tilespmem:s14+$0xB120] =	vst v8;
	v8 =	vld [tilespmem:s14+$0xB130]  }
0x8a: {  	v51 =	vld [tilespmem:s1+$0x3130];
	_ =	sdelay $0x4  }
0x8b: {  	v8 =	vmax.f32 v8, v51  }
0x8c: {  	[tilespmem:s14+$0xB130] =	vst v8;
	v8 =	vld [tilespmem:s14+$0xB140]  }
0x8d: {  	v52 =	vld [tilespmem:s1+$0x3140];
	_ =	sdelay $0x4  }
0x8e: {  	v8 =	vmax.f32 v8, v52  }
0x8f: {  	[tilespmem:s14+$0xB140] =	vst v8;
	v8 =	vld [tilespmem:s14+$0xB150]  }
0x90: {  	v53 =	vld [tilespmem:s1+$0x3150];
	_ =	sdelay $0x4  }
0x91: {  	v8 =	vmax.f32 v8, v53  }
0x92: {  	[tilespmem:s14+$0xB150] =	vst v8;
	v8 =	vld [tilespmem:s14+$0xB160]  }
0x93: {  	v54 =	vld [tilespmem:s1+$0x3160];
	_ =	sdelay $0x4  }
0x94: {  	v8 =	vmax.f32 v8, v54  }
0x95: {  	[tilespmem:s14+$0xB160] =	vst v8;
	v8 =	vld [tilespmem:s14+$0xB170]  }
0x96: {  	v55 =	vld [tilespmem:s1+$0x3170];
	_ =	sdelay $0x4  }
0x97: {  	v8 =	vmax.f32 v8, v55  }
0x98: {  	[tilespmem:s14+$0xB170] =	vst v8;
	v8 =	vld [tilespmem:s14+$0xB180]  }
0x99: {  	v56 =	vld [tilespmem:s1+$0x3500];
	_ =	sdelay $0x4  }
0x9a: {  	v8 =	vmax.f32 v8, v56  }
0x9b: {  	[tilespmem:s14+$0xB180] =	vst v8;
	v8 =	vld [tilespmem:s14+$0xB190]  }
0x9c: {  	v57 =	vld [tilespmem:s1+$0x3510];
	_ =	sdelay $0x4  }
0x9d: {  	v8 =	vmax.f32 v8, v57  }
0x9e: {  	[tilespmem:s14+$0xB190] =	vst v8;
	v8 =	vld [tilespmem:s14+$0xB1A0]  }
0x9f: {  	v58 =	vld [tilespmem:s1+$0x3520];
	_ =	sdelay $0x4  }
0xa0: {  	v8 =	vmax.f32 v8, v58  }
0xa1: {  	[tilespmem:s14+$0xB1A0] =	vst v8;
	v8 =	vld [tilespmem:s14+$0xB1B0]  }
0xa2: {  	v59 =	vld [tilespmem:s1+$0x3530];
	_ =	sdelay $0x4  }
0xa3: {  	v8 =	vmax.f32 v8, v59  }
0xa4: {  	[tilespmem:s14+$0xB1B0] =	vst v8;
	v8 =	vld [tilespmem:s14+$0xB1C0]  }
0xa5: {  	v60 =	vld [tilespmem:s1+$0x3540];
	_ =	sdelay $0x4  }
0xa6: {  	v8 =	vmax.f32 v8, v60  }
0xa7: {  	[tilespmem:s14+$0xB1C0] =	vst v8;
	v8 =	vld [tilespmem:s14+$0xB1D0]  }
0xa8: {  	v61 =	vld [tilespmem:s1+$0x3550];
	_ =	sdelay $0x4  }
0xa9: {  	v8 =	vmax.f32 v8, v61  }
0xaa: {  	[tilespmem:s14+$0xB1D0] =	vst v8;
	v8 =	vld [tilespmem:s14+$0xB1E0]  }
0xab: {  	v62 =	vld [tilespmem:s1+$0x3560];
	_ =	sdelay $0x4  }
0xac: {  	v8 =	vmax.f32 v8, v62  }
0xad: {  	[tilespmem:s14+$0xB1E0] =	vst v8;
	v8 =	vld [tilespmem:s14+$0xB1F0]  }
0xae: {  	v63 =	vld [tilespmem:s1+$0x3570];
	_ =	sdelay $0x4  }
0xaf: {  	v8 =	vmax.f32 v8, v63  }
0xb0: {  	[tilespmem:s14+$0xB1F0] =	vst v8  }
.LBB2_12:
0xb1: {  	p0 =	seq.s32 s7, s30  }
.Ltmp9:
0xb2: {  	_ = 	snop;
	(pc) =	sbr.rel @p0 .LBB2_9-.Ltmp9, $2  }
0xb3: {  	_ =	sdelay $0x2  }
0xb4: {  	s6 =	sadd.s32 $0x80, s6  }
.LBB2_13:
0xb5: {  	s0 =	sshll.u32 s7, $0x9  }
0xb6: {  	s0 =	sshra.s32 s0, $0x2  }
0xb7: {  	v8 =	vld [tilespmem:s0+$0x1000];
	_ =	sdelay $0x4  }
0xb8: {  	v9 =	vshll.u32 v8, $0x1  }
0xb9: {  	v8 =	vand.u32 $0x7, v8;
	v9 =	vand.u32 $0xFFFFFFF0, v9  }
0xba: {  	v8 =	vor.u32 v8, v9  }
0xbb: {  	v9 =	vperm.xlane v8, v5;
	_ =	sdelay $0x1  }
0xbc: {  	v8 =	vperm.xlane v8, v7;
	v9 =	vadd.s32 v6, v9;
	_ =	sdelay $0x1  }
0xbd: {  	v8 =	vadd.s32 v6, v8;
	_ =	sdelay $0x1  }
0xbe: {  	s1 =	simm.s32 $0x3100  }
0xbf: {  	[tilespmem:s1], [sflag:$0x1] =	stream.indirect_vreg.gather [hbm4b:s3+s31], $0x80, v9, vm0, $0xb8;
	[tilespmem:$0x1F100] =	vst v63  }
0xc0: {  	s12 =	simm.s32 $0x3900  }
0xc1: {  	[tilespmem:s12], [sflag:$0x1] =	stream.indirect_vreg.gather [hbm4b:s3+s31], $0x80, v8, vm0, $0xb8;
	[tilespmem:$0x1F100] =	vst v63  }
0xc2: {  	v8 =	vld [tilespmem:s0+$0x1010];
	_ =	sdelay $0x4  }
0xc3: {  	v57 =	vshll.u32 v8, $0x1  }
0xc4: {  	v8 =	vand.u32 $0x7, v8;
	v9 =	vand.u32 $0xFFFFFFF0, v57  }
0xc5: {  	v8 =	vor.u32 v8, v9  }
0xc6: {  	v9 =	vperm.xlane v8, v5;
	_ =	sdelay $0x1  }
0xc7: {  	v8 =	vperm.xlane v8, v7;
	v9 =	vadd.s32 v6, v9;
	_ =	sdelay $0x1  }
0xc8: {  	v8 =	vadd.s32 v6, v8;
	_ =	sdelay $0x1  }
0xc9: {  	s13 =	simm.s32 $0x4100  }
0xca: {  	[tilespmem:s13], [sflag:$0x1] =	stream.indirect_vreg.gather [hbm4b:s3+s31], $0x80, v9, vm0, $0xb8;
	[tilespmem:$0x1F100] =	vst v63  }
0xcb: {  	_ = 	snop  }
0xcc: {  	[tilespmem:s15], [sflag:$0x1] =	stream.indirect_vreg.gather [hbm4b:s3+s31], $0x80, v8, vm0, $0xb8;
	[tilespmem:$0x1F100] =	vst v63  }
0xcd: {  	v8 =	vld [tilespmem:s0+$0x1020];
	_ =	sdelay $0x4  }
0xce: {  	v58 =	vshll.u32 v8, $0x1  }
0xcf: {  	v8 =	vand.u32 $0x7, v8;
	v9 =	vand.u32 $0xFFFFFFF0, v58  }
0xd0: {  	v8 =	vor.u32 v8, v9  }
0xd1: {  	v9 =	vperm.xlane v8, v5;
	_ =	sdelay $0x1  }
0xd2: {  	v8 =	vperm.xlane v8, v7;
	v9 =	vadd.s32 v6, v9;
	_ =	sdelay $0x1  }
0xd3: {  	v8 =	vadd.s32 v6, v8;
	_ =	sdelay $0x2  }
0xd4: {  	[tilespmem:s16], [sflag:$0x1] =	stream.indirect_vreg.gather [hbm4b:s3+s31], $0x80, v9, vm0, $0xb8;
	[tilespmem:$0x1F100] =	vst v63  }
0xd5: {  	_ = 	snop  }
0xd6: {  	[tilespmem:s17], [sflag:$0x1] =	stream.indirect_vreg.gather [hbm4b:s3+s31], $0x80, v8, vm0, $0xb8;
	[tilespmem:$0x1F100] =	vst v63  }
0xd7: {  	v8 =	vld [tilespmem:s0+$0x1030];
	_ =	sdelay $0x4  }
0xd8: {  	v59 =	vshll.u32 v8, $0x1  }
0xd9: {  	v8 =	vand.u32 $0x7, v8;
	v9 =	vand.u32 $0xFFFFFFF0, v59  }
0xda: {  	v8 =	vor.u32 v8, v9  }
0xdb: {  	v9 =	vperm.xlane v8, v5;
	_ =	sdelay $0x1  }
0xdc: {  	v8 =	vperm.xlane v8, v7;
	v9 =	vadd.s32 v6, v9;
	_ =	sdelay $0x1  }
0xdd: {  	v8 =	vadd.s32 v6, v8;
	_ =	sdelay $0x2  }
0xde: {  	[tilespmem:s18], [sflag:$0x1] =	stream.indirect_vreg.gather [hbm4b:s3+s31], $0x80, v9, vm0, $0xb8;
	[tilespmem:$0x1F100] =	vst v63  }
0xdf: {  	_ = 	snop  }
0xe0: {  	[tilespmem:s19], [sflag:$0x1] =	stream.indirect_vreg.gather [hbm4b:s3+s31], $0x80, v8, vm0, $0xb8;
	[tilespmem:$0x1F100] =	vst v63  }
0xe1: {  	v8 =	vld [tilespmem:s0+$0x1040];
	_ =	sdelay $0x4  }
0xe2: {  	v60 =	vshll.u32 v8, $0x1  }
0xe3: {  	v8 =	vand.u32 $0x7, v8;
	v9 =	vand.u32 $0xFFFFFFF0, v60  }
0xe4: {  	v8 =	vor.u32 v8, v9  }
0xe5: {  	v9 =	vperm.xlane v8, v5;
	_ =	sdelay $0x1  }
0xe6: {  	v8 =	vperm.xlane v8, v7;
	v9 =	vadd.s32 v6, v9;
	_ =	sdelay $0x1  }
0xe7: {  	v8 =	vadd.s32 v6, v8;
	_ =	sdelay $0x2  }
0xe8: {  	[tilespmem:s20], [sflag:$0x1] =	stream.indirect_vreg.gather [hbm4b:s3+s31], $0x80, v9, vm0, $0xb8;
	[tilespmem:$0x1F100] =	vst v63  }
0xe9: {  	_ = 	snop  }
0xea: {  	[tilespmem:s21], [sflag:$0x1] =	stream.indirect_vreg.gather [hbm4b:s3+s31], $0x80, v8, vm0, $0xb8;
	[tilespmem:$0x1F100] =	vst v63  }
0xeb: {  	v8 =	vld [tilespmem:s0+$0x1050];
	_ =	sdelay $0x4  }
0xec: {  	v61 =	vshll.u32 v8, $0x1  }
0xed: {  	v8 =	vand.u32 $0x7, v8;
	v9 =	vand.u32 $0xFFFFFFF0, v61  }
0xee: {  	v8 =	vor.u32 v8, v9  }
0xef: {  	v9 =	vperm.xlane v8, v5;
	_ =	sdelay $0x1  }
0xf0: {  	v8 =	vperm.xlane v8, v7;
	v9 =	vadd.s32 v6, v9;
	_ =	sdelay $0x1  }
0xf1: {  	v8 =	vadd.s32 v6, v8;
	_ =	sdelay $0x2  }
0xf2: {  	[tilespmem:s22], [sflag:$0x1] =	stream.indirect_vreg.gather [hbm4b:s3+s31], $0x80, v9, vm0, $0xb8;
	[tilespmem:$0x1F100] =	vst v63  }
0xf3: {  	_ = 	snop  }
0xf4: {  	[tilespmem:s23], [sflag:$0x1] =	stream.indirect_vreg.gather [hbm4b:s3+s31], $0x80, v8, vm0, $0xb8;
	[tilespmem:$0x1F100] =	vst v63  }
0xf5: {  	v8 =	vld [tilespmem:s0+$0x1060];
	_ =	sdelay $0x4  }
0xf6: {  	v62 =	vshll.u32 v8, $0x1  }
0xf7: {  	v8 =	vand.u32 $0x7, v8;
	v9 =	vand.u32 $0xFFFFFFF0, v62  }
0xf8: {  	v8 =	vor.u32 v8, v9  }
0xf9: {  	v9 =	vperm.xlane v8, v5;
	_ =	sdelay $0x1  }
0xfa: {  	v8 =	vperm.xlane v8, v7;
	v9 =	vadd.s32 v6, v9;
	_ =	sdelay $0x1  }
0xfb: {  	v8 =	vadd.s32 v6, v8;
	_ =	sdelay $0x2  }
0xfc: {  	[tilespmem:s24], [sflag:$0x1] =	stream.indirect_vreg.gather [hbm4b:s3+s31], $0x80, v9, vm0, $0xb8;
	[tilespmem:$0x1F100] =	vst v63  }
0xfd: {  	_ = 	snop  }
0xfe: {  	[tilespmem:s25], [sflag:$0x1] =	stream.indirect_vreg.gather [hbm4b:s3+s31], $0x80, v8, vm0, $0xb8;
	[tilespmem:$0x1F100] =	vst v63  }
0xff: {  	v8 =	vld [tilespmem:s0+$0x1070];
	_ =	sdelay $0x4  }
0x100: {  	v63 =	vshll.u32 v8, $0x1  }
0x101: {  	v8 =	vand.u32 $0x7, v8;
	v9 =	vand.u32 $0xFFFFFFF0, v63  }
0x102: {  	v8 =	vor.u32 v8, v9  }
0x103: {  	v9 =	vperm.xlane v8, v5  }
0x104: {  	s14 =	sshll.u32 s7, $0x7;
	s7 =	sadd.s32 $0x1, s7  }
0x105: {  	s1 =	sshll.u32 s7, $0x7;
	v8 =	vperm.xlane v8, v7;
	v9 =	vadd.s32 v6, v9  }
0x106: {  	p0 =	slt.s32 s29, s1  }
0x107: {  	s1 =	smov.u32 @p0 s29;
	v8 =	vadd.s32 v6, v8  }
0x108: {  	s2 =	ssub.s32 s1, s14  }
0x109: {  	p0 =	slt.s32 s2, $0x1  }
0x10a: {  	[tilespmem:s26], [sflag:$0x1] =	stream.indirect_vreg.gather [hbm4b:s3+s31], $0x80, v9, vm0, $0xb8;
	[tilespmem:$0x1F100] =	vst v63  }
.Ltmp10:
0x10b: {  	_ = 	snop;
	(pc) =	sbr.rel @p0 .LBB2_12-.Ltmp10, $4  }
0x10c: {  	[tilespmem:s28], [sflag:$0x1] =	stream.indirect_vreg.gather [hbm4b:s3+s31], $0x80, v8, vm0, $0xb8;
	[tilespmem:$0x1F100] =	vst v63  }
0x10d: {  	_ =	swait.ge [sflag:s11], $0x8000  }
0x10e: {  	[sflag:s11] =	ssyncset.done $0x0  }
0x10f: {  	[sflag:s11] =	ssyncadd.s32 $0xFFFF8000  }
0x110: {  	p1 =	sgt.s32 s2, $0x1  }
.Ltmp11:
0x111: {  	_ = 	snop;
	(pc) =	sbr.rel @!p1 .LBB2_15-.Ltmp11, $3  }
0x112: {  	_ =	sdelay $0x1  }
0x113: {  	s0 =	sadd.s32 $0x0, s6  }
0x114: {  	p0 =	por $0x0, $0x0;
	v8 =	vmov s0  }
0x115: {  	_ =	sdelay $0x3  }
0x116: {  	v8 =	vld.idx.msk [tilespmem:v8+s10+$0x0], $0xffff;
	_ =	sdelay $0x4  }
0x117: {  	v8 =	vxor.u32 $0x80000000, v8  }
0x118: {  	(xrf0) =	vmax.scan.msk.u32 $0xffff, v8;
	_ =	sdelay $0x5  }
0x119: {  	v8, _, _ =	vpop (xrf0)  }
0x11a: {  	(v2sf) =	vpush v8, $0xF;
	_ =	sdelay $0xe  }
0x11b: {  	s0 =	spop (v2sf)  }
0x11c: {  	s1 =	sand.u32 $0xFFFFF800, s31;
	s5 =	sand.u32 $0x380, s31;
	s0 =	ssub.s32 s0, s4  }
0x11d: {  	s13 =	sor.u32 s5, s1;
	s8 =	sshll.u32 s0, $0xA  }
0x11e: {  	v8 =	vld [tilespmem:s13+$0x3100];
	s5 =	sshra.s32 s8, $0x2  }
0x11f: {  	v9 =	vld [tilespmem:s5+$0xB100];
	_ =	sdelay $0x4  }
0x120: {  	v8 =	vmax.f32 v9, v8  }
0x121: {  	[tilespmem:s5+$0xB100] =	vst v8;
	v8 =	vld [tilespmem:s5+$0xB110]  }
0x122: {  	v9 =	vld [tilespmem:s13+$0x3110];
	_ =	sdelay $0x4  }
0x123: {  	v8 =	vmax.f32 v8, v9  }
0x124: {  	[tilespmem:s5+$0xB110] =	vst v8;
	v8 =	vld [tilespmem:s5+$0xB120]  }
0x125: {  	v9 =	vld [tilespmem:s13+$0x3120];
	_ =	sdelay $0x4  }
0x126: {  	v8 =	vmax.f32 v8, v9  }
0x127: {  	[tilespmem:s5+$0xB120] =	vst v8;
	v8 =	vld [tilespmem:s5+$0xB130]  }
0x128: {  	v9 =	vld [tilespmem:s13+$0x3130];
	_ =	sdelay $0x4  }
0x129: {  	v8 =	vmax.f32 v8, v9  }
0x12a: {  	[tilespmem:s5+$0xB130] =	vst v8;
	v8 =	vld [tilespmem:s5+$0xB140]  }
0x12b: {  	v9 =	vld [tilespmem:s13+$0x3140];
	_ =	sdelay $0x4  }
0x12c: {  	v8 =	vmax.f32 v8, v9  }
0x12d: {  	[tilespmem:s5+$0xB140] =	vst v8;
	v8 =	vld [tilespmem:s5+$0xB150]  }
0x12e: {  	v9 =	vld [tilespmem:s13+$0x3150];
	_ =	sdelay $0x4  }
0x12f: {  	v8 =	vmax.f32 v8, v9  }
0x130: {  	[tilespmem:s5+$0xB150] =	vst v8;
	v8 =	vld [tilespmem:s5+$0xB160]  }
0x131: {  	v9 =	vld [tilespmem:s13+$0x3160];
	_ =	sdelay $0x4  }
0x132: {  	v8 =	vmax.f32 v8, v9  }
0x133: {  	[tilespmem:s5+$0xB160] =	vst v8;
	v8 =	vld [tilespmem:s5+$0xB170]  }
0x134: {  	v9 =	vld [tilespmem:s13+$0x3170];
	_ =	sdelay $0x4  }
0x135: {  	v8 =	vmax.f32 v8, v9  }
0x136: {  	[tilespmem:s5+$0xB170] =	vst v8;
	v8 =	vld [tilespmem:s5+$0xB180]  }
0x137: {  	v9 =	vld [tilespmem:s13+$0x3500];
	_ =	sdelay $0x4  }
0x138: {  	v8 =	vmax.f32 v8, v9  }
0x139: {  	[tilespmem:s5+$0xB180] =	vst v8;
	v8 =	vld [tilespmem:s5+$0xB190]  }
0x13a: {  	v9 =	vld [tilespmem:s13+$0x3510];
	_ =	sdelay $0x4  }
0x13b: {  	v8 =	vmax.f32 v8, v9  }
0x13c: {  	[tilespmem:s5+$0xB190] =	vst v8;
	v8 =	vld [tilespmem:s5+$0xB1A0]  }
0x13d: {  	v9 =	vld [tilespmem:s13+$0x3520];
	_ =	sdelay $0x4  }
0x13e: {  	v8 =	vmax.f32 v8, v9  }
0x13f: {  	[tilespmem:s5+$0xB1A0] =	vst v8;
	v8 =	vld [tilespmem:s5+$0xB1B0]  }
0x140: {  	v9 =	vld [tilespmem:s13+$0x3530];
	_ =	sdelay $0x4  }
0x141: {  	v8 =	vmax.f32 v8, v9  }
0x142: {  	[tilespmem:s5+$0xB1B0] =	vst v8;
	v8 =	vld [tilespmem:s5+$0xB1C0]  }
0x143: {  	v9 =	vld [tilespmem:s13+$0x3540];
	_ =	sdelay $0x4  }
0x144: {  	v8 =	vmax.f32 v8, v9  }
0x145: {  	[tilespmem:s5+$0xB1C0] =	vst v8;
	v8 =	vld [tilespmem:s5+$0xB1D0]  }
0x146: {  	v9 =	vld [tilespmem:s13+$0x3550];
	_ =	sdelay $0x4  }
0x147: {  	v8 =	vmax.f32 v8, v9  }
0x148: {  	[tilespmem:s5+$0xB1D0] =	vst v8;
	v8 =	vld [tilespmem:s5+$0xB1E0]  }
0x149: {  	v9 =	vld [tilespmem:s13+$0x3560];
	_ =	sdelay $0x4  }
0x14a: {  	v8 =	vmax.f32 v8, v9  }
0x14b: {  	v9 =	vld [tilespmem:s5+$0xB1F0];
	[tilespmem:s5+$0xB1E0] =	vst v8  }
0x14c: {  	p1 =	sgt.s32 s2, $0x2;
	v10 =	vld [tilespmem:s13+$0x3570]  }
.Ltmp12:
0x14d: {  	_ = 	snop;
	(pc) =	sbr.rel @!p1 .LBB2_17-.Ltmp12, $4  }
0x14e: {  	s14 =	sadd.s32 $0x1, s6  }
0x14f: {  	v8 =	vmov s14  }
0x150: {  	p0 =	por $0x1, $0x1  }
0x151: {  	s1 =	simm.s32 $0x0;
	s0 =	simm.s32 $0x2;
	s8 =	simm.s32 $0x0;
	v9 =	vmax.f32 v9, v10  }
.LBB2_18:
0x152: {  	s8 =	sadd.s32 $0x80, s8  }
0x153: {  	[tilespmem:s5+$0xB1F0] =	vst v9;
	s1 =	sadd.s32 $0x100, s1;
	s12 =	smov.u32 s0;
	s0 =	sadd.s32 $0x1, s0  }
0x154: {  	p1 =	slt.s32 s0, s2;
	v8 =	vld.idx.msk [tilespmem:v8+s10+$0x0], $0xffff;
	_ =	sdelay $0x5  }
0x155: {  	v8 =	vxor.u32 $0x80000000, v8  }
0x156: {  	(xrf0) =	vmax.scan.msk.u32 $0xffff, v8;
	_ =	sdelay $0x5  }
0x157: {  	v8, _, _ =	vpop (xrf0)  }
0x158: {  	(v2sf) =	vpush v8, $0xF;
	_ =	sdelay $0xe  }
0x159: {  	s5 =	spop (v2sf)  }
0x15a: {  	s13 =	sand.u32 $0xFFFFF800, s1;
	s14 =	sand.u32 $0x380, s8;
	s5 =	ssub.s32 s5, s4  }
0x15b: {  	s13 =	sor.u32 s14, s13;
	s5 =	sshll.u32 s5, $0xA  }
0x15c: {  	s5 =	sshra.s32 s5, $0x2;
	v8 =	vld [tilespmem:s13+$0x3100]  }
0x15d: {  	v9 =	vld [tilespmem:s5+$0xB100];
	_ =	sdelay $0x4  }
0x15e: {  	v8 =	vmax.f32 v9, v8  }
0x15f: {  	[tilespmem:s5+$0xB100] =	vst v8;
	v8 =	vld [tilespmem:s5+$0xB110]  }
0x160: {  	v9 =	vld [tilespmem:s13+$0x3110];
	_ =	sdelay $0x4  }
0x161: {  	v8 =	vmax.f32 v8, v9  }
0x162: {  	[tilespmem:s5+$0xB110] =	vst v8;
	v8 =	vld [tilespmem:s5+$0xB120]  }
0x163: {  	v9 =	vld [tilespmem:s13+$0x3120];
	_ =	sdelay $0x4  }
0x164: {  	v8 =	vmax.f32 v8, v9  }
0x165: {  	[tilespmem:s5+$0xB120] =	vst v8;
	v8 =	vld [tilespmem:s5+$0xB130]  }
0x166: {  	v9 =	vld [tilespmem:s13+$0x3130];
	_ =	sdelay $0x4  }
0x167: {  	v8 =	vmax.f32 v8, v9  }
0x168: {  	[tilespmem:s5+$0xB130] =	vst v8;
	v8 =	vld [tilespmem:s5+$0xB140]  }
0x169: {  	v9 =	vld [tilespmem:s13+$0x3140];
	_ =	sdelay $0x4  }
0x16a: {  	v8 =	vmax.f32 v8, v9  }
0x16b: {  	[tilespmem:s5+$0xB140] =	vst v8;
	v8 =	vld [tilespmem:s5+$0xB150]  }
0x16c: {  	v9 =	vld [tilespmem:s13+$0x3150];
	_ =	sdelay $0x4  }
0x16d: {  	v8 =	vmax.f32 v8, v9  }
0x16e: {  	[tilespmem:s5+$0xB150] =	vst v8;
	v8 =	vld [tilespmem:s5+$0xB160]  }
0x16f: {  	v9 =	vld [tilespmem:s13+$0x3160];
	_ =	sdelay $0x4  }
0x170: {  	v8 =	vmax.f32 v8, v9  }
0x171: {  	[tilespmem:s5+$0xB160] =	vst v8;
	v8 =	vld [tilespmem:s5+$0xB170]  }
0x172: {  	v9 =	vld [tilespmem:s13+$0x3170];
	_ =	sdelay $0x4  }
0x173: {  	v8 =	vmax.f32 v8, v9  }
0x174: {  	[tilespmem:s5+$0xB170] =	vst v8;
	v8 =	vld [tilespmem:s5+$0xB180]  }
0x175: {  	v9 =	vld [tilespmem:s13+$0x3500];
	_ =	sdelay $0x4  }
0x176: {  	v8 =	vmax.f32 v8, v9  }
0x177: {  	[tilespmem:s5+$0xB180] =	vst v8;
	v8 =	vld [tilespmem:s5+$0xB190]  }
0x178: {  	v9 =	vld [tilespmem:s13+$0x3510];
	_ =	sdelay $0x4  }
0x179: {  	v8 =	vmax.f32 v8, v9  }
0x17a: {  	[tilespmem:s5+$0xB190] =	vst v8;
	v8 =	vld [tilespmem:s5+$0xB1A0]  }
0x17b: {  	v9 =	vld [tilespmem:s13+$0x3520];
	_ =	sdelay $0x4  }
0x17c: {  	v8 =	vmax.f32 v8, v9  }
0x17d: {  	[tilespmem:s5+$0xB1A0] =	vst v8;
	v8 =	vld [tilespmem:s5+$0xB1B0]  }
0x17e: {  	v9 =	vld [tilespmem:s13+$0x3530];
	_ =	sdelay $0x4  }
0x17f: {  	v8 =	vmax.f32 v8, v9  }
0x180: {  	[tilespmem:s5+$0xB1B0] =	vst v8;
	v8 =	vld [tilespmem:s5+$0xB1C0]  }
0x181: {  	v9 =	vld [tilespmem:s13+$0x3540];
	_ =	sdelay $0x4  }
0x182: {  	v8 =	vmax.f32 v8, v9  }
0x183: {  	[tilespmem:s5+$0xB1C0] =	vst v8;
	v8 =	vld [tilespmem:s5+$0xB1D0]  }
0x184: {  	v9 =	vld [tilespmem:s13+$0x3550];
	_ =	sdelay $0x4  }
0x185: {  	v8 =	vmax.f32 v8, v9  }
0x186: {  	[tilespmem:s5+$0xB1D0] =	vst v8;
	v8 =	vld [tilespmem:s5+$0xB1E0]  }
0x187: {  	v9 =	vld [tilespmem:s13+$0x3560];
	_ =	sdelay $0x4  }
0x188: {  	v8 =	vmax.f32 v8, v9  }
0x189: {  	[tilespmem:s5+$0xB1E0] =	vst v8;
	v9 =	vld [tilespmem:s5+$0xB1F0]  }
0x18a: {  	v10 =	vld [tilespmem:s13+$0x3570]  }
.Ltmp13:
0x18b: {  	s12 =	sadd.s32 s12, s6;
	(pc) =	sbr.rel @p1 .LBB2_18-.Ltmp13, $2  }
0x18c: {  	v8 =	vmov s12;
	_ =	sdelay $0x2  }
0x18d: {  	v9 =	vmax.f32 v9, v10  }
.Ltmp14:
0x18e: {  	_ = 	snop;
	(pc) =	sbr.rel .LBB2_19-.Ltmp14, $1  }
0x18f: {  	_ =	sdelay $0x3  }
.LBB2_17:
.Ltmp15:
0x190: {  	(pc) =	sbr.rel .LBB2_19-.Ltmp15, $2  }
0x191: {  	_ =	sdelay $0x2  }
0x192: {  	s8 =	simm.s32 $0x0;
	s1 =	simm.s32 $0x0  }
.LBB2_11:
0x193: {  	_ =	sfence.sel $0x180000  }
0x194: {  	[bflag:$0x0] =	sbarrier.arrive $0xFFFF  }
0x195: {  	_ =	strace $0x90000056  }
0x196: {  	s0 =	stileid.u32;
	[bflag:$0x2] =	sbarrier.arrive $0xFFFF  }
0x197: {  	p0 =	sne.s32 s0, $0x0;
	s0 =	rddreg [dreg:$0x1]  }
0x198: {  	s0 =	sadd.s32 @!p0 $0x100000, s0  }
0x199: {  	[sflag:s0] =	ssyncadd.tile.s32 @!p0 $0x1;
	_ =	shalt  }
.Lfunc_end2:
_tile_overlayer_lowered:
.L_overlay_start_2:
0x19a: {  	(tag) =	ssettag $0x2  }
0x19b: {  	s0 =	rddreg [dreg:$0x0];
	s2 =	stileid.u32  }
0x19c: {  	s1 =	rddreg [dreg:$0x1];
	p0 =	sne.s32 s2, $0x0  }
0x19d: {  	s3 =	rddreg [dreg:$0x2];
	[bflag:$0x3] =	sbarrier.arrive $0xFFFF;
	s2 =	simm.s32 @!p0 $0x1C02  }
0x19e: {  	[timem:s3], [sflag:s2] =	dma.local @!p0 [hbm:s0], s1  }
0x19f: {  	s0 =	simm.s32 @!p0 $0x2  }
0x1a0: {  	_ =	swait.ge @!p0 [sflag:s0], s1  }
0x1a1: {  	s1 =	ssub.s32 @!p0 $0x0, s1;
	[sflag:s0] =	ssyncset.done @!p0 $0x0  }
0x1a2: {  	[sflag:s0] =	ssyncadd.s32 @!p0 s1  }
0x1a3: {  	[bflag:$0x3] =	sbarrier.arrive $0xFFFF  }
0x1a4: {  	_ =	shalt  }

</sc_bundles>
